<compile_context>
chip_gen: v7x
topology: tpu7x:2x2x1
jax: 0.10.2.dev20260603
libtpu: 0.0.44.dev20260713+nightly
codegen_flags: <defaults>
</compile_context>

<pallas_src>
import functools
import math

import jax
import jax.numpy as jnp
from jax import lax
from jax.experimental import pallas as pl
from jax.experimental.pallas import tpu as pltpu
from jax.experimental.pallas import tpu_sc as plsc

_NUM_EXPERTS = 16
_CAPACITY_FACTOR = 1.25
_LANES = 16
_UNROLL = 8


@functools.partial(jax.jit, static_argnums=(3, 4))
def _dispatch(flat_x, ids, wflat, C, G):
    T, D = flat_x.shape
    TK = ids.shape[0]
    K = TK // T
    E = _NUM_EXPERTS
    HALF = C // 2
    HTK = TK // 2
    NCHUNK = HALF // G

    mesh = plsc.VectorSubcoreMesh(core_axis_name="c", subcore_axis_name="s",
                                  num_cores=2, num_subcores=16)

    def body(ids_hbm, x_hbm, w_hbm, out_x, out_w, out_t,
             ids_v, wflat_v, mine_v, listA_v, listB_v, tok0_v, tok1_v,
             rows0_v, rows1_v, wout_v, tout_v, shared_pos,
             sem_in, sem_g0, sem_g1, sem_o0, sem_o1):
        cid = lax.axis_index("c")
        sid = lax.axis_index("s")
        e = cid * (E // 2) + sid // 2
        h = sid % 2
        my_lo = h * HALF

        wcopy = pltpu.async_copy(w_hbm, wflat_v, sem_in)
        pltpu.sync_copy(ids_hbm.at[pl.ds(h * HTK, HTK)], ids_v)

        lanes = lax.broadcasted_iota(jnp.int32, (_LANES,), 0)
        slot0 = h * HTK
        def scan_body(i, cnt_v):
            for u in range(_UNROLL):
                idx = i * _UNROLL + u
                x = ids_v[pl.ds(idx * _LANES, _LANES)]
                m = x == e
                csum = plsc.cumsum(m.astype(jnp.int32))
                dst = cnt_v + csum - 1
                m2 = jnp.logical_and(m, dst < C)
                dst_safe = jnp.clip(dst, 0, C - 1)
                slot = slot0 + idx * _LANES + lanes
                plsc.store_scatter(mine_v, [dst_safe], slot, mask=m2)
                cnt_v = cnt_v + plsc.all_reduce_population_count(m)
            return cnt_v

        cnt_v = lax.fori_loop(0, HTK // _LANES // _UNROLL, scan_body,
                              jnp.zeros((_LANES,), jnp.int32))

        mine_v[pl.ds(C, _LANES)] = cnt_v
        pltpu.sync_copy(mine_v, shared_pos.at[sid])
        plsc.subcore_barrier()
        pair0 = (sid // 2) * 2
        pltpu.sync_copy(shared_pos.at[pair0], listA_v)
        pltpu.sync_copy(shared_pos.at[pair0 + 1], listB_v)
        nA = jnp.max(listA_v[pl.ds(C, _LANES)])
        nB = jnp.max(listB_v[pl.ds(C, _LANES)])
        cnt_c = jnp.minimum(nA + nB, C)
        g_lo = my_lo
        g_len = HALF
        nval = jnp.clip(cnt_c - g_lo, 0, g_len)

        def combined(base):
            cl = base + lanes
            inA = cl < nA
            iA = jnp.clip(cl, 0, C - 1)
            iB = jnp.clip(cl - nA, 0, C - 1)
            pA = plsc.load_gather(listA_v, [iA])
            pB = plsc.load_gather(listB_v, [iB])
            return jnp.where(inA, pA, pB), cl < cnt_c

        n_gather = (nval + G - 1) // G
        nch = g_len // G

        def build_tok(j, tok_b):
            base = g_lo + j * G
            for t in range(G // _LANES):
                cl = base + t * _LANES + lanes
                p, valid = combined(base + t * _LANES)
                psafe = jnp.where(valid, p, cl * K)
                tok_b[pl.ds(t * _LANES, _LANES)] = psafe // K

        @pl.when(n_gather >= 1)
        def _():
            build_tok(0, tok0_v)
            pltpu.async_copy(x_hbm.at[tok0_v], rows0_v, sem_g0)

        wcopy.wait()

        def wt_body(t, _):
            base = my_lo + t * _LANES
            p, valid = combined(base)
            psafe = jnp.where(valid, p, 0)
            w = plsc.load_gather(wflat_v, [psafe])
            wout_v[pl.ds(t * _LANES, _LANES)] = jnp.where(valid, w, 0.0)
            tout_v[pl.ds(t * _LANES, _LANES)] = jnp.where(valid, psafe // K, -1)
            return 0

        lax.fori_loop(0, HALF // _LANES, wt_body, 0)
        pltpu.sync_copy(wout_v, out_w.at[e, pl.ds(my_lo, HALF)])
        pltpu.sync_copy(tout_v, out_t.at[e, pl.ds(my_lo, HALF)])

        def zero_rows(rows_b, r_lo, r_hi):
            zeros16 = jnp.zeros((_LANES,), jnp.float32)

            def z_body(r, _):
                for v in range(D // _LANES):
                    rows_b[r, pl.ds(v * _LANES, _LANES)] = zeros16
                return 0

            lax.fori_loop(r_lo, r_hi, z_body, 0)

        def step(j, cur, nxt):
            rows_c, tok_c, sg_c, so_c = cur
            rows_n, tok_n, sg_n, so_n = nxt
            pltpu.make_async_copy(x_hbm.at[tok_c], rows_c, sg_c).wait()
            vrows = jnp.clip(nval - j * G, 0, G)

            @pl.when(vrows < G)
            def _():
                zero_rows(rows_c, vrows, G)

            pltpu.async_copy(rows_c, out_x.at[e, pl.ds(g_lo + j * G, G)], so_c)

            @pl.when(j + 1 < n_gather)
            def _():
                build_tok(j + 1, tok_n)

                @pl.when(j >= 1)
                def _():
                    pltpu.make_async_copy(
                        rows_n, out_x.at[e, pl.ds(my_lo, G)], so_n).wait()

                pltpu.async_copy(x_hbm.at[tok_n], rows_n, sg_n)

        buf0 = (rows0_v, tok0_v, sem_g0, sem_o0)
        buf1 = (rows1_v, tok1_v, sem_g1, sem_o1)

        def g_body(j, _):
            @pl.when(j % 2 == 0)
            def _():
                step(j, buf0, buf1)

            @pl.when(j % 2 == 1)
            def _():
                step(j, buf1, buf0)

            return 0

        lax.fori_loop(0, n_gather, g_body, 0)

        @pl.when(n_gather % 2 == 1)
        def _():
            pltpu.make_async_copy(
                rows0_v, out_x.at[e, pl.ds(my_lo, G)], sem_o0).wait()

            @pl.when(n_gather >= 2)
            def _():
                pltpu.make_async_copy(
                    rows1_v, out_x.at[e, pl.ds(my_lo, G)], sem_o1).wait()

        @pl.when(jnp.logical_and(n_gather % 2 == 0, n_gather >= 1))
        def _():
            pltpu.make_async_copy(
                rows1_v, out_x.at[e, pl.ds(my_lo, G)], sem_o1).wait()
            pltpu.make_async_copy(
                rows0_v, out_x.at[e, pl.ds(my_lo, G)], sem_o0).wait()

        @pl.when(n_gather < nch)
        def _():
            zero_rows(rows0_v, 0, G)
            zero_rows(rows1_v, 0, G)

            def out_body(j, _):
                @pl.when(j % 2 == 0)
                def _():
                    @pl.when(j >= n_gather + 2)
                    def _():
                        pltpu.make_async_copy(
                            rows0_v, out_x.at[e, pl.ds(g_lo, G)], sem_o0).wait()

                    pltpu.async_copy(
                        rows0_v, out_x.at[e, pl.ds(g_lo + j * G, G)], sem_o0)

                @pl.when(j % 2 == 1)
                def _():
                    @pl.when(j >= n_gather + 2)
                    def _():
                        pltpu.make_async_copy(
                            rows1_v, out_x.at[e, pl.ds(g_lo, G)], sem_o1).wait()

                    pltpu.async_copy(
                        rows1_v, out_x.at[e, pl.ds(g_lo + j * G, G)], sem_o1)

                return 0

            lax.fori_loop(n_gather, nch, out_body, 0)

            def drain_last(idx):
                @pl.when(idx % 2 == 0)
                def _():
                    pltpu.make_async_copy(
                        rows0_v, out_x.at[e, pl.ds(g_lo, G)], sem_o0).wait()

                @pl.when(idx % 2 == 1)
                def _():
                    pltpu.make_async_copy(
                        rows1_v, out_x.at[e, pl.ds(g_lo, G)], sem_o1).wait()

            drain_last(nch - 1)

            @pl.when(nch - n_gather >= 2)
            def _():
                drain_last(nch - 2)

    run = pl.kernel(
        body,
        out_type=[
            jax.ShapeDtypeStruct((E, C, D), jnp.float32),
            jax.ShapeDtypeStruct((E, C), jnp.float32),
            jax.ShapeDtypeStruct((E, C), jnp.int32),
        ],
        mesh=mesh,
        compiler_params=pltpu.CompilerParams(needs_layout_passes=False),
        scratch_types=[
            pltpu.VMEM((HTK,), jnp.int32),
            pltpu.VMEM((TK,), jnp.float32),
            pltpu.VMEM((C + _LANES,), jnp.int32),
            pltpu.VMEM((C + _LANES,), jnp.int32),
            pltpu.VMEM((C + _LANES,), jnp.int32),
            pltpu.VMEM((G,), jnp.int32),
            pltpu.VMEM((G,), jnp.int32),
            pltpu.VMEM((G, D), jnp.float32),
            pltpu.VMEM((G, D), jnp.float32),
            pltpu.VMEM((HALF,), jnp.float32),
            pltpu.VMEM((HALF,), jnp.int32),
            pltpu.VMEM_SHARED((16, C + _LANES), jnp.int32),
            pltpu.SemaphoreType.DMA,
            pltpu.SemaphoreType.DMA,
            pltpu.SemaphoreType.DMA,
            pltpu.SemaphoreType.DMA,
            pltpu.SemaphoreType.DMA,
        ],
    )
    return tuple(run(ids, flat_x, wflat))


def kernel(inputs, top_k_indices, top_k_weights):
    B, S, D = inputs.shape
    K = top_k_indices.shape[-1]
    T = B * S
    C = int(math.ceil(T * K / _NUM_EXPERTS * _CAPACITY_FACTOR))
    flat_x = inputs.reshape(T, D)
    ids = top_k_indices.reshape(T * K).astype(jnp.int32)
    wflat = top_k_weights.reshape(T * K)
    return _dispatch(flat_x, ids, wflat, C, 32)

# --- scband reference (transcript-rebuilt; emitter-appended) ---
"""Pipeline reference for scband-expert-dispatcher-54546084659700 (READ-ONLY COPY).

The authoritative reference and input builder live on the scoring server;
editing this copy changes nothing except your own understanding.
"""

import jax, jax.numpy as jnp
import numpy as np

NUM_EXPERTS = 16
CAPACITY_FACTOR = 1.25


def setup_inputs(seed: int = 0) -> dict:
    key = jax.random.key(seed)
    k1, k2, k3 = jax.random.split(key, 3)
    inputs = jax.random.normal(k1, (4, 4096, 1024), dtype=jnp.float32)
    top_k_indices = jax.random.randint(k2, (4, 4096, 2), 0, NUM_EXPERTS, dtype=jnp.int64)
    top_k_weights = jax.random.uniform(k3, (4, 4096, 2), dtype=jnp.float32)
    return {"inputs": inputs, "top_k_indices": top_k_indices, "top_k_weights": top_k_weights}


def reference(inputs, top_k_indices, top_k_weights):
    # Faithful capacity-padded translation of ExpertDispatcher.forward.
    # The torch module builds, per expert, the set of (token, k) slots routed to it
    # and gathers the corresponding token inputs and gate weights. Since JAX needs
    # static shapes, each expert's selection is padded to the standard MoE capacity
    # C = ceil(T * K / E * capacity_factor); validity is tracked via a sentinel.
    B, S, D = inputs.shape
    K = top_k_indices.shape[-1]
    T = B * S
    flat_inputs = inputs.reshape(T, D)
    flat_indices = top_k_indices.reshape(T, K)
    flat_weights = top_k_weights.reshape(T, K)
    capacity = int(np.ceil(T * K / NUM_EXPERTS * CAPACITY_FACTOR))

    exp_inputs = []
    exp_weights = []
    exp_token_idx = []
    for expert_id in range(NUM_EXPERTS):
        mask = (flat_indices == expert_id).reshape(-1)  # [T*K]
        (pos,) = jnp.where(mask, size=capacity, fill_value=-1)
        valid = pos >= 0
        safe_pos = jnp.where(valid, pos, 0)
        token_indices = safe_pos // K
        k_indices = safe_pos % K
        selected_inputs = flat_inputs[token_indices] * valid[:, None].astype(flat_inputs.dtype)
        selected_weights = flat_weights[token_indices, k_indices] * valid.astype(flat_weights.dtype)
        exp_inputs.append(selected_inputs)
        exp_weights.append(selected_weights)
        exp_token_idx.append(jnp.where(valid, token_indices, -1))
    dispatched_inputs = jnp.stack(exp_inputs, axis=0)      # [E, C, D]
    dispatched_weights = jnp.stack(exp_weights, axis=0)    # [E, C]
    dispatched_token_idx = jnp.stack(exp_token_idx, axis=0)  # [E, C] int
    return dispatched_inputs, dispatched_weights, dispatched_token_idx

if __name__ == "__main__":
    import jax
    _d = setup_inputs()
    print(jax.jit(kernel)(*tuple(_d.values())))

</pallas_src>

<mosaic_0001>
#map = affine_map<(d0, d1) -> (0)>
#map1 = affine_map<(d0, d1) -> (0, 0)>
#map2 = affine_map<(d0, d1) -> (0, 0, 0)>
module attributes {stable_mosaic.version = 14 : i64} {
  func.func @body(%arg0: i32, %arg1: i32, %arg2: memref<32768xi32, #tpu.memory_space<hbm>>, %arg3: memref<16384x1024xf32, #tpu.memory_space<hbm>>, %arg4: memref<32768xf32, #tpu.memory_space<hbm>>, %arg5: memref<16x2560x1024xf32, #tpu.memory_space<hbm>>, %arg6: memref<16x2560xf32, #tpu.memory_space<hbm>>, %arg7: memref<16x2560xi32, #tpu.memory_space<hbm>>, %arg8: memref<16384xi32, #tpu.memory_space<vmem>>, %arg9: memref<32768xf32, #tpu.memory_space<vmem>>, %arg10: memref<2576xi32, #tpu.memory_space<vmem>>, %arg11: memref<2576xi32, #tpu.memory_space<vmem>>, %arg12: memref<2576xi32, #tpu.memory_space<vmem>>, %arg13: memref<32xi32, #tpu.memory_space<vmem>>, %arg14: memref<32xi32, #tpu.memory_space<vmem>>, %arg15: memref<32x1024xf32, #tpu.memory_space<vmem>>, %arg16: memref<32x1024xf32, #tpu.memory_space<vmem>>, %arg17: memref<1280xf32, #tpu.memory_space<vmem>>, %arg18: memref<1280xi32, #tpu.memory_space<vmem>>, %arg19: memref<16x2576xi32, #tpu.memory_space<vmem_shared>>, %arg20: memref<!tpu.dma_semaphore, #tpu.memory_space<semaphore_mem>>, %arg21: memref<!tpu.dma_semaphore, #tpu.memory_space<semaphore_mem>>, %arg22: memref<!tpu.dma_semaphore, #tpu.memory_space<semaphore_mem>>, %arg23: memref<!tpu.dma_semaphore, #tpu.memory_space<semaphore_mem>>, %arg24: memref<!tpu.dma_semaphore, #tpu.memory_space<semaphore_mem>>) attributes {dimension_semantics = [#tpu.dimension_semantics<core_parallel>, #tpu.dimension_semantics<subcore_parallel>], iteration_bounds = array<i64: 2, 16>, scalar_prefetch = 0 : i64, scratch_operands = 17 : i64, tpu.core_type = #tpu.core_type<sc_vector_subcore>, window_params = [{transform_indices = #map}, {transform_indices = #map1}, {transform_indices = #map}, {transform_indices = #map2}, {transform_indices = #map1}, {transform_indices = #map1}]} {
    %mul3A = arith.constant 8 : i32
    %mul3A_0 = arith.muli %arg0, %mul3A : i32
    %jit3A = arith.constant 2 : i32
    %div3A = arith.divsi %arg1, %jit3A : i32
    %sign3A = arith.constant 0 : i32
    %sign3A_1 = arith.cmpi sgt, %arg1, %sign3A : i32
    %sign3A_2 = arith.extui %sign3A_1 : i1 to i32
    %sign3A_3 = arith.constant 0 : i32
    %sign3A_4 = arith.cmpi slt, %arg1, %sign3A_3 : i32
    %sign3A_5 = arith.extui %sign3A_4 : i1 to i32
    %sign3A_6 = arith.subi %sign3A_2, %sign3A_5 : i32
    %sign3A_7 = arith.constant 0 : i32
    %sign3A_8 = arith.cmpi sgt, %jit3A, %sign3A_7 : i32
    %sign3A_9 = arith.extui %sign3A_8 : i1 to i32
    %sign3A_10 = arith.constant 0 : i32
    %sign3A_11 = arith.cmpi slt, %jit3A, %sign3A_10 : i32
    %sign3A_12 = arith.extui %sign3A_11 : i1 to i32
    %sign3A_13 = arith.subi %sign3A_9, %sign3A_12 : i32
    %ne3A = arith.cmpi ne, %sign3A_6, %sign3A_13 : i32
    %rem3A = arith.remsi %arg1, %jit3A : i32
    %ne3A_14 = arith.constant 0 : i32
    %ne3A_15 = arith.cmpi ne, %rem3A, %ne3A_14 : i32
    %and3A = arith.andi %ne3A, %ne3A_15 : i1
    %sub3A = arith.constant 1 : i32
    %sub3A_16 = arith.subi %div3A, %sub3A : i32
    %select_n3A = arith.select %and3A, %sub3A_16, %div3A : i32
    %add3A = arith.addi %mul3A_0, %select_n3A : i32
    %jit3A_17 = arith.constant 2 : i32
    %eq3A = arith.constant 0 : i32
    %eq3A_18 = arith.cmpi eq, %jit3A_17, %eq3A : i32
    %jit3A_19 = arith.constant 1 : i32
    %select_n3A_20 = arith.select %eq3A_18, %jit3A_19, %jit3A_17 : i32
    %rem3A_21 = arith.remsi %arg1, %select_n3A_20 : i32
    %ne3A_22 = arith.constant 0 : i32
    %ne3A_23 = arith.cmpi ne, %rem3A_21, %ne3A_22 : i32
    %lt3A = arith.constant 0 : i32
    %lt3A_24 = arith.cmpi slt, %rem3A_21, %lt3A : i32
    %lt3A_25 = arith.constant 0 : i32
    %lt3A_26 = arith.cmpi slt, %select_n3A_20, %lt3A_25 : i32
    %ne3A_27 = arith.xori %lt3A_24, %lt3A_26 : i1
    %and3A_28 = arith.andi %ne3A_27, %ne3A_23 : i1
    %add3A_29 = arith.addi %rem3A_21, %select_n3A_20 : i32
    %select_n3A_30 = arith.select %and3A_28, %add3A_29, %rem3A_21 : i32
    %mul3A_31 = arith.constant 1280 : i32
    %mul3A_32 = arith.muli %select_n3A_30, %mul3A_31 : i32
    tpu.enqueue_dma source(%arg4 : memref<32768xf32, #tpu.memory_space<hbm>>) target(%arg9 : memref<32768xf32, #tpu.memory_space<vmem>>) target_semaphore(%arg20 : memref<!tpu.dma_semaphore, #tpu.memory_space<semaphore_mem>>)
    %mul3A_33 = arith.constant 16384 : i32
    %mul3A_34 = arith.muli %select_n3A_30, %mul3A_33 : i32
    "tpu.region"() ({
      %run_scoped3A = tpu.sem_alloc : memref<!tpu.dma_semaphore, #tpu.memory_space<semaphore_mem>>
      %dma_start3A = tpu.memref_slice %arg2[%mul3A_34] : memref<32768xi32, #tpu.memory_space<hbm>> -> memref<16384xi32, #tpu.memory_space<hbm>>
      %dma_start3A_194 = tpu.memref_slice %arg2[%mul3A_34] : memref<32768xi32, #tpu.memory_space<hbm>> -> memref<16384xi32, #tpu.memory_space<hbm>>
      tpu.enqueue_dma source(%dma_start3A_194 : memref<16384xi32, #tpu.memory_space<hbm>>) target(%arg8 : memref<16384xi32, #tpu.memory_space<vmem>>) target_semaphore(%run_scoped3A : memref<!tpu.dma_semaphore, #tpu.memory_space<semaphore_mem>>)
      %dma_wait3A = tpu.memref_slice %arg2[%mul3A_34] : memref<32768xi32, #tpu.memory_space<hbm>> -> memref<16384xi32, #tpu.memory_space<hbm>>
      %dma_wait3A_195 = tpu.memref_slice %arg2[%mul3A_34] : memref<32768xi32, #tpu.memory_space<hbm>> -> memref<16384xi32, #tpu.memory_space<hbm>>
      tpu.wait_dma2 semaphore(%run_scoped3A : memref<!tpu.dma_semaphore, #tpu.memory_space<semaphore_mem>>) src(%dma_wait3A_195 : memref<16384xi32, #tpu.memory_space<hbm>>) dst(%arg8 : memref<16384xi32, #tpu.memory_space<vmem>>)
      tpu.yield
    }) : () -> ()
    %iota3A = tpu.iota {dimensions = array<i32: 0>} : vector<16xi32>
    %mul3A_35 = arith.constant 16384 : i32
    %mul3A_36 = arith.muli %select_n3A_30, %mul3A_35 : i32
    %broadcast_in_dim3A = arith.constant 0 : i32
    %broadcast_in_dim3A_37 = vector.broadcast %broadcast_in_dim3A : i32 to vector<16xi32>
    %scan3A = arith.constant 0 : i32
    %scan3A_38 = arith.constant 128 : i32
    %scan3A_39 = arith.addi %scan3A, %scan3A_38 : i32
    %scan3A_40 = arith.constant 1 : i32
    %scan3A_41 = scf.for %scan3A_194 = %scan3A to %scan3A_39 step %scan3A_40 iter_args(%scan3A_195 = %broadcast_in_dim3A_37) -> (vector<16xi32>)  : i32 {
      %mul3A_196 = arith.constant 8 : i32
      %mul3A_197 = arith.muli %scan3A_194, %mul3A_196 : i32
      %add3A_198 = arith.constant 0 : i32
      %add3A_199 = arith.addi %mul3A_197, %add3A_198 : i32
      %mul3A_200 = arith.constant 16 : i32
      %mul3A_201 = arith.muli %add3A_199, %mul3A_200 : i32
      %get3A_202 = arith.index_cast %mul3A_201 : i32 to index
      %get3A_203 = tpu.vector_load %arg8[%get3A_202] {strides = array<i32>} : memref<16384xi32, #tpu.memory_space<vmem>>, vector<16xi32>,
      %eq3A_204 = vector.broadcast %add3A : i32 to vector<16xi32>
      %eq3A_205 = arith.cmpi eq, %get3A_203, %eq3A_204 : vector<16xi32>
      %convert_element_type3A_206 = arith.extui %eq3A_205 : vector<16xi1> to vector<16xi32>
      %broadcast_in_dim3A_207 = arith.constant true
      %broadcast_in_dim3A_208 = vector.broadcast %broadcast_in_dim3A_207 : i1 to vector<16xi1>
      %masked_cumsum3A = tpu.scan <sum>, %convert_element_type3A_206 masked %broadcast_in_dim3A_208 : vector<16xi32>, vector<16xi1> -> vector<16xi32>
      %add3A_209 = arith.addi %scan3A_195, %masked_cumsum3A : vector<16xi32>
      %sub3A_210 = arith.constant 1 : i32
      %sub3A_211 = vector.broadcast %sub3A_210 : i32 to vector<16xi32>
      %sub3A_212 = arith.subi %add3A_209, %sub3A_211 : vector<16xi32>
      %lt3A_213 = arith.constant 2560 : i32
      %lt3A_214 = vector.broadcast %lt3A_213 : i32 to vector<16xi32>
      %lt3A_215 = arith.cmpi slt, %sub3A_212, %lt3A_214 : vector<16xi32>
      %and3A_216 = arith.andi %eq3A_205, %lt3A_215 : vector<16xi1>
      %jit3A_217 = arith.constant 0 : i32
      %jit3A_218 = arith.constant 2559 : i32
      %max3A_219 = vector.broadcast %jit3A_217 : i32 to vector<16xi32>
      %max3A_220 = arith.maxsi %max3A_219, %sub3A_212 : vector<16xi32>
      %min3A_221 = vector.broadcast %jit3A_218 : i32 to vector<16xi32>
      %min3A_222 = arith.minsi %min3A_221, %max3A_220 : vector<16xi32>
      %mul3A_223 = arith.constant 16 : i32
      %mul3A_224 = arith.muli %add3A_199, %mul3A_223 : i32
      %add3A_225 = arith.addi %mul3A_36, %mul3A_224 : i32
      %add3A_226 = vector.broadcast %add3A_225 : i32 to vector<16xi32>
      %add3A_227 = arith.addi %add3A_226, %iota3A : vector<16xi32>
      tpu.vector_store_idx %arg10[%min3A_222], %add3A_227 masked %and3A_216 : memref<2576xi32, #tpu.memory_space<vmem>>[vector<16xi32>], vector<16xi32>, vector<16xi1>
      %all_reduce_population_count3A = tpu.all_reduce %eq3A_205 {dim = 0 : i64, kind = #tpu.reduction_kind<sum>} : vector<16xi1> -> vector<16xi32>
      %add3A_228 = arith.addi %scan3A_195, %all_reduce_population_count3A : vector<16xi32>
      %mul3A_229 = arith.constant 8 : i32
      %mul3A_230 = arith.muli %scan3A_194, %mul3A_229 : i32
      %add3A_231 = arith.constant 1 : i32
      %add3A_232 = arith.addi %mul3A_230, %add3A_231 : i32
      %mul3A_233 = arith.constant 16 : i32
      %mul3A_234 = arith.muli %add3A_232, %mul3A_233 : i32
      %get3A_235 = arith.index_cast %mul3A_234 : i32 to index
      %get3A_236 = tpu.vector_load %arg8[%get3A_235] {strides = array<i32>} : memref<16384xi32, #tpu.memory_space<vmem>>, vector<16xi32>,
      %eq3A_237 = vector.broadcast %add3A : i32 to vector<16xi32>
      %eq3A_238 = arith.cmpi eq, %get3A_236, %eq3A_237 : vector<16xi32>
      %convert_element_type3A_239 = arith.extui %eq3A_238 : vector<16xi1> to vector<16xi32>
      %broadcast_in_dim3A_240 = arith.constant true
      %broadcast_in_dim3A_241 = vector.broadcast %broadcast_in_dim3A_240 : i1 to vector<16xi1>
      %masked_cumsum3A_242 = tpu.scan <sum>, %convert_element_type3A_239 masked %broadcast_in_dim3A_241 : vector<16xi32>, vector<16xi1> -> vector<16xi32>
      %add3A_243 = arith.addi %add3A_228, %masked_cumsum3A_242 : vector<16xi32>
      %sub3A_244 = arith.constant 1 : i32
      %sub3A_245 = vector.broadcast %sub3A_244 : i32 to vector<16xi32>
      %sub3A_246 = arith.subi %add3A_243, %sub3A_245 : vector<16xi32>
      %lt3A_247 = arith.constant 2560 : i32
      %lt3A_248 = vector.broadcast %lt3A_247 : i32 to vector<16xi32>
      %lt3A_249 = arith.cmpi slt, %sub3A_246, %lt3A_248 : vector<16xi32>
      %and3A_250 = arith.andi %eq3A_238, %lt3A_249 : vector<16xi1>
      %jit3A_251 = arith.constant 0 : i32
      %jit3A_252 = arith.constant 2559 : i32
      %max3A_253 = vector.broadcast %jit3A_251 : i32 to vector<16xi32>
      %max3A_254 = arith.maxsi %max3A_253, %sub3A_246 : vector<16xi32>
      %min3A_255 = vector.broadcast %jit3A_252 : i32 to vector<16xi32>
      %min3A_256 = arith.minsi %min3A_255, %max3A_254 : vector<16xi32>
      %mul3A_257 = arith.constant 16 : i32
      %mul3A_258 = arith.muli %add3A_232, %mul3A_257 : i32
      %add3A_259 = arith.addi %mul3A_36, %mul3A_258 : i32
      %add3A_260 = vector.broadcast %add3A_259 : i32 to vector<16xi32>
      %add3A_261 = arith.addi %add3A_260, %iota3A : vector<16xi32>
      tpu.vector_store_idx %arg10[%min3A_256], %add3A_261 masked %and3A_250 : memref<2576xi32, #tpu.memory_space<vmem>>[vector<16xi32>], vector<16xi32>, vector<16xi1>
      %all_reduce_population_count3A_262 = tpu.all_reduce %eq3A_238 {dim = 0 : i64, kind = #tpu.reduction_kind<sum>} : vector<16xi1> -> vector<16xi32>
      %add3A_263 = arith.addi %add3A_228, %all_reduce_population_count3A_262 : vector<16xi32>
      %mul3A_264 = arith.constant 8 : i32
      %mul3A_265 = arith.muli %scan3A_194, %mul3A_264 : i32
      %add3A_266 = arith.constant 2 : i32
      %add3A_267 = arith.addi %mul3A_265, %add3A_266 : i32
      %mul3A_268 = arith.constant 16 : i32
      %mul3A_269 = arith.muli %add3A_267, %mul3A_268 : i32
      %get3A_270 = arith.index_cast %mul3A_269 : i32 to index
      %get3A_271 = tpu.vector_load %arg8[%get3A_270] {strides = array<i32>} : memref<16384xi32, #tpu.memory_space<vmem>>, vector<16xi32>,
      %eq3A_272 = vector.broadcast %add3A : i32 to vector<16xi32>
      %eq3A_273 = arith.cmpi eq, %get3A_271, %eq3A_272 : vector<16xi32>
      %convert_element_type3A_274 = arith.extui %eq3A_273 : vector<16xi1> to vector<16xi32>
      %broadcast_in_dim3A_275 = arith.constant true
      %broadcast_in_dim3A_276 = vector.broadcast %broadcast_in_dim3A_275 : i1 to vector<16xi1>
      %masked_cumsum3A_277 = tpu.scan <sum>, %convert_element_type3A_274 masked %broadcast_in_dim3A_276 : vector<16xi32>, vector<16xi1> -> vector<16xi32>
      %add3A_278 = arith.addi %add3A_263, %masked_cumsum3A_277 : vector<16xi32>
      %sub3A_279 = arith.constant 1 : i32
      %sub3A_280 = vector.broadcast %sub3A_279 : i32 to vector<16xi32>
      %sub3A_281 = arith.subi %add3A_278, %sub3A_280 : vector<16xi32>
      %lt3A_282 = arith.constant 2560 : i32
      %lt3A_283 = vector.broadcast %lt3A_282 : i32 to vector<16xi32>
      %lt3A_284 = arith.cmpi slt, %sub3A_281, %lt3A_283 : vector<16xi32>
      %and3A_285 = arith.andi %eq3A_273, %lt3A_284 : vector<16xi1>
      %jit3A_286 = arith.constant 0 : i32
      %jit3A_287 = arith.constant 2559 : i32
      %max3A_288 = vector.broadcast %jit3A_286 : i32 to vector<16xi32>
      %max3A_289 = arith.maxsi %max3A_288, %sub3A_281 : vector<16xi32>
      %min3A_290 = vector.broadcast %jit3A_287 : i32 to vector<16xi32>
      %min3A_291 = arith.minsi %min3A_290, %max3A_289 : vector<16xi32>
      %mul3A_292 = arith.constant 16 : i32
      %mul3A_293 = arith.muli %add3A_267, %mul3A_292 : i32
      %add3A_294 = arith.addi %mul3A_36, %mul3A_293 : i32
      %add3A_295 = vector.broadcast %add3A_294 : i32 to vector<16xi32>
      %add3A_296 = arith.addi %add3A_295, %iota3A : vector<16xi32>
      tpu.vector_store_idx %arg10[%min3A_291], %add3A_296 masked %and3A_285 : memref<2576xi32, #tpu.memory_space<vmem>>[vector<16xi32>], vector<16xi32>, vector<16xi1>
      %all_reduce_population_count3A_297 = tpu.all_reduce %eq3A_273 {dim = 0 : i64, kind = #tpu.reduction_kind<sum>} : vector<16xi1> -> vector<16xi32>
      %add3A_298 = arith.addi %add3A_263, %all_reduce_population_count3A_297 : vector<16xi32>
      %mul3A_299 = arith.constant 8 : i32
      %mul3A_300 = arith.muli %scan3A_194, %mul3A_299 : i32
      %add3A_301 = arith.constant 3 : i32
      %add3A_302 = arith.addi %mul3A_300, %add3A_301 : i32
      %mul3A_303 = arith.constant 16 : i32
      %mul3A_304 = arith.muli %add3A_302, %mul3A_303 : i32
      %get3A_305 = arith.index_cast %mul3A_304 : i32 to index
      %get3A_306 = tpu.vector_load %arg8[%get3A_305] {strides = array<i32>} : memref<16384xi32, #tpu.memory_space<vmem>>, vector<16xi32>,
      %eq3A_307 = vector.broadcast %add3A : i32 to vector<16xi32>
      %eq3A_308 = arith.cmpi eq, %get3A_306, %eq3A_307 : vector<16xi32>
      %convert_element_type3A_309 = arith.extui %eq3A_308 : vector<16xi1> to vector<16xi32>
      %broadcast_in_dim3A_310 = arith.constant true
      %broadcast_in_dim3A_311 = vector.broadcast %broadcast_in_dim3A_310 : i1 to vector<16xi1>
      %masked_cumsum3A_312 = tpu.scan <sum>, %convert_element_type3A_309 masked %broadcast_in_dim3A_311 : vector<16xi32>, vector<16xi1> -> vector<16xi32>
      %add3A_313 = arith.addi %add3A_298, %masked_cumsum3A_312 : vector<16xi32>
      %sub3A_314 = arith.constant 1 : i32
      %sub3A_315 = vector.broadcast %sub3A_314 : i32 to vector<16xi32>
      %sub3A_316 = arith.subi %add3A_313, %sub3A_315 : vector<16xi32>
      %lt3A_317 = arith.constant 2560 : i32
      %lt3A_318 = vector.broadcast %lt3A_317 : i32 to vector<16xi32>
      %lt3A_319 = arith.cmpi slt, %sub3A_316, %lt3A_318 : vector<16xi32>
      %and3A_320 = arith.andi %eq3A_308, %lt3A_319 : vector<16xi1>
      %jit3A_321 = arith.constant 0 : i32
      %jit3A_322 = arith.constant 2559 : i32
      %max3A_323 = vector.broadcast %jit3A_321 : i32 to vector<16xi32>
      %max3A_324 = arith.maxsi %max3A_323, %sub3A_316 : vector<16xi32>
      %min3A_325 = vector.broadcast %jit3A_322 : i32 to vector<16xi32>
      %min3A_326 = arith.minsi %min3A_325, %max3A_324 : vector<16xi32>
      %mul3A_327 = arith.constant 16 : i32
      %mul3A_328 = arith.muli %add3A_302, %mul3A_327 : i32
      %add3A_329 = arith.addi %mul3A_36, %mul3A_328 : i32
      %add3A_330 = vector.broadcast %add3A_329 : i32 to vector<16xi32>
      %add3A_331 = arith.addi %add3A_330, %iota3A : vector<16xi32>
      tpu.vector_store_idx %arg10[%min3A_326], %add3A_331 masked %and3A_320 : memref<2576xi32, #tpu.memory_space<vmem>>[vector<16xi32>], vector<16xi32>, vector<16xi1>
      %all_reduce_population_count3A_332 = tpu.all_reduce %eq3A_308 {dim = 0 : i64, kind = #tpu.reduction_kind<sum>} : vector<16xi1> -> vector<16xi32>
      %add3A_333 = arith.addi %add3A_298, %all_reduce_population_count3A_332 : vector<16xi32>
      %mul3A_334 = arith.constant 8 : i32
      %mul3A_335 = arith.muli %scan3A_194, %mul3A_334 : i32
      %add3A_336 = arith.constant 4 : i32
      %add3A_337 = arith.addi %mul3A_335, %add3A_336 : i32
      %mul3A_338 = arith.constant 16 : i32
      %mul3A_339 = arith.muli %add3A_337, %mul3A_338 : i32
      %get3A_340 = arith.index_cast %mul3A_339 : i32 to index
      %get3A_341 = tpu.vector_load %arg8[%get3A_340] {strides = array<i32>} : memref<16384xi32, #tpu.memory_space<vmem>>, vector<16xi32>,
      %eq3A_342 = vector.broadcast %add3A : i32 to vector<16xi32>
      %eq3A_343 = arith.cmpi eq, %get3A_341, %eq3A_342 : vector<16xi32>
      %convert_element_type3A_344 = arith.extui %eq3A_343 : vector<16xi1> to vector<16xi32>
      %broadcast_in_dim3A_345 = arith.constant true
      %broadcast_in_dim3A_346 = vector.broadcast %broadcast_in_dim3A_345 : i1 to vector<16xi1>
      %masked_cumsum3A_347 = tpu.scan <sum>, %convert_element_type3A_344 masked %broadcast_in_dim3A_346 : vector<16xi32>, vector<16xi1> -> vector<16xi32>
      %add3A_348 = arith.addi %add3A_333, %masked_cumsum3A_347 : vector<16xi32>
      %sub3A_349 = arith.constant 1 : i32
      %sub3A_350 = vector.broadcast %sub3A_349 : i32 to vector<16xi32>
      %sub3A_351 = arith.subi %add3A_348, %sub3A_350 : vector<16xi32>
      %lt3A_352 = arith.constant 2560 : i32
      %lt3A_353 = vector.broadcast %lt3A_352 : i32 to vector<16xi32>
      %lt3A_354 = arith.cmpi slt, %sub3A_351, %lt3A_353 : vector<16xi32>
      %and3A_355 = arith.andi %eq3A_343, %lt3A_354 : vector<16xi1>
      %jit3A_356 = arith.constant 0 : i32
      %jit3A_357 = arith.constant 2559 : i32
      %max3A_358 = vector.broadcast %jit3A_356 : i32 to vector<16xi32>
      %max3A_359 = arith.maxsi %max3A_358, %sub3A_351 : vector<16xi32>
      %min3A_360 = vector.broadcast %jit3A_357 : i32 to vector<16xi32>
      %min3A_361 = arith.minsi %min3A_360, %max3A_359 : vector<16xi32>
      %mul3A_362 = arith.constant 16 : i32
      %mul3A_363 = arith.muli %add3A_337, %mul3A_362 : i32
      %add3A_364 = arith.addi %mul3A_36, %mul3A_363 : i32
      %add3A_365 = vector.broadcast %add3A_364 : i32 to vector<16xi32>
      %add3A_366 = arith.addi %add3A_365, %iota3A : vector<16xi32>
      tpu.vector_store_idx %arg10[%min3A_361], %add3A_366 masked %and3A_355 : memref<2576xi32, #tpu.memory_space<vmem>>[vector<16xi32>], vector<16xi32>, vector<16xi1>
      %all_reduce_population_count3A_367 = tpu.all_reduce %eq3A_343 {dim = 0 : i64, kind = #tpu.reduction_kind<sum>} : vector<16xi1> -> vector<16xi32>
      %add3A_368 = arith.addi %add3A_333, %all_reduce_population_count3A_367 : vector<16xi32>
      %mul3A_369 = arith.constant 8 : i32
      %mul3A_370 = arith.muli %scan3A_194, %mul3A_369 : i32
      %add3A_371 = arith.constant 5 : i32
      %add3A_372 = arith.addi %mul3A_370, %add3A_371 : i32
      %mul3A_373 = arith.constant 16 : i32
      %mul3A_374 = arith.muli %add3A_372, %mul3A_373 : i32
      %get3A_375 = arith.index_cast %mul3A_374 : i32 to index
      %get3A_376 = tpu.vector_load %arg8[%get3A_375] {strides = array<i32>} : memref<16384xi32, #tpu.memory_space<vmem>>, vector<16xi32>,
      %eq3A_377 = vector.broadcast %add3A : i32 to vector<16xi32>
      %eq3A_378 = arith.cmpi eq, %get3A_376, %eq3A_377 : vector<16xi32>
      %convert_element_type3A_379 = arith.extui %eq3A_378 : vector<16xi1> to vector<16xi32>
      %broadcast_in_dim3A_380 = arith.constant true
      %broadcast_in_dim3A_381 = vector.broadcast %broadcast_in_dim3A_380 : i1 to vector<16xi1>
      %masked_cumsum3A_382 = tpu.scan <sum>, %convert_element_type3A_379 masked %broadcast_in_dim3A_381 : vector<16xi32>, vector<16xi1> -> vector<16xi32>
      %add3A_383 = arith.addi %add3A_368, %masked_cumsum3A_382 : vector<16xi32>
      %sub3A_384 = arith.constant 1 : i32
      %sub3A_385 = vector.broadcast %sub3A_384 : i32 to vector<16xi32>
      %sub3A_386 = arith.subi %add3A_383, %sub3A_385 : vector<16xi32>
      %lt3A_387 = arith.constant 2560 : i32
      %lt3A_388 = vector.broadcast %lt3A_387 : i32 to vector<16xi32>
      %lt3A_389 = arith.cmpi slt, %sub3A_386, %lt3A_388 : vector<16xi32>
      %and3A_390 = arith.andi %eq3A_378, %lt3A_389 : vector<16xi1>
      %jit3A_391 = arith.constant 0 : i32
      %jit3A_392 = arith.constant 2559 : i32
      %max3A_393 = vector.broadcast %jit3A_391 : i32 to vector<16xi32>
      %max3A_394 = arith.maxsi %max3A_393, %sub3A_386 : vector<16xi32>
      %min3A_395 = vector.broadcast %jit3A_392 : i32 to vector<16xi32>
      %min3A_396 = arith.minsi %min3A_395, %max3A_394 : vector<16xi32>
      %mul3A_397 = arith.constant 16 : i32
      %mul3A_398 = arith.muli %add3A_372, %mul3A_397 : i32
      %add3A_399 = arith.addi %mul3A_36, %mul3A_398 : i32
      %add3A_400 = vector.broadcast %add3A_399 : i32 to vector<16xi32>
      %add3A_401 = arith.addi %add3A_400, %iota3A : vector<16xi32>
      tpu.vector_store_idx %arg10[%min3A_396], %add3A_401 masked %and3A_390 : memref<2576xi32, #tpu.memory_space<vmem>>[vector<16xi32>], vector<16xi32>, vector<16xi1>
      %all_reduce_population_count3A_402 = tpu.all_reduce %eq3A_378 {dim = 0 : i64, kind = #tpu.reduction_kind<sum>} : vector<16xi1> -> vector<16xi32>
      %add3A_403 = arith.addi %add3A_368, %all_reduce_population_count3A_402 : vector<16xi32>
      %mul3A_404 = arith.constant 8 : i32
      %mul3A_405 = arith.muli %scan3A_194, %mul3A_404 : i32
      %add3A_406 = arith.constant 6 : i32
      %add3A_407 = arith.addi %mul3A_405, %add3A_406 : i32
      %mul3A_408 = arith.constant 16 : i32
      %mul3A_409 = arith.muli %add3A_407, %mul3A_408 : i32
      %get3A_410 = arith.index_cast %mul3A_409 : i32 to index
      %get3A_411 = tpu.vector_load %arg8[%get3A_410] {strides = array<i32>} : memref<16384xi32, #tpu.memory_space<vmem>>, vector<16xi32>,
      %eq3A_412 = vector.broadcast %add3A : i32 to vector<16xi32>
      %eq3A_413 = arith.cmpi eq, %get3A_411, %eq3A_412 : vector<16xi32>
      %convert_element_type3A_414 = arith.extui %eq3A_413 : vector<16xi1> to vector<16xi32>
      %broadcast_in_dim3A_415 = arith.constant true
      %broadcast_in_dim3A_416 = vector.broadcast %broadcast_in_dim3A_415 : i1 to vector<16xi1>
      %masked_cumsum3A_417 = tpu.scan <sum>, %convert_element_type3A_414 masked %broadcast_in_dim3A_416 : vector<16xi32>, vector<16xi1> -> vector<16xi32>
      %add3A_418 = arith.addi %add3A_403, %masked_cumsum3A_417 : vector<16xi32>
      %sub3A_419 = arith.constant 1 : i32
      %sub3A_420 = vector.broadcast %sub3A_419 : i32 to vector<16xi32>
      %sub3A_421 = arith.subi %add3A_418, %sub3A_420 : vector<16xi32>
      %lt3A_422 = arith.constant 2560 : i32
      %lt3A_423 = vector.broadcast %lt3A_422 : i32 to vector<16xi32>
      %lt3A_424 = arith.cmpi slt, %sub3A_421, %lt3A_423 : vector<16xi32>
      %and3A_425 = arith.andi %eq3A_413, %lt3A_424 : vector<16xi1>
      %jit3A_426 = arith.constant 0 : i32
      %jit3A_427 = arith.constant 2559 : i32
      %max3A_428 = vector.broadcast %jit3A_426 : i32 to vector<16xi32>
      %max3A_429 = arith.maxsi %max3A_428, %sub3A_421 : vector<16xi32>
      %min3A_430 = vector.broadcast %jit3A_427 : i32 to vector<16xi32>
      %min3A_431 = arith.minsi %min3A_430, %max3A_429 : vector<16xi32>
      %mul3A_432 = arith.constant 16 : i32
      %mul3A_433 = arith.muli %add3A_407, %mul3A_432 : i32
      %add3A_434 = arith.addi %mul3A_36, %mul3A_433 : i32
      %add3A_435 = vector.broadcast %add3A_434 : i32 to vector<16xi32>
      %add3A_436 = arith.addi %add3A_435, %iota3A : vector<16xi32>
      tpu.vector_store_idx %arg10[%min3A_431], %add3A_436 masked %and3A_425 : memref<2576xi32, #tpu.memory_space<vmem>>[vector<16xi32>], vector<16xi32>, vector<16xi1>
      %all_reduce_population_count3A_437 = tpu.all_reduce %eq3A_413 {dim = 0 : i64, kind = #tpu.reduction_kind<sum>} : vector<16xi1> -> vector<16xi32>
      %add3A_438 = arith.addi %add3A_403, %all_reduce_population_count3A_437 : vector<16xi32>
      %mul3A_439 = arith.constant 8 : i32
      %mul3A_440 = arith.muli %scan3A_194, %mul3A_439 : i32
      %add3A_441 = arith.constant 7 : i32
      %add3A_442 = arith.addi %mul3A_440, %add3A_441 : i32
      %mul3A_443 = arith.constant 16 : i32
      %mul3A_444 = arith.muli %add3A_442, %mul3A_443 : i32
      %get3A_445 = arith.index_cast %mul3A_444 : i32 to index
      %get3A_446 = tpu.vector_load %arg8[%get3A_445] {strides = array<i32>} : memref<16384xi32, #tpu.memory_space<vmem>>, vector<16xi32>,
      %eq3A_447 = vector.broadcast %add3A : i32 to vector<16xi32>
      %eq3A_448 = arith.cmpi eq, %get3A_446, %eq3A_447 : vector<16xi32>
      %convert_element_type3A_449 = arith.extui %eq3A_448 : vector<16xi1> to vector<16xi32>
      %broadcast_in_dim3A_450 = arith.constant true
      %broadcast_in_dim3A_451 = vector.broadcast %broadcast_in_dim3A_450 : i1 to vector<16xi1>
      %masked_cumsum3A_452 = tpu.scan <sum>, %convert_element_type3A_449 masked %broadcast_in_dim3A_451 : vector<16xi32>, vector<16xi1> -> vector<16xi32>
      %add3A_453 = arith.addi %add3A_438, %masked_cumsum3A_452 : vector<16xi32>
      %sub3A_454 = arith.constant 1 : i32
      %sub3A_455 = vector.broadcast %sub3A_454 : i32 to vector<16xi32>
      %sub3A_456 = arith.subi %add3A_453, %sub3A_455 : vector<16xi32>
      %lt3A_457 = arith.constant 2560 : i32
      %lt3A_458 = vector.broadcast %lt3A_457 : i32 to vector<16xi32>
      %lt3A_459 = arith.cmpi slt, %sub3A_456, %lt3A_458 : vector<16xi32>
      %and3A_460 = arith.andi %eq3A_448, %lt3A_459 : vector<16xi1>
      %jit3A_461 = arith.constant 0 : i32
      %jit3A_462 = arith.constant 2559 : i32
      %max3A_463 = vector.broadcast %jit3A_461 : i32 to vector<16xi32>
      %max3A_464 = arith.maxsi %max3A_463, %sub3A_456 : vector<16xi32>
      %min3A_465 = vector.broadcast %jit3A_462 : i32 to vector<16xi32>
      %min3A_466 = arith.minsi %min3A_465, %max3A_464 : vector<16xi32>
      %mul3A_467 = arith.constant 16 : i32
      %mul3A_468 = arith.muli %add3A_442, %mul3A_467 : i32
      %add3A_469 = arith.addi %mul3A_36, %mul3A_468 : i32
      %add3A_470 = vector.broadcast %add3A_469 : i32 to vector<16xi32>
      %add3A_471 = arith.addi %add3A_470, %iota3A : vector<16xi32>
      tpu.vector_store_idx %arg10[%min3A_466], %add3A_471 masked %and3A_460 : memref<2576xi32, #tpu.memory_space<vmem>>[vector<16xi32>], vector<16xi32>, vector<16xi1>
      %all_reduce_population_count3A_472 = tpu.all_reduce %eq3A_448 {dim = 0 : i64, kind = #tpu.reduction_kind<sum>} : vector<16xi1> -> vector<16xi32>
      %add3A_473 = arith.addi %add3A_438, %all_reduce_population_count3A_472 : vector<16xi32>
      scf.yield %add3A_473 : vector<16xi32>
    }
    %scan3A_42 = arith.constant 128 : i32
    %swap3A = arith.constant 2560 : index
    %swap3A_43 = tpu.vector_load %arg10[%swap3A] {strides = array<i32>} : memref<2576xi32, #tpu.memory_space<vmem>>, vector<16xi32>,
    tpu.vector_store %arg10[%swap3A], %scan3A_41 {strides = array<i32>} : memref<2576xi32, #tpu.memory_space<vmem>>, vector<16xi32>,
    "tpu.region"() ({
      %run_scoped3A = tpu.sem_alloc : memref<!tpu.dma_semaphore, #tpu.memory_space<semaphore_mem>>
      %dma_start3A = arith.constant 0 : i32
      %dma_start3A_194 = tpu.memref_slice %arg19[%arg1, %dma_start3A] : memref<16x2576xi32, #tpu.memory_space<vmem_shared>> -> memref<1x2576xi32, #tpu.memory_space<vmem_shared>>
      %dma_start3A_195 = tpu.memref_squeeze %dma_start3A_194 : memref<1x2576xi32, #tpu.memory_space<vmem_shared>> -> memref<2576xi32, #tpu.memory_space<vmem_shared>>
      %dma_start3A_196 = arith.constant 0 : i32
      %dma_start3A_197 = tpu.memref_slice %arg19[%arg1, %dma_start3A_196] : memref<16x2576xi32, #tpu.memory_space<vmem_shared>> -> memref<1x2576xi32, #tpu.memory_space<vmem_shared>>
      %dma_start3A_198 = tpu.memref_squeeze %dma_start3A_197 : memref<1x2576xi32, #tpu.memory_space<vmem_shared>> -> memref<2576xi32, #tpu.memory_space<vmem_shared>>
      tpu.enqueue_dma source(%arg10 : memref<2576xi32, #tpu.memory_space<vmem>>) target(%dma_start3A_198 : memref<2576xi32, #tpu.memory_space<vmem_shared>>) target_semaphore(%run_scoped3A : memref<!tpu.dma_semaphore, #tpu.memory_space<semaphore_mem>>)
      %dma_wait3A = arith.constant 0 : i32
      %dma_wait3A_199 = tpu.memref_slice %arg19[%arg1, %dma_wait3A] : memref<16x2576xi32, #tpu.memory_space<vmem_shared>> -> memref<1x2576xi32, #tpu.memory_space<vmem_shared>>
      %dma_wait3A_200 = tpu.memref_squeeze %dma_wait3A_199 : memref<1x2576xi32, #tpu.memory_space<vmem_shared>> -> memref<2576xi32, #tpu.memory_space<vmem_shared>>
      %dma_wait3A_201 = arith.constant 0 : i32
      %dma_wait3A_202 = tpu.memref_slice %arg19[%arg1, %dma_wait3A_201] : memref<16x2576xi32, #tpu.memory_space<vmem_shared>> -> memref<1x2576xi32, #tpu.memory_space<vmem_shared>>
      %dma_wait3A_203 = tpu.memref_squeeze %dma_wait3A_202 : memref<1x2576xi32, #tpu.memory_space<vmem_shared>> -> memref<2576xi32, #tpu.memory_space<vmem_shared>>
      tpu.wait_dma2 semaphore(%run_scoped3A : memref<!tpu.dma_semaphore, #tpu.memory_space<semaphore_mem>>) src(%arg10 : memref<2576xi32, #tpu.memory_space<vmem>>) dst(%dma_wait3A_203 : memref<2576xi32, #tpu.memory_space<vmem_shared>>)
      tpu.yield
    }) : () -> ()
    %barrier3A = arith.constant 0 : index
    tpu.barrier barrier_id(%barrier3A)
    %jit3A_44 = arith.constant 2 : i32
    %div3A_45 = arith.divsi %arg1, %jit3A_44 : i32
    %sign3A_46 = arith.constant 0 : i32
    %sign3A_47 = arith.cmpi sgt, %arg1, %sign3A_46 : i32
    %sign3A_48 = arith.extui %sign3A_47 : i1 to i32
    %sign3A_49 = arith.constant 0 : i32
    %sign3A_50 = arith.cmpi slt, %arg1, %sign3A_49 : i32
    %sign3A_51 = arith.extui %sign3A_50 : i1 to i32
    %sign3A_52 = arith.subi %sign3A_48, %sign3A_51 : i32
    %sign3A_53 = arith.constant 0 : i32
    %sign3A_54 = arith.cmpi sgt, %jit3A_44, %sign3A_53 : i32
    %sign3A_55 = arith.extui %sign3A_54 : i1 to i32
    %sign3A_56 = arith.constant 0 : i32
    %sign3A_57 = arith.cmpi slt, %jit3A_44, %sign3A_56 : i32
    %sign3A_58 = arith.extui %sign3A_57 : i1 to i32
    %sign3A_59 = arith.subi %sign3A_55, %sign3A_58 : i32
    %ne3A_60 = arith.cmpi ne, %sign3A_52, %sign3A_59 : i32
    %rem3A_61 = arith.remsi %arg1, %jit3A_44 : i32
    %ne3A_62 = arith.constant 0 : i32
    %ne3A_63 = arith.cmpi ne, %rem3A_61, %ne3A_62 : i32
    %and3A_64 = arith.andi %ne3A_60, %ne3A_63 : i1
    %sub3A_65 = arith.constant 1 : i32
    %sub3A_66 = arith.subi %div3A_45, %sub3A_65 : i32
    %select_n3A_67 = arith.select %and3A_64, %sub3A_66, %div3A_45 : i32
    %mul3A_68 = arith.constant 2 : i32
    %mul3A_69 = arith.muli %select_n3A_67, %mul3A_68 : i32
    "tpu.region"() ({
      %run_scoped3A = tpu.sem_alloc : memref<!tpu.dma_semaphore, #tpu.memory_space<semaphore_mem>>
      %dma_start3A = arith.constant 0 : i32
      %dma_start3A_194 = tpu.memref_slice %arg19[%mul3A_69, %dma_start3A] : memref<16x2576xi32, #tpu.memory_space<vmem_shared>> -> memref<1x2576xi32, #tpu.memory_space<vmem_shared>>
      %dma_start3A_195 = tpu.memref_squeeze %dma_start3A_194 : memref<1x2576xi32, #tpu.memory_space<vmem_shared>> -> memref<2576xi32, #tpu.memory_space<vmem_shared>>
      %dma_start3A_196 = arith.constant 0 : i32
      %dma_start3A_197 = tpu.memref_slice %arg19[%mul3A_69, %dma_start3A_196] : memref<16x2576xi32, #tpu.memory_space<vmem_shared>> -> memref<1x2576xi32, #tpu.memory_space<vmem_shared>>
      %dma_start3A_198 = tpu.memref_squeeze %dma_start3A_197 : memref<1x2576xi32, #tpu.memory_space<vmem_shared>> -> memref<2576xi32, #tpu.memory_space<vmem_shared>>
      tpu.enqueue_dma source(%dma_start3A_198 : memref<2576xi32, #tpu.memory_space<vmem_shared>>) target(%arg11 : memref<2576xi32, #tpu.memory_space<vmem>>) target_semaphore(%run_scoped3A : memref<!tpu.dma_semaphore, #tpu.memory_space<semaphore_mem>>)
      %dma_wait3A = arith.constant 0 : i32
      %dma_wait3A_199 = tpu.memref_slice %arg19[%mul3A_69, %dma_wait3A] : memref<16x2576xi32, #tpu.memory_space<vmem_shared>> -> memref<1x2576xi32, #tpu.memory_space<vmem_shared>>
      %dma_wait3A_200 = tpu.memref_squeeze %dma_wait3A_199 : memref<1x2576xi32, #tpu.memory_space<vmem_shared>> -> memref<2576xi32, #tpu.memory_space<vmem_shared>>
      %dma_wait3A_201 = arith.constant 0 : i32
      %dma_wait3A_202 = tpu.memref_slice %arg19[%mul3A_69, %dma_wait3A_201] : memref<16x2576xi32, #tpu.memory_space<vmem_shared>> -> memref<1x2576xi32, #tpu.memory_space<vmem_shared>>
      %dma_wait3A_203 = tpu.memref_squeeze %dma_wait3A_202 : memref<1x2576xi32, #tpu.memory_space<vmem_shared>> -> memref<2576xi32, #tpu.memory_space<vmem_shared>>
      tpu.wait_dma2 semaphore(%run_scoped3A : memref<!tpu.dma_semaphore, #tpu.memory_space<semaphore_mem>>) src(%dma_wait3A_203 : memref<2576xi32, #tpu.memory_space<vmem_shared>>) dst(%arg11 : memref<2576xi32, #tpu.memory_space<vmem>>)
      tpu.yield
    }) : () -> ()
    %add3A_70 = arith.constant 1 : i32
    %add3A_71 = arith.addi %mul3A_69, %add3A_70 : i32
    "tpu.region"() ({
      %run_scoped3A = tpu.sem_alloc : memref<!tpu.dma_semaphore, #tpu.memory_space<semaphore_mem>>
      %dma_start3A = arith.constant 0 : i32
      %dma_start3A_194 = tpu.memref_slice %arg19[%add3A_71, %dma_start3A] : memref<16x2576xi32, #tpu.memory_space<vmem_shared>> -> memref<1x2576xi32, #tpu.memory_space<vmem_shared>>
      %dma_start3A_195 = tpu.memref_squeeze %dma_start3A_194 : memref<1x2576xi32, #tpu.memory_space<vmem_shared>> -> memref<2576xi32, #tpu.memory_space<vmem_shared>>
      %dma_start3A_196 = arith.constant 0 : i32
      %dma_start3A_197 = tpu.memref_slice %arg19[%add3A_71, %dma_start3A_196] : memref<16x2576xi32, #tpu.memory_space<vmem_shared>> -> memref<1x2576xi32, #tpu.memory_space<vmem_shared>>
      %dma_start3A_198 = tpu.memref_squeeze %dma_start3A_197 : memref<1x2576xi32, #tpu.memory_space<vmem_shared>> -> memref<2576xi32, #tpu.memory_space<vmem_shared>>
      tpu.enqueue_dma source(%dma_start3A_198 : memref<2576xi32, #tpu.memory_space<vmem_shared>>) target(%arg12 : memref<2576xi32, #tpu.memory_space<vmem>>) target_semaphore(%run_scoped3A : memref<!tpu.dma_semaphore, #tpu.memory_space<semaphore_mem>>)
      %dma_wait3A = arith.constant 0 : i32
      %dma_wait3A_199 = tpu.memref_slice %arg19[%add3A_71, %dma_wait3A] : memref<16x2576xi32, #tpu.memory_space<vmem_shared>> -> memref<1x2576xi32, #tpu.memory_space<vmem_shared>>
      %dma_wait3A_200 = tpu.memref_squeeze %dma_wait3A_199 : memref<1x2576xi32, #tpu.memory_space<vmem_shared>> -> memref<2576xi32, #tpu.memory_space<vmem_shared>>
      %dma_wait3A_201 = arith.constant 0 : i32
      %dma_wait3A_202 = tpu.memref_slice %arg19[%add3A_71, %dma_wait3A_201] : memref<16x2576xi32, #tpu.memory_space<vmem_shared>> -> memref<1x2576xi32, #tpu.memory_space<vmem_shared>>
      %dma_wait3A_203 = tpu.memref_squeeze %dma_wait3A_202 : memref<1x2576xi32, #tpu.memory_space<vmem_shared>> -> memref<2576xi32, #tpu.memory_space<vmem_shared>>
      tpu.wait_dma2 semaphore(%run_scoped3A : memref<!tpu.dma_semaphore, #tpu.memory_space<semaphore_mem>>) src(%dma_wait3A_203 : memref<2576xi32, #tpu.memory_space<vmem_shared>>) dst(%arg12 : memref<2576xi32, #tpu.memory_space<vmem>>)
      tpu.yield
    }) : () -> ()
    %get3A = arith.constant 2560 : index
    %get3A_72 = tpu.vector_load %arg11[%get3A] {strides = array<i32>} : memref<2576xi32, #tpu.memory_space<vmem>>, vector<16xi32>,
    %reduce_max3A = arith.constant true
    %reduce_max3A_73 = vector.broadcast %reduce_max3A : i1 to vector<16xi1>
    %reduce_max3A_74 = arith.constant -2147483648 : i32
    %reduce_max3A_75 = vector.broadcast %reduce_max3A_74 : i32 to vector<16xi32>
    %reduce_max3A_76 = arith.xori %get3A_72, %reduce_max3A_75 : vector<16xi32>
    %reduce_max3A_77 = tpu.scan <max>, %reduce_max3A_76 masked %reduce_max3A_73 : vector<16xi32>, vector<16xi1> -> vector<16xi32>
    %reduce_max3A_78 = arith.xori %reduce_max3A_77, %reduce_max3A_75 : vector<16xi32>
    %reduce_max3A_79 = vector.extract %reduce_max3A_78[15] : i32 from vector<16xi32>
    %get3A_80 = arith.constant 2560 : index
    %get3A_81 = tpu.vector_load %arg12[%get3A_80] {strides = array<i32>} : memref<2576xi32, #tpu.memory_space<vmem>>, vector<16xi32>,
    %reduce_max3A_82 = arith.constant true
    %reduce_max3A_83 = vector.broadcast %reduce_max3A_82 : i1 to vector<16xi1>
    %reduce_max3A_84 = arith.constant -2147483648 : i32
    %reduce_max3A_85 = vector.broadcast %reduce_max3A_84 : i32 to vector<16xi32>
    %reduce_max3A_86 = arith.xori %get3A_81, %reduce_max3A_85 : vector<16xi32>
    %reduce_max3A_87 = tpu.scan <max>, %reduce_max3A_86 masked %reduce_max3A_83 : vector<16xi32>, vector<16xi1> -> vector<16xi32>
    %reduce_max3A_88 = arith.xori %reduce_max3A_87, %reduce_max3A_85 : vector<16xi32>
    %reduce_max3A_89 = vector.extract %reduce_max3A_88[15] : i32 from vector<16xi32>
    %add3A_90 = arith.addi %reduce_max3A_79, %reduce_max3A_89 : i32
    %min3A = arith.constant 2560 : i32
    %min3A_91 = arith.minsi %add3A_90, %min3A : i32
    %sub3A_92 = arith.subi %min3A_91, %mul3A_32 : i32
    %jit3A_93 = arith.constant 0 : i32
    %jit3A_94 = arith.constant 1280 : i32
    %max3A = arith.maxsi %jit3A_93, %sub3A_92 : i32
    %min3A_95 = arith.minsi %jit3A_94, %max3A : i32
    %add3A_96 = arith.constant 32 : i32
    %add3A_97 = arith.addi %min3A_95, %add3A_96 : i32
    %sub3A_98 = arith.constant 1 : i32
    %sub3A_99 = arith.subi %add3A_97, %sub3A_98 : i32
    %jit3A_100 = arith.constant 32 : i32
    %div3A_101 = arith.divsi %sub3A_99, %jit3A_100 : i32
    %sign3A_102 = arith.constant 0 : i32
    %sign3A_103 = arith.cmpi sgt, %sub3A_99, %sign3A_102 : i32
    %sign3A_104 = arith.extui %sign3A_103 : i1 to i32
    %sign3A_105 = arith.constant 0 : i32
    %sign3A_106 = arith.cmpi slt, %sub3A_99, %sign3A_105 : i32
    %sign3A_107 = arith.extui %sign3A_106 : i1 to i32
    %sign3A_108 = arith.subi %sign3A_104, %sign3A_107 : i32
    %sign3A_109 = arith.constant 0 : i32
    %sign3A_110 = arith.cmpi sgt, %jit3A_100, %sign3A_109 : i32
    %sign3A_111 = arith.extui %sign3A_110 : i1 to i32
    %sign3A_112 = arith.constant 0 : i32
    %sign3A_113 = arith.cmpi slt, %jit3A_100, %sign3A_112 : i32
    %sign3A_114 = arith.extui %sign3A_113 : i1 to i32
    %sign3A_115 = arith.subi %sign3A_111, %sign3A_114 : i32
    %ne3A_116 = arith.cmpi ne, %sign3A_108, %sign3A_115 : i32
    %rem3A_117 = arith.remsi %sub3A_99, %jit3A_100 : i32
    %ne3A_118 = arith.constant 0 : i32
    %ne3A_119 = arith.cmpi ne, %rem3A_117, %ne3A_118 : i32
    %and3A_120 = arith.andi %ne3A_116, %ne3A_119 : i1
    %sub3A_121 = arith.constant 1 : i32
    %sub3A_122 = arith.subi %div3A_101, %sub3A_121 : i32
    %select_n3A_123 = arith.select %and3A_120, %sub3A_122, %div3A_101 : i32
    %ge3A = arith.constant 1 : i32
    %ge3A_124 = arith.cmpi sge, %select_n3A_123, %ge3A : i32
    %convert_element_type3A = arith.extui %ge3A_124 : i1 to i32
    %cond3A = arith.constant 0 : i32
    %cond3A_125 = arith.cmpi ne, %convert_element_type3A, %cond3A : i32
    scf.if %cond3A_125 {
      %add3A_194 = arith.constant 0 : i32
      %add3A_195 = arith.addi %mul3A_32, %add3A_194 : i32
      %add3A_196 = arith.constant 0 : i32
      %add3A_197 = arith.addi %add3A_195, %add3A_196 : i32
      %add3A_198 = vector.broadcast %add3A_197 : i32 to vector<16xi32>
      %add3A_199 = arith.addi %add3A_198, %iota3A : vector<16xi32>
      %add3A_200 = arith.constant 0 : i32
      %add3A_201 = arith.addi %add3A_195, %add3A_200 : i32
      %add3A_202 = vector.broadcast %add3A_201 : i32 to vector<16xi32>
      %add3A_203 = arith.addi %add3A_202, %iota3A : vector<16xi32>
      %lt3A_204 = vector.broadcast %reduce_max3A_79 : i32 to vector<16xi32>
      %lt3A_205 = arith.cmpi slt, %add3A_203, %lt3A_204 : vector<16xi32>
      %jit3A_206 = arith.constant 0 : i32
      %jit3A_207 = arith.constant 2559 : i32
      %max3A_208 = vector.broadcast %jit3A_206 : i32 to vector<16xi32>
      %max3A_209 = arith.maxsi %max3A_208, %add3A_203 : vector<16xi32>
      %min3A_210 = vector.broadcast %jit3A_207 : i32 to vector<16xi32>
      %min3A_211 = arith.minsi %min3A_210, %max3A_209 : vector<16xi32>
      %sub3A_212 = vector.broadcast %reduce_max3A_79 : i32 to vector<16xi32>
      %sub3A_213 = arith.subi %add3A_203, %sub3A_212 : vector<16xi32>
      %jit3A_214 = arith.constant 0 : i32
      %jit3A_215 = arith.constant 2559 : i32
      %max3A_216 = vector.broadcast %jit3A_214 : i32 to vector<16xi32>
      %max3A_217 = arith.maxsi %max3A_216, %sub3A_213 : vector<16xi32>
      %min3A_218 = vector.broadcast %jit3A_215 : i32 to vector<16xi32>
      %min3A_219 = arith.minsi %min3A_218, %max3A_217 : vector<16xi32>
      %gather3A = tpu.vector_load_idx %arg11[%min3A_211] : memref<2576xi32, #tpu.memory_space<vmem>>[vector<16xi32>], vector<16xi32>,
      %gather3A_220 = tpu.vector_load_idx %arg12[%min3A_219] : memref<2576xi32, #tpu.memory_space<vmem>>[vector<16xi32>], vector<16xi32>,
      %select_n3A_221 = arith.select %lt3A_205, %gather3A, %gather3A_220 : vector<16xi1>, vector<16xi32>
      %lt3A_222 = vector.broadcast %min3A_91 : i32 to vector<16xi32>
      %lt3A_223 = arith.cmpi slt, %add3A_203, %lt3A_222 : vector<16xi32>
      %mul3A_224 = arith.constant 2 : i32
      %mul3A_225 = vector.broadcast %mul3A_224 : i32 to vector<16xi32>
      %mul3A_226 = arith.muli %add3A_199, %mul3A_225 : vector<16xi32>
      %select_n3A_227 = arith.select %lt3A_223, %select_n3A_221, %mul3A_226 : vector<16xi1>, vector<16xi32>
      %jit3A_228 = arith.constant 2 : i32
      %div3A_229 = vector.broadcast %jit3A_228 : i32 to vector<16xi32>
      %div3A_230 = arith.divsi %select_n3A_227, %div3A_229 : vector<16xi32>
      %sign3A_231 = arith.constant 0 : i32
      %sign3A_232 = vector.broadcast %sign3A_231 : i32 to vector<16xi32>
      %sign3A_233 = arith.cmpi sgt, %select_n3A_227, %sign3A_232 : vector<16xi32>
      %sign3A_234 = arith.extui %sign3A_233 : vector<16xi1> to vector<16xi32>
      %sign3A_235 = arith.constant 0 : i32
      %sign3A_236 = vector.broadcast %sign3A_235 : i32 to vector<16xi32>
      %sign3A_237 = arith.cmpi slt, %select_n3A_227, %sign3A_236 : vector<16xi32>
      %sign3A_238 = arith.extui %sign3A_237 : vector<16xi1> to vector<16xi32>
      %sign3A_239 = arith.subi %sign3A_234, %sign3A_238 : vector<16xi32>
      %sign3A_240 = arith.constant 0 : i32
      %sign3A_241 = arith.cmpi sgt, %jit3A_228, %sign3A_240 : i32
      %sign3A_242 = arith.extui %sign3A_241 : i1 to i32
      %sign3A_243 = arith.constant 0 : i32
      %sign3A_244 = arith.cmpi slt, %jit3A_228, %sign3A_243 : i32
      %sign3A_245 = arith.extui %sign3A_244 : i1 to i32
      %sign3A_246 = arith.subi %sign3A_242, %sign3A_245 : i32
      %ne3A_247 = vector.broadcast %sign3A_246 : i32 to vector<16xi32>
      %ne3A_248 = arith.cmpi ne, %sign3A_239, %ne3A_247 : vector<16xi32>
      %rem3A_249 = vector.broadcast %jit3A_228 : i32 to vector<16xi32>
      %rem3A_250 = arith.remsi %select_n3A_227, %rem3A_249 : vector<16xi32>
      %ne3A_251 = arith.constant 0 : i32
      %ne3A_252 = vector.broadcast %ne3A_251 : i32 to vector<16xi32>
      %ne3A_253 = arith.cmpi ne, %rem3A_250, %ne3A_252 : vector<16xi32>
      %and3A_254 = arith.andi %ne3A_248, %ne3A_253 : vector<16xi1>
      %sub3A_255 = arith.constant 1 : i32
      %sub3A_256 = vector.broadcast %sub3A_255 : i32 to vector<16xi32>
      %sub3A_257 = arith.subi %div3A_230, %sub3A_256 : vector<16xi32>
      %select_n3A_258 = arith.select %and3A_254, %sub3A_257, %div3A_230 : vector<16xi1>, vector<16xi32>
      %swap3A_259 = arith.constant 0 : index
      %swap3A_260 = tpu.vector_load %arg13[%swap3A_259] {strides = array<i32>} : memref<32xi32, #tpu.memory_space<vmem>>, vector<16xi32>,
      tpu.vector_store %arg13[%swap3A_259], %select_n3A_258 {strides = array<i32>} : memref<32xi32, #tpu.memory_space<vmem>>, vector<16xi32>,
      %add3A_261 = arith.constant 16 : i32
      %add3A_262 = arith.addi %add3A_195, %add3A_261 : i32
      %add3A_263 = vector.broadcast %add3A_262 : i32 to vector<16xi32>
      %add3A_264 = arith.addi %add3A_263, %iota3A : vector<16xi32>
      %add3A_265 = arith.constant 16 : i32
      %add3A_266 = arith.addi %add3A_195, %add3A_265 : i32
      %add3A_267 = vector.broadcast %add3A_266 : i32 to vector<16xi32>
      %add3A_268 = arith.addi %add3A_267, %iota3A : vector<16xi32>
      %lt3A_269 = vector.broadcast %reduce_max3A_79 : i32 to vector<16xi32>
      %lt3A_270 = arith.cmpi slt, %add3A_268, %lt3A_269 : vector<16xi32>
      %jit3A_271 = arith.constant 0 : i32
      %jit3A_272 = arith.constant 2559 : i32
      %max3A_273 = vector.broadcast %jit3A_271 : i32 to vector<16xi32>
      %max3A_274 = arith.maxsi %max3A_273, %add3A_268 : vector<16xi32>
      %min3A_275 = vector.broadcast %jit3A_272 : i32 to vector<16xi32>
      %min3A_276 = arith.minsi %min3A_275, %max3A_274 : vector<16xi32>
      %sub3A_277 = vector.broadcast %reduce_max3A_79 : i32 to vector<16xi32>
      %sub3A_278 = arith.subi %add3A_268, %sub3A_277 : vector<16xi32>
      %jit3A_279 = arith.constant 0 : i32
      %jit3A_280 = arith.constant 2559 : i32
      %max3A_281 = vector.broadcast %jit3A_279 : i32 to vector<16xi32>
      %max3A_282 = arith.maxsi %max3A_281, %sub3A_278 : vector<16xi32>
      %min3A_283 = vector.broadcast %jit3A_280 : i32 to vector<16xi32>
      %min3A_284 = arith.minsi %min3A_283, %max3A_282 : vector<16xi32>
      %gather3A_285 = tpu.vector_load_idx %arg11[%min3A_276] : memref<2576xi32, #tpu.memory_space<vmem>>[vector<16xi32>], vector<16xi32>,
      %gather3A_286 = tpu.vector_load_idx %arg12[%min3A_284] : memref<2576xi32, #tpu.memory_space<vmem>>[vector<16xi32>], vector<16xi32>,
      %select_n3A_287 = arith.select %lt3A_270, %gather3A_285, %gather3A_286 : vector<16xi1>, vector<16xi32>
      %lt3A_288 = vector.broadcast %min3A_91 : i32 to vector<16xi32>
      %lt3A_289 = arith.cmpi slt, %add3A_268, %lt3A_288 : vector<16xi32>
      %mul3A_290 = arith.constant 2 : i32
      %mul3A_291 = vector.broadcast %mul3A_290 : i32 to vector<16xi32>
      %mul3A_292 = arith.muli %add3A_264, %mul3A_291 : vector<16xi32>
      %select_n3A_293 = arith.select %lt3A_289, %select_n3A_287, %mul3A_292 : vector<16xi1>, vector<16xi32>
      %jit3A_294 = arith.constant 2 : i32
      %div3A_295 = vector.broadcast %jit3A_294 : i32 to vector<16xi32>
      %div3A_296 = arith.divsi %select_n3A_293, %div3A_295 : vector<16xi32>
      %sign3A_297 = arith.constant 0 : i32
      %sign3A_298 = vector.broadcast %sign3A_297 : i32 to vector<16xi32>
      %sign3A_299 = arith.cmpi sgt, %select_n3A_293, %sign3A_298 : vector<16xi32>
      %sign3A_300 = arith.extui %sign3A_299 : vector<16xi1> to vector<16xi32>
      %sign3A_301 = arith.constant 0 : i32
      %sign3A_302 = vector.broadcast %sign3A_301 : i32 to vector<16xi32>
      %sign3A_303 = arith.cmpi slt, %select_n3A_293, %sign3A_302 : vector<16xi32>
      %sign3A_304 = arith.extui %sign3A_303 : vector<16xi1> to vector<16xi32>
      %sign3A_305 = arith.subi %sign3A_300, %sign3A_304 : vector<16xi32>
      %sign3A_306 = arith.constant 0 : i32
      %sign3A_307 = arith.cmpi sgt, %jit3A_294, %sign3A_306 : i32
      %sign3A_308 = arith.extui %sign3A_307 : i1 to i32
      %sign3A_309 = arith.constant 0 : i32
      %sign3A_310 = arith.cmpi slt, %jit3A_294, %sign3A_309 : i32
      %sign3A_311 = arith.extui %sign3A_310 : i1 to i32
      %sign3A_312 = arith.subi %sign3A_308, %sign3A_311 : i32
      %ne3A_313 = vector.broadcast %sign3A_312 : i32 to vector<16xi32>
      %ne3A_314 = arith.cmpi ne, %sign3A_305, %ne3A_313 : vector<16xi32>
      %rem3A_315 = vector.broadcast %jit3A_294 : i32 to vector<16xi32>
      %rem3A_316 = arith.remsi %select_n3A_293, %rem3A_315 : vector<16xi32>
      %ne3A_317 = arith.constant 0 : i32
      %ne3A_318 = vector.broadcast %ne3A_317 : i32 to vector<16xi32>
      %ne3A_319 = arith.cmpi ne, %rem3A_316, %ne3A_318 : vector<16xi32>
      %and3A_320 = arith.andi %ne3A_314, %ne3A_319 : vector<16xi1>
      %sub3A_321 = arith.constant 1 : i32
      %sub3A_322 = vector.broadcast %sub3A_321 : i32 to vector<16xi32>
      %sub3A_323 = arith.subi %div3A_296, %sub3A_322 : vector<16xi32>
      %select_n3A_324 = arith.select %and3A_320, %sub3A_323, %div3A_296 : vector<16xi1>, vector<16xi32>
      %swap3A_325 = arith.constant 16 : index
      %swap3A_326 = tpu.vector_load %arg13[%swap3A_325] {strides = array<i32>} : memref<32xi32, #tpu.memory_space<vmem>>, vector<16xi32>,
      tpu.vector_store %arg13[%swap3A_325], %select_n3A_324 {strides = array<i32>} : memref<32xi32, #tpu.memory_space<vmem>>, vector<16xi32>,
      %dma_start3A = arith.constant 0 : i32
      %dma_start3A_327 = arith.constant 0 : i32
      %dma_start3A_328 = tpu.memref_slice %arg3[%dma_start3A, %dma_start3A_327] : memref<16384x1024xf32, #tpu.memory_space<hbm>> -> memref<16384x1024xf32, #tpu.memory_space<hbm>>
      tpu.enqueue_indirect_dma source(%dma_start3A_328 : memref<16384x1024xf32, #tpu.memory_space<hbm>>) target(%arg15 : memref<32x1024xf32, #tpu.memory_space<vmem>>) offsets(%arg13 : memref<32xi32, #tpu.memory_space<vmem>>) semaphore(%arg21 : memref<!tpu.dma_semaphore, #tpu.memory_space<semaphore_mem>>)
    } else {
    }
    tpu.wait_dma2 semaphore(%arg20 : memref<!tpu.dma_semaphore, #tpu.memory_space<semaphore_mem>>) src(%arg4 : memref<32768xf32, #tpu.memory_space<hbm>>) dst(%arg9 : memref<32768xf32, #tpu.memory_space<vmem>>)
    %scan3A_126 = arith.constant 0 : i32
    %scan3A_127 = arith.constant 0 : i32
    %scan3A_128 = arith.constant 80 : i32
    %scan3A_129 = arith.addi %scan3A_127, %scan3A_128 : i32
    %scan3A_130 = arith.constant 1 : i32
    %scan3A_131 = scf.for %scan3A_194 = %scan3A_127 to %scan3A_129 step %scan3A_130 iter_args(%scan3A_195 = %scan3A_126) -> (i32)  : i32 {
      %mul3A_196 = arith.constant 16 : i32
      %mul3A_197 = arith.muli %scan3A_194, %mul3A_196 : i32
      %add3A_198 = arith.addi %mul3A_32, %mul3A_197 : i32
      %add3A_199 = vector.broadcast %add3A_198 : i32 to vector<16xi32>
      %add3A_200 = arith.addi %add3A_199, %iota3A : vector<16xi32>
      %lt3A_201 = vector.broadcast %reduce_max3A_79 : i32 to vector<16xi32>
      %lt3A_202 = arith.cmpi slt, %add3A_200, %lt3A_201 : vector<16xi32>
      %jit3A_203 = arith.constant 0 : i32
      %jit3A_204 = arith.constant 2559 : i32
      %max3A_205 = vector.broadcast %jit3A_203 : i32 to vector<16xi32>
      %max3A_206 = arith.maxsi %max3A_205, %add3A_200 : vector<16xi32>
      %min3A_207 = vector.broadcast %jit3A_204 : i32 to vector<16xi32>
      %min3A_208 = arith.minsi %min3A_207, %max3A_206 : vector<16xi32>
      %sub3A_209 = vector.broadcast %reduce_max3A_79 : i32 to vector<16xi32>
      %sub3A_210 = arith.subi %add3A_200, %sub3A_209 : vector<16xi32>
      %jit3A_211 = arith.constant 0 : i32
      %jit3A_212 = arith.constant 2559 : i32
      %max3A_213 = vector.broadcast %jit3A_211 : i32 to vector<16xi32>
      %max3A_214 = arith.maxsi %max3A_213, %sub3A_210 : vector<16xi32>
      %min3A_215 = vector.broadcast %jit3A_212 : i32 to vector<16xi32>
      %min3A_216 = arith.minsi %min3A_215, %max3A_214 : vector<16xi32>
      %gather3A = tpu.vector_load_idx %arg11[%min3A_208] : memref<2576xi32, #tpu.memory_space<vmem>>[vector<16xi32>], vector<16xi32>,
      %gather3A_217 = tpu.vector_load_idx %arg12[%min3A_216] : memref<2576xi32, #tpu.memory_space<vmem>>[vector<16xi32>], vector<16xi32>,
      %select_n3A_218 = arith.select %lt3A_202, %gather3A, %gather3A_217 : vector<16xi1>, vector<16xi32>
      %lt3A_219 = vector.broadcast %min3A_91 : i32 to vector<16xi32>
      %lt3A_220 = arith.cmpi slt, %add3A_200, %lt3A_219 : vector<16xi32>
      %jit3A_221 = arith.constant 0 : i32
      %broadcast_in_dim3A_222 = vector.broadcast %jit3A_221 : i32 to vector<16xi32>
      %select_n3A_223 = arith.select %lt3A_220, %select_n3A_218, %broadcast_in_dim3A_222 : vector<16xi1>, vector<16xi32>
      %gather3A_224 = tpu.vector_load_idx %arg9[%select_n3A_223] : memref<32768xf32, #tpu.memory_space<vmem>>[vector<16xi32>], vector<16xf32>,
      %jit3A_225 = arith.constant 0.000000e+00 : f32
      %broadcast_in_dim3A_226 = vector.broadcast %jit3A_225 : f32 to vector<16xf32>
      %select_n3A_227 = arith.select %lt3A_220, %gather3A_224, %broadcast_in_dim3A_226 : vector<16xi1>, vector<16xf32>
      %mul3A_228 = arith.constant 16 : i32
      %mul3A_229 = arith.muli %scan3A_194, %mul3A_228 : i32
      %swap3A_230 = arith.index_cast %mul3A_229 : i32 to index
      %swap3A_231 = tpu.vector_load %arg17[%swap3A_230] {strides = array<i32>} : memref<1280xf32, #tpu.memory_space<vmem>>, vector<16xf32>,
      tpu.vector_store %arg17[%swap3A_230], %select_n3A_227 {strides = array<i32>} : memref<1280xf32, #tpu.memory_space<vmem>>, vector<16xf32>,
      %jit3A_232 = arith.constant 2 : i32
      %div3A_233 = vector.broadcast %jit3A_232 : i32 to vector<16xi32>
      %div3A_234 = arith.divsi %select_n3A_223, %div3A_233 : vector<16xi32>
      %sign3A_235 = arith.constant 0 : i32
      %sign3A_236 = vector.broadcast %sign3A_235 : i32 to vector<16xi32>
      %sign3A_237 = arith.cmpi sgt, %select_n3A_223, %sign3A_236 : vector<16xi32>
      %sign3A_238 = arith.extui %sign3A_237 : vector<16xi1> to vector<16xi32>
      %sign3A_239 = arith.constant 0 : i32
      %sign3A_240 = vector.broadcast %sign3A_239 : i32 to vector<16xi32>
      %sign3A_241 = arith.cmpi slt, %select_n3A_223, %sign3A_240 : vector<16xi32>
      %sign3A_242 = arith.extui %sign3A_241 : vector<16xi1> to vector<16xi32>
      %sign3A_243 = arith.subi %sign3A_238, %sign3A_242 : vector<16xi32>
      %sign3A_244 = arith.constant 0 : i32
      %sign3A_245 = arith.cmpi sgt, %jit3A_232, %sign3A_244 : i32
      %sign3A_246 = arith.extui %sign3A_245 : i1 to i32
      %sign3A_247 = arith.constant 0 : i32
      %sign3A_248 = arith.cmpi slt, %jit3A_232, %sign3A_247 : i32
      %sign3A_249 = arith.extui %sign3A_248 : i1 to i32
      %sign3A_250 = arith.subi %sign3A_246, %sign3A_249 : i32
      %ne3A_251 = vector.broadcast %sign3A_250 : i32 to vector<16xi32>
      %ne3A_252 = arith.cmpi ne, %sign3A_243, %ne3A_251 : vector<16xi32>
      %rem3A_253 = vector.broadcast %jit3A_232 : i32 to vector<16xi32>
      %rem3A_254 = arith.remsi %select_n3A_223, %rem3A_253 : vector<16xi32>
      %ne3A_255 = arith.constant 0 : i32
      %ne3A_256 = vector.broadcast %ne3A_255 : i32 to vector<16xi32>
      %ne3A_257 = arith.cmpi ne, %rem3A_254, %ne3A_256 : vector<16xi32>
      %and3A_258 = arith.andi %ne3A_252, %ne3A_257 : vector<16xi1>
      %sub3A_259 = arith.constant 1 : i32
      %sub3A_260 = vector.broadcast %sub3A_259 : i32 to vector<16xi32>
      %sub3A_261 = arith.subi %div3A_234, %sub3A_260 : vector<16xi32>
      %select_n3A_262 = arith.select %and3A_258, %sub3A_261, %div3A_234 : vector<16xi1>, vector<16xi32>
      %jit3A_263 = arith.constant -1 : i32
      %broadcast_in_dim3A_264 = vector.broadcast %jit3A_263 : i32 to vector<16xi32>
      %select_n3A_265 = arith.select %lt3A_220, %select_n3A_262, %broadcast_in_dim3A_264 : vector<16xi1>, vector<16xi32>
      %mul3A_266 = arith.constant 16 : i32
      %mul3A_267 = arith.muli %scan3A_194, %mul3A_266 : i32
      %swap3A_268 = arith.index_cast %mul3A_267 : i32 to index
      %swap3A_269 = tpu.vector_load %arg18[%swap3A_268] {strides = array<i32>} : memref<1280xi32, #tpu.memory_space<vmem>>, vector<16xi32>,
      tpu.vector_store %arg18[%swap3A_268], %select_n3A_265 {strides = array<i32>} : memref<1280xi32, #tpu.memory_space<vmem>>, vector<16xi32>,
      %scan3A_270 = arith.constant 0 : i32
      scf.yield %scan3A_270 : i32
    }
    %scan3A_132 = arith.constant 80 : i32
    "tpu.region"() ({
      %run_scoped3A = tpu.sem_alloc : memref<!tpu.dma_semaphore, #tpu.memory_space<semaphore_mem>>
      %dma_start3A = tpu.memref_slice %arg6[%add3A, %mul3A_32] : memref<16x2560xf32, #tpu.memory_space<hbm>> -> memref<1x1280xf32, #tpu.memory_space<hbm>>
      %dma_start3A_194 = tpu.memref_squeeze %dma_start3A : memref<1x1280xf32, #tpu.memory_space<hbm>> -> memref<1280xf32, #tpu.memory_space<hbm>>
      %dma_start3A_195 = tpu.memref_slice %arg6[%add3A, %mul3A_32] : memref<16x2560xf32, #tpu.memory_space<hbm>> -> memref<1x1280xf32, #tpu.memory_space<hbm>>
      %dma_start3A_196 = tpu.memref_squeeze %dma_start3A_195 : memref<1x1280xf32, #tpu.memory_space<hbm>> -> memref<1280xf32, #tpu.memory_space<hbm>>
      tpu.enqueue_dma source(%arg17 : memref<1280xf32, #tpu.memory_space<vmem>>) target(%dma_start3A_196 : memref<1280xf32, #tpu.memory_space<hbm>>) target_semaphore(%run_scoped3A : memref<!tpu.dma_semaphore, #tpu.memory_space<semaphore_mem>>)
      %dma_wait3A = tpu.memref_slice %arg6[%add3A, %mul3A_32] : memref<16x2560xf32, #tpu.memory_space<hbm>> -> memref<1x1280xf32, #tpu.memory_space<hbm>>
      %dma_wait3A_197 = tpu.memref_squeeze %dma_wait3A : memref<1x1280xf32, #tpu.memory_space<hbm>> -> memref<1280xf32, #tpu.memory_space<hbm>>
      %dma_wait3A_198 = tpu.memref_slice %arg6[%add3A, %mul3A_32] : memref<16x2560xf32, #tpu.memory_space<hbm>> -> memref<1x1280xf32, #tpu.memory_space<hbm>>
      %dma_wait3A_199 = tpu.memref_squeeze %dma_wait3A_198 : memref<1x1280xf32, #tpu.memory_space<hbm>> -> memref<1280xf32, #tpu.memory_space<hbm>>
      tpu.wait_dma2 semaphore(%run_scoped3A : memref<!tpu.dma_semaphore, #tpu.memory_space<semaphore_mem>>) src(%arg17 : memref<1280xf32, #tpu.memory_space<vmem>>) dst(%dma_wait3A_199 : memref<1280xf32, #tpu.memory_space<hbm>>)
      tpu.yield
    }) : () -> ()
    "tpu.region"() ({
      %run_scoped3A = tpu.sem_alloc : memref<!tpu.dma_semaphore, #tpu.memory_space<semaphore_mem>>
      %dma_start3A = tpu.memref_slice %arg7[%add3A, %mul3A_32] : memref<16x2560xi32, #tpu.memory_space<hbm>> -> memref<1x1280xi32, #tpu.memory_space<hbm>>
      %dma_start3A_194 = tpu.memref_squeeze %dma_start3A : memref<1x1280xi32, #tpu.memory_space<hbm>> -> memref<1280xi32, #tpu.memory_space<hbm>>
      %dma_start3A_195 = tpu.memref_slice %arg7[%add3A, %mul3A_32] : memref<16x2560xi32, #tpu.memory_space<hbm>> -> memref<1x1280xi32, #tpu.memory_space<hbm>>
      %dma_start3A_196 = tpu.memref_squeeze %dma_start3A_195 : memref<1x1280xi32, #tpu.memory_space<hbm>> -> memref<1280xi32, #tpu.memory_space<hbm>>
      tpu.enqueue_dma source(%arg18 : memref<1280xi32, #tpu.memory_space<vmem>>) target(%dma_start3A_196 : memref<1280xi32, #tpu.memory_space<hbm>>) target_semaphore(%run_scoped3A : memref<!tpu.dma_semaphore, #tpu.memory_space<semaphore_mem>>)
      %dma_wait3A = tpu.memref_slice %arg7[%add3A, %mul3A_32] : memref<16x2560xi32, #tpu.memory_space<hbm>> -> memref<1x1280xi32, #tpu.memory_space<hbm>>
      %dma_wait3A_197 = tpu.memref_squeeze %dma_wait3A : memref<1x1280xi32, #tpu.memory_space<hbm>> -> memref<1280xi32, #tpu.memory_space<hbm>>
      %dma_wait3A_198 = tpu.memref_slice %arg7[%add3A, %mul3A_32] : memref<16x2560xi32, #tpu.memory_space<hbm>> -> memref<1x1280xi32, #tpu.memory_space<hbm>>
      %dma_wait3A_199 = tpu.memref_squeeze %dma_wait3A_198 : memref<1x1280xi32, #tpu.memory_space<hbm>> -> memref<1280xi32, #tpu.memory_space<hbm>>
      tpu.wait_dma2 semaphore(%run_scoped3A : memref<!tpu.dma_semaphore, #tpu.memory_space<semaphore_mem>>) src(%arg18 : memref<1280xi32, #tpu.memory_space<vmem>>) dst(%dma_wait3A_199 : memref<1280xi32, #tpu.memory_space<hbm>>)
      tpu.yield
    }) : () -> ()
    %while3A = arith.constant 0 : i32
    %while3A_133 = arith.constant 0 : i32
    %while3A_134 = arith.subi %select_n3A_123, %while3A : i32
    %while3A_135 = arith.addi %while3A, %while3A_134 : i32
    %while3A_136 = arith.constant 1 : i32
    %while3A_137 = arith.divsi %while3A_134, %while3A_136 : i32
    %while3A_138 = arith.muli %while3A_137, %while3A_136 : i32
    %while3A_139 = arith.addi %while3A, %while3A_138 : i32
    %while3A_140 = arith.constant 1 : i32
    %while3A_141 = scf.for %while3A_194 = %while3A to %while3A_139 step %while3A_140 iter_args(%while3A_195 = %while3A_133) -> (i32)  : i32 {
      %jit3A_196 = arith.constant 2 : i32
      %eq3A_197 = arith.constant 0 : i32
      %eq3A_198 = arith.cmpi eq, %jit3A_196, %eq3A_197 : i32
      %jit3A_199 = arith.constant 1 : i32
      %select_n3A_200 = arith.select %eq3A_198, %jit3A_199, %jit3A_196 : i32
      %rem3A_201 = arith.remsi %while3A_194, %select_n3A_200 : i32
      %ne3A_202 = arith.constant 0 : i32
      %ne3A_203 = arith.cmpi ne, %rem3A_201, %ne3A_202 : i32
      %lt3A_204 = arith.constant 0 : i32
      %lt3A_205 = arith.cmpi slt, %rem3A_201, %lt3A_204 : i32
      %lt3A_206 = arith.constant 0 : i32
      %lt3A_207 = arith.cmpi slt, %select_n3A_200, %lt3A_206 : i32
      %ne3A_208 = arith.xori %lt3A_205, %lt3A_207 : i1
      %and3A_209 = arith.andi %ne3A_208, %ne3A_203 : i1
      %add3A_210 = arith.addi %rem3A_201, %select_n3A_200 : i32
      %select_n3A_211 = arith.select %and3A_209, %add3A_210, %rem3A_201 : i32
      %eq3A_212 = arith.constant 0 : i32
      %eq3A_213 = arith.cmpi eq, %select_n3A_211, %eq3A_212 : i32
      %convert_element_type3A_214 = arith.extui %eq3A_213 : i1 to i32
      %cond3A_215 = arith.constant 0 : i32
      %cond3A_216 = arith.cmpi ne, %convert_element_type3A_214, %cond3A_215 : i32
      scf.if %cond3A_216 {
        %dma_wait3A = arith.constant 0 : i32
        %dma_wait3A_239 = arith.constant 0 : i32
        %dma_wait3A_240 = tpu.memref_slice %arg3[%dma_wait3A, %dma_wait3A_239] : memref<16384x1024xf32, #tpu.memory_space<hbm>> -> memref<16384x1024xf32, #tpu.memory_space<hbm>>
        tpu.wait_indirect_dma semaphore(%arg21 : memref<!tpu.dma_semaphore, #tpu.memory_space<semaphore_mem>>) src(%dma_wait3A_240 : memref<16384x1024xf32, #tpu.memory_space<hbm>>) dst(%arg15 : memref<32x1024xf32, #tpu.memory_space<vmem>>)
        %mul3A_241 = arith.constant 32 : i32
        %mul3A_242 = arith.muli %while3A_194, %mul3A_241 : i32
        %sub3A_243 = arith.subi %min3A_95, %mul3A_242 : i32
        %jit3A_244 = arith.constant 0 : i32
        %jit3A_245 = arith.constant 32 : i32
        %max3A_246 = arith.maxsi %jit3A_244, %sub3A_243 : i32
        %min3A_247 = arith.minsi %jit3A_245, %max3A_246 : i32
        %lt3A_248 = arith.constant 32 : i32
        %lt3A_249 = arith.cmpi slt, %min3A_247, %lt3A_248 : i32
        %convert_element_type3A_250 = arith.extui %lt3A_249 : i1 to i32
        %cond3A_251 = arith.constant 0 : i32
        %cond3A_252 = arith.cmpi ne, %convert_element_type3A_250, %cond3A_251 : i32
        scf.if %cond3A_252 {
          %broadcast_in_dim3A_267 = arith.constant 0.000000e+00 : f32
          %broadcast_in_dim3A_268 = vector.broadcast %broadcast_in_dim3A_267 : f32 to vector<16xf32>
          %while3A_269 = arith.constant 32 : i32
          %while3A_270 = arith.constant 0 : i32
          %while3A_271 = arith.subi %while3A_269, %min3A_247 : i32
          %while3A_272 = arith.addi %min3A_247, %while3A_271 : i32
          %while3A_273 = arith.constant 1 : i32
          %while3A_274 = arith.divsi %while3A_271, %while3A_273 : i32
          %while3A_275 = arith.muli %while3A_274, %while3A_273 : i32
          %while3A_276 = arith.addi %min3A_247, %while3A_275 : i32
          %while3A_277 = arith.constant 1 : i32
          %while3A_278 = scf.for %while3A_281 = %min3A_247 to %while3A_276 step %while3A_277 iter_args(%while3A_282 = %while3A_270) -> (i32)  : i32 {
            %swap3A_283 = arith.index_cast %while3A_281 : i32 to index
            %swap3A_284 = arith.constant 0 : index
            %swap3A_285 = tpu.vector_load %arg15[%swap3A_283, %swap3A_284] {strides = array<i32>} : memref<32x1024xf32, #tpu.memory_space<vmem>>, vector<16xf32>,
            tpu.vector_store %arg15[%swap3A_283, %swap3A_284], %broadcast_in_dim3A_268 {strides = array<i32>} : memref<32x1024xf32, #tpu.memory_space<vmem>>, vector<16xf32>,
            %swap3A_286 = arith.index_cast %while3A_281 : i32 to index
            %swap3A_287 = arith.constant 16 : index
            %swap3A_288 = tpu.vector_load %arg15[%swap3A_286, %swap3A_287] {strides = array<i32>} : memref<32x1024xf32, #tpu.memory_space<vmem>>, vector<16xf32>,
            tpu.vector_store %arg15[%swap3A_286, %swap3A_287], %broadcast_in_dim3A_268 {strides = array<i32>} : memref<32x1024xf32, #tpu.memory_space<vmem>>, vector<16xf32>,
            %swap3A_289 = arith.index_cast %while3A_281 : i32 to index
            %swap3A_290 = arith.constant 32 : index
            %swap3A_291 = tpu.vector_load %arg15[%swap3A_289, %swap3A_290] {strides = array<i32>} : memref<32x1024xf32, #tpu.memory_space<vmem>>, vector<16xf32>,
            tpu.vector_store %arg15[%swap3A_289, %swap3A_290], %broadcast_in_dim3A_268 {strides = array<i32>} : memref<32x1024xf32, #tpu.memory_space<vmem>>, vector<16xf32>,
            %swap3A_292 = arith.index_cast %while3A_281 : i32 to index
            %swap3A_293 = arith.constant 48 : index
            %swap3A_294 = tpu.vector_load %arg15[%swap3A_292, %swap3A_293] {strides = array<i32>} : memref<32x1024xf32, #tpu.memory_space<vmem>>, vector<16xf32>,
            tpu.vector_store %arg15[%swap3A_292, %swap3A_293], %broadcast_in_dim3A_268 {strides = array<i32>} : memref<32x1024xf32, #tpu.memory_space<vmem>>, vector<16xf32>,
            %swap3A_295 = arith.index_cast %while3A_281 : i32 to index
            %swap3A_296 = arith.constant 64 : index
            %swap3A_297 = tpu.vector_load %arg15[%swap3A_295, %swap3A_296] {strides = array<i32>} : memref<32x1024xf32, #tpu.memory_space<vmem>>, vector<16xf32>,
            tpu.vector_store %arg15[%swap3A_295, %swap3A_296], %broadcast_in_dim3A_268 {strides = array<i32>} : memref<32x1024xf32, #tpu.memory_space<vmem>>, vector<16xf32>,
            %swap3A_298 = arith.index_cast %while3A_281 : i32 to index
            %swap3A_299 = arith.constant 80 : index
            %swap3A_300 = tpu.vector_load %arg15[%swap3A_298, %swap3A_299] {strides = array<i32>} : memref<32x1024xf32, #tpu.memory_space<vmem>>, vector<16xf32>,
            tpu.vector_store %arg15[%swap3A_298, %swap3A_299], %broadcast_in_dim3A_268 {strides = array<i32>} : memref<32x1024xf32, #tpu.memory_space<vmem>>, vector<16xf32>,
            %swap3A_301 = arith.index_cast %while3A_281 : i32 to index
            %swap3A_302 = arith.constant 96 : index
            %swap3A_303 = tpu.vector_load %arg15[%swap3A_301, %swap3A_302] {strides = array<i32>} : memref<32x1024xf32, #tpu.memory_space<vmem>>, vector<16xf32>,
            tpu.vector_store %arg15[%swap3A_301, %swap3A_302], %broadcast_in_dim3A_268 {strides = array<i32>} : memref<32x1024xf32, #tpu.memory_space<vmem>>, vector<16xf32>,
            %swap3A_304 = arith.index_cast %while3A_281 : i32 to index
            %swap3A_305 = arith.constant 112 : index
            %swap3A_306 = tpu.vector_load %arg15[%swap3A_304, %swap3A_305] {strides = array<i32>} : memref<32x1024xf32, #tpu.memory_space<vmem>>, vector<16xf32>,
            tpu.vector_store %arg15[%swap3A_304, %swap3A_305], %broadcast_in_dim3A_268 {strides = array<i32>} : memref<32x1024xf32, #tpu.memory_space<vmem>>, vector<16xf32>,
            %swap3A_307 = arith.index_cast %while3A_281 : i32 to index
            %swap3A_308 = arith.constant 128 : index
            %swap3A_309 = tpu.vector_load %arg15[%swap3A_307, %swap3A_308] {strides = array<i32>} : memref<32x1024xf32, #tpu.memory_space<vmem>>, vector<16xf32>,
            tpu.vector_store %arg15[%swap3A_307, %swap3A_308], %broadcast_in_dim3A_268 {strides = array<i32>} : memref<32x1024xf32, #tpu.memory_space<vmem>>, vector<16xf32>,
            %swap3A_310 = arith.index_cast %while3A_281 : i32 to index
            %swap3A_311 = arith.constant 144 : index
            %swap3A_312 = tpu.vector_load %arg15[%swap3A_310, %swap3A_311] {strides = array<i32>} : memref<32x1024xf32, #tpu.memory_space<vmem>>, vector<16xf32>,
            tpu.vector_store %arg15[%swap3A_310, %swap3A_311], %broadcast_in_dim3A_268 {strides = array<i32>} : memref<32x1024xf32, #tpu.memory_space<vmem>>, vector<16xf32>,
            %swap3A_313 = arith.index_cast %while3A_281 : i32 to index
            %swap3A_314 = arith.constant 160 : index
            %swap3A_315 = tpu.vector_load %arg15[%swap3A_313, %swap3A_314] {strides = array<i32>} : memref<32x1024xf32, #tpu.memory_space<vmem>>, vector<16xf32>,
            tpu.vector_store %arg15[%swap3A_313, %swap3A_314], %broadcast_in_dim3A_268 {strides = array<i32>} : memref<32x1024xf32, #tpu.memory_space<vmem>>, vector<16xf32>,
            %swap3A_316 = arith.index_cast %while3A_281 : i32 to index
            %swap3A_317 = arith.constant 176 : index
            %swap3A_318 = tpu.vector_load %arg15[%swap3A_316, %swap3A_317] {strides = array<i32>} : memref<32x1024xf32, #tpu.memory_space<vmem>>, vector<16xf32>,
            tpu.vector_store %arg15[%swap3A_316, %swap3A_317], %broadcast_in_dim3A_268 {strides = array<i32>} : memref<32x1024xf32, #tpu.memory_space<vmem>>, vector<16xf32>,
            %swap3A_319 = arith.index_cast %while3A_281 : i32 to index
            %swap3A_320 = arith.constant 192 : index
            %swap3A_321 = tpu.vector_load %arg15[%swap3A_319, %swap3A_320] {strides = array<i32>} : memref<32x1024xf32, #tpu.memory_space<vmem>>, vector<16xf32>,
            tpu.vector_store %arg15[%swap3A_319, %swap3A_320], %broadcast_in_dim3A_268 {strides = array<i32>} : memref<32x1024xf32, #tpu.memory_space<vmem>>, vector<16xf32>,
            %swap3A_322 = arith.index_cast %while3A_281 : i32 to index
            %swap3A_323 = arith.constant 208 : index
            %swap3A_324 = tpu.vector_load %arg15[%swap3A_322, %swap3A_323] {strides = array<i32>} : memref<32x1024xf32, #tpu.memory_space<vmem>>, vector<16xf32>,
            tpu.vector_store %arg15[%swap3A_322, %swap3A_323], %broadcast_in_dim3A_268 {strides = array<i32>} : memref<32x1024xf32, #tpu.memory_space<vmem>>, vector<16xf32>,
            %swap3A_325 = arith.index_cast %while3A_281 : i32 to index
            %swap3A_326 = arith.constant 224 : index
            %swap3A_327 = tpu.vector_load %arg15[%swap3A_325, %swap3A_326] {strides = array<i32>} : memref<32x1024xf32, #tpu.memory_space<vmem>>, vector<16xf32>,
            tpu.vector_store %arg15[%swap3A_325, %swap3A_326], %broadcast_in_dim3A_268 {strides = array<i32>} : memref<32x1024xf32, #tpu.memory_space<vmem>>, vector<16xf32>,
            %swap3A_328 = arith.index_cast %while3A_281 : i32 to index
            %swap3A_329 = arith.constant 240 : index
            %swap3A_330 = tpu.vector_load %arg15[%swap3A_328, %swap3A_329] {strides = array<i32>} : memref<32x1024xf32, #tpu.memory_space<vmem>>, vector<16xf32>,
            tpu.vector_store %arg15[%swap3A_328, %swap3A_329], %broadcast_in_dim3A_268 {strides = array<i32>} : memref<32x1024xf32, #tpu.memory_space<vmem>>, vector<16xf32>,
            %swap3A_331 = arith.index_cast %while3A_281 : i32 to index
            %swap3A_332 = arith.constant 256 : index
            %swap3A_333 = tpu.vector_load %arg15[%swap3A_331, %swap3A_332] {strides = array<i32>} : memref<32x1024xf32, #tpu.memory_space<vmem>>, vector<16xf32>,
            tpu.vector_store %arg15[%swap3A_331, %swap3A_332], %broadcast_in_dim3A_268 {strides = array<i32>} : memref<32x1024xf32, #tpu.memory_space<vmem>>, vector<16xf32>,
            %swap3A_334 = arith.index_cast %while3A_281 : i32 to index
            %swap3A_335 = arith.constant 272 : index
            %swap3A_336 = tpu.vector_load %arg15[%swap3A_334, %swap3A_335] {strides = array<i32>} : memref<32x1024xf32, #tpu.memory_space<vmem>>, vector<16xf32>,
            tpu.vector_store %arg15[%swap3A_334, %swap3A_335], %broadcast_in_dim3A_268 {strides = array<i32>} : memref<32x1024xf32, #tpu.memory_space<vmem>>, vector<16xf32>,
            %swap3A_337 = arith.index_cast %while3A_281 : i32 to index
            %swap3A_338 = arith.constant 288 : index
            %swap3A_339 = tpu.vector_load %arg15[%swap3A_337, %swap3A_338] {strides = array<i32>} : memref<32x1024xf32, #tpu.memory_space<vmem>>, vector<16xf32>,
            tpu.vector_store %arg15[%swap3A_337, %swap3A_338], %broadcast_in_dim3A_268 {strides = array<i32>} : memref<32x1024xf32, #tpu.memory_space<vmem>>, vector<16xf32>,
            %swap3A_340 = arith.index_cast %while3A_281 : i32 to index
            %swap3A_341 = arith.constant 304 : index
            %swap3A_342 = tpu.vector_load %arg15[%swap3A_340, %swap3A_341] {strides = array<i32>} : memref<32x1024xf32, #tpu.memory_space<vmem>>, vector<16xf32>,
            tpu.vector_store %arg15[%swap3A_340, %swap3A_341], %broadcast_in_dim3A_268 {strides = array<i32>} : memref<32x1024xf32, #tpu.memory_space<vmem>>, vector<16xf32>,
            %swap3A_343 = arith.index_cast %while3A_281 : i32 to index
            %swap3A_344 = arith.constant 320 : index
            %swap3A_345 = tpu.vector_load %arg15[%swap3A_343, %swap3A_344] {strides = array<i32>} : memref<32x1024xf32, #tpu.memory_space<vmem>>, vector<16xf32>,
            tpu.vector_store %arg15[%swap3A_343, %swap3A_344], %broadcast_in_dim3A_268 {strides = array<i32>} : memref<32x1024xf32, #tpu.memory_space<vmem>>, vector<16xf32>,
            %swap3A_346 = arith.index_cast %while3A_281 : i32 to index
            %swap3A_347 = arith.constant 336 : index
            %swap3A_348 = tpu.vector_load %arg15[%swap3A_346, %swap3A_347] {strides = array<i32>} : memref<32x1024xf32, #tpu.memory_space<vmem>>, vector<16xf32>,
            tpu.vector_store %arg15[%swap3A_346, %swap3A_347], %broadcast_in_dim3A_268 {strides = array<i32>} : memref<32x1024xf32, #tpu.memory_space<vmem>>, vector<16xf32>,
            %swap3A_349 = arith.index_cast %while3A_281 : i32 to index
            %swap3A_350 = arith.constant 352 : index
            %swap3A_351 = tpu.vector_load %arg15[%swap3A_349, %swap3A_350] {strides = array<i32>} : memref<32x1024xf32, #tpu.memory_space<vmem>>, vector<16xf32>,
            tpu.vector_store %arg15[%swap3A_349, %swap3A_350], %broadcast_in_dim3A_268 {strides = array<i32>} : memref<32x1024xf32, #tpu.memory_space<vmem>>, vector<16xf32>,
            %swap3A_352 = arith.index_cast %while3A_281 : i32 to index
            %swap3A_353 = arith.constant 368 : index
            %swap3A_354 = tpu.vector_load %arg15[%swap3A_352, %swap3A_353] {strides = array<i32>} : memref<32x1024xf32, #tpu.memory_space<vmem>>, vector<16xf32>,
            tpu.vector_store %arg15[%swap3A_352, %swap3A_353], %broadcast_in_dim3A_268 {strides = array<i32>} : memref<32x1024xf32, #tpu.memory_space<vmem>>, vector<16xf32>,
            %swap3A_355 = arith.index_cast %while3A_281 : i32 to index
            %swap3A_356 = arith.constant 384 : index
            %swap3A_357 = tpu.vector_load %arg15[%swap3A_355, %swap3A_356] {strides = array<i32>} : memref<32x1024xf32, #tpu.memory_space<vmem>>, vector<16xf32>,
            tpu.vector_store %arg15[%swap3A_355, %swap3A_356], %broadcast_in_dim3A_268 {strides = array<i32>} : memref<32x1024xf32, #tpu.memory_space<vmem>>, vector<16xf32>,
            %swap3A_358 = arith.index_cast %while3A_281 : i32 to index
            %swap3A_359 = arith.constant 400 : index
            %swap3A_360 = tpu.vector_load %arg15[%swap3A_358, %swap3A_359] {strides = array<i32>} : memref<32x1024xf32, #tpu.memory_space<vmem>>, vector<16xf32>,
            tpu.vector_store %arg15[%swap3A_358, %swap3A_359], %broadcast_in_dim3A_268 {strides = array<i32>} : memref<32x1024xf32, #tpu.memory_space<vmem>>, vector<16xf32>,
            %swap3A_361 = arith.index_cast %while3A_281 : i32 to index
            %swap3A_362 = arith.constant 416 : index
            %swap3A_363 = tpu.vector_load %arg15[%swap3A_361, %swap3A_362] {strides = array<i32>} : memref<32x1024xf32, #tpu.memory_space<vmem>>, vector<16xf32>,
            tpu.vector_store %arg15[%swap3A_361, %swap3A_362], %broadcast_in_dim3A_268 {strides = array<i32>} : memref<32x1024xf32, #tpu.memory_space<vmem>>, vector<16xf32>,
            %swap3A_364 = arith.index_cast %while3A_281 : i32 to index
            %swap3A_365 = arith.constant 432 : index
            %swap3A_366 = tpu.vector_load %arg15[%swap3A_364, %swap3A_365] {strides = array<i32>} : memref<32x1024xf32, #tpu.memory_space<vmem>>, vector<16xf32>,
            tpu.vector_store %arg15[%swap3A_364, %swap3A_365], %broadcast_in_dim3A_268 {strides = array<i32>} : memref<32x1024xf32, #tpu.memory_space<vmem>>, vector<16xf32>,
            %swap3A_367 = arith.index_cast %while3A_281 : i32 to index
            %swap3A_368 = arith.constant 448 : index
            %swap3A_369 = tpu.vector_load %arg15[%swap3A_367, %swap3A_368] {strides = array<i32>} : memref<32x1024xf32, #tpu.memory_space<vmem>>, vector<16xf32>,
            tpu.vector_store %arg15[%swap3A_367, %swap3A_368], %broadcast_in_dim3A_268 {strides = array<i32>} : memref<32x1024xf32, #tpu.memory_space<vmem>>, vector<16xf32>,
            %swap3A_370 = arith.index_cast %while3A_281 : i32 to index
            %swap3A_371 = arith.constant 464 : index
            %swap3A_372 = tpu.vector_load %arg15[%swap3A_370, %swap3A_371] {strides = array<i32>} : memref<32x1024xf32, #tpu.memory_space<vmem>>, vector<16xf32>,
            tpu.vector_store %arg15[%swap3A_370, %swap3A_371], %broadcast_in_dim3A_268 {strides = array<i32>} : memref<32x1024xf32, #tpu.memory_space<vmem>>, vector<16xf32>,
            %swap3A_373 = arith.index_cast %while3A_281 : i32 to index
            %swap3A_374 = arith.constant 480 : index
            %swap3A_375 = tpu.vector_load %arg15[%swap3A_373, %swap3A_374] {strides = array<i32>} : memref<32x1024xf32, #tpu.memory_space<vmem>>, vector<16xf32>,
            tpu.vector_store %arg15[%swap3A_373, %swap3A_374], %broadcast_in_dim3A_268 {strides = array<i32>} : memref<32x1024xf32, #tpu.memory_space<vmem>>, vector<16xf32>,
            %swap3A_376 = arith.index_cast %while3A_281 : i32 to index
            %swap3A_377 = arith.constant 496 : index
            %swap3A_378 = tpu.vector_load %arg15[%swap3A_376, %swap3A_377] {strides = array<i32>} : memref<32x1024xf32, #tpu.memory_space<vmem>>, vector<16xf32>,
            tpu.vector_store %arg15[%swap3A_376, %swap3A_377], %broadcast_in_dim3A_268 {strides = array<i32>} : memref<32x1024xf32, #tpu.memory_space<vmem>>, vector<16xf32>,
            %swap3A_379 = arith.index_cast %while3A_281 : i32 to index
            %swap3A_380 = arith.constant 512 : index
            %swap3A_381 = tpu.vector_load %arg15[%swap3A_379, %swap3A_380] {strides = array<i32>} : memref<32x1024xf32, #tpu.memory_space<vmem>>, vector<16xf32>,
            tpu.vector_store %arg15[%swap3A_379, %swap3A_380], %broadcast_in_dim3A_268 {strides = array<i32>} : memref<32x1024xf32, #tpu.memory_space<vmem>>, vector<16xf32>,
            %swap3A_382 = arith.index_cast %while3A_281 : i32 to index
            %swap3A_383 = arith.constant 528 : index
            %swap3A_384 = tpu.vector_load %arg15[%swap3A_382, %swap3A_383] {strides = array<i32>} : memref<32x1024xf32, #tpu.memory_space<vmem>>, vector<16xf32>,
            tpu.vector_store %arg15[%swap3A_382, %swap3A_383], %broadcast_in_dim3A_268 {strides = array<i32>} : memref<32x1024xf32, #tpu.memory_space<vmem>>, vector<16xf32>,
            %swap3A_385 = arith.index_cast %while3A_281 : i32 to index
            %swap3A_386 = arith.constant 544 : index
            %swap3A_387 = tpu.vector_load %arg15[%swap3A_385, %swap3A_386] {strides = array<i32>} : memref<32x1024xf32, #tpu.memory_space<vmem>>, vector<16xf32>,
            tpu.vector_store %arg15[%swap3A_385, %swap3A_386], %broadcast_in_dim3A_268 {strides = array<i32>} : memref<32x1024xf32, #tpu.memory_space<vmem>>, vector<16xf32>,
            %swap3A_388 = arith.index_cast %while3A_281 : i32 to index
            %swap3A_389 = arith.constant 560 : index
            %swap3A_390 = tpu.vector_load %arg15[%swap3A_388, %swap3A_389] {strides = array<i32>} : memref<32x1024xf32, #tpu.memory_space<vmem>>, vector<16xf32>,
            tpu.vector_store %arg15[%swap3A_388, %swap3A_389], %broadcast_in_dim3A_268 {strides = array<i32>} : memref<32x1024xf32, #tpu.memory_space<vmem>>, vector<16xf32>,
            %swap3A_391 = arith.index_cast %while3A_281 : i32 to index
            %swap3A_392 = arith.constant 576 : index
            %swap3A_393 = tpu.vector_load %arg15[%swap3A_391, %swap3A_392] {strides = array<i32>} : memref<32x1024xf32, #tpu.memory_space<vmem>>, vector<16xf32>,
            tpu.vector_store %arg15[%swap3A_391, %swap3A_392], %broadcast_in_dim3A_268 {strides = array<i32>} : memref<32x1024xf32, #tpu.memory_space<vmem>>, vector<16xf32>,
            %swap3A_394 = arith.index_cast %while3A_281 : i32 to index
            %swap3A_395 = arith.constant 592 : index
            %swap3A_396 = tpu.vector_load %arg15[%swap3A_394, %swap3A_395] {strides = array<i32>} : memref<32x1024xf32, #tpu.memory_space<vmem>>, vector<16xf32>,
            tpu.vector_store %arg15[%swap3A_394, %swap3A_395], %broadcast_in_dim3A_268 {strides = array<i32>} : memref<32x1024xf32, #tpu.memory_space<vmem>>, vector<16xf32>,
            %swap3A_397 = arith.index_cast %while3A_281 : i32 to index
            %swap3A_398 = arith.constant 608 : index
            %swap3A_399 = tpu.vector_load %arg15[%swap3A_397, %swap3A_398] {strides = array<i32>} : memref<32x1024xf32, #tpu.memory_space<vmem>>, vector<16xf32>,
            tpu.vector_store %arg15[%swap3A_397, %swap3A_398], %broadcast_in_dim3A_268 {strides = array<i32>} : memref<32x1024xf32, #tpu.memory_space<vmem>>, vector<16xf32>,
            %swap3A_400 = arith.index_cast %while3A_281 : i32 to index
            %swap3A_401 = arith.constant 624 : index
            %swap3A_402 = tpu.vector_load %arg15[%swap3A_400, %swap3A_401] {strides = array<i32>} : memref<32x1024xf32, #tpu.memory_space<vmem>>, vector<16xf32>,
            tpu.vector_store %arg15[%swap3A_400, %swap3A_401], %broadcast_in_dim3A_268 {strides = array<i32>} : memref<32x1024xf32, #tpu.memory_space<vmem>>, vector<16xf32>,
            %swap3A_403 = arith.index_cast %while3A_281 : i32 to index
            %swap3A_404 = arith.constant 640 : index
            %swap3A_405 = tpu.vector_load %arg15[%swap3A_403, %swap3A_404] {strides = array<i32>} : memref<32x1024xf32, #tpu.memory_space<vmem>>, vector<16xf32>,
            tpu.vector_store %arg15[%swap3A_403, %swap3A_404], %broadcast_in_dim3A_268 {strides = array<i32>} : memref<32x1024xf32, #tpu.memory_space<vmem>>, vector<16xf32>,
            %swap3A_406 = arith.index_cast %while3A_281 : i32 to index
            %swap3A_407 = arith.constant 656 : index
            %swap3A_408 = tpu.vector_load %arg15[%swap3A_406, %swap3A_407] {strides = array<i32>} : memref<32x1024xf32, #tpu.memory_space<vmem>>, vector<16xf32>,
            tpu.vector_store %arg15[%swap3A_406, %swap3A_407], %broadcast_in_dim3A_268 {strides = array<i32>} : memref<32x1024xf32, #tpu.memory_space<vmem>>, vector<16xf32>,
            %swap3A_409 = arith.index_cast %while3A_281 : i32 to index
            %swap3A_410 = arith.constant 672 : index
            %swap3A_411 = tpu.vector_load %arg15[%swap3A_409, %swap3A_410] {strides = array<i32>} : memref<32x1024xf32, #tpu.memory_space<vmem>>, vector<16xf32>,
            tpu.vector_store %arg15[%swap3A_409, %swap3A_410], %broadcast_in_dim3A_268 {strides = array<i32>} : memref<32x1024xf32, #tpu.memory_space<vmem>>, vector<16xf32>,
            %swap3A_412 = arith.index_cast %while3A_281 : i32 to index
            %swap3A_413 = arith.constant 688 : index
            %swap3A_414 = tpu.vector_load %arg15[%swap3A_412, %swap3A_413] {strides = array<i32>} : memref<32x1024xf32, #tpu.memory_space<vmem>>, vector<16xf32>,
            tpu.vector_store %arg15[%swap3A_412, %swap3A_413], %broadcast_in_dim3A_268 {strides = array<i32>} : memref<32x1024xf32, #tpu.memory_space<vmem>>, vector<16xf32>,
            %swap3A_415 = arith.index_cast %while3A_281 : i32 to index
            %swap3A_416 = arith.constant 704 : index
            %swap3A_417 = tpu.vector_load %arg15[%swap3A_415, %swap3A_416] {strides = array<i32>} : memref<32x1024xf32, #tpu.memory_space<vmem>>, vector<16xf32>,
            tpu.vector_store %arg15[%swap3A_415, %swap3A_416], %broadcast_in_dim3A_268 {strides = array<i32>} : memref<32x1024xf32, #tpu.memory_space<vmem>>, vector<16xf32>,
            %swap3A_418 = arith.index_cast %while3A_281 : i32 to index
            %swap3A_419 = arith.constant 720 : index
            %swap3A_420 = tpu.vector_load %arg15[%swap3A_418, %swap3A_419] {strides = array<i32>} : memref<32x1024xf32, #tpu.memory_space<vmem>>, vector<16xf32>,
            tpu.vector_store %arg15[%swap3A_418, %swap3A_419], %broadcast_in_dim3A_268 {strides = array<i32>} : memref<32x1024xf32, #tpu.memory_space<vmem>>, vector<16xf32>,
            %swap3A_421 = arith.index_cast %while3A_281 : i32 to index
            %swap3A_422 = arith.constant 736 : index
            %swap3A_423 = tpu.vector_load %arg15[%swap3A_421, %swap3A_422] {strides = array<i32>} : memref<32x1024xf32, #tpu.memory_space<vmem>>, vector<16xf32>,
            tpu.vector_store %arg15[%swap3A_421, %swap3A_422], %broadcast_in_dim3A_268 {strides = array<i32>} : memref<32x1024xf32, #tpu.memory_space<vmem>>, vector<16xf32>,
            %swap3A_424 = arith.index_cast %while3A_281 : i32 to index
            %swap3A_425 = arith.constant 752 : index
            %swap3A_426 = tpu.vector_load %arg15[%swap3A_424, %swap3A_425] {strides = array<i32>} : memref<32x1024xf32, #tpu.memory_space<vmem>>, vector<16xf32>,
            tpu.vector_store %arg15[%swap3A_424, %swap3A_425], %broadcast_in_dim3A_268 {strides = array<i32>} : memref<32x1024xf32, #tpu.memory_space<vmem>>, vector<16xf32>,
            %swap3A_427 = arith.index_cast %while3A_281 : i32 to index
            %swap3A_428 = arith.constant 768 : index
            %swap3A_429 = tpu.vector_load %arg15[%swap3A_427, %swap3A_428] {strides = array<i32>} : memref<32x1024xf32, #tpu.memory_space<vmem>>, vector<16xf32>,
            tpu.vector_store %arg15[%swap3A_427, %swap3A_428], %broadcast_in_dim3A_268 {strides = array<i32>} : memref<32x1024xf32, #tpu.memory_space<vmem>>, vector<16xf32>,
            %swap3A_430 = arith.index_cast %while3A_281 : i32 to index
            %swap3A_431 = arith.constant 784 : index
            %swap3A_432 = tpu.vector_load %arg15[%swap3A_430, %swap3A_431] {strides = array<i32>} : memref<32x1024xf32, #tpu.memory_space<vmem>>, vector<16xf32>,
            tpu.vector_store %arg15[%swap3A_430, %swap3A_431], %broadcast_in_dim3A_268 {strides = array<i32>} : memref<32x1024xf32, #tpu.memory_space<vmem>>, vector<16xf32>,
            %swap3A_433 = arith.index_cast %while3A_281 : i32 to index
            %swap3A_434 = arith.constant 800 : index
            %swap3A_435 = tpu.vector_load %arg15[%swap3A_433, %swap3A_434] {strides = array<i32>} : memref<32x1024xf32, #tpu.memory_space<vmem>>, vector<16xf32>,
            tpu.vector_store %arg15[%swap3A_433, %swap3A_434], %broadcast_in_dim3A_268 {strides = array<i32>} : memref<32x1024xf32, #tpu.memory_space<vmem>>, vector<16xf32>,
            %swap3A_436 = arith.index_cast %while3A_281 : i32 to index
            %swap3A_437 = arith.constant 816 : index
            %swap3A_438 = tpu.vector_load %arg15[%swap3A_436, %swap3A_437] {strides = array<i32>} : memref<32x1024xf32, #tpu.memory_space<vmem>>, vector<16xf32>,
            tpu.vector_store %arg15[%swap3A_436, %swap3A_437], %broadcast_in_dim3A_268 {strides = array<i32>} : memref<32x1024xf32, #tpu.memory_space<vmem>>, vector<16xf32>,
            %swap3A_439 = arith.index_cast %while3A_281 : i32 to index
            %swap3A_440 = arith.constant 832 : index
            %swap3A_441 = tpu.vector_load %arg15[%swap3A_439, %swap3A_440] {strides = array<i32>} : memref<32x1024xf32, #tpu.memory_space<vmem>>, vector<16xf32>,
            tpu.vector_store %arg15[%swap3A_439, %swap3A_440], %broadcast_in_dim3A_268 {strides = array<i32>} : memref<32x1024xf32, #tpu.memory_space<vmem>>, vector<16xf32>,
            %swap3A_442 = arith.index_cast %while3A_281 : i32 to index
            %swap3A_443 = arith.constant 848 : index
            %swap3A_444 = tpu.vector_load %arg15[%swap3A_442, %swap3A_443] {strides = array<i32>} : memref<32x1024xf32, #tpu.memory_space<vmem>>, vector<16xf32>,
            tpu.vector_store %arg15[%swap3A_442, %swap3A_443], %broadcast_in_dim3A_268 {strides = array<i32>} : memref<32x1024xf32, #tpu.memory_space<vmem>>, vector<16xf32>,
            %swap3A_445 = arith.index_cast %while3A_281 : i32 to index
            %swap3A_446 = arith.constant 864 : index
            %swap3A_447 = tpu.vector_load %arg15[%swap3A_445, %swap3A_446] {strides = array<i32>} : memref<32x1024xf32, #tpu.memory_space<vmem>>, vector<16xf32>,
            tpu.vector_store %arg15[%swap3A_445, %swap3A_446], %broadcast_in_dim3A_268 {strides = array<i32>} : memref<32x1024xf32, #tpu.memory_space<vmem>>, vector<16xf32>,
            %swap3A_448 = arith.index_cast %while3A_281 : i32 to index
            %swap3A_449 = arith.constant 880 : index
            %swap3A_450 = tpu.vector_load %arg15[%swap3A_448, %swap3A_449] {strides = array<i32>} : memref<32x1024xf32, #tpu.memory_space<vmem>>, vector<16xf32>,
            tpu.vector_store %arg15[%swap3A_448, %swap3A_449], %broadcast_in_dim3A_268 {strides = array<i32>} : memref<32x1024xf32, #tpu.memory_space<vmem>>, vector<16xf32>,
            %swap3A_451 = arith.index_cast %while3A_281 : i32 to index
            %swap3A_452 = arith.constant 896 : index
            %swap3A_453 = tpu.vector_load %arg15[%swap3A_451, %swap3A_452] {strides = array<i32>} : memref<32x1024xf32, #tpu.memory_space<vmem>>, vector<16xf32>,
            tpu.vector_store %arg15[%swap3A_451, %swap3A_452], %broadcast_in_dim3A_268 {strides = array<i32>} : memref<32x1024xf32, #tpu.memory_space<vmem>>, vector<16xf32>,
            %swap3A_454 = arith.index_cast %while3A_281 : i32 to index
            %swap3A_455 = arith.constant 912 : index
            %swap3A_456 = tpu.vector_load %arg15[%swap3A_454, %swap3A_455] {strides = array<i32>} : memref<32x1024xf32, #tpu.memory_space<vmem>>, vector<16xf32>,
            tpu.vector_store %arg15[%swap3A_454, %swap3A_455], %broadcast_in_dim3A_268 {strides = array<i32>} : memref<32x1024xf32, #tpu.memory_space<vmem>>, vector<16xf32>,
            %swap3A_457 = arith.index_cast %while3A_281 : i32 to index
            %swap3A_458 = arith.constant 928 : index
            %swap3A_459 = tpu.vector_load %arg15[%swap3A_457, %swap3A_458] {strides = array<i32>} : memref<32x1024xf32, #tpu.memory_space<vmem>>, vector<16xf32>,
            tpu.vector_store %arg15[%swap3A_457, %swap3A_458], %broadcast_in_dim3A_268 {strides = array<i32>} : memref<32x1024xf32, #tpu.memory_space<vmem>>, vector<16xf32>,
            %swap3A_460 = arith.index_cast %while3A_281 : i32 to index
            %swap3A_461 = arith.constant 944 : index
            %swap3A_462 = tpu.vector_load %arg15[%swap3A_460, %swap3A_461] {strides = array<i32>} : memref<32x1024xf32, #tpu.memory_space<vmem>>, vector<16xf32>,
            tpu.vector_store %arg15[%swap3A_460, %swap3A_461], %broadcast_in_dim3A_268 {strides = array<i32>} : memref<32x1024xf32, #tpu.memory_space<vmem>>, vector<16xf32>,
            %swap3A_463 = arith.index_cast %while3A_281 : i32 to index
            %swap3A_464 = arith.constant 960 : index
            %swap3A_465 = tpu.vector_load %arg15[%swap3A_463, %swap3A_464] {strides = array<i32>} : memref<32x1024xf32, #tpu.memory_space<vmem>>, vector<16xf32>,
            tpu.vector_store %arg15[%swap3A_463, %swap3A_464], %broadcast_in_dim3A_268 {strides = array<i32>} : memref<32x1024xf32, #tpu.memory_space<vmem>>, vector<16xf32>,
            %swap3A_466 = arith.index_cast %while3A_281 : i32 to index
            %swap3A_467 = arith.constant 976 : index
            %swap3A_468 = tpu.vector_load %arg15[%swap3A_466, %swap3A_467] {strides = array<i32>} : memref<32x1024xf32, #tpu.memory_space<vmem>>, vector<16xf32>,
            tpu.vector_store %arg15[%swap3A_466, %swap3A_467], %broadcast_in_dim3A_268 {strides = array<i32>} : memref<32x1024xf32, #tpu.memory_space<vmem>>, vector<16xf32>,
            %swap3A_469 = arith.index_cast %while3A_281 : i32 to index
            %swap3A_470 = arith.constant 992 : index
            %swap3A_471 = tpu.vector_load %arg15[%swap3A_469, %swap3A_470] {strides = array<i32>} : memref<32x1024xf32, #tpu.memory_space<vmem>>, vector<16xf32>,
            tpu.vector_store %arg15[%swap3A_469, %swap3A_470], %broadcast_in_dim3A_268 {strides = array<i32>} : memref<32x1024xf32, #tpu.memory_space<vmem>>, vector<16xf32>,
            %swap3A_472 = arith.index_cast %while3A_281 : i32 to index
            %swap3A_473 = arith.constant 1008 : index
            %swap3A_474 = tpu.vector_load %arg15[%swap3A_472, %swap3A_473] {strides = array<i32>} : memref<32x1024xf32, #tpu.memory_space<vmem>>, vector<16xf32>,
            tpu.vector_store %arg15[%swap3A_472, %swap3A_473], %broadcast_in_dim3A_268 {strides = array<i32>} : memref<32x1024xf32, #tpu.memory_space<vmem>>, vector<16xf32>,
            %while3A_475 = arith.constant 0 : i32
            scf.yield %while3A_475 : i32
          }
          %while3A_279 = arith.constant 1 : i32
          %while3A_280 = scf.for %while3A_281 = %while3A_276 to %while3A_272 step %while3A_279 iter_args(%while3A_282 = %while3A_278) -> (i32)  : i32 {
            %swap3A_283 = arith.index_cast %while3A_281 : i32 to index
            %swap3A_284 = arith.constant 0 : index
            %swap3A_285 = tpu.vector_load %arg15[%swap3A_283, %swap3A_284] {strides = array<i32>} : memref<32x1024xf32, #tpu.memory_space<vmem>>, vector<16xf32>,
            tpu.vector_store %arg15[%swap3A_283, %swap3A_284], %broadcast_in_dim3A_268 {strides = array<i32>} : memref<32x1024xf32, #tpu.memory_space<vmem>>, vector<16xf32>,
            %swap3A_286 = arith.index_cast %while3A_281 : i32 to index
            %swap3A_287 = arith.constant 16 : index
            %swap3A_288 = tpu.vector_load %arg15[%swap3A_286, %swap3A_287] {strides = array<i32>} : memref<32x1024xf32, #tpu.memory_space<vmem>>, vector<16xf32>,
            tpu.vector_store %arg15[%swap3A_286, %swap3A_287], %broadcast_in_dim3A_268 {strides = array<i32>} : memref<32x1024xf32, #tpu.memory_space<vmem>>, vector<16xf32>,
            %swap3A_289 = arith.index_cast %while3A_281 : i32 to index
            %swap3A_290 = arith.constant 32 : index
            %swap3A_291 = tpu.vector_load %arg15[%swap3A_289, %swap3A_290] {strides = array<i32>} : memref<32x1024xf32, #tpu.memory_space<vmem>>, vector<16xf32>,
            tpu.vector_store %arg15[%swap3A_289, %swap3A_290], %broadcast_in_dim3A_268 {strides = array<i32>} : memref<32x1024xf32, #tpu.memory_space<vmem>>, vector<16xf32>,
            %swap3A_292 = arith.index_cast %while3A_281 : i32 to index
            %swap3A_293 = arith.constant 48 : index
            %swap3A_294 = tpu.vector_load %arg15[%swap3A_292, %swap3A_293] {strides = array<i32>} : memref<32x1024xf32, #tpu.memory_space<vmem>>, vector<16xf32>,
            tpu.vector_store %arg15[%swap3A_292, %swap3A_293], %broadcast_in_dim3A_268 {strides = array<i32>} : memref<32x1024xf32, #tpu.memory_space<vmem>>, vector<16xf32>,
            %swap3A_295 = arith.index_cast %while3A_281 : i32 to index
            %swap3A_296 = arith.constant 64 : index
            %swap3A_297 = tpu.vector_load %arg15[%swap3A_295, %swap3A_296] {strides = array<i32>} : memref<32x1024xf32, #tpu.memory_space<vmem>>, vector<16xf32>,
            tpu.vector_store %arg15[%swap3A_295, %swap3A_296], %broadcast_in_dim3A_268 {strides = array<i32>} : memref<32x1024xf32, #tpu.memory_space<vmem>>, vector<16xf32>,
            %swap3A_298 = arith.index_cast %while3A_281 : i32 to index
            %swap3A_299 = arith.constant 80 : index
            %swap3A_300 = tpu.vector_load %arg15[%swap3A_298, %swap3A_299] {strides = array<i32>} : memref<32x1024xf32, #tpu.memory_space<vmem>>, vector<16xf32>,
            tpu.vector_store %arg15[%swap3A_298, %swap3A_299], %broadcast_in_dim3A_268 {strides = array<i32>} : memref<32x1024xf32, #tpu.memory_space<vmem>>, vector<16xf32>,
            %swap3A_301 = arith.index_cast %while3A_281 : i32 to index
            %swap3A_302 = arith.constant 96 : index
            %swap3A_303 = tpu.vector_load %arg15[%swap3A_301, %swap3A_302] {strides = array<i32>} : memref<32x1024xf32, #tpu.memory_space<vmem>>, vector<16xf32>,
            tpu.vector_store %arg15[%swap3A_301, %swap3A_302], %broadcast_in_dim3A_268 {strides = array<i32>} : memref<32x1024xf32, #tpu.memory_space<vmem>>, vector<16xf32>,
            %swap3A_304 = arith.index_cast %while3A_281 : i32 to index
            %swap3A_305 = arith.constant 112 : index
            %swap3A_306 = tpu.vector_load %arg15[%swap3A_304, %swap3A_305] {strides = array<i32>} : memref<32x1024xf32, #tpu.memory_space<vmem>>, vector<16xf32>,
            tpu.vector_store %arg15[%swap3A_304, %swap3A_305], %broadcast_in_dim3A_268 {strides = array<i32>} : memref<32x1024xf32, #tpu.memory_space<vmem>>, vector<16xf32>,
            %swap3A_307 = arith.index_cast %while3A_281 : i32 to index
            %swap3A_308 = arith.constant 128 : index
            %swap3A_309 = tpu.vector_load %arg15[%swap3A_307, %swap3A_308] {strides = array<i32>} : memref<32x1024xf32, #tpu.memory_space<vmem>>, vector<16xf32>,
            tpu.vector_store %arg15[%swap3A_307, %swap3A_308], %broadcast_in_dim3A_268 {strides = array<i32>} : memref<32x1024xf32, #tpu.memory_space<vmem>>, vector<16xf32>,
            %swap3A_310 = arith.index_cast %while3A_281 : i32 to index
            %swap3A_311 = arith.constant 144 : index
            %swap3A_312 = tpu.vector_load %arg15[%swap3A_310, %swap3A_311] {strides = array<i32>} : memref<32x1024xf32, #tpu.memory_space<vmem>>, vector<16xf32>,
            tpu.vector_store %arg15[%swap3A_310, %swap3A_311], %broadcast_in_dim3A_268 {strides = array<i32>} : memref<32x1024xf32, #tpu.memory_space<vmem>>, vector<16xf32>,
            %swap3A_313 = arith.index_cast %while3A_281 : i32 to index
            %swap3A_314 = arith.constant 160 : index
            %swap3A_315 = tpu.vector_load %arg15[%swap3A_313, %swap3A_314] {strides = array<i32>} : memref<32x1024xf32, #tpu.memory_space<vmem>>, vector<16xf32>,
            tpu.vector_store %arg15[%swap3A_313, %swap3A_314], %broadcast_in_dim3A_268 {strides = array<i32>} : memref<32x1024xf32, #tpu.memory_space<vmem>>, vector<16xf32>,
            %swap3A_316 = arith.index_cast %while3A_281 : i32 to index
            %swap3A_317 = arith.constant 176 : index
            %swap3A_318 = tpu.vector_load %arg15[%swap3A_316, %swap3A_317] {strides = array<i32>} : memref<32x1024xf32, #tpu.memory_space<vmem>>, vector<16xf32>,
            tpu.vector_store %arg15[%swap3A_316, %swap3A_317], %broadcast_in_dim3A_268 {strides = array<i32>} : memref<32x1024xf32, #tpu.memory_space<vmem>>, vector<16xf32>,
            %swap3A_319 = arith.index_cast %while3A_281 : i32 to index
            %swap3A_320 = arith.constant 192 : index
            %swap3A_321 = tpu.vector_load %arg15[%swap3A_319, %swap3A_320] {strides = array<i32>} : memref<32x1024xf32, #tpu.memory_space<vmem>>, vector<16xf32>,
            tpu.vector_store %arg15[%swap3A_319, %swap3A_320], %broadcast_in_dim3A_268 {strides = array<i32>} : memref<32x1024xf32, #tpu.memory_space<vmem>>, vector<16xf32>,
            %swap3A_322 = arith.index_cast %while3A_281 : i32 to index
            %swap3A_323 = arith.constant 208 : index
            %swap3A_324 = tpu.vector_load %arg15[%swap3A_322, %swap3A_323] {strides = array<i32>} : memref<32x1024xf32, #tpu.memory_space<vmem>>, vector<16xf32>,
            tpu.vector_store %arg15[%swap3A_322, %swap3A_323], %broadcast_in_dim3A_268 {strides = array<i32>} : memref<32x1024xf32, #tpu.memory_space<vmem>>, vector<16xf32>,
            %swap3A_325 = arith.index_cast %while3A_281 : i32 to index
            %swap3A_326 = arith.constant 224 : index
            %swap3A_327 = tpu.vector_load %arg15[%swap3A_325, %swap3A_326] {strides = array<i32>} : memref<32x1024xf32, #tpu.memory_space<vmem>>, vector<16xf32>,
            tpu.vector_store %arg15[%swap3A_325, %swap3A_326], %broadcast_in_dim3A_268 {strides = array<i32>} : memref<32x1024xf32, #tpu.memory_space<vmem>>, vector<16xf32>,
            %swap3A_328 = arith.index_cast %while3A_281 : i32 to index
            %swap3A_329 = arith.constant 240 : index
            %swap3A_330 = tpu.vector_load %arg15[%swap3A_328, %swap3A_329] {strides = array<i32>} : memref<32x1024xf32, #tpu.memory_space<vmem>>, vector<16xf32>,
            tpu.vector_store %arg15[%swap3A_328, %swap3A_329], %broadcast_in_dim3A_268 {strides = array<i32>} : memref<32x1024xf32, #tpu.memory_space<vmem>>, vector<16xf32>,
            %swap3A_331 = arith.index_cast %while3A_281 : i32 to index
            %swap3A_332 = arith.constant 256 : index
            %swap3A_333 = tpu.vector_load %arg15[%swap3A_331, %swap3A_332] {strides = array<i32>} : memref<32x1024xf32, #tpu.memory_space<vmem>>, vector<16xf32>,
            tpu.vector_store %arg15[%swap3A_331, %swap3A_332], %broadcast_in_dim3A_268 {strides = array<i32>} : memref<32x1024xf32, #tpu.memory_space<vmem>>, vector<16xf32>,
            %swap3A_334 = arith.index_cast %while3A_281 : i32 to index
            %swap3A_335 = arith.constant 272 : index
            %swap3A_336 = tpu.vector_load %arg15[%swap3A_334, %swap3A_335] {strides = array<i32>} : memref<32x1024xf32, #tpu.memory_space<vmem>>, vector<16xf32>,
            tpu.vector_store %arg15[%swap3A_334, %swap3A_335], %broadcast_in_dim3A_268 {strides = array<i32>} : memref<32x1024xf32, #tpu.memory_space<vmem>>, vector<16xf32>,
            %swap3A_337 = arith.index_cast %while3A_281 : i32 to index
            %swap3A_338 = arith.constant 288 : index
            %swap3A_339 = tpu.vector_load %arg15[%swap3A_337, %swap3A_338] {strides = array<i32>} : memref<32x1024xf32, #tpu.memory_space<vmem>>, vector<16xf32>,
            tpu.vector_store %arg15[%swap3A_337, %swap3A_338], %broadcast_in_dim3A_268 {strides = array<i32>} : memref<32x1024xf32, #tpu.memory_space<vmem>>, vector<16xf32>,
            %swap3A_340 = arith.index_cast %while3A_281 : i32 to index
            %swap3A_341 = arith.constant 304 : index
            %swap3A_342 = tpu.vector_load %arg15[%swap3A_340, %swap3A_341] {strides = array<i32>} : memref<32x1024xf32, #tpu.memory_space<vmem>>, vector<16xf32>,
            tpu.vector_store %arg15[%swap3A_340, %swap3A_341], %broadcast_in_dim3A_268 {strides = array<i32>} : memref<32x1024xf32, #tpu.memory_space<vmem>>, vector<16xf32>,
            %swap3A_343 = arith.index_cast %while3A_281 : i32 to index
            %swap3A_344 = arith.constant 320 : index
            %swap3A_345 = tpu.vector_load %arg15[%swap3A_343, %swap3A_344] {strides = array<i32>} : memref<32x1024xf32, #tpu.memory_space<vmem>>, vector<16xf32>,
            tpu.vector_store %arg15[%swap3A_343, %swap3A_344], %broadcast_in_dim3A_268 {strides = array<i32>} : memref<32x1024xf32, #tpu.memory_space<vmem>>, vector<16xf32>,
            %swap3A_346 = arith.index_cast %while3A_281 : i32 to index
            %swap3A_347 = arith.constant 336 : index
            %swap3A_348 = tpu.vector_load %arg15[%swap3A_346, %swap3A_347] {strides = array<i32>} : memref<32x1024xf32, #tpu.memory_space<vmem>>, vector<16xf32>,
            tpu.vector_store %arg15[%swap3A_346, %swap3A_347], %broadcast_in_dim3A_268 {strides = array<i32>} : memref<32x1024xf32, #tpu.memory_space<vmem>>, vector<16xf32>,
            %swap3A_349 = arith.index_cast %while3A_281 : i32 to index
            %swap3A_350 = arith.constant 352 : index
            %swap3A_351 = tpu.vector_load %arg15[%swap3A_349, %swap3A_350] {strides = array<i32>} : memref<32x1024xf32, #tpu.memory_space<vmem>>, vector<16xf32>,
            tpu.vector_store %arg15[%swap3A_349, %swap3A_350], %broadcast_in_dim3A_268 {strides = array<i32>} : memref<32x1024xf32, #tpu.memory_space<vmem>>, vector<16xf32>,
            %swap3A_352 = arith.index_cast %while3A_281 : i32 to index
            %swap3A_353 = arith.constant 368 : index
            %swap3A_354 = tpu.vector_load %arg15[%swap3A_352, %swap3A_353] {strides = array<i32>} : memref<32x1024xf32, #tpu.memory_space<vmem>>, vector<16xf32>,
            tpu.vector_store %arg15[%swap3A_352, %swap3A_353], %broadcast_in_dim3A_268 {strides = array<i32>} : memref<32x1024xf32, #tpu.memory_space<vmem>>, vector<16xf32>,
            %swap3A_355 = arith.index_cast %while3A_281 : i32 to index
            %swap3A_356 = arith.constant 384 : index
            %swap3A_357 = tpu.vector_load %arg15[%swap3A_355, %swap3A_356] {strides = array<i32>} : memref<32x1024xf32, #tpu.memory_space<vmem>>, vector<16xf32>,
            tpu.vector_store %arg15[%swap3A_355, %swap3A_356], %broadcast_in_dim3A_268 {strides = array<i32>} : memref<32x1024xf32, #tpu.memory_space<vmem>>, vector<16xf32>,
            %swap3A_358 = arith.index_cast %while3A_281 : i32 to index
            %swap3A_359 = arith.constant 400 : index
            %swap3A_360 = tpu.vector_load %arg15[%swap3A_358, %swap3A_359] {strides = array<i32>} : memref<32x1024xf32, #tpu.memory_space<vmem>>, vector<16xf32>,
            tpu.vector_store %arg15[%swap3A_358, %swap3A_359], %broadcast_in_dim3A_268 {strides = array<i32>} : memref<32x1024xf32, #tpu.memory_space<vmem>>, vector<16xf32>,
            %swap3A_361 = arith.index_cast %while3A_281 : i32 to index
            %swap3A_362 = arith.constant 416 : index
            %swap3A_363 = tpu.vector_load %arg15[%swap3A_361, %swap3A_362] {strides = array<i32>} : memref<32x1024xf32, #tpu.memory_space<vmem>>, vector<16xf32>,
            tpu.vector_store %arg15[%swap3A_361, %swap3A_362], %broadcast_in_dim3A_268 {strides = array<i32>} : memref<32x1024xf32, #tpu.memory_space<vmem>>, vector<16xf32>,
            %swap3A_364 = arith.index_cast %while3A_281 : i32 to index
            %swap3A_365 = arith.constant 432 : index
            %swap3A_366 = tpu.vector_load %arg15[%swap3A_364, %swap3A_365] {strides = array<i32>} : memref<32x1024xf32, #tpu.memory_space<vmem>>, vector<16xf32>,
            tpu.vector_store %arg15[%swap3A_364, %swap3A_365], %broadcast_in_dim3A_268 {strides = array<i32>} : memref<32x1024xf32, #tpu.memory_space<vmem>>, vector<16xf32>,
            %swap3A_367 = arith.index_cast %while3A_281 : i32 to index
            %swap3A_368 = arith.constant 448 : index
            %swap3A_369 = tpu.vector_load %arg15[%swap3A_367, %swap3A_368] {strides = array<i32>} : memref<32x1024xf32, #tpu.memory_space<vmem>>, vector<16xf32>,
            tpu.vector_store %arg15[%swap3A_367, %swap3A_368], %broadcast_in_dim3A_268 {strides = array<i32>} : memref<32x1024xf32, #tpu.memory_space<vmem>>, vector<16xf32>,
            %swap3A_370 = arith.index_cast %while3A_281 : i32 to index
            %swap3A_371 = arith.constant 464 : index
            %swap3A_372 = tpu.vector_load %arg15[%swap3A_370, %swap3A_371] {strides = array<i32>} : memref<32x1024xf32, #tpu.memory_space<vmem>>, vector<16xf32>,
            tpu.vector_store %arg15[%swap3A_370, %swap3A_371], %broadcast_in_dim3A_268 {strides = array<i32>} : memref<32x1024xf32, #tpu.memory_space<vmem>>, vector<16xf32>,
            %swap3A_373 = arith.index_cast %while3A_281 : i32 to index
            %swap3A_374 = arith.constant 480 : index
            %swap3A_375 = tpu.vector_load %arg15[%swap3A_373, %swap3A_374] {strides = array<i32>} : memref<32x1024xf32, #tpu.memory_space<vmem>>, vector<16xf32>,
            tpu.vector_store %arg15[%swap3A_373, %swap3A_374], %broadcast_in_dim3A_268 {strides = array<i32>} : memref<32x1024xf32, #tpu.memory_space<vmem>>, vector<16xf32>,
            %swap3A_376 = arith.index_cast %while3A_281 : i32 to index
            %swap3A_377 = arith.constant 496 : index
            %swap3A_378 = tpu.vector_load %arg15[%swap3A_376, %swap3A_377] {strides = array<i32>} : memref<32x1024xf32, #tpu.memory_space<vmem>>, vector<16xf32>,
            tpu.vector_store %arg15[%swap3A_376, %swap3A_377], %broadcast_in_dim3A_268 {strides = array<i32>} : memref<32x1024xf32, #tpu.memory_space<vmem>>, vector<16xf32>,
            %swap3A_379 = arith.index_cast %while3A_281 : i32 to index
            %swap3A_380 = arith.constant 512 : index
            %swap3A_381 = tpu.vector_load %arg15[%swap3A_379, %swap3A_380] {strides = array<i32>} : memref<32x1024xf32, #tpu.memory_space<vmem>>, vector<16xf32>,
            tpu.vector_store %arg15[%swap3A_379, %swap3A_380], %broadcast_in_dim3A_268 {strides = array<i32>} : memref<32x1024xf32, #tpu.memory_space<vmem>>, vector<16xf32>,
            %swap3A_382 = arith.index_cast %while3A_281 : i32 to index
            %swap3A_383 = arith.constant 528 : index
            %swap3A_384 = tpu.vector_load %arg15[%swap3A_382, %swap3A_383] {strides = array<i32>} : memref<32x1024xf32, #tpu.memory_space<vmem>>, vector<16xf32>,
            tpu.vector_store %arg15[%swap3A_382, %swap3A_383], %broadcast_in_dim3A_268 {strides = array<i32>} : memref<32x1024xf32, #tpu.memory_space<vmem>>, vector<16xf32>,
            %swap3A_385 = arith.index_cast %while3A_281 : i32 to index
            %swap3A_386 = arith.constant 544 : index
            %swap3A_387 = tpu.vector_load %arg15[%swap3A_385, %swap3A_386] {strides = array<i32>} : memref<32x1024xf32, #tpu.memory_space<vmem>>, vector<16xf32>,
            tpu.vector_store %arg15[%swap3A_385, %swap3A_386], %broadcast_in_dim3A_268 {strides = array<i32>} : memref<32x1024xf32, #tpu.memory_space<vmem>>, vector<16xf32>,
            %swap3A_388 = arith.index_cast %while3A_281 : i32 to index
            %swap3A_389 = arith.constant 560 : index
            %swap3A_390 = tpu.vector_load %arg15[%swap3A_388, %swap3A_389] {strides = array<i32>} : memref<32x1024xf32, #tpu.memory_space<vmem>>, vector<16xf32>,
            tpu.vector_store %arg15[%swap3A_388, %swap3A_389], %broadcast_in_dim3A_268 {strides = array<i32>} : memref<32x1024xf32, #tpu.memory_space<vmem>>, vector<16xf32>,
            %swap3A_391 = arith.index_cast %while3A_281 : i32 to index
            %swap3A_392 = arith.constant 576 : index
            %swap3A_393 = tpu.vector_load %arg15[%swap3A_391, %swap3A_392] {strides = array<i32>} : memref<32x1024xf32, #tpu.memory_space<vmem>>, vector<16xf32>,
            tpu.vector_store %arg15[%swap3A_391, %swap3A_392], %broadcast_in_dim3A_268 {strides = array<i32>} : memref<32x1024xf32, #tpu.memory_space<vmem>>, vector<16xf32>,
            %swap3A_394 = arith.index_cast %while3A_281 : i32 to index
            %swap3A_395 = arith.constant 592 : index
            %swap3A_396 = tpu.vector_load %arg15[%swap3A_394, %swap3A_395] {strides = array<i32>} : memref<32x1024xf32, #tpu.memory_space<vmem>>, vector<16xf32>,
            tpu.vector_store %arg15[%swap3A_394, %swap3A_395], %broadcast_in_dim3A_268 {strides = array<i32>} : memref<32x1024xf32, #tpu.memory_space<vmem>>, vector<16xf32>,
            %swap3A_397 = arith.index_cast %while3A_281 : i32 to index
            %swap3A_398 = arith.constant 608 : index
            %swap3A_399 = tpu.vector_load %arg15[%swap3A_397, %swap3A_398] {strides = array<i32>} : memref<32x1024xf32, #tpu.memory_space<vmem>>, vector<16xf32>,
            tpu.vector_store %arg15[%swap3A_397, %swap3A_398], %broadcast_in_dim3A_268 {strides = array<i32>} : memref<32x1024xf32, #tpu.memory_space<vmem>>, vector<16xf32>,
            %swap3A_400 = arith.index_cast %while3A_281 : i32 to index
            %swap3A_401 = arith.constant 624 : index
            %swap3A_402 = tpu.vector_load %arg15[%swap3A_400, %swap3A_401] {strides = array<i32>} : memref<32x1024xf32, #tpu.memory_space<vmem>>, vector<16xf32>,
            tpu.vector_store %arg15[%swap3A_400, %swap3A_401], %broadcast_in_dim3A_268 {strides = array<i32>} : memref<32x1024xf32, #tpu.memory_space<vmem>>, vector<16xf32>,
            %swap3A_403 = arith.index_cast %while3A_281 : i32 to index
            %swap3A_404 = arith.constant 640 : index
            %swap3A_405 = tpu.vector_load %arg15[%swap3A_403, %swap3A_404] {strides = array<i32>} : memref<32x1024xf32, #tpu.memory_space<vmem>>, vector<16xf32>,
            tpu.vector_store %arg15[%swap3A_403, %swap3A_404], %broadcast_in_dim3A_268 {strides = array<i32>} : memref<32x1024xf32, #tpu.memory_space<vmem>>, vector<16xf32>,
            %swap3A_406 = arith.index_cast %while3A_281 : i32 to index
            %swap3A_407 = arith.constant 656 : index
            %swap3A_408 = tpu.vector_load %arg15[%swap3A_406, %swap3A_407] {strides = array<i32>} : memref<32x1024xf32, #tpu.memory_space<vmem>>, vector<16xf32>,
            tpu.vector_store %arg15[%swap3A_406, %swap3A_407], %broadcast_in_dim3A_268 {strides = array<i32>} : memref<32x1024xf32, #tpu.memory_space<vmem>>, vector<16xf32>,
            %swap3A_409 = arith.index_cast %while3A_281 : i32 to index
            %swap3A_410 = arith.constant 672 : index
            %swap3A_411 = tpu.vector_load %arg15[%swap3A_409, %swap3A_410] {strides = array<i32>} : memref<32x1024xf32, #tpu.memory_space<vmem>>, vector<16xf32>,
            tpu.vector_store %arg15[%swap3A_409, %swap3A_410], %broadcast_in_dim3A_268 {strides = array<i32>} : memref<32x1024xf32, #tpu.memory_space<vmem>>, vector<16xf32>,
            %swap3A_412 = arith.index_cast %while3A_281 : i32 to index
            %swap3A_413 = arith.constant 688 : index
            %swap3A_414 = tpu.vector_load %arg15[%swap3A_412, %swap3A_413] {strides = array<i32>} : memref<32x1024xf32, #tpu.memory_space<vmem>>, vector<16xf32>,
            tpu.vector_store %arg15[%swap3A_412, %swap3A_413], %broadcast_in_dim3A_268 {strides = array<i32>} : memref<32x1024xf32, #tpu.memory_space<vmem>>, vector<16xf32>,
            %swap3A_415 = arith.index_cast %while3A_281 : i32 to index
            %swap3A_416 = arith.constant 704 : index
            %swap3A_417 = tpu.vector_load %arg15[%swap3A_415, %swap3A_416] {strides = array<i32>} : memref<32x1024xf32, #tpu.memory_space<vmem>>, vector<16xf32>,
            tpu.vector_store %arg15[%swap3A_415, %swap3A_416], %broadcast_in_dim3A_268 {strides = array<i32>} : memref<32x1024xf32, #tpu.memory_space<vmem>>, vector<16xf32>,
            %swap3A_418 = arith.index_cast %while3A_281 : i32 to index
            %swap3A_419 = arith.constant 720 : index
            %swap3A_420 = tpu.vector_load %arg15[%swap3A_418, %swap3A_419] {strides = array<i32>} : memref<32x1024xf32, #tpu.memory_space<vmem>>, vector<16xf32>,
            tpu.vector_store %arg15[%swap3A_418, %swap3A_419], %broadcast_in_dim3A_268 {strides = array<i32>} : memref<32x1024xf32, #tpu.memory_space<vmem>>, vector<16xf32>,
            %swap3A_421 = arith.index_cast %while3A_281 : i32 to index
            %swap3A_422 = arith.constant 736 : index
            %swap3A_423 = tpu.vector_load %arg15[%swap3A_421, %swap3A_422] {strides = array<i32>} : memref<32x1024xf32, #tpu.memory_space<vmem>>, vector<16xf32>,
            tpu.vector_store %arg15[%swap3A_421, %swap3A_422], %broadcast_in_dim3A_268 {strides = array<i32>} : memref<32x1024xf32, #tpu.memory_space<vmem>>, vector<16xf32>,
            %swap3A_424 = arith.index_cast %while3A_281 : i32 to index
            %swap3A_425 = arith.constant 752 : index
            %swap3A_426 = tpu.vector_load %arg15[%swap3A_424, %swap3A_425] {strides = array<i32>} : memref<32x1024xf32, #tpu.memory_space<vmem>>, vector<16xf32>,
            tpu.vector_store %arg15[%swap3A_424, %swap3A_425], %broadcast_in_dim3A_268 {strides = array<i32>} : memref<32x1024xf32, #tpu.memory_space<vmem>>, vector<16xf32>,
            %swap3A_427 = arith.index_cast %while3A_281 : i32 to index
            %swap3A_428 = arith.constant 768 : index
            %swap3A_429 = tpu.vector_load %arg15[%swap3A_427, %swap3A_428] {strides = array<i32>} : memref<32x1024xf32, #tpu.memory_space<vmem>>, vector<16xf32>,
            tpu.vector_store %arg15[%swap3A_427, %swap3A_428], %broadcast_in_dim3A_268 {strides = array<i32>} : memref<32x1024xf32, #tpu.memory_space<vmem>>, vector<16xf32>,
            %swap3A_430 = arith.index_cast %while3A_281 : i32 to index
            %swap3A_431 = arith.constant 784 : index
            %swap3A_432 = tpu.vector_load %arg15[%swap3A_430, %swap3A_431] {strides = array<i32>} : memref<32x1024xf32, #tpu.memory_space<vmem>>, vector<16xf32>,
            tpu.vector_store %arg15[%swap3A_430, %swap3A_431], %broadcast_in_dim3A_268 {strides = array<i32>} : memref<32x1024xf32, #tpu.memory_space<vmem>>, vector<16xf32>,
            %swap3A_433 = arith.index_cast %while3A_281 : i32 to index
            %swap3A_434 = arith.constant 800 : index
            %swap3A_435 = tpu.vector_load %arg15[%swap3A_433, %swap3A_434] {strides = array<i32>} : memref<32x1024xf32, #tpu.memory_space<vmem>>, vector<16xf32>,
            tpu.vector_store %arg15[%swap3A_433, %swap3A_434], %broadcast_in_dim3A_268 {strides = array<i32>} : memref<32x1024xf32, #tpu.memory_space<vmem>>, vector<16xf32>,
            %swap3A_436 = arith.index_cast %while3A_281 : i32 to index
            %swap3A_437 = arith.constant 816 : index
            %swap3A_438 = tpu.vector_load %arg15[%swap3A_436, %swap3A_437] {strides = array<i32>} : memref<32x1024xf32, #tpu.memory_space<vmem>>, vector<16xf32>,
            tpu.vector_store %arg15[%swap3A_436, %swap3A_437], %broadcast_in_dim3A_268 {strides = array<i32>} : memref<32x1024xf32, #tpu.memory_space<vmem>>, vector<16xf32>,
            %swap3A_439 = arith.index_cast %while3A_281 : i32 to index
            %swap3A_440 = arith.constant 832 : index
            %swap3A_441 = tpu.vector_load %arg15[%swap3A_439, %swap3A_440] {strides = array<i32>} : memref<32x1024xf32, #tpu.memory_space<vmem>>, vector<16xf32>,
            tpu.vector_store %arg15[%swap3A_439, %swap3A_440], %broadcast_in_dim3A_268 {strides = array<i32>} : memref<32x1024xf32, #tpu.memory_space<vmem>>, vector<16xf32>,
            %swap3A_442 = arith.index_cast %while3A_281 : i32 to index
            %swap3A_443 = arith.constant 848 : index
            %swap3A_444 = tpu.vector_load %arg15[%swap3A_442, %swap3A_443] {strides = array<i32>} : memref<32x1024xf32, #tpu.memory_space<vmem>>, vector<16xf32>,
            tpu.vector_store %arg15[%swap3A_442, %swap3A_443], %broadcast_in_dim3A_268 {strides = array<i32>} : memref<32x1024xf32, #tpu.memory_space<vmem>>, vector<16xf32>,
            %swap3A_445 = arith.index_cast %while3A_281 : i32 to index
            %swap3A_446 = arith.constant 864 : index
            %swap3A_447 = tpu.vector_load %arg15[%swap3A_445, %swap3A_446] {strides = array<i32>} : memref<32x1024xf32, #tpu.memory_space<vmem>>, vector<16xf32>,
            tpu.vector_store %arg15[%swap3A_445, %swap3A_446], %broadcast_in_dim3A_268 {strides = array<i32>} : memref<32x1024xf32, #tpu.memory_space<vmem>>, vector<16xf32>,
            %swap3A_448 = arith.index_cast %while3A_281 : i32 to index
            %swap3A_449 = arith.constant 880 : index
            %swap3A_450 = tpu.vector_load %arg15[%swap3A_448, %swap3A_449] {strides = array<i32>} : memref<32x1024xf32, #tpu.memory_space<vmem>>, vector<16xf32>,
            tpu.vector_store %arg15[%swap3A_448, %swap3A_449], %broadcast_in_dim3A_268 {strides = array<i32>} : memref<32x1024xf32, #tpu.memory_space<vmem>>, vector<16xf32>,
            %swap3A_451 = arith.index_cast %while3A_281 : i32 to index
            %swap3A_452 = arith.constant 896 : index
            %swap3A_453 = tpu.vector_load %arg15[%swap3A_451, %swap3A_452] {strides = array<i32>} : memref<32x1024xf32, #tpu.memory_space<vmem>>, vector<16xf32>,
            tpu.vector_store %arg15[%swap3A_451, %swap3A_452], %broadcast_in_dim3A_268 {strides = array<i32>} : memref<32x1024xf32, #tpu.memory_space<vmem>>, vector<16xf32>,
            %swap3A_454 = arith.index_cast %while3A_281 : i32 to index
            %swap3A_455 = arith.constant 912 : index
            %swap3A_456 = tpu.vector_load %arg15[%swap3A_454, %swap3A_455] {strides = array<i32>} : memref<32x1024xf32, #tpu.memory_space<vmem>>, vector<16xf32>,
            tpu.vector_store %arg15[%swap3A_454, %swap3A_455], %broadcast_in_dim3A_268 {strides = array<i32>} : memref<32x1024xf32, #tpu.memory_space<vmem>>, vector<16xf32>,
            %swap3A_457 = arith.index_cast %while3A_281 : i32 to index
            %swap3A_458 = arith.constant 928 : index
            %swap3A_459 = tpu.vector_load %arg15[%swap3A_457, %swap3A_458] {strides = array<i32>} : memref<32x1024xf32, #tpu.memory_space<vmem>>, vector<16xf32>,
            tpu.vector_store %arg15[%swap3A_457, %swap3A_458], %broadcast_in_dim3A_268 {strides = array<i32>} : memref<32x1024xf32, #tpu.memory_space<vmem>>, vector<16xf32>,
            %swap3A_460 = arith.index_cast %while3A_281 : i32 to index
            %swap3A_461 = arith.constant 944 : index
            %swap3A_462 = tpu.vector_load %arg15[%swap3A_460, %swap3A_461] {strides = array<i32>} : memref<32x1024xf32, #tpu.memory_space<vmem>>, vector<16xf32>,
            tpu.vector_store %arg15[%swap3A_460, %swap3A_461], %broadcast_in_dim3A_268 {strides = array<i32>} : memref<32x1024xf32, #tpu.memory_space<vmem>>, vector<16xf32>,
            %swap3A_463 = arith.index_cast %while3A_281 : i32 to index
            %swap3A_464 = arith.constant 960 : index
            %swap3A_465 = tpu.vector_load %arg15[%swap3A_463, %swap3A_464] {strides = array<i32>} : memref<32x1024xf32, #tpu.memory_space<vmem>>, vector<16xf32>,
            tpu.vector_store %arg15[%swap3A_463, %swap3A_464], %broadcast_in_dim3A_268 {strides = array<i32>} : memref<32x1024xf32, #tpu.memory_space<vmem>>, vector<16xf32>,
            %swap3A_466 = arith.index_cast %while3A_281 : i32 to index
            %swap3A_467 = arith.constant 976 : index
            %swap3A_468 = tpu.vector_load %arg15[%swap3A_466, %swap3A_467] {strides = array<i32>} : memref<32x1024xf32, #tpu.memory_space<vmem>>, vector<16xf32>,
            tpu.vector_store %arg15[%swap3A_466, %swap3A_467], %broadcast_in_dim3A_268 {strides = array<i32>} : memref<32x1024xf32, #tpu.memory_space<vmem>>, vector<16xf32>,
            %swap3A_469 = arith.index_cast %while3A_281 : i32 to index
            %swap3A_470 = arith.constant 992 : index
            %swap3A_471 = tpu.vector_load %arg15[%swap3A_469, %swap3A_470] {strides = array<i32>} : memref<32x1024xf32, #tpu.memory_space<vmem>>, vector<16xf32>,
            tpu.vector_store %arg15[%swap3A_469, %swap3A_470], %broadcast_in_dim3A_268 {strides = array<i32>} : memref<32x1024xf32, #tpu.memory_space<vmem>>, vector<16xf32>,
            %swap3A_472 = arith.index_cast %while3A_281 : i32 to index
            %swap3A_473 = arith.constant 1008 : index
            %swap3A_474 = tpu.vector_load %arg15[%swap3A_472, %swap3A_473] {strides = array<i32>} : memref<32x1024xf32, #tpu.memory_space<vmem>>, vector<16xf32>,
            tpu.vector_store %arg15[%swap3A_472, %swap3A_473], %broadcast_in_dim3A_268 {strides = array<i32>} : memref<32x1024xf32, #tpu.memory_space<vmem>>, vector<16xf32>,
            %while3A_475 = arith.constant 0 : i32
            scf.yield %while3A_475 : i32
          }
        } else {
        }
        %mul3A_253 = arith.constant 32 : i32
        %mul3A_254 = arith.muli %while3A_194, %mul3A_253 : i32
        %add3A_255 = arith.addi %mul3A_32, %mul3A_254 : i32
        %dma_start3A = arith.constant 0 : i32
        %dma_start3A_256 = tpu.memref_slice %arg5[%add3A, %add3A_255, %dma_start3A] : memref<16x2560x1024xf32, #tpu.memory_space<hbm>> -> memref<1x32x1024xf32, #tpu.memory_space<hbm>>
        %dma_start3A_257 = tpu.memref_squeeze %dma_start3A_256 : memref<1x32x1024xf32, #tpu.memory_space<hbm>> -> memref<32x1024xf32, #tpu.memory_space<hbm>>
        %dma_start3A_258 = arith.constant 0 : i32
        %dma_start3A_259 = tpu.memref_slice %arg5[%add3A, %add3A_255, %dma_start3A_258] : memref<16x2560x1024xf32, #tpu.memory_space<hbm>> -> memref<1x32x1024xf32, #tpu.memory_space<hbm>>
        %dma_start3A_260 = tpu.memref_squeeze %dma_start3A_259 : memref<1x32x1024xf32, #tpu.memory_space<hbm>> -> memref<32x1024xf32, #tpu.memory_space<hbm>>
        tpu.enqueue_dma source(%arg15 : memref<32x1024xf32, #tpu.memory_space<vmem>>) target(%dma_start3A_260 : memref<32x1024xf32, #tpu.memory_space<hbm>>) target_semaphore(%arg23 : memref<!tpu.dma_semaphore, #tpu.memory_space<semaphore_mem>>)
        %add3A_261 = arith.constant 1 : i32
        %add3A_262 = arith.addi %while3A_194, %add3A_261 : i32
        %lt3A_263 = arith.cmpi slt, %add3A_262, %select_n3A_123 : i32
        %convert_element_type3A_264 = arith.extui %lt3A_263 : i1 to i32
        %cond3A_265 = arith.constant 0 : i32
        %cond3A_266 = arith.cmpi ne, %convert_element_type3A_264, %cond3A_265 : i32
        scf.if %cond3A_266 {
          %add3A_267 = arith.constant 1 : i32
          %add3A_268 = arith.addi %while3A_194, %add3A_267 : i32
          %mul3A_269 = arith.constant 32 : i32
          %mul3A_270 = arith.muli %add3A_268, %mul3A_269 : i32
          %add3A_271 = arith.addi %mul3A_32, %mul3A_270 : i32
          %add3A_272 = arith.constant 0 : i32
          %add3A_273 = arith.addi %add3A_271, %add3A_272 : i32
          %add3A_274 = vector.broadcast %add3A_273 : i32 to vector<16xi32>
          %add3A_275 = arith.addi %add3A_274, %iota3A : vector<16xi32>
          %add3A_276 = arith.constant 0 : i32
          %add3A_277 = arith.addi %add3A_271, %add3A_276 : i32
          %add3A_278 = vector.broadcast %add3A_277 : i32 to vector<16xi32>
          %add3A_279 = arith.addi %add3A_278, %iota3A : vector<16xi32>
          %lt3A_280 = vector.broadcast %reduce_max3A_79 : i32 to vector<16xi32>
          %lt3A_281 = arith.cmpi slt, %add3A_279, %lt3A_280 : vector<16xi32>
          %jit3A_282 = arith.constant 0 : i32
          %jit3A_283 = arith.constant 2559 : i32
          %max3A_284 = vector.broadcast %jit3A_282 : i32 to vector<16xi32>
          %max3A_285 = arith.maxsi %max3A_284, %add3A_279 : vector<16xi32>
          %min3A_286 = vector.broadcast %jit3A_283 : i32 to vector<16xi32>
          %min3A_287 = arith.minsi %min3A_286, %max3A_285 : vector<16xi32>
          %sub3A_288 = vector.broadcast %reduce_max3A_79 : i32 to vector<16xi32>
          %sub3A_289 = arith.subi %add3A_279, %sub3A_288 : vector<16xi32>
          %jit3A_290 = arith.constant 0 : i32
          %jit3A_291 = arith.constant 2559 : i32
          %max3A_292 = vector.broadcast %jit3A_290 : i32 to vector<16xi32>
          %max3A_293 = arith.maxsi %max3A_292, %sub3A_289 : vector<16xi32>
          %min3A_294 = vector.broadcast %jit3A_291 : i32 to vector<16xi32>
          %min3A_295 = arith.minsi %min3A_294, %max3A_293 : vector<16xi32>
          %gather3A = tpu.vector_load_idx %arg11[%min3A_287] : memref<2576xi32, #tpu.memory_space<vmem>>[vector<16xi32>], vector<16xi32>,
          %gather3A_296 = tpu.vector_load_idx %arg12[%min3A_295] : memref<2576xi32, #tpu.memory_space<vmem>>[vector<16xi32>], vector<16xi32>,
          %select_n3A_297 = arith.select %lt3A_281, %gather3A, %gather3A_296 : vector<16xi1>, vector<16xi32>
          %lt3A_298 = vector.broadcast %min3A_91 : i32 to vector<16xi32>
          %lt3A_299 = arith.cmpi slt, %add3A_279, %lt3A_298 : vector<16xi32>
          %mul3A_300 = arith.constant 2 : i32
          %mul3A_301 = vector.broadcast %mul3A_300 : i32 to vector<16xi32>
          %mul3A_302 = arith.muli %add3A_275, %mul3A_301 : vector<16xi32>
          %select_n3A_303 = arith.select %lt3A_299, %select_n3A_297, %mul3A_302 : vector<16xi1>, vector<16xi32>
          %jit3A_304 = arith.constant 2 : i32
          %div3A_305 = vector.broadcast %jit3A_304 : i32 to vector<16xi32>
          %div3A_306 = arith.divsi %select_n3A_303, %div3A_305 : vector<16xi32>
          %sign3A_307 = arith.constant 0 : i32
          %sign3A_308 = vector.broadcast %sign3A_307 : i32 to vector<16xi32>
          %sign3A_309 = arith.cmpi sgt, %select_n3A_303, %sign3A_308 : vector<16xi32>
          %sign3A_310 = arith.extui %sign3A_309 : vector<16xi1> to vector<16xi32>
          %sign3A_311 = arith.constant 0 : i32
          %sign3A_312 = vector.broadcast %sign3A_311 : i32 to vector<16xi32>
          %sign3A_313 = arith.cmpi slt, %select_n3A_303, %sign3A_312 : vector<16xi32>
          %sign3A_314 = arith.extui %sign3A_313 : vector<16xi1> to vector<16xi32>
          %sign3A_315 = arith.subi %sign3A_310, %sign3A_314 : vector<16xi32>
          %sign3A_316 = arith.constant 0 : i32
          %sign3A_317 = arith.cmpi sgt, %jit3A_304, %sign3A_316 : i32
          %sign3A_318 = arith.extui %sign3A_317 : i1 to i32
          %sign3A_319 = arith.constant 0 : i32
          %sign3A_320 = arith.cmpi slt, %jit3A_304, %sign3A_319 : i32
          %sign3A_321 = arith.extui %sign3A_320 : i1 to i32
          %sign3A_322 = arith.subi %sign3A_318, %sign3A_321 : i32
          %ne3A_323 = vector.broadcast %sign3A_322 : i32 to vector<16xi32>
          %ne3A_324 = arith.cmpi ne, %sign3A_315, %ne3A_323 : vector<16xi32>
          %rem3A_325 = vector.broadcast %jit3A_304 : i32 to vector<16xi32>
          %rem3A_326 = arith.remsi %select_n3A_303, %rem3A_325 : vector<16xi32>
          %ne3A_327 = arith.constant 0 : i32
          %ne3A_328 = vector.broadcast %ne3A_327 : i32 to vector<16xi32>
          %ne3A_329 = arith.cmpi ne, %rem3A_326, %ne3A_328 : vector<16xi32>
          %and3A_330 = arith.andi %ne3A_324, %ne3A_329 : vector<16xi1>
          %sub3A_331 = arith.constant 1 : i32
          %sub3A_332 = vector.broadcast %sub3A_331 : i32 to vector<16xi32>
          %sub3A_333 = arith.subi %div3A_306, %sub3A_332 : vector<16xi32>
          %select_n3A_334 = arith.select %and3A_330, %sub3A_333, %div3A_306 : vector<16xi1>, vector<16xi32>
          %swap3A_335 = arith.constant 0 : index
          %swap3A_336 = tpu.vector_load %arg14[%swap3A_335] {strides = array<i32>} : memref<32xi32, #tpu.memory_space<vmem>>, vector<16xi32>,
          tpu.vector_store %arg14[%swap3A_335], %select_n3A_334 {strides = array<i32>} : memref<32xi32, #tpu.memory_space<vmem>>, vector<16xi32>,
          %add3A_337 = arith.constant 16 : i32
          %add3A_338 = arith.addi %add3A_271, %add3A_337 : i32
          %add3A_339 = vector.broadcast %add3A_338 : i32 to vector<16xi32>
          %add3A_340 = arith.addi %add3A_339, %iota3A : vector<16xi32>
          %add3A_341 = arith.constant 16 : i32
          %add3A_342 = arith.addi %add3A_271, %add3A_341 : i32
          %add3A_343 = vector.broadcast %add3A_342 : i32 to vector<16xi32>
          %add3A_344 = arith.addi %add3A_343, %iota3A : vector<16xi32>
          %lt3A_345 = vector.broadcast %reduce_max3A_79 : i32 to vector<16xi32>
          %lt3A_346 = arith.cmpi slt, %add3A_344, %lt3A_345 : vector<16xi32>
          %jit3A_347 = arith.constant 0 : i32
          %jit3A_348 = arith.constant 2559 : i32
          %max3A_349 = vector.broadcast %jit3A_347 : i32 to vector<16xi32>
          %max3A_350 = arith.maxsi %max3A_349, %add3A_344 : vector<16xi32>
          %min3A_351 = vector.broadcast %jit3A_348 : i32 to vector<16xi32>
          %min3A_352 = arith.minsi %min3A_351, %max3A_350 : vector<16xi32>
          %sub3A_353 = vector.broadcast %reduce_max3A_79 : i32 to vector<16xi32>
          %sub3A_354 = arith.subi %add3A_344, %sub3A_353 : vector<16xi32>
          %jit3A_355 = arith.constant 0 : i32
          %jit3A_356 = arith.constant 2559 : i32
          %max3A_357 = vector.broadcast %jit3A_355 : i32 to vector<16xi32>
          %max3A_358 = arith.maxsi %max3A_357, %sub3A_354 : vector<16xi32>
          %min3A_359 = vector.broadcast %jit3A_356 : i32 to vector<16xi32>
          %min3A_360 = arith.minsi %min3A_359, %max3A_358 : vector<16xi32>
          %gather3A_361 = tpu.vector_load_idx %arg11[%min3A_352] : memref<2576xi32, #tpu.memory_space<vmem>>[vector<16xi32>], vector<16xi32>,
          %gather3A_362 = tpu.vector_load_idx %arg12[%min3A_360] : memref<2576xi32, #tpu.memory_space<vmem>>[vector<16xi32>], vector<16xi32>,
          %select_n3A_363 = arith.select %lt3A_346, %gather3A_361, %gather3A_362 : vector<16xi1>, vector<16xi32>
          %lt3A_364 = vector.broadcast %min3A_91 : i32 to vector<16xi32>
          %lt3A_365 = arith.cmpi slt, %add3A_344, %lt3A_364 : vector<16xi32>
          %mul3A_366 = arith.constant 2 : i32
          %mul3A_367 = vector.broadcast %mul3A_366 : i32 to vector<16xi32>
          %mul3A_368 = arith.muli %add3A_340, %mul3A_367 : vector<16xi32>
          %select_n3A_369 = arith.select %lt3A_365, %select_n3A_363, %mul3A_368 : vector<16xi1>, vector<16xi32>
          %jit3A_370 = arith.constant 2 : i32
          %div3A_371 = vector.broadcast %jit3A_370 : i32 to vector<16xi32>
          %div3A_372 = arith.divsi %select_n3A_369, %div3A_371 : vector<16xi32>
          %sign3A_373 = arith.constant 0 : i32
          %sign3A_374 = vector.broadcast %sign3A_373 : i32 to vector<16xi32>
          %sign3A_375 = arith.cmpi sgt, %select_n3A_369, %sign3A_374 : vector<16xi32>
          %sign3A_376 = arith.extui %sign3A_375 : vector<16xi1> to vector<16xi32>
          %sign3A_377 = arith.constant 0 : i32
          %sign3A_378 = vector.broadcast %sign3A_377 : i32 to vector<16xi32>
          %sign3A_379 = arith.cmpi slt, %select_n3A_369, %sign3A_378 : vector<16xi32>
          %sign3A_380 = arith.extui %sign3A_379 : vector<16xi1> to vector<16xi32>
          %sign3A_381 = arith.subi %sign3A_376, %sign3A_380 : vector<16xi32>
          %sign3A_382 = arith.constant 0 : i32
          %sign3A_383 = arith.cmpi sgt, %jit3A_370, %sign3A_382 : i32
          %sign3A_384 = arith.extui %sign3A_383 : i1 to i32
          %sign3A_385 = arith.constant 0 : i32
          %sign3A_386 = arith.cmpi slt, %jit3A_370, %sign3A_385 : i32
          %sign3A_387 = arith.extui %sign3A_386 : i1 to i32
          %sign3A_388 = arith.subi %sign3A_384, %sign3A_387 : i32
          %ne3A_389 = vector.broadcast %sign3A_388 : i32 to vector<16xi32>
          %ne3A_390 = arith.cmpi ne, %sign3A_381, %ne3A_389 : vector<16xi32>
          %rem3A_391 = vector.broadcast %jit3A_370 : i32 to vector<16xi32>
          %rem3A_392 = arith.remsi %select_n3A_369, %rem3A_391 : vector<16xi32>
          %ne3A_393 = arith.constant 0 : i32
          %ne3A_394 = vector.broadcast %ne3A_393 : i32 to vector<16xi32>
          %ne3A_395 = arith.cmpi ne, %rem3A_392, %ne3A_394 : vector<16xi32>
          %and3A_396 = arith.andi %ne3A_390, %ne3A_395 : vector<16xi1>
          %sub3A_397 = arith.constant 1 : i32
          %sub3A_398 = vector.broadcast %sub3A_397 : i32 to vector<16xi32>
          %sub3A_399 = arith.subi %div3A_372, %sub3A_398 : vector<16xi32>
          %select_n3A_400 = arith.select %and3A_396, %sub3A_399, %div3A_372 : vector<16xi1>, vector<16xi32>
          %swap3A_401 = arith.constant 16 : index
          %swap3A_402 = tpu.vector_load %arg14[%swap3A_401] {strides = array<i32>} : memref<32xi32, #tpu.memory_space<vmem>>, vector<16xi32>,
          tpu.vector_store %arg14[%swap3A_401], %select_n3A_400 {strides = array<i32>} : memref<32xi32, #tpu.memory_space<vmem>>, vector<16xi32>,
          %ge3A_403 = arith.constant 1 : i32
          %ge3A_404 = arith.cmpi sge, %while3A_194, %ge3A_403 : i32
          %convert_element_type3A_405 = arith.extui %ge3A_404 : i1 to i32
          %cond3A_406 = arith.constant 0 : i32
          %cond3A_407 = arith.cmpi ne, %convert_element_type3A_405, %cond3A_406 : i32
          scf.if %cond3A_407 {
            %dma_wait3A_411 = arith.constant 0 : i32
            %dma_wait3A_412 = tpu.memref_slice %arg5[%add3A, %mul3A_32, %dma_wait3A_411] : memref<16x2560x1024xf32, #tpu.memory_space<hbm>> -> memref<1x32x1024xf32, #tpu.memory_space<hbm>>
            %dma_wait3A_413 = tpu.memref_squeeze %dma_wait3A_412 : memref<1x32x1024xf32, #tpu.memory_space<hbm>> -> memref<32x1024xf32, #tpu.memory_space<hbm>>
            %dma_wait3A_414 = arith.constant 0 : i32
            %dma_wait3A_415 = tpu.memref_slice %arg5[%add3A, %mul3A_32, %dma_wait3A_414] : memref<16x2560x1024xf32, #tpu.memory_space<hbm>> -> memref<1x32x1024xf32, #tpu.memory_space<hbm>>
            %dma_wait3A_416 = tpu.memref_squeeze %dma_wait3A_415 : memref<1x32x1024xf32, #tpu.memory_space<hbm>> -> memref<32x1024xf32, #tpu.memory_space<hbm>>
            tpu.wait_dma2 semaphore(%arg24 : memref<!tpu.dma_semaphore, #tpu.memory_space<semaphore_mem>>) src(%arg16 : memref<32x1024xf32, #tpu.memory_space<vmem>>) dst(%dma_wait3A_416 : memref<32x1024xf32, #tpu.memory_space<hbm>>)
          } else {
          }
          %dma_start3A_408 = arith.constant 0 : i32
          %dma_start3A_409 = arith.constant 0 : i32
          %dma_start3A_410 = tpu.memref_slice %arg3[%dma_start3A_408, %dma_start3A_409] : memref<16384x1024xf32, #tpu.memory_space<hbm>> -> memref<16384x1024xf32, #tpu.memory_space<hbm>>
          tpu.enqueue_indirect_dma source(%dma_start3A_410 : memref<16384x1024xf32, #tpu.memory_space<hbm>>) target(%arg16 : memref<32x1024xf32, #tpu.memory_space<vmem>>) offsets(%arg14 : memref<32xi32, #tpu.memory_space<vmem>>) semaphore(%arg22 : memref<!tpu.dma_semaphore, #tpu.memory_space<semaphore_mem>>)
        } else {
        }
      } else {
      }
      %jit3A_217 = arith.constant 2 : i32
      %eq3A_218 = arith.constant 0 : i32
      %eq3A_219 = arith.cmpi eq, %jit3A_217, %eq3A_218 : i32
      %jit3A_220 = arith.constant 1 : i32
      %select_n3A_221 = arith.select %eq3A_219, %jit3A_220, %jit3A_217 : i32
      %rem3A_222 = arith.remsi %while3A_194, %select_n3A_221 : i32
      %ne3A_223 = arith.constant 0 : i32
      %ne3A_224 = arith.cmpi ne, %rem3A_222, %ne3A_223 : i32
      %lt3A_225 = arith.constant 0 : i32
      %lt3A_226 = arith.cmpi slt, %rem3A_222, %lt3A_225 : i32
      %lt3A_227 = arith.constant 0 : i32
      %lt3A_228 = arith.cmpi slt, %select_n3A_221, %lt3A_227 : i32
      %ne3A_229 = arith.xori %lt3A_226, %lt3A_228 : i1
      %and3A_230 = arith.andi %ne3A_229, %ne3A_224 : i1
      %add3A_231 = arith.addi %rem3A_222, %select_n3A_221 : i32
      %select_n3A_232 = arith.select %and3A_230, %add3A_231, %rem3A_222 : i32
      %eq3A_233 = arith.constant 1 : i32
      %eq3A_234 = arith.cmpi eq, %select_n3A_232, %eq3A_233 : i32
      %convert_element_type3A_235 = arith.extui %eq3A_234 : i1 to i32
      %cond3A_236 = arith.constant 0 : i32
      %cond3A_237 = arith.cmpi ne, %convert_element_type3A_235, %cond3A_236 : i32
      scf.if %cond3A_237 {
        %dma_wait3A = arith.constant 0 : i32
        %dma_wait3A_239 = arith.constant 0 : i32
        %dma_wait3A_240 = tpu.memref_slice %arg3[%dma_wait3A, %dma_wait3A_239] : memref<16384x1024xf32, #tpu.memory_space<hbm>> -> memref<16384x1024xf32, #tpu.memory_space<hbm>>
        tpu.wait_indirect_dma semaphore(%arg22 : memref<!tpu.dma_semaphore, #tpu.memory_space<semaphore_mem>>) src(%dma_wait3A_240 : memref<16384x1024xf32, #tpu.memory_space<hbm>>) dst(%arg16 : memref<32x1024xf32, #tpu.memory_space<vmem>>)
        %mul3A_241 = arith.constant 32 : i32
        %mul3A_242 = arith.muli %while3A_194, %mul3A_241 : i32
        %sub3A_243 = arith.subi %min3A_95, %mul3A_242 : i32
        %jit3A_244 = arith.constant 0 : i32
        %jit3A_245 = arith.constant 32 : i32
        %max3A_246 = arith.maxsi %jit3A_244, %sub3A_243 : i32
        %min3A_247 = arith.minsi %jit3A_245, %max3A_246 : i32
        %lt3A_248 = arith.constant 32 : i32
        %lt3A_249 = arith.cmpi slt, %min3A_247, %lt3A_248 : i32
        %convert_element_type3A_250 = arith.extui %lt3A_249 : i1 to i32
        %cond3A_251 = arith.constant 0 : i32
        %cond3A_252 = arith.cmpi ne, %convert_element_type3A_250, %cond3A_251 : i32
        scf.if %cond3A_252 {
          %broadcast_in_dim3A_267 = arith.constant 0.000000e+00 : f32
          %broadcast_in_dim3A_268 = vector.broadcast %broadcast_in_dim3A_267 : f32 to vector<16xf32>
          %while3A_269 = arith.constant 32 : i32
          %while3A_270 = arith.constant 0 : i32
          %while3A_271 = arith.subi %while3A_269, %min3A_247 : i32
          %while3A_272 = arith.addi %min3A_247, %while3A_271 : i32
          %while3A_273 = arith.constant 1 : i32
          %while3A_274 = arith.divsi %while3A_271, %while3A_273 : i32
          %while3A_275 = arith.muli %while3A_274, %while3A_273 : i32
          %while3A_276 = arith.addi %min3A_247, %while3A_275 : i32
          %while3A_277 = arith.constant 1 : i32
          %while3A_278 = scf.for %while3A_281 = %min3A_247 to %while3A_276 step %while3A_277 iter_args(%while3A_282 = %while3A_270) -> (i32)  : i32 {
            %swap3A_283 = arith.index_cast %while3A_281 : i32 to index
            %swap3A_284 = arith.constant 0 : index
            %swap3A_285 = tpu.vector_load %arg16[%swap3A_283, %swap3A_284] {strides = array<i32>} : memref<32x1024xf32, #tpu.memory_space<vmem>>, vector<16xf32>,
            tpu.vector_store %arg16[%swap3A_283, %swap3A_284], %broadcast_in_dim3A_268 {strides = array<i32>} : memref<32x1024xf32, #tpu.memory_space<vmem>>, vector<16xf32>,
            %swap3A_286 = arith.index_cast %while3A_281 : i32 to index
            %swap3A_287 = arith.constant 16 : index
            %swap3A_288 = tpu.vector_load %arg16[%swap3A_286, %swap3A_287] {strides = array<i32>} : memref<32x1024xf32, #tpu.memory_space<vmem>>, vector<16xf32>,
            tpu.vector_store %arg16[%swap3A_286, %swap3A_287], %broadcast_in_dim3A_268 {strides = array<i32>} : memref<32x1024xf32, #tpu.memory_space<vmem>>, vector<16xf32>,
            %swap3A_289 = arith.index_cast %while3A_281 : i32 to index
            %swap3A_290 = arith.constant 32 : index
            %swap3A_291 = tpu.vector_load %arg16[%swap3A_289, %swap3A_290] {strides = array<i32>} : memref<32x1024xf32, #tpu.memory_space<vmem>>, vector<16xf32>,
            tpu.vector_store %arg16[%swap3A_289, %swap3A_290], %broadcast_in_dim3A_268 {strides = array<i32>} : memref<32x1024xf32, #tpu.memory_space<vmem>>, vector<16xf32>,
            %swap3A_292 = arith.index_cast %while3A_281 : i32 to index
            %swap3A_293 = arith.constant 48 : index
            %swap3A_294 = tpu.vector_load %arg16[%swap3A_292, %swap3A_293] {strides = array<i32>} : memref<32x1024xf32, #tpu.memory_space<vmem>>, vector<16xf32>,
            tpu.vector_store %arg16[%swap3A_292, %swap3A_293], %broadcast_in_dim3A_268 {strides = array<i32>} : memref<32x1024xf32, #tpu.memory_space<vmem>>, vector<16xf32>,
            %swap3A_295 = arith.index_cast %while3A_281 : i32 to index
            %swap3A_296 = arith.constant 64 : index
            %swap3A_297 = tpu.vector_load %arg16[%swap3A_295, %swap3A_296] {strides = array<i32>} : memref<32x1024xf32, #tpu.memory_space<vmem>>, vector<16xf32>,
            tpu.vector_store %arg16[%swap3A_295, %swap3A_296], %broadcast_in_dim3A_268 {strides = array<i32>} : memref<32x1024xf32, #tpu.memory_space<vmem>>, vector<16xf32>,
            %swap3A_298 = arith.index_cast %while3A_281 : i32 to index
            %swap3A_299 = arith.constant 80 : index
            %swap3A_300 = tpu.vector_load %arg16[%swap3A_298, %swap3A_299] {strides = array<i32>} : memref<32x1024xf32, #tpu.memory_space<vmem>>, vector<16xf32>,
            tpu.vector_store %arg16[%swap3A_298, %swap3A_299], %broadcast_in_dim3A_268 {strides = array<i32>} : memref<32x1024xf32, #tpu.memory_space<vmem>>, vector<16xf32>,
            %swap3A_301 = arith.index_cast %while3A_281 : i32 to index
            %swap3A_302 = arith.constant 96 : index
            %swap3A_303 = tpu.vector_load %arg16[%swap3A_301, %swap3A_302] {strides = array<i32>} : memref<32x1024xf32, #tpu.memory_space<vmem>>, vector<16xf32>,
            tpu.vector_store %arg16[%swap3A_301, %swap3A_302], %broadcast_in_dim3A_268 {strides = array<i32>} : memref<32x1024xf32, #tpu.memory_space<vmem>>, vector<16xf32>,
            %swap3A_304 = arith.index_cast %while3A_281 : i32 to index
            %swap3A_305 = arith.constant 112 : index
            %swap3A_306 = tpu.vector_load %arg16[%swap3A_304, %swap3A_305] {strides = array<i32>} : memref<32x1024xf32, #tpu.memory_space<vmem>>, vector<16xf32>,
            tpu.vector_store %arg16[%swap3A_304, %swap3A_305], %broadcast_in_dim3A_268 {strides = array<i32>} : memref<32x1024xf32, #tpu.memory_space<vmem>>, vector<16xf32>,
            %swap3A_307 = arith.index_cast %while3A_281 : i32 to index
            %swap3A_308 = arith.constant 128 : index
            %swap3A_309 = tpu.vector_load %arg16[%swap3A_307, %swap3A_308] {strides = array<i32>} : memref<32x1024xf32, #tpu.memory_space<vmem>>, vector<16xf32>,
            tpu.vector_store %arg16[%swap3A_307, %swap3A_308], %broadcast_in_dim3A_268 {strides = array<i32>} : memref<32x1024xf32, #tpu.memory_space<vmem>>, vector<16xf32>,
            %swap3A_310 = arith.index_cast %while3A_281 : i32 to index
            %swap3A_311 = arith.constant 144 : index
            %swap3A_312 = tpu.vector_load %arg16[%swap3A_310, %swap3A_311] {strides = array<i32>} : memref<32x1024xf32, #tpu.memory_space<vmem>>, vector<16xf32>,
            tpu.vector_store %arg16[%swap3A_310, %swap3A_311], %broadcast_in_dim3A_268 {strides = array<i32>} : memref<32x1024xf32, #tpu.memory_space<vmem>>, vector<16xf32>,
            %swap3A_313 = arith.index_cast %while3A_281 : i32 to index
            %swap3A_314 = arith.constant 160 : index
            %swap3A_315 = tpu.vector_load %arg16[%swap3A_313, %swap3A_314] {strides = array<i32>} : memref<32x1024xf32, #tpu.memory_space<vmem>>, vector<16xf32>,
            tpu.vector_store %arg16[%swap3A_313, %swap3A_314], %broadcast_in_dim3A_268 {strides = array<i32>} : memref<32x1024xf32, #tpu.memory_space<vmem>>, vector<16xf32>,
            %swap3A_316 = arith.index_cast %while3A_281 : i32 to index
            %swap3A_317 = arith.constant 176 : index
            %swap3A_318 = tpu.vector_load %arg16[%swap3A_316, %swap3A_317] {strides = array<i32>} : memref<32x1024xf32, #tpu.memory_space<vmem>>, vector<16xf32>,
            tpu.vector_store %arg16[%swap3A_316, %swap3A_317], %broadcast_in_dim3A_268 {strides = array<i32>} : memref<32x1024xf32, #tpu.memory_space<vmem>>, vector<16xf32>,
            %swap3A_319 = arith.index_cast %while3A_281 : i32 to index
            %swap3A_320 = arith.constant 192 : index
            %swap3A_321 = tpu.vector_load %arg16[%swap3A_319, %swap3A_320] {strides = array<i32>} : memref<32x1024xf32, #tpu.memory_space<vmem>>, vector<16xf32>,
            tpu.vector_store %arg16[%swap3A_319, %swap3A_320], %broadcast_in_dim3A_268 {strides = array<i32>} : memref<32x1024xf32, #tpu.memory_space<vmem>>, vector<16xf32>,
            %swap3A_322 = arith.index_cast %while3A_281 : i32 to index
            %swap3A_323 = arith.constant 208 : index
            %swap3A_324 = tpu.vector_load %arg16[%swap3A_322, %swap3A_323] {strides = array<i32>} : memref<32x1024xf32, #tpu.memory_space<vmem>>, vector<16xf32>,
            tpu.vector_store %arg16[%swap3A_322, %swap3A_323], %broadcast_in_dim3A_268 {strides = array<i32>} : memref<32x1024xf32, #tpu.memory_space<vmem>>, vector<16xf32>,
            %swap3A_325 = arith.index_cast %while3A_281 : i32 to index
            %swap3A_326 = arith.constant 224 : index
            %swap3A_327 = tpu.vector_load %arg16[%swap3A_325, %swap3A_326] {strides = array<i32>} : memref<32x1024xf32, #tpu.memory_space<vmem>>, vector<16xf32>,
            tpu.vector_store %arg16[%swap3A_325, %swap3A_326], %broadcast_in_dim3A_268 {strides = array<i32>} : memref<32x1024xf32, #tpu.memory_space<vmem>>, vector<16xf32>,
            %swap3A_328 = arith.index_cast %while3A_281 : i32 to index
            %swap3A_329 = arith.constant 240 : index
            %swap3A_330 = tpu.vector_load %arg16[%swap3A_328, %swap3A_329] {strides = array<i32>} : memref<32x1024xf32, #tpu.memory_space<vmem>>, vector<16xf32>,
            tpu.vector_store %arg16[%swap3A_328, %swap3A_329], %broadcast_in_dim3A_268 {strides = array<i32>} : memref<32x1024xf32, #tpu.memory_space<vmem>>, vector<16xf32>,
            %swap3A_331 = arith.index_cast %while3A_281 : i32 to index
            %swap3A_332 = arith.constant 256 : index
            %swap3A_333 = tpu.vector_load %arg16[%swap3A_331, %swap3A_332] {strides = array<i32>} : memref<32x1024xf32, #tpu.memory_space<vmem>>, vector<16xf32>,
            tpu.vector_store %arg16[%swap3A_331, %swap3A_332], %broadcast_in_dim3A_268 {strides = array<i32>} : memref<32x1024xf32, #tpu.memory_space<vmem>>, vector<16xf32>,
            %swap3A_334 = arith.index_cast %while3A_281 : i32 to index
            %swap3A_335 = arith.constant 272 : index
            %swap3A_336 = tpu.vector_load %arg16[%swap3A_334, %swap3A_335] {strides = array<i32>} : memref<32x1024xf32, #tpu.memory_space<vmem>>, vector<16xf32>,
            tpu.vector_store %arg16[%swap3A_334, %swap3A_335], %broadcast_in_dim3A_268 {strides = array<i32>} : memref<32x1024xf32, #tpu.memory_space<vmem>>, vector<16xf32>,
            %swap3A_337 = arith.index_cast %while3A_281 : i32 to index
            %swap3A_338 = arith.constant 288 : index
            %swap3A_339 = tpu.vector_load %arg16[%swap3A_337, %swap3A_338] {strides = array<i32>} : memref<32x1024xf32, #tpu.memory_space<vmem>>, vector<16xf32>,
            tpu.vector_store %arg16[%swap3A_337, %swap3A_338], %broadcast_in_dim3A_268 {strides = array<i32>} : memref<32x1024xf32, #tpu.memory_space<vmem>>, vector<16xf32>,
            %swap3A_340 = arith.index_cast %while3A_281 : i32 to index
            %swap3A_341 = arith.constant 304 : index
            %swap3A_342 = tpu.vector_load %arg16[%swap3A_340, %swap3A_341] {strides = array<i32>} : memref<32x1024xf32, #tpu.memory_space<vmem>>, vector<16xf32>,
            tpu.vector_store %arg16[%swap3A_340, %swap3A_341], %broadcast_in_dim3A_268 {strides = array<i32>} : memref<32x1024xf32, #tpu.memory_space<vmem>>, vector<16xf32>,
            %swap3A_343 = arith.index_cast %while3A_281 : i32 to index
            %swap3A_344 = arith.constant 320 : index
            %swap3A_345 = tpu.vector_load %arg16[%swap3A_343, %swap3A_344] {strides = array<i32>} : memref<32x1024xf32, #tpu.memory_space<vmem>>, vector<16xf32>,
            tpu.vector_store %arg16[%swap3A_343, %swap3A_344], %broadcast_in_dim3A_268 {strides = array<i32>} : memref<32x1024xf32, #tpu.memory_space<vmem>>, vector<16xf32>,
            %swap3A_346 = arith.index_cast %while3A_281 : i32 to index
            %swap3A_347 = arith.constant 336 : index
            %swap3A_348 = tpu.vector_load %arg16[%swap3A_346, %swap3A_347] {strides = array<i32>} : memref<32x1024xf32, #tpu.memory_space<vmem>>, vector<16xf32>,
            tpu.vector_store %arg16[%swap3A_346, %swap3A_347], %broadcast_in_dim3A_268 {strides = array<i32>} : memref<32x1024xf32, #tpu.memory_space<vmem>>, vector<16xf32>,
            %swap3A_349 = arith.index_cast %while3A_281 : i32 to index
            %swap3A_350 = arith.constant 352 : index
            %swap3A_351 = tpu.vector_load %arg16[%swap3A_349, %swap3A_350] {strides = array<i32>} : memref<32x1024xf32, #tpu.memory_space<vmem>>, vector<16xf32>,
            tpu.vector_store %arg16[%swap3A_349, %swap3A_350], %broadcast_in_dim3A_268 {strides = array<i32>} : memref<32x1024xf32, #tpu.memory_space<vmem>>, vector<16xf32>,
            %swap3A_352 = arith.index_cast %while3A_281 : i32 to index
            %swap3A_353 = arith.constant 368 : index
            %swap3A_354 = tpu.vector_load %arg16[%swap3A_352, %swap3A_353] {strides = array<i32>} : memref<32x1024xf32, #tpu.memory_space<vmem>>, vector<16xf32>,
            tpu.vector_store %arg16[%swap3A_352, %swap3A_353], %broadcast_in_dim3A_268 {strides = array<i32>} : memref<32x1024xf32, #tpu.memory_space<vmem>>, vector<16xf32>,
            %swap3A_355 = arith.index_cast %while3A_281 : i32 to index
            %swap3A_356 = arith.constant 384 : index
            %swap3A_357 = tpu.vector_load %arg16[%swap3A_355, %swap3A_356] {strides = array<i32>} : memref<32x1024xf32, #tpu.memory_space<vmem>>, vector<16xf32>,
            tpu.vector_store %arg16[%swap3A_355, %swap3A_356], %broadcast_in_dim3A_268 {strides = array<i32>} : memref<32x1024xf32, #tpu.memory_space<vmem>>, vector<16xf32>,
            %swap3A_358 = arith.index_cast %while3A_281 : i32 to index
            %swap3A_359 = arith.constant 400 : index
            %swap3A_360 = tpu.vector_load %arg16[%swap3A_358, %swap3A_359] {strides = array<i32>} : memref<32x1024xf32, #tpu.memory_space<vmem>>, vector<16xf32>,
            tpu.vector_store %arg16[%swap3A_358, %swap3A_359], %broadcast_in_dim3A_268 {strides = array<i32>} : memref<32x1024xf32, #tpu.memory_space<vmem>>, vector<16xf32>,
            %swap3A_361 = arith.index_cast %while3A_281 : i32 to index
            %swap3A_362 = arith.constant 416 : index
            %swap3A_363 = tpu.vector_load %arg16[%swap3A_361, %swap3A_362] {strides = array<i32>} : memref<32x1024xf32, #tpu.memory_space<vmem>>, vector<16xf32>,
            tpu.vector_store %arg16[%swap3A_361, %swap3A_362], %broadcast_in_dim3A_268 {strides = array<i32>} : memref<32x1024xf32, #tpu.memory_space<vmem>>, vector<16xf32>,
            %swap3A_364 = arith.index_cast %while3A_281 : i32 to index
            %swap3A_365 = arith.constant 432 : index
            %swap3A_366 = tpu.vector_load %arg16[%swap3A_364, %swap3A_365] {strides = array<i32>} : memref<32x1024xf32, #tpu.memory_space<vmem>>, vector<16xf32>,
            tpu.vector_store %arg16[%swap3A_364, %swap3A_365], %broadcast_in_dim3A_268 {strides = array<i32>} : memref<32x1024xf32, #tpu.memory_space<vmem>>, vector<16xf32>,
            %swap3A_367 = arith.index_cast %while3A_281 : i32 to index
            %swap3A_368 = arith.constant 448 : index
            %swap3A_369 = tpu.vector_load %arg16[%swap3A_367, %swap3A_368] {strides = array<i32>} : memref<32x1024xf32, #tpu.memory_space<vmem>>, vector<16xf32>,
            tpu.vector_store %arg16[%swap3A_367, %swap3A_368], %broadcast_in_dim3A_268 {strides = array<i32>} : memref<32x1024xf32, #tpu.memory_space<vmem>>, vector<16xf32>,
            %swap3A_370 = arith.index_cast %while3A_281 : i32 to index
            %swap3A_371 = arith.constant 464 : index
            %swap3A_372 = tpu.vector_load %arg16[%swap3A_370, %swap3A_371] {strides = array<i32>} : memref<32x1024xf32, #tpu.memory_space<vmem>>, vector<16xf32>,
            tpu.vector_store %arg16[%swap3A_370, %swap3A_371], %broadcast_in_dim3A_268 {strides = array<i32>} : memref<32x1024xf32, #tpu.memory_space<vmem>>, vector<16xf32>,
            %swap3A_373 = arith.index_cast %while3A_281 : i32 to index
            %swap3A_374 = arith.constant 480 : index
            %swap3A_375 = tpu.vector_load %arg16[%swap3A_373, %swap3A_374] {strides = array<i32>} : memref<32x1024xf32, #tpu.memory_space<vmem>>, vector<16xf32>,
            tpu.vector_store %arg16[%swap3A_373, %swap3A_374], %broadcast_in_dim3A_268 {strides = array<i32>} : memref<32x1024xf32, #tpu.memory_space<vmem>>, vector<16xf32>,
            %swap3A_376 = arith.index_cast %while3A_281 : i32 to index
            %swap3A_377 = arith.constant 496 : index
            %swap3A_378 = tpu.vector_load %arg16[%swap3A_376, %swap3A_377] {strides = array<i32>} : memref<32x1024xf32, #tpu.memory_space<vmem>>, vector<16xf32>,
            tpu.vector_store %arg16[%swap3A_376, %swap3A_377], %broadcast_in_dim3A_268 {strides = array<i32>} : memref<32x1024xf32, #tpu.memory_space<vmem>>, vector<16xf32>,
            %swap3A_379 = arith.index_cast %while3A_281 : i32 to index
            %swap3A_380 = arith.constant 512 : index
            %swap3A_381 = tpu.vector_load %arg16[%swap3A_379, %swap3A_380] {strides = array<i32>} : memref<32x1024xf32, #tpu.memory_space<vmem>>, vector<16xf32>,
            tpu.vector_store %arg16[%swap3A_379, %swap3A_380], %broadcast_in_dim3A_268 {strides = array<i32>} : memref<32x1024xf32, #tpu.memory_space<vmem>>, vector<16xf32>,
            %swap3A_382 = arith.index_cast %while3A_281 : i32 to index
            %swap3A_383 = arith.constant 528 : index
            %swap3A_384 = tpu.vector_load %arg16[%swap3A_382, %swap3A_383] {strides = array<i32>} : memref<32x1024xf32, #tpu.memory_space<vmem>>, vector<16xf32>,
            tpu.vector_store %arg16[%swap3A_382, %swap3A_383], %broadcast_in_dim3A_268 {strides = array<i32>} : memref<32x1024xf32, #tpu.memory_space<vmem>>, vector<16xf32>,
            %swap3A_385 = arith.index_cast %while3A_281 : i32 to index
            %swap3A_386 = arith.constant 544 : index
            %swap3A_387 = tpu.vector_load %arg16[%swap3A_385, %swap3A_386] {strides = array<i32>} : memref<32x1024xf32, #tpu.memory_space<vmem>>, vector<16xf32>,
            tpu.vector_store %arg16[%swap3A_385, %swap3A_386], %broadcast_in_dim3A_268 {strides = array<i32>} : memref<32x1024xf32, #tpu.memory_space<vmem>>, vector<16xf32>,
            %swap3A_388 = arith.index_cast %while3A_281 : i32 to index
            %swap3A_389 = arith.constant 560 : index
            %swap3A_390 = tpu.vector_load %arg16[%swap3A_388, %swap3A_389] {strides = array<i32>} : memref<32x1024xf32, #tpu.memory_space<vmem>>, vector<16xf32>,
            tpu.vector_store %arg16[%swap3A_388, %swap3A_389], %broadcast_in_dim3A_268 {strides = array<i32>} : memref<32x1024xf32, #tpu.memory_space<vmem>>, vector<16xf32>,
            %swap3A_391 = arith.index_cast %while3A_281 : i32 to index
            %swap3A_392 = arith.constant 576 : index
            %swap3A_393 = tpu.vector_load %arg16[%swap3A_391, %swap3A_392] {strides = array<i32>} : memref<32x1024xf32, #tpu.memory_space<vmem>>, vector<16xf32>,
            tpu.vector_store %arg16[%swap3A_391, %swap3A_392], %broadcast_in_dim3A_268 {strides = array<i32>} : memref<32x1024xf32, #tpu.memory_space<vmem>>, vector<16xf32>,
            %swap3A_394 = arith.index_cast %while3A_281 : i32 to index
            %swap3A_395 = arith.constant 592 : index
            %swap3A_396 = tpu.vector_load %arg16[%swap3A_394, %swap3A_395] {strides = array<i32>} : memref<32x1024xf32, #tpu.memory_space<vmem>>, vector<16xf32>,
            tpu.vector_store %arg16[%swap3A_394, %swap3A_395], %broadcast_in_dim3A_268 {strides = array<i32>} : memref<32x1024xf32, #tpu.memory_space<vmem>>, vector<16xf32>,
            %swap3A_397 = arith.index_cast %while3A_281 : i32 to index
            %swap3A_398 = arith.constant 608 : index
            %swap3A_399 = tpu.vector_load %arg16[%swap3A_397, %swap3A_398] {strides = array<i32>} : memref<32x1024xf32, #tpu.memory_space<vmem>>, vector<16xf32>,
            tpu.vector_store %arg16[%swap3A_397, %swap3A_398], %broadcast_in_dim3A_268 {strides = array<i32>} : memref<32x1024xf32, #tpu.memory_space<vmem>>, vector<16xf32>,
            %swap3A_400 = arith.index_cast %while3A_281 : i32 to index
            %swap3A_401 = arith.constant 624 : index
            %swap3A_402 = tpu.vector_load %arg16[%swap3A_400, %swap3A_401] {strides = array<i32>} : memref<32x1024xf32, #tpu.memory_space<vmem>>, vector<16xf32>,
            tpu.vector_store %arg16[%swap3A_400, %swap3A_401], %broadcast_in_dim3A_268 {strides = array<i32>} : memref<32x1024xf32, #tpu.memory_space<vmem>>, vector<16xf32>,
            %swap3A_403 = arith.index_cast %while3A_281 : i32 to index
            %swap3A_404 = arith.constant 640 : index
            %swap3A_405 = tpu.vector_load %arg16[%swap3A_403, %swap3A_404] {strides = array<i32>} : memref<32x1024xf32, #tpu.memory_space<vmem>>, vector<16xf32>,
            tpu.vector_store %arg16[%swap3A_403, %swap3A_404], %broadcast_in_dim3A_268 {strides = array<i32>} : memref<32x1024xf32, #tpu.memory_space<vmem>>, vector<16xf32>,
            %swap3A_406 = arith.index_cast %while3A_281 : i32 to index
            %swap3A_407 = arith.constant 656 : index
            %swap3A_408 = tpu.vector_load %arg16[%swap3A_406, %swap3A_407] {strides = array<i32>} : memref<32x1024xf32, #tpu.memory_space<vmem>>, vector<16xf32>,
            tpu.vector_store %arg16[%swap3A_406, %swap3A_407], %broadcast_in_dim3A_268 {strides = array<i32>} : memref<32x1024xf32, #tpu.memory_space<vmem>>, vector<16xf32>,
            %swap3A_409 = arith.index_cast %while3A_281 : i32 to index
            %swap3A_410 = arith.constant 672 : index
            %swap3A_411 = tpu.vector_load %arg16[%swap3A_409, %swap3A_410] {strides = array<i32>} : memref<32x1024xf32, #tpu.memory_space<vmem>>, vector<16xf32>,
            tpu.vector_store %arg16[%swap3A_409, %swap3A_410], %broadcast_in_dim3A_268 {strides = array<i32>} : memref<32x1024xf32, #tpu.memory_space<vmem>>, vector<16xf32>,
            %swap3A_412 = arith.index_cast %while3A_281 : i32 to index
            %swap3A_413 = arith.constant 688 : index
            %swap3A_414 = tpu.vector_load %arg16[%swap3A_412, %swap3A_413] {strides = array<i32>} : memref<32x1024xf32, #tpu.memory_space<vmem>>, vector<16xf32>,
            tpu.vector_store %arg16[%swap3A_412, %swap3A_413], %broadcast_in_dim3A_268 {strides = array<i32>} : memref<32x1024xf32, #tpu.memory_space<vmem>>, vector<16xf32>,
            %swap3A_415 = arith.index_cast %while3A_281 : i32 to index
            %swap3A_416 = arith.constant 704 : index
            %swap3A_417 = tpu.vector_load %arg16[%swap3A_415, %swap3A_416] {strides = array<i32>} : memref<32x1024xf32, #tpu.memory_space<vmem>>, vector<16xf32>,
            tpu.vector_store %arg16[%swap3A_415, %swap3A_416], %broadcast_in_dim3A_268 {strides = array<i32>} : memref<32x1024xf32, #tpu.memory_space<vmem>>, vector<16xf32>,
            %swap3A_418 = arith.index_cast %while3A_281 : i32 to index
            %swap3A_419 = arith.constant 720 : index
            %swap3A_420 = tpu.vector_load %arg16[%swap3A_418, %swap3A_419] {strides = array<i32>} : memref<32x1024xf32, #tpu.memory_space<vmem>>, vector<16xf32>,
            tpu.vector_store %arg16[%swap3A_418, %swap3A_419], %broadcast_in_dim3A_268 {strides = array<i32>} : memref<32x1024xf32, #tpu.memory_space<vmem>>, vector<16xf32>,
            %swap3A_421 = arith.index_cast %while3A_281 : i32 to index
            %swap3A_422 = arith.constant 736 : index
            %swap3A_423 = tpu.vector_load %arg16[%swap3A_421, %swap3A_422] {strides = array<i32>} : memref<32x1024xf32, #tpu.memory_space<vmem>>, vector<16xf32>,
            tpu.vector_store %arg16[%swap3A_421, %swap3A_422], %broadcast_in_dim3A_268 {strides = array<i32>} : memref<32x1024xf32, #tpu.memory_space<vmem>>, vector<16xf32>,
            %swap3A_424 = arith.index_cast %while3A_281 : i32 to index
            %swap3A_425 = arith.constant 752 : index
            %swap3A_426 = tpu.vector_load %arg16[%swap3A_424, %swap3A_425] {strides = array<i32>} : memref<32x1024xf32, #tpu.memory_space<vmem>>, vector<16xf32>,
            tpu.vector_store %arg16[%swap3A_424, %swap3A_425], %broadcast_in_dim3A_268 {strides = array<i32>} : memref<32x1024xf32, #tpu.memory_space<vmem>>, vector<16xf32>,
            %swap3A_427 = arith.index_cast %while3A_281 : i32 to index
            %swap3A_428 = arith.constant 768 : index
            %swap3A_429 = tpu.vector_load %arg16[%swap3A_427, %swap3A_428] {strides = array<i32>} : memref<32x1024xf32, #tpu.memory_space<vmem>>, vector<16xf32>,
            tpu.vector_store %arg16[%swap3A_427, %swap3A_428], %broadcast_in_dim3A_268 {strides = array<i32>} : memref<32x1024xf32, #tpu.memory_space<vmem>>, vector<16xf32>,
            %swap3A_430 = arith.index_cast %while3A_281 : i32 to index
            %swap3A_431 = arith.constant 784 : index
            %swap3A_432 = tpu.vector_load %arg16[%swap3A_430, %swap3A_431] {strides = array<i32>} : memref<32x1024xf32, #tpu.memory_space<vmem>>, vector<16xf32>,
            tpu.vector_store %arg16[%swap3A_430, %swap3A_431], %broadcast_in_dim3A_268 {strides = array<i32>} : memref<32x1024xf32, #tpu.memory_space<vmem>>, vector<16xf32>,
            %swap3A_433 = arith.index_cast %while3A_281 : i32 to index
            %swap3A_434 = arith.constant 800 : index
            %swap3A_435 = tpu.vector_load %arg16[%swap3A_433, %swap3A_434] {strides = array<i32>} : memref<32x1024xf32, #tpu.memory_space<vmem>>, vector<16xf32>,
            tpu.vector_store %arg16[%swap3A_433, %swap3A_434], %broadcast_in_dim3A_268 {strides = array<i32>} : memref<32x1024xf32, #tpu.memory_space<vmem>>, vector<16xf32>,
            %swap3A_436 = arith.index_cast %while3A_281 : i32 to index
            %swap3A_437 = arith.constant 816 : index
            %swap3A_438 = tpu.vector_load %arg16[%swap3A_436, %swap3A_437] {strides = array<i32>} : memref<32x1024xf32, #tpu.memory_space<vmem>>, vector<16xf32>,
            tpu.vector_store %arg16[%swap3A_436, %swap3A_437], %broadcast_in_dim3A_268 {strides = array<i32>} : memref<32x1024xf32, #tpu.memory_space<vmem>>, vector<16xf32>,
            %swap3A_439 = arith.index_cast %while3A_281 : i32 to index
            %swap3A_440 = arith.constant 832 : index
            %swap3A_441 = tpu.vector_load %arg16[%swap3A_439, %swap3A_440] {strides = array<i32>} : memref<32x1024xf32, #tpu.memory_space<vmem>>, vector<16xf32>,
            tpu.vector_store %arg16[%swap3A_439, %swap3A_440], %broadcast_in_dim3A_268 {strides = array<i32>} : memref<32x1024xf32, #tpu.memory_space<vmem>>, vector<16xf32>,
            %swap3A_442 = arith.index_cast %while3A_281 : i32 to index
            %swap3A_443 = arith.constant 848 : index
            %swap3A_444 = tpu.vector_load %arg16[%swap3A_442, %swap3A_443] {strides = array<i32>} : memref<32x1024xf32, #tpu.memory_space<vmem>>, vector<16xf32>,
            tpu.vector_store %arg16[%swap3A_442, %swap3A_443], %broadcast_in_dim3A_268 {strides = array<i32>} : memref<32x1024xf32, #tpu.memory_space<vmem>>, vector<16xf32>,
            %swap3A_445 = arith.index_cast %while3A_281 : i32 to index
            %swap3A_446 = arith.constant 864 : index
            %swap3A_447 = tpu.vector_load %arg16[%swap3A_445, %swap3A_446] {strides = array<i32>} : memref<32x1024xf32, #tpu.memory_space<vmem>>, vector<16xf32>,
            tpu.vector_store %arg16[%swap3A_445, %swap3A_446], %broadcast_in_dim3A_268 {strides = array<i32>} : memref<32x1024xf32, #tpu.memory_space<vmem>>, vector<16xf32>,
            %swap3A_448 = arith.index_cast %while3A_281 : i32 to index
            %swap3A_449 = arith.constant 880 : index
            %swap3A_450 = tpu.vector_load %arg16[%swap3A_448, %swap3A_449] {strides = array<i32>} : memref<32x1024xf32, #tpu.memory_space<vmem>>, vector<16xf32>,
            tpu.vector_store %arg16[%swap3A_448, %swap3A_449], %broadcast_in_dim3A_268 {strides = array<i32>} : memref<32x1024xf32, #tpu.memory_space<vmem>>, vector<16xf32>,
            %swap3A_451 = arith.index_cast %while3A_281 : i32 to index
            %swap3A_452 = arith.constant 896 : index
            %swap3A_453 = tpu.vector_load %arg16[%swap3A_451, %swap3A_452] {strides = array<i32>} : memref<32x1024xf32, #tpu.memory_space<vmem>>, vector<16xf32>,
            tpu.vector_store %arg16[%swap3A_451, %swap3A_452], %broadcast_in_dim3A_268 {strides = array<i32>} : memref<32x1024xf32, #tpu.memory_space<vmem>>, vector<16xf32>,
            %swap3A_454 = arith.index_cast %while3A_281 : i32 to index
            %swap3A_455 = arith.constant 912 : index
            %swap3A_456 = tpu.vector_load %arg16[%swap3A_454, %swap3A_455] {strides = array<i32>} : memref<32x1024xf32, #tpu.memory_space<vmem>>, vector<16xf32>,
            tpu.vector_store %arg16[%swap3A_454, %swap3A_455], %broadcast_in_dim3A_268 {strides = array<i32>} : memref<32x1024xf32, #tpu.memory_space<vmem>>, vector<16xf32>,
            %swap3A_457 = arith.index_cast %while3A_281 : i32 to index
            %swap3A_458 = arith.constant 928 : index
            %swap3A_459 = tpu.vector_load %arg16[%swap3A_457, %swap3A_458] {strides = array<i32>} : memref<32x1024xf32, #tpu.memory_space<vmem>>, vector<16xf32>,
            tpu.vector_store %arg16[%swap3A_457, %swap3A_458], %broadcast_in_dim3A_268 {strides = array<i32>} : memref<32x1024xf32, #tpu.memory_space<vmem>>, vector<16xf32>,
            %swap3A_460 = arith.index_cast %while3A_281 : i32 to index
            %swap3A_461 = arith.constant 944 : index
            %swap3A_462 = tpu.vector_load %arg16[%swap3A_460, %swap3A_461] {strides = array<i32>} : memref<32x1024xf32, #tpu.memory_space<vmem>>, vector<16xf32>,
            tpu.vector_store %arg16[%swap3A_460, %swap3A_461], %broadcast_in_dim3A_268 {strides = array<i32>} : memref<32x1024xf32, #tpu.memory_space<vmem>>, vector<16xf32>,
            %swap3A_463 = arith.index_cast %while3A_281 : i32 to index
            %swap3A_464 = arith.constant 960 : index
            %swap3A_465 = tpu.vector_load %arg16[%swap3A_463, %swap3A_464] {strides = array<i32>} : memref<32x1024xf32, #tpu.memory_space<vmem>>, vector<16xf32>,
            tpu.vector_store %arg16[%swap3A_463, %swap3A_464], %broadcast_in_dim3A_268 {strides = array<i32>} : memref<32x1024xf32, #tpu.memory_space<vmem>>, vector<16xf32>,
            %swap3A_466 = arith.index_cast %while3A_281 : i32 to index
            %swap3A_467 = arith.constant 976 : index
            %swap3A_468 = tpu.vector_load %arg16[%swap3A_466, %swap3A_467] {strides = array<i32>} : memref<32x1024xf32, #tpu.memory_space<vmem>>, vector<16xf32>,
            tpu.vector_store %arg16[%swap3A_466, %swap3A_467], %broadcast_in_dim3A_268 {strides = array<i32>} : memref<32x1024xf32, #tpu.memory_space<vmem>>, vector<16xf32>,
            %swap3A_469 = arith.index_cast %while3A_281 : i32 to index
            %swap3A_470 = arith.constant 992 : index
            %swap3A_471 = tpu.vector_load %arg16[%swap3A_469, %swap3A_470] {strides = array<i32>} : memref<32x1024xf32, #tpu.memory_space<vmem>>, vector<16xf32>,
            tpu.vector_store %arg16[%swap3A_469, %swap3A_470], %broadcast_in_dim3A_268 {strides = array<i32>} : memref<32x1024xf32, #tpu.memory_space<vmem>>, vector<16xf32>,
            %swap3A_472 = arith.index_cast %while3A_281 : i32 to index
            %swap3A_473 = arith.constant 1008 : index
            %swap3A_474 = tpu.vector_load %arg16[%swap3A_472, %swap3A_473] {strides = array<i32>} : memref<32x1024xf32, #tpu.memory_space<vmem>>, vector<16xf32>,
            tpu.vector_store %arg16[%swap3A_472, %swap3A_473], %broadcast_in_dim3A_268 {strides = array<i32>} : memref<32x1024xf32, #tpu.memory_space<vmem>>, vector<16xf32>,
            %while3A_475 = arith.constant 0 : i32
            scf.yield %while3A_475 : i32
          }
          %while3A_279 = arith.constant 1 : i32
          %while3A_280 = scf.for %while3A_281 = %while3A_276 to %while3A_272 step %while3A_279 iter_args(%while3A_282 = %while3A_278) -> (i32)  : i32 {
            %swap3A_283 = arith.index_cast %while3A_281 : i32 to index
            %swap3A_284 = arith.constant 0 : index
            %swap3A_285 = tpu.vector_load %arg16[%swap3A_283, %swap3A_284] {strides = array<i32>} : memref<32x1024xf32, #tpu.memory_space<vmem>>, vector<16xf32>,
            tpu.vector_store %arg16[%swap3A_283, %swap3A_284], %broadcast_in_dim3A_268 {strides = array<i32>} : memref<32x1024xf32, #tpu.memory_space<vmem>>, vector<16xf32>,
            %swap3A_286 = arith.index_cast %while3A_281 : i32 to index
            %swap3A_287 = arith.constant 16 : index
            %swap3A_288 = tpu.vector_load %arg16[%swap3A_286, %swap3A_287] {strides = array<i32>} : memref<32x1024xf32, #tpu.memory_space<vmem>>, vector<16xf32>,
            tpu.vector_store %arg16[%swap3A_286, %swap3A_287], %broadcast_in_dim3A_268 {strides = array<i32>} : memref<32x1024xf32, #tpu.memory_space<vmem>>, vector<16xf32>,
            %swap3A_289 = arith.index_cast %while3A_281 : i32 to index
            %swap3A_290 = arith.constant 32 : index
            %swap3A_291 = tpu.vector_load %arg16[%swap3A_289, %swap3A_290] {strides = array<i32>} : memref<32x1024xf32, #tpu.memory_space<vmem>>, vector<16xf32>,
            tpu.vector_store %arg16[%swap3A_289, %swap3A_290], %broadcast_in_dim3A_268 {strides = array<i32>} : memref<32x1024xf32, #tpu.memory_space<vmem>>, vector<16xf32>,
            %swap3A_292 = arith.index_cast %while3A_281 : i32 to index
            %swap3A_293 = arith.constant 48 : index
            %swap3A_294 = tpu.vector_load %arg16[%swap3A_292, %swap3A_293] {strides = array<i32>} : memref<32x1024xf32, #tpu.memory_space<vmem>>, vector<16xf32>,
            tpu.vector_store %arg16[%swap3A_292, %swap3A_293], %broadcast_in_dim3A_268 {strides = array<i32>} : memref<32x1024xf32, #tpu.memory_space<vmem>>, vector<16xf32>,
            %swap3A_295 = arith.index_cast %while3A_281 : i32 to index
            %swap3A_296 = arith.constant 64 : index
            %swap3A_297 = tpu.vector_load %arg16[%swap3A_295, %swap3A_296] {strides = array<i32>} : memref<32x1024xf32, #tpu.memory_space<vmem>>, vector<16xf32>,
            tpu.vector_store %arg16[%swap3A_295, %swap3A_296], %broadcast_in_dim3A_268 {strides = array<i32>} : memref<32x1024xf32, #tpu.memory_space<vmem>>, vector<16xf32>,
            %swap3A_298 = arith.index_cast %while3A_281 : i32 to index
            %swap3A_299 = arith.constant 80 : index
            %swap3A_300 = tpu.vector_load %arg16[%swap3A_298, %swap3A_299] {strides = array<i32>} : memref<32x1024xf32, #tpu.memory_space<vmem>>, vector<16xf32>,
            tpu.vector_store %arg16[%swap3A_298, %swap3A_299], %broadcast_in_dim3A_268 {strides = array<i32>} : memref<32x1024xf32, #tpu.memory_space<vmem>>, vector<16xf32>,
            %swap3A_301 = arith.index_cast %while3A_281 : i32 to index
            %swap3A_302 = arith.constant 96 : index
            %swap3A_303 = tpu.vector_load %arg16[%swap3A_301, %swap3A_302] {strides = array<i32>} : memref<32x1024xf32, #tpu.memory_space<vmem>>, vector<16xf32>,
            tpu.vector_store %arg16[%swap3A_301, %swap3A_302], %broadcast_in_dim3A_268 {strides = array<i32>} : memref<32x1024xf32, #tpu.memory_space<vmem>>, vector<16xf32>,
            %swap3A_304 = arith.index_cast %while3A_281 : i32 to index
            %swap3A_305 = arith.constant 112 : index
            %swap3A_306 = tpu.vector_load %arg16[%swap3A_304, %swap3A_305] {strides = array<i32>} : memref<32x1024xf32, #tpu.memory_space<vmem>>, vector<16xf32>,
            tpu.vector_store %arg16[%swap3A_304, %swap3A_305], %broadcast_in_dim3A_268 {strides = array<i32>} : memref<32x1024xf32, #tpu.memory_space<vmem>>, vector<16xf32>,
            %swap3A_307 = arith.index_cast %while3A_281 : i32 to index
            %swap3A_308 = arith.constant 128 : index
            %swap3A_309 = tpu.vector_load %arg16[%swap3A_307, %swap3A_308] {strides = array<i32>} : memref<32x1024xf32, #tpu.memory_space<vmem>>, vector<16xf32>,
            tpu.vector_store %arg16[%swap3A_307, %swap3A_308], %broadcast_in_dim3A_268 {strides = array<i32>} : memref<32x1024xf32, #tpu.memory_space<vmem>>, vector<16xf32>,
            %swap3A_310 = arith.index_cast %while3A_281 : i32 to index
            %swap3A_311 = arith.constant 144 : index
            %swap3A_312 = tpu.vector_load %arg16[%swap3A_310, %swap3A_311] {strides = array<i32>} : memref<32x1024xf32, #tpu.memory_space<vmem>>, vector<16xf32>,
            tpu.vector_store %arg16[%swap3A_310, %swap3A_311], %broadcast_in_dim3A_268 {strides = array<i32>} : memref<32x1024xf32, #tpu.memory_space<vmem>>, vector<16xf32>,
            %swap3A_313 = arith.index_cast %while3A_281 : i32 to index
            %swap3A_314 = arith.constant 160 : index
            %swap3A_315 = tpu.vector_load %arg16[%swap3A_313, %swap3A_314] {strides = array<i32>} : memref<32x1024xf32, #tpu.memory_space<vmem>>, vector<16xf32>,
            tpu.vector_store %arg16[%swap3A_313, %swap3A_314], %broadcast_in_dim3A_268 {strides = array<i32>} : memref<32x1024xf32, #tpu.memory_space<vmem>>, vector<16xf32>,
            %swap3A_316 = arith.index_cast %while3A_281 : i32 to index
            %swap3A_317 = arith.constant 176 : index
            %swap3A_318 = tpu.vector_load %arg16[%swap3A_316, %swap3A_317] {strides = array<i32>} : memref<32x1024xf32, #tpu.memory_space<vmem>>, vector<16xf32>,
            tpu.vector_store %arg16[%swap3A_316, %swap3A_317], %broadcast_in_dim3A_268 {strides = array<i32>} : memref<32x1024xf32, #tpu.memory_space<vmem>>, vector<16xf32>,
            %swap3A_319 = arith.index_cast %while3A_281 : i32 to index
            %swap3A_320 = arith.constant 192 : index
            %swap3A_321 = tpu.vector_load %arg16[%swap3A_319, %swap3A_320] {strides = array<i32>} : memref<32x1024xf32, #tpu.memory_space<vmem>>, vector<16xf32>,
            tpu.vector_store %arg16[%swap3A_319, %swap3A_320], %broadcast_in_dim3A_268 {strides = array<i32>} : memref<32x1024xf32, #tpu.memory_space<vmem>>, vector<16xf32>,
            %swap3A_322 = arith.index_cast %while3A_281 : i32 to index
            %swap3A_323 = arith.constant 208 : index
            %swap3A_324 = tpu.vector_load %arg16[%swap3A_322, %swap3A_323] {strides = array<i32>} : memref<32x1024xf32, #tpu.memory_space<vmem>>, vector<16xf32>,
            tpu.vector_store %arg16[%swap3A_322, %swap3A_323], %broadcast_in_dim3A_268 {strides = array<i32>} : memref<32x1024xf32, #tpu.memory_space<vmem>>, vector<16xf32>,
            %swap3A_325 = arith.index_cast %while3A_281 : i32 to index
            %swap3A_326 = arith.constant 224 : index
            %swap3A_327 = tpu.vector_load %arg16[%swap3A_325, %swap3A_326] {strides = array<i32>} : memref<32x1024xf32, #tpu.memory_space<vmem>>, vector<16xf32>,
            tpu.vector_store %arg16[%swap3A_325, %swap3A_326], %broadcast_in_dim3A_268 {strides = array<i32>} : memref<32x1024xf32, #tpu.memory_space<vmem>>, vector<16xf32>,
            %swap3A_328 = arith.index_cast %while3A_281 : i32 to index
            %swap3A_329 = arith.constant 240 : index
            %swap3A_330 = tpu.vector_load %arg16[%swap3A_328, %swap3A_329] {strides = array<i32>} : memref<32x1024xf32, #tpu.memory_space<vmem>>, vector<16xf32>,
            tpu.vector_store %arg16[%swap3A_328, %swap3A_329], %broadcast_in_dim3A_268 {strides = array<i32>} : memref<32x1024xf32, #tpu.memory_space<vmem>>, vector<16xf32>,
            %swap3A_331 = arith.index_cast %while3A_281 : i32 to index
            %swap3A_332 = arith.constant 256 : index
            %swap3A_333 = tpu.vector_load %arg16[%swap3A_331, %swap3A_332] {strides = array<i32>} : memref<32x1024xf32, #tpu.memory_space<vmem>>, vector<16xf32>,
            tpu.vector_store %arg16[%swap3A_331, %swap3A_332], %broadcast_in_dim3A_268 {strides = array<i32>} : memref<32x1024xf32, #tpu.memory_space<vmem>>, vector<16xf32>,
            %swap3A_334 = arith.index_cast %while3A_281 : i32 to index
            %swap3A_335 = arith.constant 272 : index
            %swap3A_336 = tpu.vector_load %arg16[%swap3A_334, %swap3A_335] {strides = array<i32>} : memref<32x1024xf32, #tpu.memory_space<vmem>>, vector<16xf32>,
            tpu.vector_store %arg16[%swap3A_334, %swap3A_335], %broadcast_in_dim3A_268 {strides = array<i32>} : memref<32x1024xf32, #tpu.memory_space<vmem>>, vector<16xf32>,
            %swap3A_337 = arith.index_cast %while3A_281 : i32 to index
            %swap3A_338 = arith.constant 288 : index
            %swap3A_339 = tpu.vector_load %arg16[%swap3A_337, %swap3A_338] {strides = array<i32>} : memref<32x1024xf32, #tpu.memory_space<vmem>>, vector<16xf32>,
            tpu.vector_store %arg16[%swap3A_337, %swap3A_338], %broadcast_in_dim3A_268 {strides = array<i32>} : memref<32x1024xf32, #tpu.memory_space<vmem>>, vector<16xf32>,
            %swap3A_340 = arith.index_cast %while3A_281 : i32 to index
            %swap3A_341 = arith.constant 304 : index
            %swap3A_342 = tpu.vector_load %arg16[%swap3A_340, %swap3A_341] {strides = array<i32>} : memref<32x1024xf32, #tpu.memory_space<vmem>>, vector<16xf32>,
            tpu.vector_store %arg16[%swap3A_340, %swap3A_341], %broadcast_in_dim3A_268 {strides = array<i32>} : memref<32x1024xf32, #tpu.memory_space<vmem>>, vector<16xf32>,
            %swap3A_343 = arith.index_cast %while3A_281 : i32 to index
            %swap3A_344 = arith.constant 320 : index
            %swap3A_345 = tpu.vector_load %arg16[%swap3A_343, %swap3A_344] {strides = array<i32>} : memref<32x1024xf32, #tpu.memory_space<vmem>>, vector<16xf32>,
            tpu.vector_store %arg16[%swap3A_343, %swap3A_344], %broadcast_in_dim3A_268 {strides = array<i32>} : memref<32x1024xf32, #tpu.memory_space<vmem>>, vector<16xf32>,
            %swap3A_346 = arith.index_cast %while3A_281 : i32 to index
            %swap3A_347 = arith.constant 336 : index
            %swap3A_348 = tpu.vector_load %arg16[%swap3A_346, %swap3A_347] {strides = array<i32>} : memref<32x1024xf32, #tpu.memory_space<vmem>>, vector<16xf32>,
            tpu.vector_store %arg16[%swap3A_346, %swap3A_347], %broadcast_in_dim3A_268 {strides = array<i32>} : memref<32x1024xf32, #tpu.memory_space<vmem>>, vector<16xf32>,
            %swap3A_349 = arith.index_cast %while3A_281 : i32 to index
            %swap3A_350 = arith.constant 352 : index
            %swap3A_351 = tpu.vector_load %arg16[%swap3A_349, %swap3A_350] {strides = array<i32>} : memref<32x1024xf32, #tpu.memory_space<vmem>>, vector<16xf32>,
            tpu.vector_store %arg16[%swap3A_349, %swap3A_350], %broadcast_in_dim3A_268 {strides = array<i32>} : memref<32x1024xf32, #tpu.memory_space<vmem>>, vector<16xf32>,
            %swap3A_352 = arith.index_cast %while3A_281 : i32 to index
            %swap3A_353 = arith.constant 368 : index
            %swap3A_354 = tpu.vector_load %arg16[%swap3A_352, %swap3A_353] {strides = array<i32>} : memref<32x1024xf32, #tpu.memory_space<vmem>>, vector<16xf32>,
            tpu.vector_store %arg16[%swap3A_352, %swap3A_353], %broadcast_in_dim3A_268 {strides = array<i32>} : memref<32x1024xf32, #tpu.memory_space<vmem>>, vector<16xf32>,
            %swap3A_355 = arith.index_cast %while3A_281 : i32 to index
            %swap3A_356 = arith.constant 384 : index
            %swap3A_357 = tpu.vector_load %arg16[%swap3A_355, %swap3A_356] {strides = array<i32>} : memref<32x1024xf32, #tpu.memory_space<vmem>>, vector<16xf32>,
            tpu.vector_store %arg16[%swap3A_355, %swap3A_356], %broadcast_in_dim3A_268 {strides = array<i32>} : memref<32x1024xf32, #tpu.memory_space<vmem>>, vector<16xf32>,
            %swap3A_358 = arith.index_cast %while3A_281 : i32 to index
            %swap3A_359 = arith.constant 400 : index
            %swap3A_360 = tpu.vector_load %arg16[%swap3A_358, %swap3A_359] {strides = array<i32>} : memref<32x1024xf32, #tpu.memory_space<vmem>>, vector<16xf32>,
            tpu.vector_store %arg16[%swap3A_358, %swap3A_359], %broadcast_in_dim3A_268 {strides = array<i32>} : memref<32x1024xf32, #tpu.memory_space<vmem>>, vector<16xf32>,
            %swap3A_361 = arith.index_cast %while3A_281 : i32 to index
            %swap3A_362 = arith.constant 416 : index
            %swap3A_363 = tpu.vector_load %arg16[%swap3A_361, %swap3A_362] {strides = array<i32>} : memref<32x1024xf32, #tpu.memory_space<vmem>>, vector<16xf32>,
            tpu.vector_store %arg16[%swap3A_361, %swap3A_362], %broadcast_in_dim3A_268 {strides = array<i32>} : memref<32x1024xf32, #tpu.memory_space<vmem>>, vector<16xf32>,
            %swap3A_364 = arith.index_cast %while3A_281 : i32 to index
            %swap3A_365 = arith.constant 432 : index
            %swap3A_366 = tpu.vector_load %arg16[%swap3A_364, %swap3A_365] {strides = array<i32>} : memref<32x1024xf32, #tpu.memory_space<vmem>>, vector<16xf32>,
            tpu.vector_store %arg16[%swap3A_364, %swap3A_365], %broadcast_in_dim3A_268 {strides = array<i32>} : memref<32x1024xf32, #tpu.memory_space<vmem>>, vector<16xf32>,
            %swap3A_367 = arith.index_cast %while3A_281 : i32 to index
            %swap3A_368 = arith.constant 448 : index
            %swap3A_369 = tpu.vector_load %arg16[%swap3A_367, %swap3A_368] {strides = array<i32>} : memref<32x1024xf32, #tpu.memory_space<vmem>>, vector<16xf32>,
            tpu.vector_store %arg16[%swap3A_367, %swap3A_368], %broadcast_in_dim3A_268 {strides = array<i32>} : memref<32x1024xf32, #tpu.memory_space<vmem>>, vector<16xf32>,
            %swap3A_370 = arith.index_cast %while3A_281 : i32 to index
            %swap3A_371 = arith.constant 464 : index
            %swap3A_372 = tpu.vector_load %arg16[%swap3A_370, %swap3A_371] {strides = array<i32>} : memref<32x1024xf32, #tpu.memory_space<vmem>>, vector<16xf32>,
            tpu.vector_store %arg16[%swap3A_370, %swap3A_371], %broadcast_in_dim3A_268 {strides = array<i32>} : memref<32x1024xf32, #tpu.memory_space<vmem>>, vector<16xf32>,
            %swap3A_373 = arith.index_cast %while3A_281 : i32 to index
            %swap3A_374 = arith.constant 480 : index
            %swap3A_375 = tpu.vector_load %arg16[%swap3A_373, %swap3A_374] {strides = array<i32>} : memref<32x1024xf32, #tpu.memory_space<vmem>>, vector<16xf32>,
            tpu.vector_store %arg16[%swap3A_373, %swap3A_374], %broadcast_in_dim3A_268 {strides = array<i32>} : memref<32x1024xf32, #tpu.memory_space<vmem>>, vector<16xf32>,
            %swap3A_376 = arith.index_cast %while3A_281 : i32 to index
            %swap3A_377 = arith.constant 496 : index
            %swap3A_378 = tpu.vector_load %arg16[%swap3A_376, %swap3A_377] {strides = array<i32>} : memref<32x1024xf32, #tpu.memory_space<vmem>>, vector<16xf32>,
            tpu.vector_store %arg16[%swap3A_376, %swap3A_377], %broadcast_in_dim3A_268 {strides = array<i32>} : memref<32x1024xf32, #tpu.memory_space<vmem>>, vector<16xf32>,
            %swap3A_379 = arith.index_cast %while3A_281 : i32 to index
            %swap3A_380 = arith.constant 512 : index
            %swap3A_381 = tpu.vector_load %arg16[%swap3A_379, %swap3A_380] {strides = array<i32>} : memref<32x1024xf32, #tpu.memory_space<vmem>>, vector<16xf32>,
            tpu.vector_store %arg16[%swap3A_379, %swap3A_380], %broadcast_in_dim3A_268 {strides = array<i32>} : memref<32x1024xf32, #tpu.memory_space<vmem>>, vector<16xf32>,
            %swap3A_382 = arith.index_cast %while3A_281 : i32 to index
            %swap3A_383 = arith.constant 528 : index
            %swap3A_384 = tpu.vector_load %arg16[%swap3A_382, %swap3A_383] {strides = array<i32>} : memref<32x1024xf32, #tpu.memory_space<vmem>>, vector<16xf32>,
            tpu.vector_store %arg16[%swap3A_382, %swap3A_383], %broadcast_in_dim3A_268 {strides = array<i32>} : memref<32x1024xf32, #tpu.memory_space<vmem>>, vector<16xf32>,
            %swap3A_385 = arith.index_cast %while3A_281 : i32 to index
            %swap3A_386 = arith.constant 544 : index
            %swap3A_387 = tpu.vector_load %arg16[%swap3A_385, %swap3A_386] {strides = array<i32>} : memref<32x1024xf32, #tpu.memory_space<vmem>>, vector<16xf32>,
            tpu.vector_store %arg16[%swap3A_385, %swap3A_386], %broadcast_in_dim3A_268 {strides = array<i32>} : memref<32x1024xf32, #tpu.memory_space<vmem>>, vector<16xf32>,
            %swap3A_388 = arith.index_cast %while3A_281 : i32 to index
            %swap3A_389 = arith.constant 560 : index
            %swap3A_390 = tpu.vector_load %arg16[%swap3A_388, %swap3A_389] {strides = array<i32>} : memref<32x1024xf32, #tpu.memory_space<vmem>>, vector<16xf32>,
            tpu.vector_store %arg16[%swap3A_388, %swap3A_389], %broadcast_in_dim3A_268 {strides = array<i32>} : memref<32x1024xf32, #tpu.memory_space<vmem>>, vector<16xf32>,
            %swap3A_391 = arith.index_cast %while3A_281 : i32 to index
            %swap3A_392 = arith.constant 576 : index
            %swap3A_393 = tpu.vector_load %arg16[%swap3A_391, %swap3A_392] {strides = array<i32>} : memref<32x1024xf32, #tpu.memory_space<vmem>>, vector<16xf32>,
            tpu.vector_store %arg16[%swap3A_391, %swap3A_392], %broadcast_in_dim3A_268 {strides = array<i32>} : memref<32x1024xf32, #tpu.memory_space<vmem>>, vector<16xf32>,
            %swap3A_394 = arith.index_cast %while3A_281 : i32 to index
            %swap3A_395 = arith.constant 592 : index
            %swap3A_396 = tpu.vector_load %arg16[%swap3A_394, %swap3A_395] {strides = array<i32>} : memref<32x1024xf32, #tpu.memory_space<vmem>>, vector<16xf32>,
            tpu.vector_store %arg16[%swap3A_394, %swap3A_395], %broadcast_in_dim3A_268 {strides = array<i32>} : memref<32x1024xf32, #tpu.memory_space<vmem>>, vector<16xf32>,
            %swap3A_397 = arith.index_cast %while3A_281 : i32 to index
            %swap3A_398 = arith.constant 608 : index
            %swap3A_399 = tpu.vector_load %arg16[%swap3A_397, %swap3A_398] {strides = array<i32>} : memref<32x1024xf32, #tpu.memory_space<vmem>>, vector<16xf32>,
            tpu.vector_store %arg16[%swap3A_397, %swap3A_398], %broadcast_in_dim3A_268 {strides = array<i32>} : memref<32x1024xf32, #tpu.memory_space<vmem>>, vector<16xf32>,
            %swap3A_400 = arith.index_cast %while3A_281 : i32 to index
            %swap3A_401 = arith.constant 624 : index
            %swap3A_402 = tpu.vector_load %arg16[%swap3A_400, %swap3A_401] {strides = array<i32>} : memref<32x1024xf32, #tpu.memory_space<vmem>>, vector<16xf32>,
            tpu.vector_store %arg16[%swap3A_400, %swap3A_401], %broadcast_in_dim3A_268 {strides = array<i32>} : memref<32x1024xf32, #tpu.memory_space<vmem>>, vector<16xf32>,
            %swap3A_403 = arith.index_cast %while3A_281 : i32 to index
            %swap3A_404 = arith.constant 640 : index
            %swap3A_405 = tpu.vector_load %arg16[%swap3A_403, %swap3A_404] {strides = array<i32>} : memref<32x1024xf32, #tpu.memory_space<vmem>>, vector<16xf32>,
            tpu.vector_store %arg16[%swap3A_403, %swap3A_404], %broadcast_in_dim3A_268 {strides = array<i32>} : memref<32x1024xf32, #tpu.memory_space<vmem>>, vector<16xf32>,
            %swap3A_406 = arith.index_cast %while3A_281 : i32 to index
            %swap3A_407 = arith.constant 656 : index
            %swap3A_408 = tpu.vector_load %arg16[%swap3A_406, %swap3A_407] {strides = array<i32>} : memref<32x1024xf32, #tpu.memory_space<vmem>>, vector<16xf32>,
            tpu.vector_store %arg16[%swap3A_406, %swap3A_407], %broadcast_in_dim3A_268 {strides = array<i32>} : memref<32x1024xf32, #tpu.memory_space<vmem>>, vector<16xf32>,
            %swap3A_409 = arith.index_cast %while3A_281 : i32 to index
            %swap3A_410 = arith.constant 672 : index
            %swap3A_411 = tpu.vector_load %arg16[%swap3A_409, %swap3A_410] {strides = array<i32>} : memref<32x1024xf32, #tpu.memory_space<vmem>>, vector<16xf32>,
            tpu.vector_store %arg16[%swap3A_409, %swap3A_410], %broadcast_in_dim3A_268 {strides = array<i32>} : memref<32x1024xf32, #tpu.memory_space<vmem>>, vector<16xf32>,
            %swap3A_412 = arith.index_cast %while3A_281 : i32 to index
            %swap3A_413 = arith.constant 688 : index
            %swap3A_414 = tpu.vector_load %arg16[%swap3A_412, %swap3A_413] {strides = array<i32>} : memref<32x1024xf32, #tpu.memory_space<vmem>>, vector<16xf32>,
            tpu.vector_store %arg16[%swap3A_412, %swap3A_413], %broadcast_in_dim3A_268 {strides = array<i32>} : memref<32x1024xf32, #tpu.memory_space<vmem>>, vector<16xf32>,
            %swap3A_415 = arith.index_cast %while3A_281 : i32 to index
            %swap3A_416 = arith.constant 704 : index
            %swap3A_417 = tpu.vector_load %arg16[%swap3A_415, %swap3A_416] {strides = array<i32>} : memref<32x1024xf32, #tpu.memory_space<vmem>>, vector<16xf32>,
            tpu.vector_store %arg16[%swap3A_415, %swap3A_416], %broadcast_in_dim3A_268 {strides = array<i32>} : memref<32x1024xf32, #tpu.memory_space<vmem>>, vector<16xf32>,
            %swap3A_418 = arith.index_cast %while3A_281 : i32 to index
            %swap3A_419 = arith.constant 720 : index
            %swap3A_420 = tpu.vector_load %arg16[%swap3A_418, %swap3A_419] {strides = array<i32>} : memref<32x1024xf32, #tpu.memory_space<vmem>>, vector<16xf32>,
            tpu.vector_store %arg16[%swap3A_418, %swap3A_419], %broadcast_in_dim3A_268 {strides = array<i32>} : memref<32x1024xf32, #tpu.memory_space<vmem>>, vector<16xf32>,
            %swap3A_421 = arith.index_cast %while3A_281 : i32 to index
            %swap3A_422 = arith.constant 736 : index
            %swap3A_423 = tpu.vector_load %arg16[%swap3A_421, %swap3A_422] {strides = array<i32>} : memref<32x1024xf32, #tpu.memory_space<vmem>>, vector<16xf32>,
            tpu.vector_store %arg16[%swap3A_421, %swap3A_422], %broadcast_in_dim3A_268 {strides = array<i32>} : memref<32x1024xf32, #tpu.memory_space<vmem>>, vector<16xf32>,
            %swap3A_424 = arith.index_cast %while3A_281 : i32 to index
            %swap3A_425 = arith.constant 752 : index
            %swap3A_426 = tpu.vector_load %arg16[%swap3A_424, %swap3A_425] {strides = array<i32>} : memref<32x1024xf32, #tpu.memory_space<vmem>>, vector<16xf32>,
            tpu.vector_store %arg16[%swap3A_424, %swap3A_425], %broadcast_in_dim3A_268 {strides = array<i32>} : memref<32x1024xf32, #tpu.memory_space<vmem>>, vector<16xf32>,
            %swap3A_427 = arith.index_cast %while3A_281 : i32 to index
            %swap3A_428 = arith.constant 768 : index
            %swap3A_429 = tpu.vector_load %arg16[%swap3A_427, %swap3A_428] {strides = array<i32>} : memref<32x1024xf32, #tpu.memory_space<vmem>>, vector<16xf32>,
            tpu.vector_store %arg16[%swap3A_427, %swap3A_428], %broadcast_in_dim3A_268 {strides = array<i32>} : memref<32x1024xf32, #tpu.memory_space<vmem>>, vector<16xf32>,
            %swap3A_430 = arith.index_cast %while3A_281 : i32 to index
            %swap3A_431 = arith.constant 784 : index
            %swap3A_432 = tpu.vector_load %arg16[%swap3A_430, %swap3A_431] {strides = array<i32>} : memref<32x1024xf32, #tpu.memory_space<vmem>>, vector<16xf32>,
            tpu.vector_store %arg16[%swap3A_430, %swap3A_431], %broadcast_in_dim3A_268 {strides = array<i32>} : memref<32x1024xf32, #tpu.memory_space<vmem>>, vector<16xf32>,
            %swap3A_433 = arith.index_cast %while3A_281 : i32 to index
            %swap3A_434 = arith.constant 800 : index
            %swap3A_435 = tpu.vector_load %arg16[%swap3A_433, %swap3A_434] {strides = array<i32>} : memref<32x1024xf32, #tpu.memory_space<vmem>>, vector<16xf32>,
            tpu.vector_store %arg16[%swap3A_433, %swap3A_434], %broadcast_in_dim3A_268 {strides = array<i32>} : memref<32x1024xf32, #tpu.memory_space<vmem>>, vector<16xf32>,
            %swap3A_436 = arith.index_cast %while3A_281 : i32 to index
            %swap3A_437 = arith.constant 816 : index
            %swap3A_438 = tpu.vector_load %arg16[%swap3A_436, %swap3A_437] {strides = array<i32>} : memref<32x1024xf32, #tpu.memory_space<vmem>>, vector<16xf32>,
            tpu.vector_store %arg16[%swap3A_436, %swap3A_437], %broadcast_in_dim3A_268 {strides = array<i32>} : memref<32x1024xf32, #tpu.memory_space<vmem>>, vector<16xf32>,
            %swap3A_439 = arith.index_cast %while3A_281 : i32 to index
            %swap3A_440 = arith.constant 832 : index
            %swap3A_441 = tpu.vector_load %arg16[%swap3A_439, %swap3A_440] {strides = array<i32>} : memref<32x1024xf32, #tpu.memory_space<vmem>>, vector<16xf32>,
            tpu.vector_store %arg16[%swap3A_439, %swap3A_440], %broadcast_in_dim3A_268 {strides = array<i32>} : memref<32x1024xf32, #tpu.memory_space<vmem>>, vector<16xf32>,
            %swap3A_442 = arith.index_cast %while3A_281 : i32 to index
            %swap3A_443 = arith.constant 848 : index
            %swap3A_444 = tpu.vector_load %arg16[%swap3A_442, %swap3A_443] {strides = array<i32>} : memref<32x1024xf32, #tpu.memory_space<vmem>>, vector<16xf32>,
            tpu.vector_store %arg16[%swap3A_442, %swap3A_443], %broadcast_in_dim3A_268 {strides = array<i32>} : memref<32x1024xf32, #tpu.memory_space<vmem>>, vector<16xf32>,
            %swap3A_445 = arith.index_cast %while3A_281 : i32 to index
            %swap3A_446 = arith.constant 864 : index
            %swap3A_447 = tpu.vector_load %arg16[%swap3A_445, %swap3A_446] {strides = array<i32>} : memref<32x1024xf32, #tpu.memory_space<vmem>>, vector<16xf32>,
            tpu.vector_store %arg16[%swap3A_445, %swap3A_446], %broadcast_in_dim3A_268 {strides = array<i32>} : memref<32x1024xf32, #tpu.memory_space<vmem>>, vector<16xf32>,
            %swap3A_448 = arith.index_cast %while3A_281 : i32 to index
            %swap3A_449 = arith.constant 880 : index
            %swap3A_450 = tpu.vector_load %arg16[%swap3A_448, %swap3A_449] {strides = array<i32>} : memref<32x1024xf32, #tpu.memory_space<vmem>>, vector<16xf32>,
            tpu.vector_store %arg16[%swap3A_448, %swap3A_449], %broadcast_in_dim3A_268 {strides = array<i32>} : memref<32x1024xf32, #tpu.memory_space<vmem>>, vector<16xf32>,
            %swap3A_451 = arith.index_cast %while3A_281 : i32 to index
            %swap3A_452 = arith.constant 896 : index
            %swap3A_453 = tpu.vector_load %arg16[%swap3A_451, %swap3A_452] {strides = array<i32>} : memref<32x1024xf32, #tpu.memory_space<vmem>>, vector<16xf32>,
            tpu.vector_store %arg16[%swap3A_451, %swap3A_452], %broadcast_in_dim3A_268 {strides = array<i32>} : memref<32x1024xf32, #tpu.memory_space<vmem>>, vector<16xf32>,
            %swap3A_454 = arith.index_cast %while3A_281 : i32 to index
            %swap3A_455 = arith.constant 912 : index
            %swap3A_456 = tpu.vector_load %arg16[%swap3A_454, %swap3A_455] {strides = array<i32>} : memref<32x1024xf32, #tpu.memory_space<vmem>>, vector<16xf32>,
            tpu.vector_store %arg16[%swap3A_454, %swap3A_455], %broadcast_in_dim3A_268 {strides = array<i32>} : memref<32x1024xf32, #tpu.memory_space<vmem>>, vector<16xf32>,
            %swap3A_457 = arith.index_cast %while3A_281 : i32 to index
            %swap3A_458 = arith.constant 928 : index
            %swap3A_459 = tpu.vector_load %arg16[%swap3A_457, %swap3A_458] {strides = array<i32>} : memref<32x1024xf32, #tpu.memory_space<vmem>>, vector<16xf32>,
            tpu.vector_store %arg16[%swap3A_457, %swap3A_458], %broadcast_in_dim3A_268 {strides = array<i32>} : memref<32x1024xf32, #tpu.memory_space<vmem>>, vector<16xf32>,
            %swap3A_460 = arith.index_cast %while3A_281 : i32 to index
            %swap3A_461 = arith.constant 944 : index
            %swap3A_462 = tpu.vector_load %arg16[%swap3A_460, %swap3A_461] {strides = array<i32>} : memref<32x1024xf32, #tpu.memory_space<vmem>>, vector<16xf32>,
            tpu.vector_store %arg16[%swap3A_460, %swap3A_461], %broadcast_in_dim3A_268 {strides = array<i32>} : memref<32x1024xf32, #tpu.memory_space<vmem>>, vector<16xf32>,
            %swap3A_463 = arith.index_cast %while3A_281 : i32 to index
            %swap3A_464 = arith.constant 960 : index
            %swap3A_465 = tpu.vector_load %arg16[%swap3A_463, %swap3A_464] {strides = array<i32>} : memref<32x1024xf32, #tpu.memory_space<vmem>>, vector<16xf32>,
            tpu.vector_store %arg16[%swap3A_463, %swap3A_464], %broadcast_in_dim3A_268 {strides = array<i32>} : memref<32x1024xf32, #tpu.memory_space<vmem>>, vector<16xf32>,
            %swap3A_466 = arith.index_cast %while3A_281 : i32 to index
            %swap3A_467 = arith.constant 976 : index
            %swap3A_468 = tpu.vector_load %arg16[%swap3A_466, %swap3A_467] {strides = array<i32>} : memref<32x1024xf32, #tpu.memory_space<vmem>>, vector<16xf32>,
            tpu.vector_store %arg16[%swap3A_466, %swap3A_467], %broadcast_in_dim3A_268 {strides = array<i32>} : memref<32x1024xf32, #tpu.memory_space<vmem>>, vector<16xf32>,
            %swap3A_469 = arith.index_cast %while3A_281 : i32 to index
            %swap3A_470 = arith.constant 992 : index
            %swap3A_471 = tpu.vector_load %arg16[%swap3A_469, %swap3A_470] {strides = array<i32>} : memref<32x1024xf32, #tpu.memory_space<vmem>>, vector<16xf32>,
            tpu.vector_store %arg16[%swap3A_469, %swap3A_470], %broadcast_in_dim3A_268 {strides = array<i32>} : memref<32x1024xf32, #tpu.memory_space<vmem>>, vector<16xf32>,
            %swap3A_472 = arith.index_cast %while3A_281 : i32 to index
            %swap3A_473 = arith.constant 1008 : index
            %swap3A_474 = tpu.vector_load %arg16[%swap3A_472, %swap3A_473] {strides = array<i32>} : memref<32x1024xf32, #tpu.memory_space<vmem>>, vector<16xf32>,
            tpu.vector_store %arg16[%swap3A_472, %swap3A_473], %broadcast_in_dim3A_268 {strides = array<i32>} : memref<32x1024xf32, #tpu.memory_space<vmem>>, vector<16xf32>,
            %while3A_475 = arith.constant 0 : i32
            scf.yield %while3A_475 : i32
          }
        } else {
        }
        %mul3A_253 = arith.constant 32 : i32
        %mul3A_254 = arith.muli %while3A_194, %mul3A_253 : i32
        %add3A_255 = arith.addi %mul3A_32, %mul3A_254 : i32
        %dma_start3A = arith.constant 0 : i32
        %dma_start3A_256 = tpu.memref_slice %arg5[%add3A, %add3A_255, %dma_start3A] : memref<16x2560x1024xf32, #tpu.memory_space<hbm>> -> memref<1x32x1024xf32, #tpu.memory_space<hbm>>
        %dma_start3A_257 = tpu.memref_squeeze %dma_start3A_256 : memref<1x32x1024xf32, #tpu.memory_space<hbm>> -> memref<32x1024xf32, #tpu.memory_space<hbm>>
        %dma_start3A_258 = arith.constant 0 : i32
        %dma_start3A_259 = tpu.memref_slice %arg5[%add3A, %add3A_255, %dma_start3A_258] : memref<16x2560x1024xf32, #tpu.memory_space<hbm>> -> memref<1x32x1024xf32, #tpu.memory_space<hbm>>
        %dma_start3A_260 = tpu.memref_squeeze %dma_start3A_259 : memref<1x32x1024xf32, #tpu.memory_space<hbm>> -> memref<32x1024xf32, #tpu.memory_space<hbm>>
        tpu.enqueue_dma source(%arg16 : memref<32x1024xf32, #tpu.memory_space<vmem>>) target(%dma_start3A_260 : memref<32x1024xf32, #tpu.memory_space<hbm>>) target_semaphore(%arg24 : memref<!tpu.dma_semaphore, #tpu.memory_space<semaphore_mem>>)
        %add3A_261 = arith.constant 1 : i32
        %add3A_262 = arith.addi %while3A_194, %add3A_261 : i32
        %lt3A_263 = arith.cmpi slt, %add3A_262, %select_n3A_123 : i32
        %convert_element_type3A_264 = arith.extui %lt3A_263 : i1 to i32
        %cond3A_265 = arith.constant 0 : i32
        %cond3A_266 = arith.cmpi ne, %convert_element_type3A_264, %cond3A_265 : i32
        scf.if %cond3A_266 {
          %add3A_267 = arith.constant 1 : i32
          %add3A_268 = arith.addi %while3A_194, %add3A_267 : i32
          %mul3A_269 = arith.constant 32 : i32
          %mul3A_270 = arith.muli %add3A_268, %mul3A_269 : i32
          %add3A_271 = arith.addi %mul3A_32, %mul3A_270 : i32
          %add3A_272 = arith.constant 0 : i32
          %add3A_273 = arith.addi %add3A_271, %add3A_272 : i32
          %add3A_274 = vector.broadcast %add3A_273 : i32 to vector<16xi32>
          %add3A_275 = arith.addi %add3A_274, %iota3A : vector<16xi32>
          %add3A_276 = arith.constant 0 : i32
          %add3A_277 = arith.addi %add3A_271, %add3A_276 : i32
          %add3A_278 = vector.broadcast %add3A_277 : i32 to vector<16xi32>
          %add3A_279 = arith.addi %add3A_278, %iota3A : vector<16xi32>
          %lt3A_280 = vector.broadcast %reduce_max3A_79 : i32 to vector<16xi32>
          %lt3A_281 = arith.cmpi slt, %add3A_279, %lt3A_280 : vector<16xi32>
          %jit3A_282 = arith.constant 0 : i32
          %jit3A_283 = arith.constant 2559 : i32
          %max3A_284 = vector.broadcast %jit3A_282 : i32 to vector<16xi32>
          %max3A_285 = arith.maxsi %max3A_284, %add3A_279 : vector<16xi32>
          %min3A_286 = vector.broadcast %jit3A_283 : i32 to vector<16xi32>
          %min3A_287 = arith.minsi %min3A_286, %max3A_285 : vector<16xi32>
          %sub3A_288 = vector.broadcast %reduce_max3A_79 : i32 to vector<16xi32>
          %sub3A_289 = arith.subi %add3A_279, %sub3A_288 : vector<16xi32>
          %jit3A_290 = arith.constant 0 : i32
          %jit3A_291 = arith.constant 2559 : i32
          %max3A_292 = vector.broadcast %jit3A_290 : i32 to vector<16xi32>
          %max3A_293 = arith.maxsi %max3A_292, %sub3A_289 : vector<16xi32>
          %min3A_294 = vector.broadcast %jit3A_291 : i32 to vector<16xi32>
          %min3A_295 = arith.minsi %min3A_294, %max3A_293 : vector<16xi32>
          %gather3A = tpu.vector_load_idx %arg11[%min3A_287] : memref<2576xi32, #tpu.memory_space<vmem>>[vector<16xi32>], vector<16xi32>,
          %gather3A_296 = tpu.vector_load_idx %arg12[%min3A_295] : memref<2576xi32, #tpu.memory_space<vmem>>[vector<16xi32>], vector<16xi32>,
          %select_n3A_297 = arith.select %lt3A_281, %gather3A, %gather3A_296 : vector<16xi1>, vector<16xi32>
          %lt3A_298 = vector.broadcast %min3A_91 : i32 to vector<16xi32>
          %lt3A_299 = arith.cmpi slt, %add3A_279, %lt3A_298 : vector<16xi32>
          %mul3A_300 = arith.constant 2 : i32
          %mul3A_301 = vector.broadcast %mul3A_300 : i32 to vector<16xi32>
          %mul3A_302 = arith.muli %add3A_275, %mul3A_301 : vector<16xi32>
          %select_n3A_303 = arith.select %lt3A_299, %select_n3A_297, %mul3A_302 : vector<16xi1>, vector<16xi32>
          %jit3A_304 = arith.constant 2 : i32
          %div3A_305 = vector.broadcast %jit3A_304 : i32 to vector<16xi32>
          %div3A_306 = arith.divsi %select_n3A_303, %div3A_305 : vector<16xi32>
          %sign3A_307 = arith.constant 0 : i32
          %sign3A_308 = vector.broadcast %sign3A_307 : i32 to vector<16xi32>
          %sign3A_309 = arith.cmpi sgt, %select_n3A_303, %sign3A_308 : vector<16xi32>
          %sign3A_310 = arith.extui %sign3A_309 : vector<16xi1> to vector<16xi32>
          %sign3A_311 = arith.constant 0 : i32
          %sign3A_312 = vector.broadcast %sign3A_311 : i32 to vector<16xi32>
          %sign3A_313 = arith.cmpi slt, %select_n3A_303, %sign3A_312 : vector<16xi32>
          %sign3A_314 = arith.extui %sign3A_313 : vector<16xi1> to vector<16xi32>
          %sign3A_315 = arith.subi %sign3A_310, %sign3A_314 : vector<16xi32>
          %sign3A_316 = arith.constant 0 : i32
          %sign3A_317 = arith.cmpi sgt, %jit3A_304, %sign3A_316 : i32
          %sign3A_318 = arith.extui %sign3A_317 : i1 to i32
          %sign3A_319 = arith.constant 0 : i32
          %sign3A_320 = arith.cmpi slt, %jit3A_304, %sign3A_319 : i32
          %sign3A_321 = arith.extui %sign3A_320 : i1 to i32
          %sign3A_322 = arith.subi %sign3A_318, %sign3A_321 : i32
          %ne3A_323 = vector.broadcast %sign3A_322 : i32 to vector<16xi32>
          %ne3A_324 = arith.cmpi ne, %sign3A_315, %ne3A_323 : vector<16xi32>
          %rem3A_325 = vector.broadcast %jit3A_304 : i32 to vector<16xi32>
          %rem3A_326 = arith.remsi %select_n3A_303, %rem3A_325 : vector<16xi32>
          %ne3A_327 = arith.constant 0 : i32
          %ne3A_328 = vector.broadcast %ne3A_327 : i32 to vector<16xi32>
          %ne3A_329 = arith.cmpi ne, %rem3A_326, %ne3A_328 : vector<16xi32>
          %and3A_330 = arith.andi %ne3A_324, %ne3A_329 : vector<16xi1>
          %sub3A_331 = arith.constant 1 : i32
          %sub3A_332 = vector.broadcast %sub3A_331 : i32 to vector<16xi32>
          %sub3A_333 = arith.subi %div3A_306, %sub3A_332 : vector<16xi32>
          %select_n3A_334 = arith.select %and3A_330, %sub3A_333, %div3A_306 : vector<16xi1>, vector<16xi32>
          %swap3A_335 = arith.constant 0 : index
          %swap3A_336 = tpu.vector_load %arg13[%swap3A_335] {strides = array<i32>} : memref<32xi32, #tpu.memory_space<vmem>>, vector<16xi32>,
          tpu.vector_store %arg13[%swap3A_335], %select_n3A_334 {strides = array<i32>} : memref<32xi32, #tpu.memory_space<vmem>>, vector<16xi32>,
          %add3A_337 = arith.constant 16 : i32
          %add3A_338 = arith.addi %add3A_271, %add3A_337 : i32
          %add3A_339 = vector.broadcast %add3A_338 : i32 to vector<16xi32>
          %add3A_340 = arith.addi %add3A_339, %iota3A : vector<16xi32>
          %add3A_341 = arith.constant 16 : i32
          %add3A_342 = arith.addi %add3A_271, %add3A_341 : i32
          %add3A_343 = vector.broadcast %add3A_342 : i32 to vector<16xi32>
          %add3A_344 = arith.addi %add3A_343, %iota3A : vector<16xi32>
          %lt3A_345 = vector.broadcast %reduce_max3A_79 : i32 to vector<16xi32>
          %lt3A_346 = arith.cmpi slt, %add3A_344, %lt3A_345 : vector<16xi32>
          %jit3A_347 = arith.constant 0 : i32
          %jit3A_348 = arith.constant 2559 : i32
          %max3A_349 = vector.broadcast %jit3A_347 : i32 to vector<16xi32>
          %max3A_350 = arith.maxsi %max3A_349, %add3A_344 : vector<16xi32>
          %min3A_351 = vector.broadcast %jit3A_348 : i32 to vector<16xi32>
          %min3A_352 = arith.minsi %min3A_351, %max3A_350 : vector<16xi32>
          %sub3A_353 = vector.broadcast %reduce_max3A_79 : i32 to vector<16xi32>
          %sub3A_354 = arith.subi %add3A_344, %sub3A_353 : vector<16xi32>
          %jit3A_355 = arith.constant 0 : i32
          %jit3A_356 = arith.constant 2559 : i32
          %max3A_357 = vector.broadcast %jit3A_355 : i32 to vector<16xi32>
          %max3A_358 = arith.maxsi %max3A_357, %sub3A_354 : vector<16xi32>
          %min3A_359 = vector.broadcast %jit3A_356 : i32 to vector<16xi32>
          %min3A_360 = arith.minsi %min3A_359, %max3A_358 : vector<16xi32>
          %gather3A_361 = tpu.vector_load_idx %arg11[%min3A_352] : memref<2576xi32, #tpu.memory_space<vmem>>[vector<16xi32>], vector<16xi32>,
          %gather3A_362 = tpu.vector_load_idx %arg12[%min3A_360] : memref<2576xi32, #tpu.memory_space<vmem>>[vector<16xi32>], vector<16xi32>,
          %select_n3A_363 = arith.select %lt3A_346, %gather3A_361, %gather3A_362 : vector<16xi1>, vector<16xi32>
          %lt3A_364 = vector.broadcast %min3A_91 : i32 to vector<16xi32>
          %lt3A_365 = arith.cmpi slt, %add3A_344, %lt3A_364 : vector<16xi32>
          %mul3A_366 = arith.constant 2 : i32
          %mul3A_367 = vector.broadcast %mul3A_366 : i32 to vector<16xi32>
          %mul3A_368 = arith.muli %add3A_340, %mul3A_367 : vector<16xi32>
          %select_n3A_369 = arith.select %lt3A_365, %select_n3A_363, %mul3A_368 : vector<16xi1>, vector<16xi32>
          %jit3A_370 = arith.constant 2 : i32
          %div3A_371 = vector.broadcast %jit3A_370 : i32 to vector<16xi32>
          %div3A_372 = arith.divsi %select_n3A_369, %div3A_371 : vector<16xi32>
          %sign3A_373 = arith.constant 0 : i32
          %sign3A_374 = vector.broadcast %sign3A_373 : i32 to vector<16xi32>
          %sign3A_375 = arith.cmpi sgt, %select_n3A_369, %sign3A_374 : vector<16xi32>
          %sign3A_376 = arith.extui %sign3A_375 : vector<16xi1> to vector<16xi32>
          %sign3A_377 = arith.constant 0 : i32
          %sign3A_378 = vector.broadcast %sign3A_377 : i32 to vector<16xi32>
          %sign3A_379 = arith.cmpi slt, %select_n3A_369, %sign3A_378 : vector<16xi32>
          %sign3A_380 = arith.extui %sign3A_379 : vector<16xi1> to vector<16xi32>
          %sign3A_381 = arith.subi %sign3A_376, %sign3A_380 : vector<16xi32>
          %sign3A_382 = arith.constant 0 : i32
          %sign3A_383 = arith.cmpi sgt, %jit3A_370, %sign3A_382 : i32
          %sign3A_384 = arith.extui %sign3A_383 : i1 to i32
          %sign3A_385 = arith.constant 0 : i32
          %sign3A_386 = arith.cmpi slt, %jit3A_370, %sign3A_385 : i32
          %sign3A_387 = arith.extui %sign3A_386 : i1 to i32
          %sign3A_388 = arith.subi %sign3A_384, %sign3A_387 : i32
          %ne3A_389 = vector.broadcast %sign3A_388 : i32 to vector<16xi32>
          %ne3A_390 = arith.cmpi ne, %sign3A_381, %ne3A_389 : vector<16xi32>
          %rem3A_391 = vector.broadcast %jit3A_370 : i32 to vector<16xi32>
          %rem3A_392 = arith.remsi %select_n3A_369, %rem3A_391 : vector<16xi32>
          %ne3A_393 = arith.constant 0 : i32
          %ne3A_394 = vector.broadcast %ne3A_393 : i32 to vector<16xi32>
          %ne3A_395 = arith.cmpi ne, %rem3A_392, %ne3A_394 : vector<16xi32>
          %and3A_396 = arith.andi %ne3A_390, %ne3A_395 : vector<16xi1>
          %sub3A_397 = arith.constant 1 : i32
          %sub3A_398 = vector.broadcast %sub3A_397 : i32 to vector<16xi32>
          %sub3A_399 = arith.subi %div3A_372, %sub3A_398 : vector<16xi32>
          %select_n3A_400 = arith.select %and3A_396, %sub3A_399, %div3A_372 : vector<16xi1>, vector<16xi32>
          %swap3A_401 = arith.constant 16 : index
          %swap3A_402 = tpu.vector_load %arg13[%swap3A_401] {strides = array<i32>} : memref<32xi32, #tpu.memory_space<vmem>>, vector<16xi32>,
          tpu.vector_store %arg13[%swap3A_401], %select_n3A_400 {strides = array<i32>} : memref<32xi32, #tpu.memory_space<vmem>>, vector<16xi32>,
          %ge3A_403 = arith.constant 1 : i32
          %ge3A_404 = arith.cmpi sge, %while3A_194, %ge3A_403 : i32
          %convert_element_type3A_405 = arith.extui %ge3A_404 : i1 to i32
          %cond3A_406 = arith.constant 0 : i32
          %cond3A_407 = arith.cmpi ne, %convert_element_type3A_405, %cond3A_406 : i32
          scf.if %cond3A_407 {
            %dma_wait3A_411 = arith.constant 0 : i32
            %dma_wait3A_412 = tpu.memref_slice %arg5[%add3A, %mul3A_32, %dma_wait3A_411] : memref<16x2560x1024xf32, #tpu.memory_space<hbm>> -> memref<1x32x1024xf32, #tpu.memory_space<hbm>>
            %dma_wait3A_413 = tpu.memref_squeeze %dma_wait3A_412 : memref<1x32x1024xf32, #tpu.memory_space<hbm>> -> memref<32x1024xf32, #tpu.memory_space<hbm>>
            %dma_wait3A_414 = arith.constant 0 : i32
            %dma_wait3A_415 = tpu.memref_slice %arg5[%add3A, %mul3A_32, %dma_wait3A_414] : memref<16x2560x1024xf32, #tpu.memory_space<hbm>> -> memref<1x32x1024xf32, #tpu.memory_space<hbm>>
            %dma_wait3A_416 = tpu.memref_squeeze %dma_wait3A_415 : memref<1x32x1024xf32, #tpu.memory_space<hbm>> -> memref<32x1024xf32, #tpu.memory_space<hbm>>
            tpu.wait_dma2 semaphore(%arg23 : memref<!tpu.dma_semaphore, #tpu.memory_space<semaphore_mem>>) src(%arg15 : memref<32x1024xf32, #tpu.memory_space<vmem>>) dst(%dma_wait3A_416 : memref<32x1024xf32, #tpu.memory_space<hbm>>)
          } else {
          }
          %dma_start3A_408 = arith.constant 0 : i32
          %dma_start3A_409 = arith.constant 0 : i32
          %dma_start3A_410 = tpu.memref_slice %arg3[%dma_start3A_408, %dma_start3A_409] : memref<16384x1024xf32, #tpu.memory_space<hbm>> -> memref<16384x1024xf32, #tpu.memory_space<hbm>>
          tpu.enqueue_indirect_dma source(%dma_start3A_410 : memref<16384x1024xf32, #tpu.memory_space<hbm>>) target(%arg15 : memref<32x1024xf32, #tpu.memory_space<vmem>>) offsets(%arg13 : memref<32xi32, #tpu.memory_space<vmem>>) semaphore(%arg21 : memref<!tpu.dma_semaphore, #tpu.memory_space<semaphore_mem>>)
        } else {
        }
      } else {
      }
      %while3A_238 = arith.constant 0 : i32
      scf.yield %while3A_238 : i32
    }
    %while3A_142 = arith.constant 1 : i32
    %while3A_143 = scf.for %while3A_194 = %while3A_139 to %while3A_135 step %while3A_142 iter_args(%while3A_195 = %while3A_141) -> (i32)  : i32 {
      %jit3A_196 = arith.constant 2 : i32
      %eq3A_197 = arith.constant 0 : i32
      %eq3A_198 = arith.cmpi eq, %jit3A_196, %eq3A_197 : i32
      %jit3A_199 = arith.constant 1 : i32
      %select_n3A_200 = arith.select %eq3A_198, %jit3A_199, %jit3A_196 : i32
      %rem3A_201 = arith.remsi %while3A_194, %select_n3A_200 : i32
      %ne3A_202 = arith.constant 0 : i32
      %ne3A_203 = arith.cmpi ne, %rem3A_201, %ne3A_202 : i32
      %lt3A_204 = arith.constant 0 : i32
      %lt3A_205 = arith.cmpi slt, %rem3A_201, %lt3A_204 : i32
      %lt3A_206 = arith.constant 0 : i32
      %lt3A_207 = arith.cmpi slt, %select_n3A_200, %lt3A_206 : i32
      %ne3A_208 = arith.xori %lt3A_205, %lt3A_207 : i1
      %and3A_209 = arith.andi %ne3A_208, %ne3A_203 : i1
      %add3A_210 = arith.addi %rem3A_201, %select_n3A_200 : i32
      %select_n3A_211 = arith.select %and3A_209, %add3A_210, %rem3A_201 : i32
      %eq3A_212 = arith.constant 0 : i32
      %eq3A_213 = arith.cmpi eq, %select_n3A_211, %eq3A_212 : i32
      %convert_element_type3A_214 = arith.extui %eq3A_213 : i1 to i32
      %cond3A_215 = arith.constant 0 : i32
      %cond3A_216 = arith.cmpi ne, %convert_element_type3A_214, %cond3A_215 : i32
      scf.if %cond3A_216 {
        %dma_wait3A = arith.constant 0 : i32
        %dma_wait3A_239 = arith.constant 0 : i32
        %dma_wait3A_240 = tpu.memref_slice %arg3[%dma_wait3A, %dma_wait3A_239] : memref<16384x1024xf32, #tpu.memory_space<hbm>> -> memref<16384x1024xf32, #tpu.memory_space<hbm>>
        tpu.wait_indirect_dma semaphore(%arg21 : memref<!tpu.dma_semaphore, #tpu.memory_space<semaphore_mem>>) src(%dma_wait3A_240 : memref<16384x1024xf32, #tpu.memory_space<hbm>>) dst(%arg15 : memref<32x1024xf32, #tpu.memory_space<vmem>>)
        %mul3A_241 = arith.constant 32 : i32
        %mul3A_242 = arith.muli %while3A_194, %mul3A_241 : i32
        %sub3A_243 = arith.subi %min3A_95, %mul3A_242 : i32
        %jit3A_244 = arith.constant 0 : i32
        %jit3A_245 = arith.constant 32 : i32
        %max3A_246 = arith.maxsi %jit3A_244, %sub3A_243 : i32
        %min3A_247 = arith.minsi %jit3A_245, %max3A_246 : i32
        %lt3A_248 = arith.constant 32 : i32
        %lt3A_249 = arith.cmpi slt, %min3A_247, %lt3A_248 : i32
        %convert_element_type3A_250 = arith.extui %lt3A_249 : i1 to i32
        %cond3A_251 = arith.constant 0 : i32
        %cond3A_252 = arith.cmpi ne, %convert_element_type3A_250, %cond3A_251 : i32
        scf.if %cond3A_252 {
          %broadcast_in_dim3A_267 = arith.constant 0.000000e+00 : f32
          %broadcast_in_dim3A_268 = vector.broadcast %broadcast_in_dim3A_267 : f32 to vector<16xf32>
          %while3A_269 = arith.constant 32 : i32
          %while3A_270 = arith.constant 0 : i32
          %while3A_271 = arith.subi %while3A_269, %min3A_247 : i32
          %while3A_272 = arith.addi %min3A_247, %while3A_271 : i32
          %while3A_273 = arith.constant 1 : i32
          %while3A_274 = arith.divsi %while3A_271, %while3A_273 : i32
          %while3A_275 = arith.muli %while3A_274, %while3A_273 : i32
          %while3A_276 = arith.addi %min3A_247, %while3A_275 : i32
          %while3A_277 = arith.constant 1 : i32
          %while3A_278 = scf.for %while3A_281 = %min3A_247 to %while3A_276 step %while3A_277 iter_args(%while3A_282 = %while3A_270) -> (i32)  : i32 {
            %swap3A_283 = arith.index_cast %while3A_281 : i32 to index
            %swap3A_284 = arith.constant 0 : index
            %swap3A_285 = tpu.vector_load %arg15[%swap3A_283, %swap3A_284] {strides = array<i32>} : memref<32x1024xf32, #tpu.memory_space<vmem>>, vector<16xf32>,
            tpu.vector_store %arg15[%swap3A_283, %swap3A_284], %broadcast_in_dim3A_268 {strides = array<i32>} : memref<32x1024xf32, #tpu.memory_space<vmem>>, vector<16xf32>,
            %swap3A_286 = arith.index_cast %while3A_281 : i32 to index
            %swap3A_287 = arith.constant 16 : index
            %swap3A_288 = tpu.vector_load %arg15[%swap3A_286, %swap3A_287] {strides = array<i32>} : memref<32x1024xf32, #tpu.memory_space<vmem>>, vector<16xf32>,
            tpu.vector_store %arg15[%swap3A_286, %swap3A_287], %broadcast_in_dim3A_268 {strides = array<i32>} : memref<32x1024xf32, #tpu.memory_space<vmem>>, vector<16xf32>,
            %swap3A_289 = arith.index_cast %while3A_281 : i32 to index
            %swap3A_290 = arith.constant 32 : index
            %swap3A_291 = tpu.vector_load %arg15[%swap3A_289, %swap3A_290] {strides = array<i32>} : memref<32x1024xf32, #tpu.memory_space<vmem>>, vector<16xf32>,
            tpu.vector_store %arg15[%swap3A_289, %swap3A_290], %broadcast_in_dim3A_268 {strides = array<i32>} : memref<32x1024xf32, #tpu.memory_space<vmem>>, vector<16xf32>,
            %swap3A_292 = arith.index_cast %while3A_281 : i32 to index
            %swap3A_293 = arith.constant 48 : index
            %swap3A_294 = tpu.vector_load %arg15[%swap3A_292, %swap3A_293] {strides = array<i32>} : memref<32x1024xf32, #tpu.memory_space<vmem>>, vector<16xf32>,
            tpu.vector_store %arg15[%swap3A_292, %swap3A_293], %broadcast_in_dim3A_268 {strides = array<i32>} : memref<32x1024xf32, #tpu.memory_space<vmem>>, vector<16xf32>,
            %swap3A_295 = arith.index_cast %while3A_281 : i32 to index
            %swap3A_296 = arith.constant 64 : index
            %swap3A_297 = tpu.vector_load %arg15[%swap3A_295, %swap3A_296] {strides = array<i32>} : memref<32x1024xf32, #tpu.memory_space<vmem>>, vector<16xf32>,
            tpu.vector_store %arg15[%swap3A_295, %swap3A_296], %broadcast_in_dim3A_268 {strides = array<i32>} : memref<32x1024xf32, #tpu.memory_space<vmem>>, vector<16xf32>,
            %swap3A_298 = arith.index_cast %while3A_281 : i32 to index
            %swap3A_299 = arith.constant 80 : index
            %swap3A_300 = tpu.vector_load %arg15[%swap3A_298, %swap3A_299] {strides = array<i32>} : memref<32x1024xf32, #tpu.memory_space<vmem>>, vector<16xf32>,
            tpu.vector_store %arg15[%swap3A_298, %swap3A_299], %broadcast_in_dim3A_268 {strides = array<i32>} : memref<32x1024xf32, #tpu.memory_space<vmem>>, vector<16xf32>,
            %swap3A_301 = arith.index_cast %while3A_281 : i32 to index
            %swap3A_302 = arith.constant 96 : index
            %swap3A_303 = tpu.vector_load %arg15[%swap3A_301, %swap3A_302] {strides = array<i32>} : memref<32x1024xf32, #tpu.memory_space<vmem>>, vector<16xf32>,
            tpu.vector_store %arg15[%swap3A_301, %swap3A_302], %broadcast_in_dim3A_268 {strides = array<i32>} : memref<32x1024xf32, #tpu.memory_space<vmem>>, vector<16xf32>,
            %swap3A_304 = arith.index_cast %while3A_281 : i32 to index
            %swap3A_305 = arith.constant 112 : index
            %swap3A_306 = tpu.vector_load %arg15[%swap3A_304, %swap3A_305] {strides = array<i32>} : memref<32x1024xf32, #tpu.memory_space<vmem>>, vector<16xf32>,
            tpu.vector_store %arg15[%swap3A_304, %swap3A_305], %broadcast_in_dim3A_268 {strides = array<i32>} : memref<32x1024xf32, #tpu.memory_space<vmem>>, vector<16xf32>,
            %swap3A_307 = arith.index_cast %while3A_281 : i32 to index
            %swap3A_308 = arith.constant 128 : index
            %swap3A_309 = tpu.vector_load %arg15[%swap3A_307, %swap3A_308] {strides = array<i32>} : memref<32x1024xf32, #tpu.memory_space<vmem>>, vector<16xf32>,
            tpu.vector_store %arg15[%swap3A_307, %swap3A_308], %broadcast_in_dim3A_268 {strides = array<i32>} : memref<32x1024xf32, #tpu.memory_space<vmem>>, vector<16xf32>,
            %swap3A_310 = arith.index_cast %while3A_281 : i32 to index
            %swap3A_311 = arith.constant 144 : index
            %swap3A_312 = tpu.vector_load %arg15[%swap3A_310, %swap3A_311] {strides = array<i32>} : memref<32x1024xf32, #tpu.memory_space<vmem>>, vector<16xf32>,
            tpu.vector_store %arg15[%swap3A_310, %swap3A_311], %broadcast_in_dim3A_268 {strides = array<i32>} : memref<32x1024xf32, #tpu.memory_space<vmem>>, vector<16xf32>,
            %swap3A_313 = arith.index_cast %while3A_281 : i32 to index
            %swap3A_314 = arith.constant 160 : index
            %swap3A_315 = tpu.vector_load %arg15[%swap3A_313, %swap3A_314] {strides = array<i32>} : memref<32x1024xf32, #tpu.memory_space<vmem>>, vector<16xf32>,
            tpu.vector_store %arg15[%swap3A_313, %swap3A_314], %broadcast_in_dim3A_268 {strides = array<i32>} : memref<32x1024xf32, #tpu.memory_space<vmem>>, vector<16xf32>,
            %swap3A_316 = arith.index_cast %while3A_281 : i32 to index
            %swap3A_317 = arith.constant 176 : index
            %swap3A_318 = tpu.vector_load %arg15[%swap3A_316, %swap3A_317] {strides = array<i32>} : memref<32x1024xf32, #tpu.memory_space<vmem>>, vector<16xf32>,
            tpu.vector_store %arg15[%swap3A_316, %swap3A_317], %broadcast_in_dim3A_268 {strides = array<i32>} : memref<32x1024xf32, #tpu.memory_space<vmem>>, vector<16xf32>,
            %swap3A_319 = arith.index_cast %while3A_281 : i32 to index
            %swap3A_320 = arith.constant 192 : index
            %swap3A_321 = tpu.vector_load %arg15[%swap3A_319, %swap3A_320] {strides = array<i32>} : memref<32x1024xf32, #tpu.memory_space<vmem>>, vector<16xf32>,
            tpu.vector_store %arg15[%swap3A_319, %swap3A_320], %broadcast_in_dim3A_268 {strides = array<i32>} : memref<32x1024xf32, #tpu.memory_space<vmem>>, vector<16xf32>,
            %swap3A_322 = arith.index_cast %while3A_281 : i32 to index
            %swap3A_323 = arith.constant 208 : index
            %swap3A_324 = tpu.vector_load %arg15[%swap3A_322, %swap3A_323] {strides = array<i32>} : memref<32x1024xf32, #tpu.memory_space<vmem>>, vector<16xf32>,
            tpu.vector_store %arg15[%swap3A_322, %swap3A_323], %broadcast_in_dim3A_268 {strides = array<i32>} : memref<32x1024xf32, #tpu.memory_space<vmem>>, vector<16xf32>,
            %swap3A_325 = arith.index_cast %while3A_281 : i32 to index
            %swap3A_326 = arith.constant 224 : index
            %swap3A_327 = tpu.vector_load %arg15[%swap3A_325, %swap3A_326] {strides = array<i32>} : memref<32x1024xf32, #tpu.memory_space<vmem>>, vector<16xf32>,
            tpu.vector_store %arg15[%swap3A_325, %swap3A_326], %broadcast_in_dim3A_268 {strides = array<i32>} : memref<32x1024xf32, #tpu.memory_space<vmem>>, vector<16xf32>,
            %swap3A_328 = arith.index_cast %while3A_281 : i32 to index
            %swap3A_329 = arith.constant 240 : index
            %swap3A_330 = tpu.vector_load %arg15[%swap3A_328, %swap3A_329] {strides = array<i32>} : memref<32x1024xf32, #tpu.memory_space<vmem>>, vector<16xf32>,
            tpu.vector_store %arg15[%swap3A_328, %swap3A_329], %broadcast_in_dim3A_268 {strides = array<i32>} : memref<32x1024xf32, #tpu.memory_space<vmem>>, vector<16xf32>,
            %swap3A_331 = arith.index_cast %while3A_281 : i32 to index
            %swap3A_332 = arith.constant 256 : index
            %swap3A_333 = tpu.vector_load %arg15[%swap3A_331, %swap3A_332] {strides = array<i32>} : memref<32x1024xf32, #tpu.memory_space<vmem>>, vector<16xf32>,
            tpu.vector_store %arg15[%swap3A_331, %swap3A_332], %broadcast_in_dim3A_268 {strides = array<i32>} : memref<32x1024xf32, #tpu.memory_space<vmem>>, vector<16xf32>,
            %swap3A_334 = arith.index_cast %while3A_281 : i32 to index
            %swap3A_335 = arith.constant 272 : index
            %swap3A_336 = tpu.vector_load %arg15[%swap3A_334, %swap3A_335] {strides = array<i32>} : memref<32x1024xf32, #tpu.memory_space<vmem>>, vector<16xf32>,
            tpu.vector_store %arg15[%swap3A_334, %swap3A_335], %broadcast_in_dim3A_268 {strides = array<i32>} : memref<32x1024xf32, #tpu.memory_space<vmem>>, vector<16xf32>,
            %swap3A_337 = arith.index_cast %while3A_281 : i32 to index
            %swap3A_338 = arith.constant 288 : index
            %swap3A_339 = tpu.vector_load %arg15[%swap3A_337, %swap3A_338] {strides = array<i32>} : memref<32x1024xf32, #tpu.memory_space<vmem>>, vector<16xf32>,
            tpu.vector_store %arg15[%swap3A_337, %swap3A_338], %broadcast_in_dim3A_268 {strides = array<i32>} : memref<32x1024xf32, #tpu.memory_space<vmem>>, vector<16xf32>,
            %swap3A_340 = arith.index_cast %while3A_281 : i32 to index
            %swap3A_341 = arith.constant 304 : index
            %swap3A_342 = tpu.vector_load %arg15[%swap3A_340, %swap3A_341] {strides = array<i32>} : memref<32x1024xf32, #tpu.memory_space<vmem>>, vector<16xf32>,
            tpu.vector_store %arg15[%swap3A_340, %swap3A_341], %broadcast_in_dim3A_268 {strides = array<i32>} : memref<32x1024xf32, #tpu.memory_space<vmem>>, vector<16xf32>,
            %swap3A_343 = arith.index_cast %while3A_281 : i32 to index
            %swap3A_344 = arith.constant 320 : index
            %swap3A_345 = tpu.vector_load %arg15[%swap3A_343, %swap3A_344] {strides = array<i32>} : memref<32x1024xf32, #tpu.memory_space<vmem>>, vector<16xf32>,
            tpu.vector_store %arg15[%swap3A_343, %swap3A_344], %broadcast_in_dim3A_268 {strides = array<i32>} : memref<32x1024xf32, #tpu.memory_space<vmem>>, vector<16xf32>,
            %swap3A_346 = arith.index_cast %while3A_281 : i32 to index
            %swap3A_347 = arith.constant 336 : index
            %swap3A_348 = tpu.vector_load %arg15[%swap3A_346, %swap3A_347] {strides = array<i32>} : memref<32x1024xf32, #tpu.memory_space<vmem>>, vector<16xf32>,
            tpu.vector_store %arg15[%swap3A_346, %swap3A_347], %broadcast_in_dim3A_268 {strides = array<i32>} : memref<32x1024xf32, #tpu.memory_space<vmem>>, vector<16xf32>,
            %swap3A_349 = arith.index_cast %while3A_281 : i32 to index
            %swap3A_350 = arith.constant 352 : index
            %swap3A_351 = tpu.vector_load %arg15[%swap3A_349, %swap3A_350] {strides = array<i32>} : memref<32x1024xf32, #tpu.memory_space<vmem>>, vector<16xf32>,
            tpu.vector_store %arg15[%swap3A_349, %swap3A_350], %broadcast_in_dim3A_268 {strides = array<i32>} : memref<32x1024xf32, #tpu.memory_space<vmem>>, vector<16xf32>,
            %swap3A_352 = arith.index_cast %while3A_281 : i32 to index
            %swap3A_353 = arith.constant 368 : index
            %swap3A_354 = tpu.vector_load %arg15[%swap3A_352, %swap3A_353] {strides = array<i32>} : memref<32x1024xf32, #tpu.memory_space<vmem>>, vector<16xf32>,
            tpu.vector_store %arg15[%swap3A_352, %swap3A_353], %broadcast_in_dim3A_268 {strides = array<i32>} : memref<32x1024xf32, #tpu.memory_space<vmem>>, vector<16xf32>,
            %swap3A_355 = arith.index_cast %while3A_281 : i32 to index
            %swap3A_356 = arith.constant 384 : index
            %swap3A_357 = tpu.vector_load %arg15[%swap3A_355, %swap3A_356] {strides = array<i32>} : memref<32x1024xf32, #tpu.memory_space<vmem>>, vector<16xf32>,
            tpu.vector_store %arg15[%swap3A_355, %swap3A_356], %broadcast_in_dim3A_268 {strides = array<i32>} : memref<32x1024xf32, #tpu.memory_space<vmem>>, vector<16xf32>,
            %swap3A_358 = arith.index_cast %while3A_281 : i32 to index
            %swap3A_359 = arith.constant 400 : index
            %swap3A_360 = tpu.vector_load %arg15[%swap3A_358, %swap3A_359] {strides = array<i32>} : memref<32x1024xf32, #tpu.memory_space<vmem>>, vector<16xf32>,
            tpu.vector_store %arg15[%swap3A_358, %swap3A_359], %broadcast_in_dim3A_268 {strides = array<i32>} : memref<32x1024xf32, #tpu.memory_space<vmem>>, vector<16xf32>,
            %swap3A_361 = arith.index_cast %while3A_281 : i32 to index
            %swap3A_362 = arith.constant 416 : index
            %swap3A_363 = tpu.vector_load %arg15[%swap3A_361, %swap3A_362] {strides = array<i32>} : memref<32x1024xf32, #tpu.memory_space<vmem>>, vector<16xf32>,
            tpu.vector_store %arg15[%swap3A_361, %swap3A_362], %broadcast_in_dim3A_268 {strides = array<i32>} : memref<32x1024xf32, #tpu.memory_space<vmem>>, vector<16xf32>,
            %swap3A_364 = arith.index_cast %while3A_281 : i32 to index
            %swap3A_365 = arith.constant 432 : index
            %swap3A_366 = tpu.vector_load %arg15[%swap3A_364, %swap3A_365] {strides = array<i32>} : memref<32x1024xf32, #tpu.memory_space<vmem>>, vector<16xf32>,
            tpu.vector_store %arg15[%swap3A_364, %swap3A_365], %broadcast_in_dim3A_268 {strides = array<i32>} : memref<32x1024xf32, #tpu.memory_space<vmem>>, vector<16xf32>,
            %swap3A_367 = arith.index_cast %while3A_281 : i32 to index
            %swap3A_368 = arith.constant 448 : index
            %swap3A_369 = tpu.vector_load %arg15[%swap3A_367, %swap3A_368] {strides = array<i32>} : memref<32x1024xf32, #tpu.memory_space<vmem>>, vector<16xf32>,
            tpu.vector_store %arg15[%swap3A_367, %swap3A_368], %broadcast_in_dim3A_268 {strides = array<i32>} : memref<32x1024xf32, #tpu.memory_space<vmem>>, vector<16xf32>,
            %swap3A_370 = arith.index_cast %while3A_281 : i32 to index
            %swap3A_371 = arith.constant 464 : index
            %swap3A_372 = tpu.vector_load %arg15[%swap3A_370, %swap3A_371] {strides = array<i32>} : memref<32x1024xf32, #tpu.memory_space<vmem>>, vector<16xf32>,
            tpu.vector_store %arg15[%swap3A_370, %swap3A_371], %broadcast_in_dim3A_268 {strides = array<i32>} : memref<32x1024xf32, #tpu.memory_space<vmem>>, vector<16xf32>,
            %swap3A_373 = arith.index_cast %while3A_281 : i32 to index
            %swap3A_374 = arith.constant 480 : index
            %swap3A_375 = tpu.vector_load %arg15[%swap3A_373, %swap3A_374] {strides = array<i32>} : memref<32x1024xf32, #tpu.memory_space<vmem>>, vector<16xf32>,
            tpu.vector_store %arg15[%swap3A_373, %swap3A_374], %broadcast_in_dim3A_268 {strides = array<i32>} : memref<32x1024xf32, #tpu.memory_space<vmem>>, vector<16xf32>,
            %swap3A_376 = arith.index_cast %while3A_281 : i32 to index
            %swap3A_377 = arith.constant 496 : index
            %swap3A_378 = tpu.vector_load %arg15[%swap3A_376, %swap3A_377] {strides = array<i32>} : memref<32x1024xf32, #tpu.memory_space<vmem>>, vector<16xf32>,
            tpu.vector_store %arg15[%swap3A_376, %swap3A_377], %broadcast_in_dim3A_268 {strides = array<i32>} : memref<32x1024xf32, #tpu.memory_space<vmem>>, vector<16xf32>,
            %swap3A_379 = arith.index_cast %while3A_281 : i32 to index
            %swap3A_380 = arith.constant 512 : index
            %swap3A_381 = tpu.vector_load %arg15[%swap3A_379, %swap3A_380] {strides = array<i32>} : memref<32x1024xf32, #tpu.memory_space<vmem>>, vector<16xf32>,
            tpu.vector_store %arg15[%swap3A_379, %swap3A_380], %broadcast_in_dim3A_268 {strides = array<i32>} : memref<32x1024xf32, #tpu.memory_space<vmem>>, vector<16xf32>,
            %swap3A_382 = arith.index_cast %while3A_281 : i32 to index
            %swap3A_383 = arith.constant 528 : index
            %swap3A_384 = tpu.vector_load %arg15[%swap3A_382, %swap3A_383] {strides = array<i32>} : memref<32x1024xf32, #tpu.memory_space<vmem>>, vector<16xf32>,
            tpu.vector_store %arg15[%swap3A_382, %swap3A_383], %broadcast_in_dim3A_268 {strides = array<i32>} : memref<32x1024xf32, #tpu.memory_space<vmem>>, vector<16xf32>,
            %swap3A_385 = arith.index_cast %while3A_281 : i32 to index
            %swap3A_386 = arith.constant 544 : index
            %swap3A_387 = tpu.vector_load %arg15[%swap3A_385, %swap3A_386] {strides = array<i32>} : memref<32x1024xf32, #tpu.memory_space<vmem>>, vector<16xf32>,
            tpu.vector_store %arg15[%swap3A_385, %swap3A_386], %broadcast_in_dim3A_268 {strides = array<i32>} : memref<32x1024xf32, #tpu.memory_space<vmem>>, vector<16xf32>,
            %swap3A_388 = arith.index_cast %while3A_281 : i32 to index
            %swap3A_389 = arith.constant 560 : index
            %swap3A_390 = tpu.vector_load %arg15[%swap3A_388, %swap3A_389] {strides = array<i32>} : memref<32x1024xf32, #tpu.memory_space<vmem>>, vector<16xf32>,
            tpu.vector_store %arg15[%swap3A_388, %swap3A_389], %broadcast_in_dim3A_268 {strides = array<i32>} : memref<32x1024xf32, #tpu.memory_space<vmem>>, vector<16xf32>,
            %swap3A_391 = arith.index_cast %while3A_281 : i32 to index
            %swap3A_392 = arith.constant 576 : index
            %swap3A_393 = tpu.vector_load %arg15[%swap3A_391, %swap3A_392] {strides = array<i32>} : memref<32x1024xf32, #tpu.memory_space<vmem>>, vector<16xf32>,
            tpu.vector_store %arg15[%swap3A_391, %swap3A_392], %broadcast_in_dim3A_268 {strides = array<i32>} : memref<32x1024xf32, #tpu.memory_space<vmem>>, vector<16xf32>,
            %swap3A_394 = arith.index_cast %while3A_281 : i32 to index
            %swap3A_395 = arith.constant 592 : index
            %swap3A_396 = tpu.vector_load %arg15[%swap3A_394, %swap3A_395] {strides = array<i32>} : memref<32x1024xf32, #tpu.memory_space<vmem>>, vector<16xf32>,
            tpu.vector_store %arg15[%swap3A_394, %swap3A_395], %broadcast_in_dim3A_268 {strides = array<i32>} : memref<32x1024xf32, #tpu.memory_space<vmem>>, vector<16xf32>,
            %swap3A_397 = arith.index_cast %while3A_281 : i32 to index
            %swap3A_398 = arith.constant 608 : index
            %swap3A_399 = tpu.vector_load %arg15[%swap3A_397, %swap3A_398] {strides = array<i32>} : memref<32x1024xf32, #tpu.memory_space<vmem>>, vector<16xf32>,
            tpu.vector_store %arg15[%swap3A_397, %swap3A_398], %broadcast_in_dim3A_268 {strides = array<i32>} : memref<32x1024xf32, #tpu.memory_space<vmem>>, vector<16xf32>,
            %swap3A_400 = arith.index_cast %while3A_281 : i32 to index
            %swap3A_401 = arith.constant 624 : index
            %swap3A_402 = tpu.vector_load %arg15[%swap3A_400, %swap3A_401] {strides = array<i32>} : memref<32x1024xf32, #tpu.memory_space<vmem>>, vector<16xf32>,
            tpu.vector_store %arg15[%swap3A_400, %swap3A_401], %broadcast_in_dim3A_268 {strides = array<i32>} : memref<32x1024xf32, #tpu.memory_space<vmem>>, vector<16xf32>,
            %swap3A_403 = arith.index_cast %while3A_281 : i32 to index
            %swap3A_404 = arith.constant 640 : index
            %swap3A_405 = tpu.vector_load %arg15[%swap3A_403, %swap3A_404] {strides = array<i32>} : memref<32x1024xf32, #tpu.memory_space<vmem>>, vector<16xf32>,
            tpu.vector_store %arg15[%swap3A_403, %swap3A_404], %broadcast_in_dim3A_268 {strides = array<i32>} : memref<32x1024xf32, #tpu.memory_space<vmem>>, vector<16xf32>,
            %swap3A_406 = arith.index_cast %while3A_281 : i32 to index
            %swap3A_407 = arith.constant 656 : index
            %swap3A_408 = tpu.vector_load %arg15[%swap3A_406, %swap3A_407] {strides = array<i32>} : memref<32x1024xf32, #tpu.memory_space<vmem>>, vector<16xf32>,
            tpu.vector_store %arg15[%swap3A_406, %swap3A_407], %broadcast_in_dim3A_268 {strides = array<i32>} : memref<32x1024xf32, #tpu.memory_space<vmem>>, vector<16xf32>,
            %swap3A_409 = arith.index_cast %while3A_281 : i32 to index
            %swap3A_410 = arith.constant 672 : index
            %swap3A_411 = tpu.vector_load %arg15[%swap3A_409, %swap3A_410] {strides = array<i32>} : memref<32x1024xf32, #tpu.memory_space<vmem>>, vector<16xf32>,
            tpu.vector_store %arg15[%swap3A_409, %swap3A_410], %broadcast_in_dim3A_268 {strides = array<i32>} : memref<32x1024xf32, #tpu.memory_space<vmem>>, vector<16xf32>,
            %swap3A_412 = arith.index_cast %while3A_281 : i32 to index
            %swap3A_413 = arith.constant 688 : index
            %swap3A_414 = tpu.vector_load %arg15[%swap3A_412, %swap3A_413] {strides = array<i32>} : memref<32x1024xf32, #tpu.memory_space<vmem>>, vector<16xf32>,
            tpu.vector_store %arg15[%swap3A_412, %swap3A_413], %broadcast_in_dim3A_268 {strides = array<i32>} : memref<32x1024xf32, #tpu.memory_space<vmem>>, vector<16xf32>,
            %swap3A_415 = arith.index_cast %while3A_281 : i32 to index
            %swap3A_416 = arith.constant 704 : index
            %swap3A_417 = tpu.vector_load %arg15[%swap3A_415, %swap3A_416] {strides = array<i32>} : memref<32x1024xf32, #tpu.memory_space<vmem>>, vector<16xf32>,
            tpu.vector_store %arg15[%swap3A_415, %swap3A_416], %broadcast_in_dim3A_268 {strides = array<i32>} : memref<32x1024xf32, #tpu.memory_space<vmem>>, vector<16xf32>,
            %swap3A_418 = arith.index_cast %while3A_281 : i32 to index
            %swap3A_419 = arith.constant 720 : index
            %swap3A_420 = tpu.vector_load %arg15[%swap3A_418, %swap3A_419] {strides = array<i32>} : memref<32x1024xf32, #tpu.memory_space<vmem>>, vector<16xf32>,
            tpu.vector_store %arg15[%swap3A_418, %swap3A_419], %broadcast_in_dim3A_268 {strides = array<i32>} : memref<32x1024xf32, #tpu.memory_space<vmem>>, vector<16xf32>,
            %swap3A_421 = arith.index_cast %while3A_281 : i32 to index
            %swap3A_422 = arith.constant 736 : index
            %swap3A_423 = tpu.vector_load %arg15[%swap3A_421, %swap3A_422] {strides = array<i32>} : memref<32x1024xf32, #tpu.memory_space<vmem>>, vector<16xf32>,
            tpu.vector_store %arg15[%swap3A_421, %swap3A_422], %broadcast_in_dim3A_268 {strides = array<i32>} : memref<32x1024xf32, #tpu.memory_space<vmem>>, vector<16xf32>,
            %swap3A_424 = arith.index_cast %while3A_281 : i32 to index
            %swap3A_425 = arith.constant 752 : index
            %swap3A_426 = tpu.vector_load %arg15[%swap3A_424, %swap3A_425] {strides = array<i32>} : memref<32x1024xf32, #tpu.memory_space<vmem>>, vector<16xf32>,
            tpu.vector_store %arg15[%swap3A_424, %swap3A_425], %broadcast_in_dim3A_268 {strides = array<i32>} : memref<32x1024xf32, #tpu.memory_space<vmem>>, vector<16xf32>,
            %swap3A_427 = arith.index_cast %while3A_281 : i32 to index
            %swap3A_428 = arith.constant 768 : index
            %swap3A_429 = tpu.vector_load %arg15[%swap3A_427, %swap3A_428] {strides = array<i32>} : memref<32x1024xf32, #tpu.memory_space<vmem>>, vector<16xf32>,
            tpu.vector_store %arg15[%swap3A_427, %swap3A_428], %broadcast_in_dim3A_268 {strides = array<i32>} : memref<32x1024xf32, #tpu.memory_space<vmem>>, vector<16xf32>,
            %swap3A_430 = arith.index_cast %while3A_281 : i32 to index
            %swap3A_431 = arith.constant 784 : index
            %swap3A_432 = tpu.vector_load %arg15[%swap3A_430, %swap3A_431] {strides = array<i32>} : memref<32x1024xf32, #tpu.memory_space<vmem>>, vector<16xf32>,
            tpu.vector_store %arg15[%swap3A_430, %swap3A_431], %broadcast_in_dim3A_268 {strides = array<i32>} : memref<32x1024xf32, #tpu.memory_space<vmem>>, vector<16xf32>,
            %swap3A_433 = arith.index_cast %while3A_281 : i32 to index
            %swap3A_434 = arith.constant 800 : index
            %swap3A_435 = tpu.vector_load %arg15[%swap3A_433, %swap3A_434] {strides = array<i32>} : memref<32x1024xf32, #tpu.memory_space<vmem>>, vector<16xf32>,
            tpu.vector_store %arg15[%swap3A_433, %swap3A_434], %broadcast_in_dim3A_268 {strides = array<i32>} : memref<32x1024xf32, #tpu.memory_space<vmem>>, vector<16xf32>,
            %swap3A_436 = arith.index_cast %while3A_281 : i32 to index
            %swap3A_437 = arith.constant 816 : index
            %swap3A_438 = tpu.vector_load %arg15[%swap3A_436, %swap3A_437] {strides = array<i32>} : memref<32x1024xf32, #tpu.memory_space<vmem>>, vector<16xf32>,
            tpu.vector_store %arg15[%swap3A_436, %swap3A_437], %broadcast_in_dim3A_268 {strides = array<i32>} : memref<32x1024xf32, #tpu.memory_space<vmem>>, vector<16xf32>,
            %swap3A_439 = arith.index_cast %while3A_281 : i32 to index
            %swap3A_440 = arith.constant 832 : index
            %swap3A_441 = tpu.vector_load %arg15[%swap3A_439, %swap3A_440] {strides = array<i32>} : memref<32x1024xf32, #tpu.memory_space<vmem>>, vector<16xf32>,
            tpu.vector_store %arg15[%swap3A_439, %swap3A_440], %broadcast_in_dim3A_268 {strides = array<i32>} : memref<32x1024xf32, #tpu.memory_space<vmem>>, vector<16xf32>,
            %swap3A_442 = arith.index_cast %while3A_281 : i32 to index
            %swap3A_443 = arith.constant 848 : index
            %swap3A_444 = tpu.vector_load %arg15[%swap3A_442, %swap3A_443] {strides = array<i32>} : memref<32x1024xf32, #tpu.memory_space<vmem>>, vector<16xf32>,
            tpu.vector_store %arg15[%swap3A_442, %swap3A_443], %broadcast_in_dim3A_268 {strides = array<i32>} : memref<32x1024xf32, #tpu.memory_space<vmem>>, vector<16xf32>,
            %swap3A_445 = arith.index_cast %while3A_281 : i32 to index
            %swap3A_446 = arith.constant 864 : index
            %swap3A_447 = tpu.vector_load %arg15[%swap3A_445, %swap3A_446] {strides = array<i32>} : memref<32x1024xf32, #tpu.memory_space<vmem>>, vector<16xf32>,
            tpu.vector_store %arg15[%swap3A_445, %swap3A_446], %broadcast_in_dim3A_268 {strides = array<i32>} : memref<32x1024xf32, #tpu.memory_space<vmem>>, vector<16xf32>,
            %swap3A_448 = arith.index_cast %while3A_281 : i32 to index
            %swap3A_449 = arith.constant 880 : index
            %swap3A_450 = tpu.vector_load %arg15[%swap3A_448, %swap3A_449] {strides = array<i32>} : memref<32x1024xf32, #tpu.memory_space<vmem>>, vector<16xf32>,
            tpu.vector_store %arg15[%swap3A_448, %swap3A_449], %broadcast_in_dim3A_268 {strides = array<i32>} : memref<32x1024xf32, #tpu.memory_space<vmem>>, vector<16xf32>,
            %swap3A_451 = arith.index_cast %while3A_281 : i32 to index
            %swap3A_452 = arith.constant 896 : index
            %swap3A_453 = tpu.vector_load %arg15[%swap3A_451, %swap3A_452] {strides = array<i32>} : memref<32x1024xf32, #tpu.memory_space<vmem>>, vector<16xf32>,
            tpu.vector_store %arg15[%swap3A_451, %swap3A_452], %broadcast_in_dim3A_268 {strides = array<i32>} : memref<32x1024xf32, #tpu.memory_space<vmem>>, vector<16xf32>,
            %swap3A_454 = arith.index_cast %while3A_281 : i32 to index
            %swap3A_455 = arith.constant 912 : index
            %swap3A_456 = tpu.vector_load %arg15[%swap3A_454, %swap3A_455] {strides = array<i32>} : memref<32x1024xf32, #tpu.memory_space<vmem>>, vector<16xf32>,
            tpu.vector_store %arg15[%swap3A_454, %swap3A_455], %broadcast_in_dim3A_268 {strides = array<i32>} : memref<32x1024xf32, #tpu.memory_space<vmem>>, vector<16xf32>,
            %swap3A_457 = arith.index_cast %while3A_281 : i32 to index
            %swap3A_458 = arith.constant 928 : index
            %swap3A_459 = tpu.vector_load %arg15[%swap3A_457, %swap3A_458] {strides = array<i32>} : memref<32x1024xf32, #tpu.memory_space<vmem>>, vector<16xf32>,
            tpu.vector_store %arg15[%swap3A_457, %swap3A_458], %broadcast_in_dim3A_268 {strides = array<i32>} : memref<32x1024xf32, #tpu.memory_space<vmem>>, vector<16xf32>,
            %swap3A_460 = arith.index_cast %while3A_281 : i32 to index
            %swap3A_461 = arith.constant 944 : index
            %swap3A_462 = tpu.vector_load %arg15[%swap3A_460, %swap3A_461] {strides = array<i32>} : memref<32x1024xf32, #tpu.memory_space<vmem>>, vector<16xf32>,
            tpu.vector_store %arg15[%swap3A_460, %swap3A_461], %broadcast_in_dim3A_268 {strides = array<i32>} : memref<32x1024xf32, #tpu.memory_space<vmem>>, vector<16xf32>,
            %swap3A_463 = arith.index_cast %while3A_281 : i32 to index
            %swap3A_464 = arith.constant 960 : index
            %swap3A_465 = tpu.vector_load %arg15[%swap3A_463, %swap3A_464] {strides = array<i32>} : memref<32x1024xf32, #tpu.memory_space<vmem>>, vector<16xf32>,
            tpu.vector_store %arg15[%swap3A_463, %swap3A_464], %broadcast_in_dim3A_268 {strides = array<i32>} : memref<32x1024xf32, #tpu.memory_space<vmem>>, vector<16xf32>,
            %swap3A_466 = arith.index_cast %while3A_281 : i32 to index
            %swap3A_467 = arith.constant 976 : index
            %swap3A_468 = tpu.vector_load %arg15[%swap3A_466, %swap3A_467] {strides = array<i32>} : memref<32x1024xf32, #tpu.memory_space<vmem>>, vector<16xf32>,
            tpu.vector_store %arg15[%swap3A_466, %swap3A_467], %broadcast_in_dim3A_268 {strides = array<i32>} : memref<32x1024xf32, #tpu.memory_space<vmem>>, vector<16xf32>,
            %swap3A_469 = arith.index_cast %while3A_281 : i32 to index
            %swap3A_470 = arith.constant 992 : index
            %swap3A_471 = tpu.vector_load %arg15[%swap3A_469, %swap3A_470] {strides = array<i32>} : memref<32x1024xf32, #tpu.memory_space<vmem>>, vector<16xf32>,
            tpu.vector_store %arg15[%swap3A_469, %swap3A_470], %broadcast_in_dim3A_268 {strides = array<i32>} : memref<32x1024xf32, #tpu.memory_space<vmem>>, vector<16xf32>,
            %swap3A_472 = arith.index_cast %while3A_281 : i32 to index
            %swap3A_473 = arith.constant 1008 : index
            %swap3A_474 = tpu.vector_load %arg15[%swap3A_472, %swap3A_473] {strides = array<i32>} : memref<32x1024xf32, #tpu.memory_space<vmem>>, vector<16xf32>,
            tpu.vector_store %arg15[%swap3A_472, %swap3A_473], %broadcast_in_dim3A_268 {strides = array<i32>} : memref<32x1024xf32, #tpu.memory_space<vmem>>, vector<16xf32>,
            %while3A_475 = arith.constant 0 : i32
            scf.yield %while3A_475 : i32
          }
          %while3A_279 = arith.constant 1 : i32
          %while3A_280 = scf.for %while3A_281 = %while3A_276 to %while3A_272 step %while3A_279 iter_args(%while3A_282 = %while3A_278) -> (i32)  : i32 {
            %swap3A_283 = arith.index_cast %while3A_281 : i32 to index
            %swap3A_284 = arith.constant 0 : index
            %swap3A_285 = tpu.vector_load %arg15[%swap3A_283, %swap3A_284] {strides = array<i32>} : memref<32x1024xf32, #tpu.memory_space<vmem>>, vector<16xf32>,
            tpu.vector_store %arg15[%swap3A_283, %swap3A_284], %broadcast_in_dim3A_268 {strides = array<i32>} : memref<32x1024xf32, #tpu.memory_space<vmem>>, vector<16xf32>,
            %swap3A_286 = arith.index_cast %while3A_281 : i32 to index
            %swap3A_287 = arith.constant 16 : index
            %swap3A_288 = tpu.vector_load %arg15[%swap3A_286, %swap3A_287] {strides = array<i32>} : memref<32x1024xf32, #tpu.memory_space<vmem>>, vector<16xf32>,
            tpu.vector_store %arg15[%swap3A_286, %swap3A_287], %broadcast_in_dim3A_268 {strides = array<i32>} : memref<32x1024xf32, #tpu.memory_space<vmem>>, vector<16xf32>,
            %swap3A_289 = arith.index_cast %while3A_281 : i32 to index
            %swap3A_290 = arith.constant 32 : index
            %swap3A_291 = tpu.vector_load %arg15[%swap3A_289, %swap3A_290] {strides = array<i32>} : memref<32x1024xf32, #tpu.memory_space<vmem>>, vector<16xf32>,
            tpu.vector_store %arg15[%swap3A_289, %swap3A_290], %broadcast_in_dim3A_268 {strides = array<i32>} : memref<32x1024xf32, #tpu.memory_space<vmem>>, vector<16xf32>,
            %swap3A_292 = arith.index_cast %while3A_281 : i32 to index
            %swap3A_293 = arith.constant 48 : index
            %swap3A_294 = tpu.vector_load %arg15[%swap3A_292, %swap3A_293] {strides = array<i32>} : memref<32x1024xf32, #tpu.memory_space<vmem>>, vector<16xf32>,
            tpu.vector_store %arg15[%swap3A_292, %swap3A_293], %broadcast_in_dim3A_268 {strides = array<i32>} : memref<32x1024xf32, #tpu.memory_space<vmem>>, vector<16xf32>,
            %swap3A_295 = arith.index_cast %while3A_281 : i32 to index
            %swap3A_296 = arith.constant 64 : index
            %swap3A_297 = tpu.vector_load %arg15[%swap3A_295, %swap3A_296] {strides = array<i32>} : memref<32x1024xf32, #tpu.memory_space<vmem>>, vector<16xf32>,
            tpu.vector_store %arg15[%swap3A_295, %swap3A_296], %broadcast_in_dim3A_268 {strides = array<i32>} : memref<32x1024xf32, #tpu.memory_space<vmem>>, vector<16xf32>,
            %swap3A_298 = arith.index_cast %while3A_281 : i32 to index
            %swap3A_299 = arith.constant 80 : index
            %swap3A_300 = tpu.vector_load %arg15[%swap3A_298, %swap3A_299] {strides = array<i32>} : memref<32x1024xf32, #tpu.memory_space<vmem>>, vector<16xf32>,
            tpu.vector_store %arg15[%swap3A_298, %swap3A_299], %broadcast_in_dim3A_268 {strides = array<i32>} : memref<32x1024xf32, #tpu.memory_space<vmem>>, vector<16xf32>,
            %swap3A_301 = arith.index_cast %while3A_281 : i32 to index
            %swap3A_302 = arith.constant 96 : index
            %swap3A_303 = tpu.vector_load %arg15[%swap3A_301, %swap3A_302] {strides = array<i32>} : memref<32x1024xf32, #tpu.memory_space<vmem>>, vector<16xf32>,
            tpu.vector_store %arg15[%swap3A_301, %swap3A_302], %broadcast_in_dim3A_268 {strides = array<i32>} : memref<32x1024xf32, #tpu.memory_space<vmem>>, vector<16xf32>,
            %swap3A_304 = arith.index_cast %while3A_281 : i32 to index
            %swap3A_305 = arith.constant 112 : index
            %swap3A_306 = tpu.vector_load %arg15[%swap3A_304, %swap3A_305] {strides = array<i32>} : memref<32x1024xf32, #tpu.memory_space<vmem>>, vector<16xf32>,
            tpu.vector_store %arg15[%swap3A_304, %swap3A_305], %broadcast_in_dim3A_268 {strides = array<i32>} : memref<32x1024xf32, #tpu.memory_space<vmem>>, vector<16xf32>,
            %swap3A_307 = arith.index_cast %while3A_281 : i32 to index
            %swap3A_308 = arith.constant 128 : index
            %swap3A_309 = tpu.vector_load %arg15[%swap3A_307, %swap3A_308] {strides = array<i32>} : memref<32x1024xf32, #tpu.memory_space<vmem>>, vector<16xf32>,
            tpu.vector_store %arg15[%swap3A_307, %swap3A_308], %broadcast_in_dim3A_268 {strides = array<i32>} : memref<32x1024xf32, #tpu.memory_space<vmem>>, vector<16xf32>,
            %swap3A_310 = arith.index_cast %while3A_281 : i32 to index
            %swap3A_311 = arith.constant 144 : index
            %swap3A_312 = tpu.vector_load %arg15[%swap3A_310, %swap3A_311] {strides = array<i32>} : memref<32x1024xf32, #tpu.memory_space<vmem>>, vector<16xf32>,
            tpu.vector_store %arg15[%swap3A_310, %swap3A_311], %broadcast_in_dim3A_268 {strides = array<i32>} : memref<32x1024xf32, #tpu.memory_space<vmem>>, vector<16xf32>,
            %swap3A_313 = arith.index_cast %while3A_281 : i32 to index
            %swap3A_314 = arith.constant 160 : index
            %swap3A_315 = tpu.vector_load %arg15[%swap3A_313, %swap3A_314] {strides = array<i32>} : memref<32x1024xf32, #tpu.memory_space<vmem>>, vector<16xf32>,
            tpu.vector_store %arg15[%swap3A_313, %swap3A_314], %broadcast_in_dim3A_268 {strides = array<i32>} : memref<32x1024xf32, #tpu.memory_space<vmem>>, vector<16xf32>,
            %swap3A_316 = arith.index_cast %while3A_281 : i32 to index
            %swap3A_317 = arith.constant 176 : index
            %swap3A_318 = tpu.vector_load %arg15[%swap3A_316, %swap3A_317] {strides = array<i32>} : memref<32x1024xf32, #tpu.memory_space<vmem>>, vector<16xf32>,
            tpu.vector_store %arg15[%swap3A_316, %swap3A_317], %broadcast_in_dim3A_268 {strides = array<i32>} : memref<32x1024xf32, #tpu.memory_space<vmem>>, vector<16xf32>,
            %swap3A_319 = arith.index_cast %while3A_281 : i32 to index
            %swap3A_320 = arith.constant 192 : index
            %swap3A_321 = tpu.vector_load %arg15[%swap3A_319, %swap3A_320] {strides = array<i32>} : memref<32x1024xf32, #tpu.memory_space<vmem>>, vector<16xf32>,
            tpu.vector_store %arg15[%swap3A_319, %swap3A_320], %broadcast_in_dim3A_268 {strides = array<i32>} : memref<32x1024xf32, #tpu.memory_space<vmem>>, vector<16xf32>,
            %swap3A_322 = arith.index_cast %while3A_281 : i32 to index
            %swap3A_323 = arith.constant 208 : index
            %swap3A_324 = tpu.vector_load %arg15[%swap3A_322, %swap3A_323] {strides = array<i32>} : memref<32x1024xf32, #tpu.memory_space<vmem>>, vector<16xf32>,
            tpu.vector_store %arg15[%swap3A_322, %swap3A_323], %broadcast_in_dim3A_268 {strides = array<i32>} : memref<32x1024xf32, #tpu.memory_space<vmem>>, vector<16xf32>,
            %swap3A_325 = arith.index_cast %while3A_281 : i32 to index
            %swap3A_326 = arith.constant 224 : index
            %swap3A_327 = tpu.vector_load %arg15[%swap3A_325, %swap3A_326] {strides = array<i32>} : memref<32x1024xf32, #tpu.memory_space<vmem>>, vector<16xf32>,
            tpu.vector_store %arg15[%swap3A_325, %swap3A_326], %broadcast_in_dim3A_268 {strides = array<i32>} : memref<32x1024xf32, #tpu.memory_space<vmem>>, vector<16xf32>,
            %swap3A_328 = arith.index_cast %while3A_281 : i32 to index
            %swap3A_329 = arith.constant 240 : index
            %swap3A_330 = tpu.vector_load %arg15[%swap3A_328, %swap3A_329] {strides = array<i32>} : memref<32x1024xf32, #tpu.memory_space<vmem>>, vector<16xf32>,
            tpu.vector_store %arg15[%swap3A_328, %swap3A_329], %broadcast_in_dim3A_268 {strides = array<i32>} : memref<32x1024xf32, #tpu.memory_space<vmem>>, vector<16xf32>,
            %swap3A_331 = arith.index_cast %while3A_281 : i32 to index
            %swap3A_332 = arith.constant 256 : index
            %swap3A_333 = tpu.vector_load %arg15[%swap3A_331, %swap3A_332] {strides = array<i32>} : memref<32x1024xf32, #tpu.memory_space<vmem>>, vector<16xf32>,
            tpu.vector_store %arg15[%swap3A_331, %swap3A_332], %broadcast_in_dim3A_268 {strides = array<i32>} : memref<32x1024xf32, #tpu.memory_space<vmem>>, vector<16xf32>,
            %swap3A_334 = arith.index_cast %while3A_281 : i32 to index
            %swap3A_335 = arith.constant 272 : index
            %swap3A_336 = tpu.vector_load %arg15[%swap3A_334, %swap3A_335] {strides = array<i32>} : memref<32x1024xf32, #tpu.memory_space<vmem>>, vector<16xf32>,
            tpu.vector_store %arg15[%swap3A_334, %swap3A_335], %broadcast_in_dim3A_268 {strides = array<i32>} : memref<32x1024xf32, #tpu.memory_space<vmem>>, vector<16xf32>,
            %swap3A_337 = arith.index_cast %while3A_281 : i32 to index
            %swap3A_338 = arith.constant 288 : index
            %swap3A_339 = tpu.vector_load %arg15[%swap3A_337, %swap3A_338] {strides = array<i32>} : memref<32x1024xf32, #tpu.memory_space<vmem>>, vector<16xf32>,
            tpu.vector_store %arg15[%swap3A_337, %swap3A_338], %broadcast_in_dim3A_268 {strides = array<i32>} : memref<32x1024xf32, #tpu.memory_space<vmem>>, vector<16xf32>,
            %swap3A_340 = arith.index_cast %while3A_281 : i32 to index
            %swap3A_341 = arith.constant 304 : index
            %swap3A_342 = tpu.vector_load %arg15[%swap3A_340, %swap3A_341] {strides = array<i32>} : memref<32x1024xf32, #tpu.memory_space<vmem>>, vector<16xf32>,
            tpu.vector_store %arg15[%swap3A_340, %swap3A_341], %broadcast_in_dim3A_268 {strides = array<i32>} : memref<32x1024xf32, #tpu.memory_space<vmem>>, vector<16xf32>,
            %swap3A_343 = arith.index_cast %while3A_281 : i32 to index
            %swap3A_344 = arith.constant 320 : index
            %swap3A_345 = tpu.vector_load %arg15[%swap3A_343, %swap3A_344] {strides = array<i32>} : memref<32x1024xf32, #tpu.memory_space<vmem>>, vector<16xf32>,
            tpu.vector_store %arg15[%swap3A_343, %swap3A_344], %broadcast_in_dim3A_268 {strides = array<i32>} : memref<32x1024xf32, #tpu.memory_space<vmem>>, vector<16xf32>,
            %swap3A_346 = arith.index_cast %while3A_281 : i32 to index
            %swap3A_347 = arith.constant 336 : index
            %swap3A_348 = tpu.vector_load %arg15[%swap3A_346, %swap3A_347] {strides = array<i32>} : memref<32x1024xf32, #tpu.memory_space<vmem>>, vector<16xf32>,
            tpu.vector_store %arg15[%swap3A_346, %swap3A_347], %broadcast_in_dim3A_268 {strides = array<i32>} : memref<32x1024xf32, #tpu.memory_space<vmem>>, vector<16xf32>,
            %swap3A_349 = arith.index_cast %while3A_281 : i32 to index
            %swap3A_350 = arith.constant 352 : index
            %swap3A_351 = tpu.vector_load %arg15[%swap3A_349, %swap3A_350] {strides = array<i32>} : memref<32x1024xf32, #tpu.memory_space<vmem>>, vector<16xf32>,
            tpu.vector_store %arg15[%swap3A_349, %swap3A_350], %broadcast_in_dim3A_268 {strides = array<i32>} : memref<32x1024xf32, #tpu.memory_space<vmem>>, vector<16xf32>,
            %swap3A_352 = arith.index_cast %while3A_281 : i32 to index
            %swap3A_353 = arith.constant 368 : index
            %swap3A_354 = tpu.vector_load %arg15[%swap3A_352, %swap3A_353] {strides = array<i32>} : memref<32x1024xf32, #tpu.memory_space<vmem>>, vector<16xf32>,
            tpu.vector_store %arg15[%swap3A_352, %swap3A_353], %broadcast_in_dim3A_268 {strides = array<i32>} : memref<32x1024xf32, #tpu.memory_space<vmem>>, vector<16xf32>,
            %swap3A_355 = arith.index_cast %while3A_281 : i32 to index
            %swap3A_356 = arith.constant 384 : index
            %swap3A_357 = tpu.vector_load %arg15[%swap3A_355, %swap3A_356] {strides = array<i32>} : memref<32x1024xf32, #tpu.memory_space<vmem>>, vector<16xf32>,
            tpu.vector_store %arg15[%swap3A_355, %swap3A_356], %broadcast_in_dim3A_268 {strides = array<i32>} : memref<32x1024xf32, #tpu.memory_space<vmem>>, vector<16xf32>,
            %swap3A_358 = arith.index_cast %while3A_281 : i32 to index
            %swap3A_359 = arith.constant 400 : index
            %swap3A_360 = tpu.vector_load %arg15[%swap3A_358, %swap3A_359] {strides = array<i32>} : memref<32x1024xf32, #tpu.memory_space<vmem>>, vector<16xf32>,
            tpu.vector_store %arg15[%swap3A_358, %swap3A_359], %broadcast_in_dim3A_268 {strides = array<i32>} : memref<32x1024xf32, #tpu.memory_space<vmem>>, vector<16xf32>,
            %swap3A_361 = arith.index_cast %while3A_281 : i32 to index
            %swap3A_362 = arith.constant 416 : index
            %swap3A_363 = tpu.vector_load %arg15[%swap3A_361, %swap3A_362] {strides = array<i32>} : memref<32x1024xf32, #tpu.memory_space<vmem>>, vector<16xf32>,
            tpu.vector_store %arg15[%swap3A_361, %swap3A_362], %broadcast_in_dim3A_268 {strides = array<i32>} : memref<32x1024xf32, #tpu.memory_space<vmem>>, vector<16xf32>,
            %swap3A_364 = arith.index_cast %while3A_281 : i32 to index
            %swap3A_365 = arith.constant 432 : index
            %swap3A_366 = tpu.vector_load %arg15[%swap3A_364, %swap3A_365] {strides = array<i32>} : memref<32x1024xf32, #tpu.memory_space<vmem>>, vector<16xf32>,
            tpu.vector_store %arg15[%swap3A_364, %swap3A_365], %broadcast_in_dim3A_268 {strides = array<i32>} : memref<32x1024xf32, #tpu.memory_space<vmem>>, vector<16xf32>,
            %swap3A_367 = arith.index_cast %while3A_281 : i32 to index
            %swap3A_368 = arith.constant 448 : index
            %swap3A_369 = tpu.vector_load %arg15[%swap3A_367, %swap3A_368] {strides = array<i32>} : memref<32x1024xf32, #tpu.memory_space<vmem>>, vector<16xf32>,
            tpu.vector_store %arg15[%swap3A_367, %swap3A_368], %broadcast_in_dim3A_268 {strides = array<i32>} : memref<32x1024xf32, #tpu.memory_space<vmem>>, vector<16xf32>,
            %swap3A_370 = arith.index_cast %while3A_281 : i32 to index
            %swap3A_371 = arith.constant 464 : index
            %swap3A_372 = tpu.vector_load %arg15[%swap3A_370, %swap3A_371] {strides = array<i32>} : memref<32x1024xf32, #tpu.memory_space<vmem>>, vector<16xf32>,
            tpu.vector_store %arg15[%swap3A_370, %swap3A_371], %broadcast_in_dim3A_268 {strides = array<i32>} : memref<32x1024xf32, #tpu.memory_space<vmem>>, vector<16xf32>,
            %swap3A_373 = arith.index_cast %while3A_281 : i32 to index
            %swap3A_374 = arith.constant 480 : index
            %swap3A_375 = tpu.vector_load %arg15[%swap3A_373, %swap3A_374] {strides = array<i32>} : memref<32x1024xf32, #tpu.memory_space<vmem>>, vector<16xf32>,
            tpu.vector_store %arg15[%swap3A_373, %swap3A_374], %broadcast_in_dim3A_268 {strides = array<i32>} : memref<32x1024xf32, #tpu.memory_space<vmem>>, vector<16xf32>,
            %swap3A_376 = arith.index_cast %while3A_281 : i32 to index
            %swap3A_377 = arith.constant 496 : index
            %swap3A_378 = tpu.vector_load %arg15[%swap3A_376, %swap3A_377] {strides = array<i32>} : memref<32x1024xf32, #tpu.memory_space<vmem>>, vector<16xf32>,
            tpu.vector_store %arg15[%swap3A_376, %swap3A_377], %broadcast_in_dim3A_268 {strides = array<i32>} : memref<32x1024xf32, #tpu.memory_space<vmem>>, vector<16xf32>,
            %swap3A_379 = arith.index_cast %while3A_281 : i32 to index
            %swap3A_380 = arith.constant 512 : index
            %swap3A_381 = tpu.vector_load %arg15[%swap3A_379, %swap3A_380] {strides = array<i32>} : memref<32x1024xf32, #tpu.memory_space<vmem>>, vector<16xf32>,
            tpu.vector_store %arg15[%swap3A_379, %swap3A_380], %broadcast_in_dim3A_268 {strides = array<i32>} : memref<32x1024xf32, #tpu.memory_space<vmem>>, vector<16xf32>,
            %swap3A_382 = arith.index_cast %while3A_281 : i32 to index
            %swap3A_383 = arith.constant 528 : index
            %swap3A_384 = tpu.vector_load %arg15[%swap3A_382, %swap3A_383] {strides = array<i32>} : memref<32x1024xf32, #tpu.memory_space<vmem>>, vector<16xf32>,
            tpu.vector_store %arg15[%swap3A_382, %swap3A_383], %broadcast_in_dim3A_268 {strides = array<i32>} : memref<32x1024xf32, #tpu.memory_space<vmem>>, vector<16xf32>,
            %swap3A_385 = arith.index_cast %while3A_281 : i32 to index
            %swap3A_386 = arith.constant 544 : index
            %swap3A_387 = tpu.vector_load %arg15[%swap3A_385, %swap3A_386] {strides = array<i32>} : memref<32x1024xf32, #tpu.memory_space<vmem>>, vector<16xf32>,
            tpu.vector_store %arg15[%swap3A_385, %swap3A_386], %broadcast_in_dim3A_268 {strides = array<i32>} : memref<32x1024xf32, #tpu.memory_space<vmem>>, vector<16xf32>,
            %swap3A_388 = arith.index_cast %while3A_281 : i32 to index
            %swap3A_389 = arith.constant 560 : index
            %swap3A_390 = tpu.vector_load %arg15[%swap3A_388, %swap3A_389] {strides = array<i32>} : memref<32x1024xf32, #tpu.memory_space<vmem>>, vector<16xf32>,
            tpu.vector_store %arg15[%swap3A_388, %swap3A_389], %broadcast_in_dim3A_268 {strides = array<i32>} : memref<32x1024xf32, #tpu.memory_space<vmem>>, vector<16xf32>,
            %swap3A_391 = arith.index_cast %while3A_281 : i32 to index
            %swap3A_392 = arith.constant 576 : index
            %swap3A_393 = tpu.vector_load %arg15[%swap3A_391, %swap3A_392] {strides = array<i32>} : memref<32x1024xf32, #tpu.memory_space<vmem>>, vector<16xf32>,
            tpu.vector_store %arg15[%swap3A_391, %swap3A_392], %broadcast_in_dim3A_268 {strides = array<i32>} : memref<32x1024xf32, #tpu.memory_space<vmem>>, vector<16xf32>,
            %swap3A_394 = arith.index_cast %while3A_281 : i32 to index
            %swap3A_395 = arith.constant 592 : index
            %swap3A_396 = tpu.vector_load %arg15[%swap3A_394, %swap3A_395] {strides = array<i32>} : memref<32x1024xf32, #tpu.memory_space<vmem>>, vector<16xf32>,
            tpu.vector_store %arg15[%swap3A_394, %swap3A_395], %broadcast_in_dim3A_268 {strides = array<i32>} : memref<32x1024xf32, #tpu.memory_space<vmem>>, vector<16xf32>,
            %swap3A_397 = arith.index_cast %while3A_281 : i32 to index
            %swap3A_398 = arith.constant 608 : index
            %swap3A_399 = tpu.vector_load %arg15[%swap3A_397, %swap3A_398] {strides = array<i32>} : memref<32x1024xf32, #tpu.memory_space<vmem>>, vector<16xf32>,
            tpu.vector_store %arg15[%swap3A_397, %swap3A_398], %broadcast_in_dim3A_268 {strides = array<i32>} : memref<32x1024xf32, #tpu.memory_space<vmem>>, vector<16xf32>,
            %swap3A_400 = arith.index_cast %while3A_281 : i32 to index
            %swap3A_401 = arith.constant 624 : index
            %swap3A_402 = tpu.vector_load %arg15[%swap3A_400, %swap3A_401] {strides = array<i32>} : memref<32x1024xf32, #tpu.memory_space<vmem>>, vector<16xf32>,
            tpu.vector_store %arg15[%swap3A_400, %swap3A_401], %broadcast_in_dim3A_268 {strides = array<i32>} : memref<32x1024xf32, #tpu.memory_space<vmem>>, vector<16xf32>,
            %swap3A_403 = arith.index_cast %while3A_281 : i32 to index
            %swap3A_404 = arith.constant 640 : index
            %swap3A_405 = tpu.vector_load %arg15[%swap3A_403, %swap3A_404] {strides = array<i32>} : memref<32x1024xf32, #tpu.memory_space<vmem>>, vector<16xf32>,
            tpu.vector_store %arg15[%swap3A_403, %swap3A_404], %broadcast_in_dim3A_268 {strides = array<i32>} : memref<32x1024xf32, #tpu.memory_space<vmem>>, vector<16xf32>,
            %swap3A_406 = arith.index_cast %while3A_281 : i32 to index
            %swap3A_407 = arith.constant 656 : index
            %swap3A_408 = tpu.vector_load %arg15[%swap3A_406, %swap3A_407] {strides = array<i32>} : memref<32x1024xf32, #tpu.memory_space<vmem>>, vector<16xf32>,
            tpu.vector_store %arg15[%swap3A_406, %swap3A_407], %broadcast_in_dim3A_268 {strides = array<i32>} : memref<32x1024xf32, #tpu.memory_space<vmem>>, vector<16xf32>,
            %swap3A_409 = arith.index_cast %while3A_281 : i32 to index
            %swap3A_410 = arith.constant 672 : index
            %swap3A_411 = tpu.vector_load %arg15[%swap3A_409, %swap3A_410] {strides = array<i32>} : memref<32x1024xf32, #tpu.memory_space<vmem>>, vector<16xf32>,
            tpu.vector_store %arg15[%swap3A_409, %swap3A_410], %broadcast_in_dim3A_268 {strides = array<i32>} : memref<32x1024xf32, #tpu.memory_space<vmem>>, vector<16xf32>,
            %swap3A_412 = arith.index_cast %while3A_281 : i32 to index
            %swap3A_413 = arith.constant 688 : index
            %swap3A_414 = tpu.vector_load %arg15[%swap3A_412, %swap3A_413] {strides = array<i32>} : memref<32x1024xf32, #tpu.memory_space<vmem>>, vector<16xf32>,
            tpu.vector_store %arg15[%swap3A_412, %swap3A_413], %broadcast_in_dim3A_268 {strides = array<i32>} : memref<32x1024xf32, #tpu.memory_space<vmem>>, vector<16xf32>,
            %swap3A_415 = arith.index_cast %while3A_281 : i32 to index
            %swap3A_416 = arith.constant 704 : index
            %swap3A_417 = tpu.vector_load %arg15[%swap3A_415, %swap3A_416] {strides = array<i32>} : memref<32x1024xf32, #tpu.memory_space<vmem>>, vector<16xf32>,
            tpu.vector_store %arg15[%swap3A_415, %swap3A_416], %broadcast_in_dim3A_268 {strides = array<i32>} : memref<32x1024xf32, #tpu.memory_space<vmem>>, vector<16xf32>,
            %swap3A_418 = arith.index_cast %while3A_281 : i32 to index
            %swap3A_419 = arith.constant 720 : index
            %swap3A_420 = tpu.vector_load %arg15[%swap3A_418, %swap3A_419] {strides = array<i32>} : memref<32x1024xf32, #tpu.memory_space<vmem>>, vector<16xf32>,
            tpu.vector_store %arg15[%swap3A_418, %swap3A_419], %broadcast_in_dim3A_268 {strides = array<i32>} : memref<32x1024xf32, #tpu.memory_space<vmem>>, vector<16xf32>,
            %swap3A_421 = arith.index_cast %while3A_281 : i32 to index
            %swap3A_422 = arith.constant 736 : index
            %swap3A_423 = tpu.vector_load %arg15[%swap3A_421, %swap3A_422] {strides = array<i32>} : memref<32x1024xf32, #tpu.memory_space<vmem>>, vector<16xf32>,
            tpu.vector_store %arg15[%swap3A_421, %swap3A_422], %broadcast_in_dim3A_268 {strides = array<i32>} : memref<32x1024xf32, #tpu.memory_space<vmem>>, vector<16xf32>,
            %swap3A_424 = arith.index_cast %while3A_281 : i32 to index
            %swap3A_425 = arith.constant 752 : index
            %swap3A_426 = tpu.vector_load %arg15[%swap3A_424, %swap3A_425] {strides = array<i32>} : memref<32x1024xf32, #tpu.memory_space<vmem>>, vector<16xf32>,
            tpu.vector_store %arg15[%swap3A_424, %swap3A_425], %broadcast_in_dim3A_268 {strides = array<i32>} : memref<32x1024xf32, #tpu.memory_space<vmem>>, vector<16xf32>,
            %swap3A_427 = arith.index_cast %while3A_281 : i32 to index
            %swap3A_428 = arith.constant 768 : index
            %swap3A_429 = tpu.vector_load %arg15[%swap3A_427, %swap3A_428] {strides = array<i32>} : memref<32x1024xf32, #tpu.memory_space<vmem>>, vector<16xf32>,
            tpu.vector_store %arg15[%swap3A_427, %swap3A_428], %broadcast_in_dim3A_268 {strides = array<i32>} : memref<32x1024xf32, #tpu.memory_space<vmem>>, vector<16xf32>,
            %swap3A_430 = arith.index_cast %while3A_281 : i32 to index
            %swap3A_431 = arith.constant 784 : index
            %swap3A_432 = tpu.vector_load %arg15[%swap3A_430, %swap3A_431] {strides = array<i32>} : memref<32x1024xf32, #tpu.memory_space<vmem>>, vector<16xf32>,
            tpu.vector_store %arg15[%swap3A_430, %swap3A_431], %broadcast_in_dim3A_268 {strides = array<i32>} : memref<32x1024xf32, #tpu.memory_space<vmem>>, vector<16xf32>,
            %swap3A_433 = arith.index_cast %while3A_281 : i32 to index
            %swap3A_434 = arith.constant 800 : index
            %swap3A_435 = tpu.vector_load %arg15[%swap3A_433, %swap3A_434] {strides = array<i32>} : memref<32x1024xf32, #tpu.memory_space<vmem>>, vector<16xf32>,
            tpu.vector_store %arg15[%swap3A_433, %swap3A_434], %broadcast_in_dim3A_268 {strides = array<i32>} : memref<32x1024xf32, #tpu.memory_space<vmem>>, vector<16xf32>,
            %swap3A_436 = arith.index_cast %while3A_281 : i32 to index
            %swap3A_437 = arith.constant 816 : index
            %swap3A_438 = tpu.vector_load %arg15[%swap3A_436, %swap3A_437] {strides = array<i32>} : memref<32x1024xf32, #tpu.memory_space<vmem>>, vector<16xf32>,
            tpu.vector_store %arg15[%swap3A_436, %swap3A_437], %broadcast_in_dim3A_268 {strides = array<i32>} : memref<32x1024xf32, #tpu.memory_space<vmem>>, vector<16xf32>,
            %swap3A_439 = arith.index_cast %while3A_281 : i32 to index
            %swap3A_440 = arith.constant 832 : index
            %swap3A_441 = tpu.vector_load %arg15[%swap3A_439, %swap3A_440] {strides = array<i32>} : memref<32x1024xf32, #tpu.memory_space<vmem>>, vector<16xf32>,
            tpu.vector_store %arg15[%swap3A_439, %swap3A_440], %broadcast_in_dim3A_268 {strides = array<i32>} : memref<32x1024xf32, #tpu.memory_space<vmem>>, vector<16xf32>,
            %swap3A_442 = arith.index_cast %while3A_281 : i32 to index
            %swap3A_443 = arith.constant 848 : index
            %swap3A_444 = tpu.vector_load %arg15[%swap3A_442, %swap3A_443] {strides = array<i32>} : memref<32x1024xf32, #tpu.memory_space<vmem>>, vector<16xf32>,
            tpu.vector_store %arg15[%swap3A_442, %swap3A_443], %broadcast_in_dim3A_268 {strides = array<i32>} : memref<32x1024xf32, #tpu.memory_space<vmem>>, vector<16xf32>,
            %swap3A_445 = arith.index_cast %while3A_281 : i32 to index
            %swap3A_446 = arith.constant 864 : index
            %swap3A_447 = tpu.vector_load %arg15[%swap3A_445, %swap3A_446] {strides = array<i32>} : memref<32x1024xf32, #tpu.memory_space<vmem>>, vector<16xf32>,
            tpu.vector_store %arg15[%swap3A_445, %swap3A_446], %broadcast_in_dim3A_268 {strides = array<i32>} : memref<32x1024xf32, #tpu.memory_space<vmem>>, vector<16xf32>,
            %swap3A_448 = arith.index_cast %while3A_281 : i32 to index
            %swap3A_449 = arith.constant 880 : index
            %swap3A_450 = tpu.vector_load %arg15[%swap3A_448, %swap3A_449] {strides = array<i32>} : memref<32x1024xf32, #tpu.memory_space<vmem>>, vector<16xf32>,
            tpu.vector_store %arg15[%swap3A_448, %swap3A_449], %broadcast_in_dim3A_268 {strides = array<i32>} : memref<32x1024xf32, #tpu.memory_space<vmem>>, vector<16xf32>,
            %swap3A_451 = arith.index_cast %while3A_281 : i32 to index
            %swap3A_452 = arith.constant 896 : index
            %swap3A_453 = tpu.vector_load %arg15[%swap3A_451, %swap3A_452] {strides = array<i32>} : memref<32x1024xf32, #tpu.memory_space<vmem>>, vector<16xf32>,
            tpu.vector_store %arg15[%swap3A_451, %swap3A_452], %broadcast_in_dim3A_268 {strides = array<i32>} : memref<32x1024xf32, #tpu.memory_space<vmem>>, vector<16xf32>,
            %swap3A_454 = arith.index_cast %while3A_281 : i32 to index
            %swap3A_455 = arith.constant 912 : index
            %swap3A_456 = tpu.vector_load %arg15[%swap3A_454, %swap3A_455] {strides = array<i32>} : memref<32x1024xf32, #tpu.memory_space<vmem>>, vector<16xf32>,
            tpu.vector_store %arg15[%swap3A_454, %swap3A_455], %broadcast_in_dim3A_268 {strides = array<i32>} : memref<32x1024xf32, #tpu.memory_space<vmem>>, vector<16xf32>,
            %swap3A_457 = arith.index_cast %while3A_281 : i32 to index
            %swap3A_458 = arith.constant 928 : index
            %swap3A_459 = tpu.vector_load %arg15[%swap3A_457, %swap3A_458] {strides = array<i32>} : memref<32x1024xf32, #tpu.memory_space<vmem>>, vector<16xf32>,
            tpu.vector_store %arg15[%swap3A_457, %swap3A_458], %broadcast_in_dim3A_268 {strides = array<i32>} : memref<32x1024xf32, #tpu.memory_space<vmem>>, vector<16xf32>,
            %swap3A_460 = arith.index_cast %while3A_281 : i32 to index
            %swap3A_461 = arith.constant 944 : index
            %swap3A_462 = tpu.vector_load %arg15[%swap3A_460, %swap3A_461] {strides = array<i32>} : memref<32x1024xf32, #tpu.memory_space<vmem>>, vector<16xf32>,
            tpu.vector_store %arg15[%swap3A_460, %swap3A_461], %broadcast_in_dim3A_268 {strides = array<i32>} : memref<32x1024xf32, #tpu.memory_space<vmem>>, vector<16xf32>,
            %swap3A_463 = arith.index_cast %while3A_281 : i32 to index
            %swap3A_464 = arith.constant 960 : index
            %swap3A_465 = tpu.vector_load %arg15[%swap3A_463, %swap3A_464] {strides = array<i32>} : memref<32x1024xf32, #tpu.memory_space<vmem>>, vector<16xf32>,
            tpu.vector_store %arg15[%swap3A_463, %swap3A_464], %broadcast_in_dim3A_268 {strides = array<i32>} : memref<32x1024xf32, #tpu.memory_space<vmem>>, vector<16xf32>,
            %swap3A_466 = arith.index_cast %while3A_281 : i32 to index
            %swap3A_467 = arith.constant 976 : index
            %swap3A_468 = tpu.vector_load %arg15[%swap3A_466, %swap3A_467] {strides = array<i32>} : memref<32x1024xf32, #tpu.memory_space<vmem>>, vector<16xf32>,
            tpu.vector_store %arg15[%swap3A_466, %swap3A_467], %broadcast_in_dim3A_268 {strides = array<i32>} : memref<32x1024xf32, #tpu.memory_space<vmem>>, vector<16xf32>,
            %swap3A_469 = arith.index_cast %while3A_281 : i32 to index
            %swap3A_470 = arith.constant 992 : index
            %swap3A_471 = tpu.vector_load %arg15[%swap3A_469, %swap3A_470] {strides = array<i32>} : memref<32x1024xf32, #tpu.memory_space<vmem>>, vector<16xf32>,
            tpu.vector_store %arg15[%swap3A_469, %swap3A_470], %broadcast_in_dim3A_268 {strides = array<i32>} : memref<32x1024xf32, #tpu.memory_space<vmem>>, vector<16xf32>,
            %swap3A_472 = arith.index_cast %while3A_281 : i32 to index
            %swap3A_473 = arith.constant 1008 : index
            %swap3A_474 = tpu.vector_load %arg15[%swap3A_472, %swap3A_473] {strides = array<i32>} : memref<32x1024xf32, #tpu.memory_space<vmem>>, vector<16xf32>,
            tpu.vector_store %arg15[%swap3A_472, %swap3A_473], %broadcast_in_dim3A_268 {strides = array<i32>} : memref<32x1024xf32, #tpu.memory_space<vmem>>, vector<16xf32>,
            %while3A_475 = arith.constant 0 : i32
            scf.yield %while3A_475 : i32
          }
        } else {
        }
        %mul3A_253 = arith.constant 32 : i32
        %mul3A_254 = arith.muli %while3A_194, %mul3A_253 : i32
        %add3A_255 = arith.addi %mul3A_32, %mul3A_254 : i32
        %dma_start3A = arith.constant 0 : i32
        %dma_start3A_256 = tpu.memref_slice %arg5[%add3A, %add3A_255, %dma_start3A] : memref<16x2560x1024xf32, #tpu.memory_space<hbm>> -> memref<1x32x1024xf32, #tpu.memory_space<hbm>>
        %dma_start3A_257 = tpu.memref_squeeze %dma_start3A_256 : memref<1x32x1024xf32, #tpu.memory_space<hbm>> -> memref<32x1024xf32, #tpu.memory_space<hbm>>
        %dma_start3A_258 = arith.constant 0 : i32
        %dma_start3A_259 = tpu.memref_slice %arg5[%add3A, %add3A_255, %dma_start3A_258] : memref<16x2560x1024xf32, #tpu.memory_space<hbm>> -> memref<1x32x1024xf32, #tpu.memory_space<hbm>>
        %dma_start3A_260 = tpu.memref_squeeze %dma_start3A_259 : memref<1x32x1024xf32, #tpu.memory_space<hbm>> -> memref<32x1024xf32, #tpu.memory_space<hbm>>
        tpu.enqueue_dma source(%arg15 : memref<32x1024xf32, #tpu.memory_space<vmem>>) target(%dma_start3A_260 : memref<32x1024xf32, #tpu.memory_space<hbm>>) target_semaphore(%arg23 : memref<!tpu.dma_semaphore, #tpu.memory_space<semaphore_mem>>)
        %add3A_261 = arith.constant 1 : i32
        %add3A_262 = arith.addi %while3A_194, %add3A_261 : i32
        %lt3A_263 = arith.cmpi slt, %add3A_262, %select_n3A_123 : i32
        %convert_element_type3A_264 = arith.extui %lt3A_263 : i1 to i32
        %cond3A_265 = arith.constant 0 : i32
        %cond3A_266 = arith.cmpi ne, %convert_element_type3A_264, %cond3A_265 : i32
        scf.if %cond3A_266 {
          %add3A_267 = arith.constant 1 : i32
          %add3A_268 = arith.addi %while3A_194, %add3A_267 : i32
          %mul3A_269 = arith.constant 32 : i32
          %mul3A_270 = arith.muli %add3A_268, %mul3A_269 : i32
          %add3A_271 = arith.addi %mul3A_32, %mul3A_270 : i32
          %add3A_272 = arith.constant 0 : i32
          %add3A_273 = arith.addi %add3A_271, %add3A_272 : i32
          %add3A_274 = vector.broadcast %add3A_273 : i32 to vector<16xi32>
          %add3A_275 = arith.addi %add3A_274, %iota3A : vector<16xi32>
          %add3A_276 = arith.constant 0 : i32
          %add3A_277 = arith.addi %add3A_271, %add3A_276 : i32
          %add3A_278 = vector.broadcast %add3A_277 : i32 to vector<16xi32>
          %add3A_279 = arith.addi %add3A_278, %iota3A : vector<16xi32>
          %lt3A_280 = vector.broadcast %reduce_max3A_79 : i32 to vector<16xi32>
          %lt3A_281 = arith.cmpi slt, %add3A_279, %lt3A_280 : vector<16xi32>
          %jit3A_282 = arith.constant 0 : i32
          %jit3A_283 = arith.constant 2559 : i32
          %max3A_284 = vector.broadcast %jit3A_282 : i32 to vector<16xi32>
          %max3A_285 = arith.maxsi %max3A_284, %add3A_279 : vector<16xi32>
          %min3A_286 = vector.broadcast %jit3A_283 : i32 to vector<16xi32>
          %min3A_287 = arith.minsi %min3A_286, %max3A_285 : vector<16xi32>
          %sub3A_288 = vector.broadcast %reduce_max3A_79 : i32 to vector<16xi32>
          %sub3A_289 = arith.subi %add3A_279, %sub3A_288 : vector<16xi32>
          %jit3A_290 = arith.constant 0 : i32
          %jit3A_291 = arith.constant 2559 : i32
          %max3A_292 = vector.broadcast %jit3A_290 : i32 to vector<16xi32>
          %max3A_293 = arith.maxsi %max3A_292, %sub3A_289 : vector<16xi32>
          %min3A_294 = vector.broadcast %jit3A_291 : i32 to vector<16xi32>
          %min3A_295 = arith.minsi %min3A_294, %max3A_293 : vector<16xi32>
          %gather3A = tpu.vector_load_idx %arg11[%min3A_287] : memref<2576xi32, #tpu.memory_space<vmem>>[vector<16xi32>], vector<16xi32>,
          %gather3A_296 = tpu.vector_load_idx %arg12[%min3A_295] : memref<2576xi32, #tpu.memory_space<vmem>>[vector<16xi32>], vector<16xi32>,
          %select_n3A_297 = arith.select %lt3A_281, %gather3A, %gather3A_296 : vector<16xi1>, vector<16xi32>
          %lt3A_298 = vector.broadcast %min3A_91 : i32 to vector<16xi32>
          %lt3A_299 = arith.cmpi slt, %add3A_279, %lt3A_298 : vector<16xi32>
          %mul3A_300 = arith.constant 2 : i32
          %mul3A_301 = vector.broadcast %mul3A_300 : i32 to vector<16xi32>
          %mul3A_302 = arith.muli %add3A_275, %mul3A_301 : vector<16xi32>
          %select_n3A_303 = arith.select %lt3A_299, %select_n3A_297, %mul3A_302 : vector<16xi1>, vector<16xi32>
          %jit3A_304 = arith.constant 2 : i32
          %div3A_305 = vector.broadcast %jit3A_304 : i32 to vector<16xi32>
          %div3A_306 = arith.divsi %select_n3A_303, %div3A_305 : vector<16xi32>
          %sign3A_307 = arith.constant 0 : i32
          %sign3A_308 = vector.broadcast %sign3A_307 : i32 to vector<16xi32>
          %sign3A_309 = arith.cmpi sgt, %select_n3A_303, %sign3A_308 : vector<16xi32>
          %sign3A_310 = arith.extui %sign3A_309 : vector<16xi1> to vector<16xi32>
          %sign3A_311 = arith.constant 0 : i32
          %sign3A_312 = vector.broadcast %sign3A_311 : i32 to vector<16xi32>
          %sign3A_313 = arith.cmpi slt, %select_n3A_303, %sign3A_312 : vector<16xi32>
          %sign3A_314 = arith.extui %sign3A_313 : vector<16xi1> to vector<16xi32>
          %sign3A_315 = arith.subi %sign3A_310, %sign3A_314 : vector<16xi32>
          %sign3A_316 = arith.constant 0 : i32
          %sign3A_317 = arith.cmpi sgt, %jit3A_304, %sign3A_316 : i32
          %sign3A_318 = arith.extui %sign3A_317 : i1 to i32
          %sign3A_319 = arith.constant 0 : i32
          %sign3A_320 = arith.cmpi slt, %jit3A_304, %sign3A_319 : i32
          %sign3A_321 = arith.extui %sign3A_320 : i1 to i32
          %sign3A_322 = arith.subi %sign3A_318, %sign3A_321 : i32
          %ne3A_323 = vector.broadcast %sign3A_322 : i32 to vector<16xi32>
          %ne3A_324 = arith.cmpi ne, %sign3A_315, %ne3A_323 : vector<16xi32>
          %rem3A_325 = vector.broadcast %jit3A_304 : i32 to vector<16xi32>
          %rem3A_326 = arith.remsi %select_n3A_303, %rem3A_325 : vector<16xi32>
          %ne3A_327 = arith.constant 0 : i32
          %ne3A_328 = vector.broadcast %ne3A_327 : i32 to vector<16xi32>
          %ne3A_329 = arith.cmpi ne, %rem3A_326, %ne3A_328 : vector<16xi32>
          %and3A_330 = arith.andi %ne3A_324, %ne3A_329 : vector<16xi1>
          %sub3A_331 = arith.constant 1 : i32
          %sub3A_332 = vector.broadcast %sub3A_331 : i32 to vector<16xi32>
          %sub3A_333 = arith.subi %div3A_306, %sub3A_332 : vector<16xi32>
          %select_n3A_334 = arith.select %and3A_330, %sub3A_333, %div3A_306 : vector<16xi1>, vector<16xi32>
          %swap3A_335 = arith.constant 0 : index
          %swap3A_336 = tpu.vector_load %arg14[%swap3A_335] {strides = array<i32>} : memref<32xi32, #tpu.memory_space<vmem>>, vector<16xi32>,
          tpu.vector_store %arg14[%swap3A_335], %select_n3A_334 {strides = array<i32>} : memref<32xi32, #tpu.memory_space<vmem>>, vector<16xi32>,
          %add3A_337 = arith.constant 16 : i32
          %add3A_338 = arith.addi %add3A_271, %add3A_337 : i32
          %add3A_339 = vector.broadcast %add3A_338 : i32 to vector<16xi32>
          %add3A_340 = arith.addi %add3A_339, %iota3A : vector<16xi32>
          %add3A_341 = arith.constant 16 : i32
          %add3A_342 = arith.addi %add3A_271, %add3A_341 : i32
          %add3A_343 = vector.broadcast %add3A_342 : i32 to vector<16xi32>
          %add3A_344 = arith.addi %add3A_343, %iota3A : vector<16xi32>
          %lt3A_345 = vector.broadcast %reduce_max3A_79 : i32 to vector<16xi32>
          %lt3A_346 = arith.cmpi slt, %add3A_344, %lt3A_345 : vector<16xi32>
          %jit3A_347 = arith.constant 0 : i32
          %jit3A_348 = arith.constant 2559 : i32
          %max3A_349 = vector.broadcast %jit3A_347 : i32 to vector<16xi32>
          %max3A_350 = arith.maxsi %max3A_349, %add3A_344 : vector<16xi32>
          %min3A_351 = vector.broadcast %jit3A_348 : i32 to vector<16xi32>
          %min3A_352 = arith.minsi %min3A_351, %max3A_350 : vector<16xi32>
          %sub3A_353 = vector.broadcast %reduce_max3A_79 : i32 to vector<16xi32>
          %sub3A_354 = arith.subi %add3A_344, %sub3A_353 : vector<16xi32>
          %jit3A_355 = arith.constant 0 : i32
          %jit3A_356 = arith.constant 2559 : i32
          %max3A_357 = vector.broadcast %jit3A_355 : i32 to vector<16xi32>
          %max3A_358 = arith.maxsi %max3A_357, %sub3A_354 : vector<16xi32>
          %min3A_359 = vector.broadcast %jit3A_356 : i32 to vector<16xi32>
          %min3A_360 = arith.minsi %min3A_359, %max3A_358 : vector<16xi32>
          %gather3A_361 = tpu.vector_load_idx %arg11[%min3A_352] : memref<2576xi32, #tpu.memory_space<vmem>>[vector<16xi32>], vector<16xi32>,
          %gather3A_362 = tpu.vector_load_idx %arg12[%min3A_360] : memref<2576xi32, #tpu.memory_space<vmem>>[vector<16xi32>], vector<16xi32>,
          %select_n3A_363 = arith.select %lt3A_346, %gather3A_361, %gather3A_362 : vector<16xi1>, vector<16xi32>
          %lt3A_364 = vector.broadcast %min3A_91 : i32 to vector<16xi32>
          %lt3A_365 = arith.cmpi slt, %add3A_344, %lt3A_364 : vector<16xi32>
          %mul3A_366 = arith.constant 2 : i32
          %mul3A_367 = vector.broadcast %mul3A_366 : i32 to vector<16xi32>
          %mul3A_368 = arith.muli %add3A_340, %mul3A_367 : vector<16xi32>
          %select_n3A_369 = arith.select %lt3A_365, %select_n3A_363, %mul3A_368 : vector<16xi1>, vector<16xi32>
          %jit3A_370 = arith.constant 2 : i32
          %div3A_371 = vector.broadcast %jit3A_370 : i32 to vector<16xi32>
          %div3A_372 = arith.divsi %select_n3A_369, %div3A_371 : vector<16xi32>
          %sign3A_373 = arith.constant 0 : i32
          %sign3A_374 = vector.broadcast %sign3A_373 : i32 to vector<16xi32>
          %sign3A_375 = arith.cmpi sgt, %select_n3A_369, %sign3A_374 : vector<16xi32>
          %sign3A_376 = arith.extui %sign3A_375 : vector<16xi1> to vector<16xi32>
          %sign3A_377 = arith.constant 0 : i32
          %sign3A_378 = vector.broadcast %sign3A_377 : i32 to vector<16xi32>
          %sign3A_379 = arith.cmpi slt, %select_n3A_369, %sign3A_378 : vector<16xi32>
          %sign3A_380 = arith.extui %sign3A_379 : vector<16xi1> to vector<16xi32>
          %sign3A_381 = arith.subi %sign3A_376, %sign3A_380 : vector<16xi32>
          %sign3A_382 = arith.constant 0 : i32
          %sign3A_383 = arith.cmpi sgt, %jit3A_370, %sign3A_382 : i32
          %sign3A_384 = arith.extui %sign3A_383 : i1 to i32
          %sign3A_385 = arith.constant 0 : i32
          %sign3A_386 = arith.cmpi slt, %jit3A_370, %sign3A_385 : i32
          %sign3A_387 = arith.extui %sign3A_386 : i1 to i32
          %sign3A_388 = arith.subi %sign3A_384, %sign3A_387 : i32
          %ne3A_389 = vector.broadcast %sign3A_388 : i32 to vector<16xi32>
          %ne3A_390 = arith.cmpi ne, %sign3A_381, %ne3A_389 : vector<16xi32>
          %rem3A_391 = vector.broadcast %jit3A_370 : i32 to vector<16xi32>
          %rem3A_392 = arith.remsi %select_n3A_369, %rem3A_391 : vector<16xi32>
          %ne3A_393 = arith.constant 0 : i32
          %ne3A_394 = vector.broadcast %ne3A_393 : i32 to vector<16xi32>
          %ne3A_395 = arith.cmpi ne, %rem3A_392, %ne3A_394 : vector<16xi32>
          %and3A_396 = arith.andi %ne3A_390, %ne3A_395 : vector<16xi1>
          %sub3A_397 = arith.constant 1 : i32
          %sub3A_398 = vector.broadcast %sub3A_397 : i32 to vector<16xi32>
          %sub3A_399 = arith.subi %div3A_372, %sub3A_398 : vector<16xi32>
          %select_n3A_400 = arith.select %and3A_396, %sub3A_399, %div3A_372 : vector<16xi1>, vector<16xi32>
          %swap3A_401 = arith.constant 16 : index
          %swap3A_402 = tpu.vector_load %arg14[%swap3A_401] {strides = array<i32>} : memref<32xi32, #tpu.memory_space<vmem>>, vector<16xi32>,
          tpu.vector_store %arg14[%swap3A_401], %select_n3A_400 {strides = array<i32>} : memref<32xi32, #tpu.memory_space<vmem>>, vector<16xi32>,
          %ge3A_403 = arith.constant 1 : i32
          %ge3A_404 = arith.cmpi sge, %while3A_194, %ge3A_403 : i32
          %convert_element_type3A_405 = arith.extui %ge3A_404 : i1 to i32
          %cond3A_406 = arith.constant 0 : i32
          %cond3A_407 = arith.cmpi ne, %convert_element_type3A_405, %cond3A_406 : i32
          scf.if %cond3A_407 {
            %dma_wait3A_411 = arith.constant 0 : i32
            %dma_wait3A_412 = tpu.memref_slice %arg5[%add3A, %mul3A_32, %dma_wait3A_411] : memref<16x2560x1024xf32, #tpu.memory_space<hbm>> -> memref<1x32x1024xf32, #tpu.memory_space<hbm>>
            %dma_wait3A_413 = tpu.memref_squeeze %dma_wait3A_412 : memref<1x32x1024xf32, #tpu.memory_space<hbm>> -> memref<32x1024xf32, #tpu.memory_space<hbm>>
            %dma_wait3A_414 = arith.constant 0 : i32
            %dma_wait3A_415 = tpu.memref_slice %arg5[%add3A, %mul3A_32, %dma_wait3A_414] : memref<16x2560x1024xf32, #tpu.memory_space<hbm>> -> memref<1x32x1024xf32, #tpu.memory_space<hbm>>
            %dma_wait3A_416 = tpu.memref_squeeze %dma_wait3A_415 : memref<1x32x1024xf32, #tpu.memory_space<hbm>> -> memref<32x1024xf32, #tpu.memory_space<hbm>>
            tpu.wait_dma2 semaphore(%arg24 : memref<!tpu.dma_semaphore, #tpu.memory_space<semaphore_mem>>) src(%arg16 : memref<32x1024xf32, #tpu.memory_space<vmem>>) dst(%dma_wait3A_416 : memref<32x1024xf32, #tpu.memory_space<hbm>>)
          } else {
          }
          %dma_start3A_408 = arith.constant 0 : i32
          %dma_start3A_409 = arith.constant 0 : i32
          %dma_start3A_410 = tpu.memref_slice %arg3[%dma_start3A_408, %dma_start3A_409] : memref<16384x1024xf32, #tpu.memory_space<hbm>> -> memref<16384x1024xf32, #tpu.memory_space<hbm>>
          tpu.enqueue_indirect_dma source(%dma_start3A_410 : memref<16384x1024xf32, #tpu.memory_space<hbm>>) target(%arg16 : memref<32x1024xf32, #tpu.memory_space<vmem>>) offsets(%arg14 : memref<32xi32, #tpu.memory_space<vmem>>) semaphore(%arg22 : memref<!tpu.dma_semaphore, #tpu.memory_space<semaphore_mem>>)
        } else {
        }
      } else {
      }
      %jit3A_217 = arith.constant 2 : i32
      %eq3A_218 = arith.constant 0 : i32
      %eq3A_219 = arith.cmpi eq, %jit3A_217, %eq3A_218 : i32
      %jit3A_220 = arith.constant 1 : i32
      %select_n3A_221 = arith.select %eq3A_219, %jit3A_220, %jit3A_217 : i32
      %rem3A_222 = arith.remsi %while3A_194, %select_n3A_221 : i32
      %ne3A_223 = arith.constant 0 : i32
      %ne3A_224 = arith.cmpi ne, %rem3A_222, %ne3A_223 : i32
      %lt3A_225 = arith.constant 0 : i32
      %lt3A_226 = arith.cmpi slt, %rem3A_222, %lt3A_225 : i32
      %lt3A_227 = arith.constant 0 : i32
      %lt3A_228 = arith.cmpi slt, %select_n3A_221, %lt3A_227 : i32
      %ne3A_229 = arith.xori %lt3A_226, %lt3A_228 : i1
      %and3A_230 = arith.andi %ne3A_229, %ne3A_224 : i1
      %add3A_231 = arith.addi %rem3A_222, %select_n3A_221 : i32
      %select_n3A_232 = arith.select %and3A_230, %add3A_231, %rem3A_222 : i32
      %eq3A_233 = arith.constant 1 : i32
      %eq3A_234 = arith.cmpi eq, %select_n3A_232, %eq3A_233 : i32
      %convert_element_type3A_235 = arith.extui %eq3A_234 : i1 to i32
      %cond3A_236 = arith.constant 0 : i32
      %cond3A_237 = arith.cmpi ne, %convert_element_type3A_235, %cond3A_236 : i32
      scf.if %cond3A_237 {
        %dma_wait3A = arith.constant 0 : i32
        %dma_wait3A_239 = arith.constant 0 : i32
        %dma_wait3A_240 = tpu.memref_slice %arg3[%dma_wait3A, %dma_wait3A_239] : memref<16384x1024xf32, #tpu.memory_space<hbm>> -> memref<16384x1024xf32, #tpu.memory_space<hbm>>
        tpu.wait_indirect_dma semaphore(%arg22 : memref<!tpu.dma_semaphore, #tpu.memory_space<semaphore_mem>>) src(%dma_wait3A_240 : memref<16384x1024xf32, #tpu.memory_space<hbm>>) dst(%arg16 : memref<32x1024xf32, #tpu.memory_space<vmem>>)
        %mul3A_241 = arith.constant 32 : i32
        %mul3A_242 = arith.muli %while3A_194, %mul3A_241 : i32
        %sub3A_243 = arith.subi %min3A_95, %mul3A_242 : i32
        %jit3A_244 = arith.constant 0 : i32
        %jit3A_245 = arith.constant 32 : i32
        %max3A_246 = arith.maxsi %jit3A_244, %sub3A_243 : i32
        %min3A_247 = arith.minsi %jit3A_245, %max3A_246 : i32
        %lt3A_248 = arith.constant 32 : i32
        %lt3A_249 = arith.cmpi slt, %min3A_247, %lt3A_248 : i32
        %convert_element_type3A_250 = arith.extui %lt3A_249 : i1 to i32
        %cond3A_251 = arith.constant 0 : i32
        %cond3A_252 = arith.cmpi ne, %convert_element_type3A_250, %cond3A_251 : i32
        scf.if %cond3A_252 {
          %broadcast_in_dim3A_267 = arith.constant 0.000000e+00 : f32
          %broadcast_in_dim3A_268 = vector.broadcast %broadcast_in_dim3A_267 : f32 to vector<16xf32>
          %while3A_269 = arith.constant 32 : i32
          %while3A_270 = arith.constant 0 : i32
          %while3A_271 = arith.subi %while3A_269, %min3A_247 : i32
          %while3A_272 = arith.addi %min3A_247, %while3A_271 : i32
          %while3A_273 = arith.constant 1 : i32
          %while3A_274 = arith.divsi %while3A_271, %while3A_273 : i32
          %while3A_275 = arith.muli %while3A_274, %while3A_273 : i32
          %while3A_276 = arith.addi %min3A_247, %while3A_275 : i32
          %while3A_277 = arith.constant 1 : i32
          %while3A_278 = scf.for %while3A_281 = %min3A_247 to %while3A_276 step %while3A_277 iter_args(%while3A_282 = %while3A_270) -> (i32)  : i32 {
            %swap3A_283 = arith.index_cast %while3A_281 : i32 to index
            %swap3A_284 = arith.constant 0 : index
            %swap3A_285 = tpu.vector_load %arg16[%swap3A_283, %swap3A_284] {strides = array<i32>} : memref<32x1024xf32, #tpu.memory_space<vmem>>, vector<16xf32>,
            tpu.vector_store %arg16[%swap3A_283, %swap3A_284], %broadcast_in_dim3A_268 {strides = array<i32>} : memref<32x1024xf32, #tpu.memory_space<vmem>>, vector<16xf32>,
            %swap3A_286 = arith.index_cast %while3A_281 : i32 to index
            %swap3A_287 = arith.constant 16 : index
            %swap3A_288 = tpu.vector_load %arg16[%swap3A_286, %swap3A_287] {strides = array<i32>} : memref<32x1024xf32, #tpu.memory_space<vmem>>, vector<16xf32>,
            tpu.vector_store %arg16[%swap3A_286, %swap3A_287], %broadcast_in_dim3A_268 {strides = array<i32>} : memref<32x1024xf32, #tpu.memory_space<vmem>>, vector<16xf32>,
            %swap3A_289 = arith.index_cast %while3A_281 : i32 to index
            %swap3A_290 = arith.constant 32 : index
            %swap3A_291 = tpu.vector_load %arg16[%swap3A_289, %swap3A_290] {strides = array<i32>} : memref<32x1024xf32, #tpu.memory_space<vmem>>, vector<16xf32>,
            tpu.vector_store %arg16[%swap3A_289, %swap3A_290], %broadcast_in_dim3A_268 {strides = array<i32>} : memref<32x1024xf32, #tpu.memory_space<vmem>>, vector<16xf32>,
            %swap3A_292 = arith.index_cast %while3A_281 : i32 to index
            %swap3A_293 = arith.constant 48 : index
            %swap3A_294 = tpu.vector_load %arg16[%swap3A_292, %swap3A_293] {strides = array<i32>} : memref<32x1024xf32, #tpu.memory_space<vmem>>, vector<16xf32>,
            tpu.vector_store %arg16[%swap3A_292, %swap3A_293], %broadcast_in_dim3A_268 {strides = array<i32>} : memref<32x1024xf32, #tpu.memory_space<vmem>>, vector<16xf32>,
            %swap3A_295 = arith.index_cast %while3A_281 : i32 to index
            %swap3A_296 = arith.constant 64 : index
            %swap3A_297 = tpu.vector_load %arg16[%swap3A_295, %swap3A_296] {strides = array<i32>} : memref<32x1024xf32, #tpu.memory_space<vmem>>, vector<16xf32>,
            tpu.vector_store %arg16[%swap3A_295, %swap3A_296], %broadcast_in_dim3A_268 {strides = array<i32>} : memref<32x1024xf32, #tpu.memory_space<vmem>>, vector<16xf32>,
            %swap3A_298 = arith.index_cast %while3A_281 : i32 to index
            %swap3A_299 = arith.constant 80 : index
            %swap3A_300 = tpu.vector_load %arg16[%swap3A_298, %swap3A_299] {strides = array<i32>} : memref<32x1024xf32, #tpu.memory_space<vmem>>, vector<16xf32>,
            tpu.vector_store %arg16[%swap3A_298, %swap3A_299], %broadcast_in_dim3A_268 {strides = array<i32>} : memref<32x1024xf32, #tpu.memory_space<vmem>>, vector<16xf32>,
            %swap3A_301 = arith.index_cast %while3A_281 : i32 to index
            %swap3A_302 = arith.constant 96 : index
            %swap3A_303 = tpu.vector_load %arg16[%swap3A_301, %swap3A_302] {strides = array<i32>} : memref<32x1024xf32, #tpu.memory_space<vmem>>, vector<16xf32>,
            tpu.vector_store %arg16[%swap3A_301, %swap3A_302], %broadcast_in_dim3A_268 {strides = array<i32>} : memref<32x1024xf32, #tpu.memory_space<vmem>>, vector<16xf32>,
            %swap3A_304 = arith.index_cast %while3A_281 : i32 to index
            %swap3A_305 = arith.constant 112 : index
            %swap3A_306 = tpu.vector_load %arg16[%swap3A_304, %swap3A_305] {strides = array<i32>} : memref<32x1024xf32, #tpu.memory_space<vmem>>, vector<16xf32>,
            tpu.vector_store %arg16[%swap3A_304, %swap3A_305], %broadcast_in_dim3A_268 {strides = array<i32>} : memref<32x1024xf32, #tpu.memory_space<vmem>>, vector<16xf32>,
            %swap3A_307 = arith.index_cast %while3A_281 : i32 to index
            %swap3A_308 = arith.constant 128 : index
            %swap3A_309 = tpu.vector_load %arg16[%swap3A_307, %swap3A_308] {strides = array<i32>} : memref<32x1024xf32, #tpu.memory_space<vmem>>, vector<16xf32>,
            tpu.vector_store %arg16[%swap3A_307, %swap3A_308], %broadcast_in_dim3A_268 {strides = array<i32>} : memref<32x1024xf32, #tpu.memory_space<vmem>>, vector<16xf32>,
            %swap3A_310 = arith.index_cast %while3A_281 : i32 to index
            %swap3A_311 = arith.constant 144 : index
            %swap3A_312 = tpu.vector_load %arg16[%swap3A_310, %swap3A_311] {strides = array<i32>} : memref<32x1024xf32, #tpu.memory_space<vmem>>, vector<16xf32>,
            tpu.vector_store %arg16[%swap3A_310, %swap3A_311], %broadcast_in_dim3A_268 {strides = array<i32>} : memref<32x1024xf32, #tpu.memory_space<vmem>>, vector<16xf32>,
            %swap3A_313 = arith.index_cast %while3A_281 : i32 to index
            %swap3A_314 = arith.constant 160 : index
            %swap3A_315 = tpu.vector_load %arg16[%swap3A_313, %swap3A_314] {strides = array<i32>} : memref<32x1024xf32, #tpu.memory_space<vmem>>, vector<16xf32>,
            tpu.vector_store %arg16[%swap3A_313, %swap3A_314], %broadcast_in_dim3A_268 {strides = array<i32>} : memref<32x1024xf32, #tpu.memory_space<vmem>>, vector<16xf32>,
            %swap3A_316 = arith.index_cast %while3A_281 : i32 to index
            %swap3A_317 = arith.constant 176 : index
            %swap3A_318 = tpu.vector_load %arg16[%swap3A_316, %swap3A_317] {strides = array<i32>} : memref<32x1024xf32, #tpu.memory_space<vmem>>, vector<16xf32>,
            tpu.vector_store %arg16[%swap3A_316, %swap3A_317], %broadcast_in_dim3A_268 {strides = array<i32>} : memref<32x1024xf32, #tpu.memory_space<vmem>>, vector<16xf32>,
            %swap3A_319 = arith.index_cast %while3A_281 : i32 to index
            %swap3A_320 = arith.constant 192 : index
            %swap3A_321 = tpu.vector_load %arg16[%swap3A_319, %swap3A_320] {strides = array<i32>} : memref<32x1024xf32, #tpu.memory_space<vmem>>, vector<16xf32>,
            tpu.vector_store %arg16[%swap3A_319, %swap3A_320], %broadcast_in_dim3A_268 {strides = array<i32>} : memref<32x1024xf32, #tpu.memory_space<vmem>>, vector<16xf32>,
            %swap3A_322 = arith.index_cast %while3A_281 : i32 to index
            %swap3A_323 = arith.constant 208 : index
            %swap3A_324 = tpu.vector_load %arg16[%swap3A_322, %swap3A_323] {strides = array<i32>} : memref<32x1024xf32, #tpu.memory_space<vmem>>, vector<16xf32>,
            tpu.vector_store %arg16[%swap3A_322, %swap3A_323], %broadcast_in_dim3A_268 {strides = array<i32>} : memref<32x1024xf32, #tpu.memory_space<vmem>>, vector<16xf32>,
            %swap3A_325 = arith.index_cast %while3A_281 : i32 to index
            %swap3A_326 = arith.constant 224 : index
            %swap3A_327 = tpu.vector_load %arg16[%swap3A_325, %swap3A_326] {strides = array<i32>} : memref<32x1024xf32, #tpu.memory_space<vmem>>, vector<16xf32>,
            tpu.vector_store %arg16[%swap3A_325, %swap3A_326], %broadcast_in_dim3A_268 {strides = array<i32>} : memref<32x1024xf32, #tpu.memory_space<vmem>>, vector<16xf32>,
            %swap3A_328 = arith.index_cast %while3A_281 : i32 to index
            %swap3A_329 = arith.constant 240 : index
            %swap3A_330 = tpu.vector_load %arg16[%swap3A_328, %swap3A_329] {strides = array<i32>} : memref<32x1024xf32, #tpu.memory_space<vmem>>, vector<16xf32>,
            tpu.vector_store %arg16[%swap3A_328, %swap3A_329], %broadcast_in_dim3A_268 {strides = array<i32>} : memref<32x1024xf32, #tpu.memory_space<vmem>>, vector<16xf32>,
            %swap3A_331 = arith.index_cast %while3A_281 : i32 to index
            %swap3A_332 = arith.constant 256 : index
            %swap3A_333 = tpu.vector_load %arg16[%swap3A_331, %swap3A_332] {strides = array<i32>} : memref<32x1024xf32, #tpu.memory_space<vmem>>, vector<16xf32>,
            tpu.vector_store %arg16[%swap3A_331, %swap3A_332], %broadcast_in_dim3A_268 {strides = array<i32>} : memref<32x1024xf32, #tpu.memory_space<vmem>>, vector<16xf32>,
            %swap3A_334 = arith.index_cast %while3A_281 : i32 to index
            %swap3A_335 = arith.constant 272 : index
            %swap3A_336 = tpu.vector_load %arg16[%swap3A_334, %swap3A_335] {strides = array<i32>} : memref<32x1024xf32, #tpu.memory_space<vmem>>, vector<16xf32>,
            tpu.vector_store %arg16[%swap3A_334, %swap3A_335], %broadcast_in_dim3A_268 {strides = array<i32>} : memref<32x1024xf32, #tpu.memory_space<vmem>>, vector<16xf32>,
            %swap3A_337 = arith.index_cast %while3A_281 : i32 to index
            %swap3A_338 = arith.constant 288 : index
            %swap3A_339 = tpu.vector_load %arg16[%swap3A_337, %swap3A_338] {strides = array<i32>} : memref<32x1024xf32, #tpu.memory_space<vmem>>, vector<16xf32>,
            tpu.vector_store %arg16[%swap3A_337, %swap3A_338], %broadcast_in_dim3A_268 {strides = array<i32>} : memref<32x1024xf32, #tpu.memory_space<vmem>>, vector<16xf32>,
            %swap3A_340 = arith.index_cast %while3A_281 : i32 to index
            %swap3A_341 = arith.constant 304 : index
            %swap3A_342 = tpu.vector_load %arg16[%swap3A_340, %swap3A_341] {strides = array<i32>} : memref<32x1024xf32, #tpu.memory_space<vmem>>, vector<16xf32>,
            tpu.vector_store %arg16[%swap3A_340, %swap3A_341], %broadcast_in_dim3A_268 {strides = array<i32>} : memref<32x1024xf32, #tpu.memory_space<vmem>>, vector<16xf32>,
            %swap3A_343 = arith.index_cast %while3A_281 : i32 to index
            %swap3A_344 = arith.constant 320 : index
            %swap3A_345 = tpu.vector_load %arg16[%swap3A_343, %swap3A_344] {strides = array<i32>} : memref<32x1024xf32, #tpu.memory_space<vmem>>, vector<16xf32>,
            tpu.vector_store %arg16[%swap3A_343, %swap3A_344], %broadcast_in_dim3A_268 {strides = array<i32>} : memref<32x1024xf32, #tpu.memory_space<vmem>>, vector<16xf32>,
            %swap3A_346 = arith.index_cast %while3A_281 : i32 to index
            %swap3A_347 = arith.constant 336 : index
            %swap3A_348 = tpu.vector_load %arg16[%swap3A_346, %swap3A_347] {strides = array<i32>} : memref<32x1024xf32, #tpu.memory_space<vmem>>, vector<16xf32>,
            tpu.vector_store %arg16[%swap3A_346, %swap3A_347], %broadcast_in_dim3A_268 {strides = array<i32>} : memref<32x1024xf32, #tpu.memory_space<vmem>>, vector<16xf32>,
            %swap3A_349 = arith.index_cast %while3A_281 : i32 to index
            %swap3A_350 = arith.constant 352 : index
            %swap3A_351 = tpu.vector_load %arg16[%swap3A_349, %swap3A_350] {strides = array<i32>} : memref<32x1024xf32, #tpu.memory_space<vmem>>, vector<16xf32>,
            tpu.vector_store %arg16[%swap3A_349, %swap3A_350], %broadcast_in_dim3A_268 {strides = array<i32>} : memref<32x1024xf32, #tpu.memory_space<vmem>>, vector<16xf32>,
            %swap3A_352 = arith.index_cast %while3A_281 : i32 to index
            %swap3A_353 = arith.constant 368 : index
            %swap3A_354 = tpu.vector_load %arg16[%swap3A_352, %swap3A_353] {strides = array<i32>} : memref<32x1024xf32, #tpu.memory_space<vmem>>, vector<16xf32>,
            tpu.vector_store %arg16[%swap3A_352, %swap3A_353], %broadcast_in_dim3A_268 {strides = array<i32>} : memref<32x1024xf32, #tpu.memory_space<vmem>>, vector<16xf32>,
            %swap3A_355 = arith.index_cast %while3A_281 : i32 to index
            %swap3A_356 = arith.constant 384 : index
            %swap3A_357 = tpu.vector_load %arg16[%swap3A_355, %swap3A_356] {strides = array<i32>} : memref<32x1024xf32, #tpu.memory_space<vmem>>, vector<16xf32>,
            tpu.vector_store %arg16[%swap3A_355, %swap3A_356], %broadcast_in_dim3A_268 {strides = array<i32>} : memref<32x1024xf32, #tpu.memory_space<vmem>>, vector<16xf32>,
            %swap3A_358 = arith.index_cast %while3A_281 : i32 to index
            %swap3A_359 = arith.constant 400 : index
            %swap3A_360 = tpu.vector_load %arg16[%swap3A_358, %swap3A_359] {strides = array<i32>} : memref<32x1024xf32, #tpu.memory_space<vmem>>, vector<16xf32>,
            tpu.vector_store %arg16[%swap3A_358, %swap3A_359], %broadcast_in_dim3A_268 {strides = array<i32>} : memref<32x1024xf32, #tpu.memory_space<vmem>>, vector<16xf32>,
            %swap3A_361 = arith.index_cast %while3A_281 : i32 to index
            %swap3A_362 = arith.constant 416 : index
            %swap3A_363 = tpu.vector_load %arg16[%swap3A_361, %swap3A_362] {strides = array<i32>} : memref<32x1024xf32, #tpu.memory_space<vmem>>, vector<16xf32>,
            tpu.vector_store %arg16[%swap3A_361, %swap3A_362], %broadcast_in_dim3A_268 {strides = array<i32>} : memref<32x1024xf32, #tpu.memory_space<vmem>>, vector<16xf32>,
            %swap3A_364 = arith.index_cast %while3A_281 : i32 to index
            %swap3A_365 = arith.constant 432 : index
            %swap3A_366 = tpu.vector_load %arg16[%swap3A_364, %swap3A_365] {strides = array<i32>} : memref<32x1024xf32, #tpu.memory_space<vmem>>, vector<16xf32>,
            tpu.vector_store %arg16[%swap3A_364, %swap3A_365], %broadcast_in_dim3A_268 {strides = array<i32>} : memref<32x1024xf32, #tpu.memory_space<vmem>>, vector<16xf32>,
            %swap3A_367 = arith.index_cast %while3A_281 : i32 to index
            %swap3A_368 = arith.constant 448 : index
            %swap3A_369 = tpu.vector_load %arg16[%swap3A_367, %swap3A_368] {strides = array<i32>} : memref<32x1024xf32, #tpu.memory_space<vmem>>, vector<16xf32>,
            tpu.vector_store %arg16[%swap3A_367, %swap3A_368], %broadcast_in_dim3A_268 {strides = array<i32>} : memref<32x1024xf32, #tpu.memory_space<vmem>>, vector<16xf32>,
            %swap3A_370 = arith.index_cast %while3A_281 : i32 to index
            %swap3A_371 = arith.constant 464 : index
            %swap3A_372 = tpu.vector_load %arg16[%swap3A_370, %swap3A_371] {strides = array<i32>} : memref<32x1024xf32, #tpu.memory_space<vmem>>, vector<16xf32>,
            tpu.vector_store %arg16[%swap3A_370, %swap3A_371], %broadcast_in_dim3A_268 {strides = array<i32>} : memref<32x1024xf32, #tpu.memory_space<vmem>>, vector<16xf32>,
            %swap3A_373 = arith.index_cast %while3A_281 : i32 to index
            %swap3A_374 = arith.constant 480 : index
            %swap3A_375 = tpu.vector_load %arg16[%swap3A_373, %swap3A_374] {strides = array<i32>} : memref<32x1024xf32, #tpu.memory_space<vmem>>, vector<16xf32>,
            tpu.vector_store %arg16[%swap3A_373, %swap3A_374], %broadcast_in_dim3A_268 {strides = array<i32>} : memref<32x1024xf32, #tpu.memory_space<vmem>>, vector<16xf32>,
            %swap3A_376 = arith.index_cast %while3A_281 : i32 to index
            %swap3A_377 = arith.constant 496 : index
            %swap3A_378 = tpu.vector_load %arg16[%swap3A_376, %swap3A_377] {strides = array<i32>} : memref<32x1024xf32, #tpu.memory_space<vmem>>, vector<16xf32>,
            tpu.vector_store %arg16[%swap3A_376, %swap3A_377], %broadcast_in_dim3A_268 {strides = array<i32>} : memref<32x1024xf32, #tpu.memory_space<vmem>>, vector<16xf32>,
            %swap3A_379 = arith.index_cast %while3A_281 : i32 to index
            %swap3A_380 = arith.constant 512 : index
            %swap3A_381 = tpu.vector_load %arg16[%swap3A_379, %swap3A_380] {strides = array<i32>} : memref<32x1024xf32, #tpu.memory_space<vmem>>, vector<16xf32>,
            tpu.vector_store %arg16[%swap3A_379, %swap3A_380], %broadcast_in_dim3A_268 {strides = array<i32>} : memref<32x1024xf32, #tpu.memory_space<vmem>>, vector<16xf32>,
            %swap3A_382 = arith.index_cast %while3A_281 : i32 to index
            %swap3A_383 = arith.constant 528 : index
            %swap3A_384 = tpu.vector_load %arg16[%swap3A_382, %swap3A_383] {strides = array<i32>} : memref<32x1024xf32, #tpu.memory_space<vmem>>, vector<16xf32>,
            tpu.vector_store %arg16[%swap3A_382, %swap3A_383], %broadcast_in_dim3A_268 {strides = array<i32>} : memref<32x1024xf32, #tpu.memory_space<vmem>>, vector<16xf32>,
            %swap3A_385 = arith.index_cast %while3A_281 : i32 to index
            %swap3A_386 = arith.constant 544 : index
            %swap3A_387 = tpu.vector_load %arg16[%swap3A_385, %swap3A_386] {strides = array<i32>} : memref<32x1024xf32, #tpu.memory_space<vmem>>, vector<16xf32>,
            tpu.vector_store %arg16[%swap3A_385, %swap3A_386], %broadcast_in_dim3A_268 {strides = array<i32>} : memref<32x1024xf32, #tpu.memory_space<vmem>>, vector<16xf32>,
            %swap3A_388 = arith.index_cast %while3A_281 : i32 to index
            %swap3A_389 = arith.constant 560 : index
            %swap3A_390 = tpu.vector_load %arg16[%swap3A_388, %swap3A_389] {strides = array<i32>} : memref<32x1024xf32, #tpu.memory_space<vmem>>, vector<16xf32>,
            tpu.vector_store %arg16[%swap3A_388, %swap3A_389], %broadcast_in_dim3A_268 {strides = array<i32>} : memref<32x1024xf32, #tpu.memory_space<vmem>>, vector<16xf32>,
            %swap3A_391 = arith.index_cast %while3A_281 : i32 to index
            %swap3A_392 = arith.constant 576 : index
            %swap3A_393 = tpu.vector_load %arg16[%swap3A_391, %swap3A_392] {strides = array<i32>} : memref<32x1024xf32, #tpu.memory_space<vmem>>, vector<16xf32>,
            tpu.vector_store %arg16[%swap3A_391, %swap3A_392], %broadcast_in_dim3A_268 {strides = array<i32>} : memref<32x1024xf32, #tpu.memory_space<vmem>>, vector<16xf32>,
            %swap3A_394 = arith.index_cast %while3A_281 : i32 to index
            %swap3A_395 = arith.constant 592 : index
            %swap3A_396 = tpu.vector_load %arg16[%swap3A_394, %swap3A_395] {strides = array<i32>} : memref<32x1024xf32, #tpu.memory_space<vmem>>, vector<16xf32>,
            tpu.vector_store %arg16[%swap3A_394, %swap3A_395], %broadcast_in_dim3A_268 {strides = array<i32>} : memref<32x1024xf32, #tpu.memory_space<vmem>>, vector<16xf32>,
            %swap3A_397 = arith.index_cast %while3A_281 : i32 to index
            %swap3A_398 = arith.constant 608 : index
            %swap3A_399 = tpu.vector_load %arg16[%swap3A_397, %swap3A_398] {strides = array<i32>} : memref<32x1024xf32, #tpu.memory_space<vmem>>, vector<16xf32>,
            tpu.vector_store %arg16[%swap3A_397, %swap3A_398], %broadcast_in_dim3A_268 {strides = array<i32>} : memref<32x1024xf32, #tpu.memory_space<vmem>>, vector<16xf32>,
            %swap3A_400 = arith.index_cast %while3A_281 : i32 to index
            %swap3A_401 = arith.constant 624 : index
            %swap3A_402 = tpu.vector_load %arg16[%swap3A_400, %swap3A_401] {strides = array<i32>} : memref<32x1024xf32, #tpu.memory_space<vmem>>, vector<16xf32>,
            tpu.vector_store %arg16[%swap3A_400, %swap3A_401], %broadcast_in_dim3A_268 {strides = array<i32>} : memref<32x1024xf32, #tpu.memory_space<vmem>>, vector<16xf32>,
            %swap3A_403 = arith.index_cast %while3A_281 : i32 to index
            %swap3A_404 = arith.constant 640 : index
            %swap3A_405 = tpu.vector_load %arg16[%swap3A_403, %swap3A_404] {strides = array<i32>} : memref<32x1024xf32, #tpu.memory_space<vmem>>, vector<16xf32>,
            tpu.vector_store %arg16[%swap3A_403, %swap3A_404], %broadcast_in_dim3A_268 {strides = array<i32>} : memref<32x1024xf32, #tpu.memory_space<vmem>>, vector<16xf32>,
            %swap3A_406 = arith.index_cast %while3A_281 : i32 to index
            %swap3A_407 = arith.constant 656 : index
            %swap3A_408 = tpu.vector_load %arg16[%swap3A_406, %swap3A_407] {strides = array<i32>} : memref<32x1024xf32, #tpu.memory_space<vmem>>, vector<16xf32>,
            tpu.vector_store %arg16[%swap3A_406, %swap3A_407], %broadcast_in_dim3A_268 {strides = array<i32>} : memref<32x1024xf32, #tpu.memory_space<vmem>>, vector<16xf32>,
            %swap3A_409 = arith.index_cast %while3A_281 : i32 to index
            %swap3A_410 = arith.constant 672 : index
            %swap3A_411 = tpu.vector_load %arg16[%swap3A_409, %swap3A_410] {strides = array<i32>} : memref<32x1024xf32, #tpu.memory_space<vmem>>, vector<16xf32>,
            tpu.vector_store %arg16[%swap3A_409, %swap3A_410], %broadcast_in_dim3A_268 {strides = array<i32>} : memref<32x1024xf32, #tpu.memory_space<vmem>>, vector<16xf32>,
            %swap3A_412 = arith.index_cast %while3A_281 : i32 to index
            %swap3A_413 = arith.constant 688 : index
            %swap3A_414 = tpu.vector_load %arg16[%swap3A_412, %swap3A_413] {strides = array<i32>} : memref<32x1024xf32, #tpu.memory_space<vmem>>, vector<16xf32>,
            tpu.vector_store %arg16[%swap3A_412, %swap3A_413], %broadcast_in_dim3A_268 {strides = array<i32>} : memref<32x1024xf32, #tpu.memory_space<vmem>>, vector<16xf32>,
            %swap3A_415 = arith.index_cast %while3A_281 : i32 to index
            %swap3A_416 = arith.constant 704 : index
            %swap3A_417 = tpu.vector_load %arg16[%swap3A_415, %swap3A_416] {strides = array<i32>} : memref<32x1024xf32, #tpu.memory_space<vmem>>, vector<16xf32>,
            tpu.vector_store %arg16[%swap3A_415, %swap3A_416], %broadcast_in_dim3A_268 {strides = array<i32>} : memref<32x1024xf32, #tpu.memory_space<vmem>>, vector<16xf32>,
            %swap3A_418 = arith.index_cast %while3A_281 : i32 to index
            %swap3A_419 = arith.constant 720 : index
            %swap3A_420 = tpu.vector_load %arg16[%swap3A_418, %swap3A_419] {strides = array<i32>} : memref<32x1024xf32, #tpu.memory_space<vmem>>, vector<16xf32>,
            tpu.vector_store %arg16[%swap3A_418, %swap3A_419], %broadcast_in_dim3A_268 {strides = array<i32>} : memref<32x1024xf32, #tpu.memory_space<vmem>>, vector<16xf32>,
            %swap3A_421 = arith.index_cast %while3A_281 : i32 to index
            %swap3A_422 = arith.constant 736 : index
            %swap3A_423 = tpu.vector_load %arg16[%swap3A_421, %swap3A_422] {strides = array<i32>} : memref<32x1024xf32, #tpu.memory_space<vmem>>, vector<16xf32>,
            tpu.vector_store %arg16[%swap3A_421, %swap3A_422], %broadcast_in_dim3A_268 {strides = array<i32>} : memref<32x1024xf32, #tpu.memory_space<vmem>>, vector<16xf32>,
            %swap3A_424 = arith.index_cast %while3A_281 : i32 to index
            %swap3A_425 = arith.constant 752 : index
            %swap3A_426 = tpu.vector_load %arg16[%swap3A_424, %swap3A_425] {strides = array<i32>} : memref<32x1024xf32, #tpu.memory_space<vmem>>, vector<16xf32>,
            tpu.vector_store %arg16[%swap3A_424, %swap3A_425], %broadcast_in_dim3A_268 {strides = array<i32>} : memref<32x1024xf32, #tpu.memory_space<vmem>>, vector<16xf32>,
            %swap3A_427 = arith.index_cast %while3A_281 : i32 to index
            %swap3A_428 = arith.constant 768 : index
            %swap3A_429 = tpu.vector_load %arg16[%swap3A_427, %swap3A_428] {strides = array<i32>} : memref<32x1024xf32, #tpu.memory_space<vmem>>, vector<16xf32>,
            tpu.vector_store %arg16[%swap3A_427, %swap3A_428], %broadcast_in_dim3A_268 {strides = array<i32>} : memref<32x1024xf32, #tpu.memory_space<vmem>>, vector<16xf32>,
            %swap3A_430 = arith.index_cast %while3A_281 : i32 to index
            %swap3A_431 = arith.constant 784 : index
            %swap3A_432 = tpu.vector_load %arg16[%swap3A_430, %swap3A_431] {strides = array<i32>} : memref<32x1024xf32, #tpu.memory_space<vmem>>, vector<16xf32>,
            tpu.vector_store %arg16[%swap3A_430, %swap3A_431], %broadcast_in_dim3A_268 {strides = array<i32>} : memref<32x1024xf32, #tpu.memory_space<vmem>>, vector<16xf32>,
            %swap3A_433 = arith.index_cast %while3A_281 : i32 to index
            %swap3A_434 = arith.constant 800 : index
            %swap3A_435 = tpu.vector_load %arg16[%swap3A_433, %swap3A_434] {strides = array<i32>} : memref<32x1024xf32, #tpu.memory_space<vmem>>, vector<16xf32>,
            tpu.vector_store %arg16[%swap3A_433, %swap3A_434], %broadcast_in_dim3A_268 {strides = array<i32>} : memref<32x1024xf32, #tpu.memory_space<vmem>>, vector<16xf32>,
            %swap3A_436 = arith.index_cast %while3A_281 : i32 to index
            %swap3A_437 = arith.constant 816 : index
            %swap3A_438 = tpu.vector_load %arg16[%swap3A_436, %swap3A_437] {strides = array<i32>} : memref<32x1024xf32, #tpu.memory_space<vmem>>, vector<16xf32>,
            tpu.vector_store %arg16[%swap3A_436, %swap3A_437], %broadcast_in_dim3A_268 {strides = array<i32>} : memref<32x1024xf32, #tpu.memory_space<vmem>>, vector<16xf32>,
            %swap3A_439 = arith.index_cast %while3A_281 : i32 to index
            %swap3A_440 = arith.constant 832 : index
            %swap3A_441 = tpu.vector_load %arg16[%swap3A_439, %swap3A_440] {strides = array<i32>} : memref<32x1024xf32, #tpu.memory_space<vmem>>, vector<16xf32>,
            tpu.vector_store %arg16[%swap3A_439, %swap3A_440], %broadcast_in_dim3A_268 {strides = array<i32>} : memref<32x1024xf32, #tpu.memory_space<vmem>>, vector<16xf32>,
            %swap3A_442 = arith.index_cast %while3A_281 : i32 to index
            %swap3A_443 = arith.constant 848 : index
            %swap3A_444 = tpu.vector_load %arg16[%swap3A_442, %swap3A_443] {strides = array<i32>} : memref<32x1024xf32, #tpu.memory_space<vmem>>, vector<16xf32>,
            tpu.vector_store %arg16[%swap3A_442, %swap3A_443], %broadcast_in_dim3A_268 {strides = array<i32>} : memref<32x1024xf32, #tpu.memory_space<vmem>>, vector<16xf32>,
            %swap3A_445 = arith.index_cast %while3A_281 : i32 to index
            %swap3A_446 = arith.constant 864 : index
            %swap3A_447 = tpu.vector_load %arg16[%swap3A_445, %swap3A_446] {strides = array<i32>} : memref<32x1024xf32, #tpu.memory_space<vmem>>, vector<16xf32>,
            tpu.vector_store %arg16[%swap3A_445, %swap3A_446], %broadcast_in_dim3A_268 {strides = array<i32>} : memref<32x1024xf32, #tpu.memory_space<vmem>>, vector<16xf32>,
            %swap3A_448 = arith.index_cast %while3A_281 : i32 to index
            %swap3A_449 = arith.constant 880 : index
            %swap3A_450 = tpu.vector_load %arg16[%swap3A_448, %swap3A_449] {strides = array<i32>} : memref<32x1024xf32, #tpu.memory_space<vmem>>, vector<16xf32>,
            tpu.vector_store %arg16[%swap3A_448, %swap3A_449], %broadcast_in_dim3A_268 {strides = array<i32>} : memref<32x1024xf32, #tpu.memory_space<vmem>>, vector<16xf32>,
            %swap3A_451 = arith.index_cast %while3A_281 : i32 to index
            %swap3A_452 = arith.constant 896 : index
            %swap3A_453 = tpu.vector_load %arg16[%swap3A_451, %swap3A_452] {strides = array<i32>} : memref<32x1024xf32, #tpu.memory_space<vmem>>, vector<16xf32>,
            tpu.vector_store %arg16[%swap3A_451, %swap3A_452], %broadcast_in_dim3A_268 {strides = array<i32>} : memref<32x1024xf32, #tpu.memory_space<vmem>>, vector<16xf32>,
            %swap3A_454 = arith.index_cast %while3A_281 : i32 to index
            %swap3A_455 = arith.constant 912 : index
            %swap3A_456 = tpu.vector_load %arg16[%swap3A_454, %swap3A_455] {strides = array<i32>} : memref<32x1024xf32, #tpu.memory_space<vmem>>, vector<16xf32>,
            tpu.vector_store %arg16[%swap3A_454, %swap3A_455], %broadcast_in_dim3A_268 {strides = array<i32>} : memref<32x1024xf32, #tpu.memory_space<vmem>>, vector<16xf32>,
            %swap3A_457 = arith.index_cast %while3A_281 : i32 to index
            %swap3A_458 = arith.constant 928 : index
            %swap3A_459 = tpu.vector_load %arg16[%swap3A_457, %swap3A_458] {strides = array<i32>} : memref<32x1024xf32, #tpu.memory_space<vmem>>, vector<16xf32>,
            tpu.vector_store %arg16[%swap3A_457, %swap3A_458], %broadcast_in_dim3A_268 {strides = array<i32>} : memref<32x1024xf32, #tpu.memory_space<vmem>>, vector<16xf32>,
            %swap3A_460 = arith.index_cast %while3A_281 : i32 to index
            %swap3A_461 = arith.constant 944 : index
            %swap3A_462 = tpu.vector_load %arg16[%swap3A_460, %swap3A_461] {strides = array<i32>} : memref<32x1024xf32, #tpu.memory_space<vmem>>, vector<16xf32>,
            tpu.vector_store %arg16[%swap3A_460, %swap3A_461], %broadcast_in_dim3A_268 {strides = array<i32>} : memref<32x1024xf32, #tpu.memory_space<vmem>>, vector<16xf32>,
            %swap3A_463 = arith.index_cast %while3A_281 : i32 to index
            %swap3A_464 = arith.constant 960 : index
            %swap3A_465 = tpu.vector_load %arg16[%swap3A_463, %swap3A_464] {strides = array<i32>} : memref<32x1024xf32, #tpu.memory_space<vmem>>, vector<16xf32>,
            tpu.vector_store %arg16[%swap3A_463, %swap3A_464], %broadcast_in_dim3A_268 {strides = array<i32>} : memref<32x1024xf32, #tpu.memory_space<vmem>>, vector<16xf32>,
            %swap3A_466 = arith.index_cast %while3A_281 : i32 to index
            %swap3A_467 = arith.constant 976 : index
            %swap3A_468 = tpu.vector_load %arg16[%swap3A_466, %swap3A_467] {strides = array<i32>} : memref<32x1024xf32, #tpu.memory_space<vmem>>, vector<16xf32>,
            tpu.vector_store %arg16[%swap3A_466, %swap3A_467], %broadcast_in_dim3A_268 {strides = array<i32>} : memref<32x1024xf32, #tpu.memory_space<vmem>>, vector<16xf32>,
            %swap3A_469 = arith.index_cast %while3A_281 : i32 to index
            %swap3A_470 = arith.constant 992 : index
            %swap3A_471 = tpu.vector_load %arg16[%swap3A_469, %swap3A_470] {strides = array<i32>} : memref<32x1024xf32, #tpu.memory_space<vmem>>, vector<16xf32>,
            tpu.vector_store %arg16[%swap3A_469, %swap3A_470], %broadcast_in_dim3A_268 {strides = array<i32>} : memref<32x1024xf32, #tpu.memory_space<vmem>>, vector<16xf32>,
            %swap3A_472 = arith.index_cast %while3A_281 : i32 to index
            %swap3A_473 = arith.constant 1008 : index
            %swap3A_474 = tpu.vector_load %arg16[%swap3A_472, %swap3A_473] {strides = array<i32>} : memref<32x1024xf32, #tpu.memory_space<vmem>>, vector<16xf32>,
            tpu.vector_store %arg16[%swap3A_472, %swap3A_473], %broadcast_in_dim3A_268 {strides = array<i32>} : memref<32x1024xf32, #tpu.memory_space<vmem>>, vector<16xf32>,
            %while3A_475 = arith.constant 0 : i32
            scf.yield %while3A_475 : i32
          }
          %while3A_279 = arith.constant 1 : i32
          %while3A_280 = scf.for %while3A_281 = %while3A_276 to %while3A_272 step %while3A_279 iter_args(%while3A_282 = %while3A_278) -> (i32)  : i32 {
            %swap3A_283 = arith.index_cast %while3A_281 : i32 to index
            %swap3A_284 = arith.constant 0 : index
            %swap3A_285 = tpu.vector_load %arg16[%swap3A_283, %swap3A_284] {strides = array<i32>} : memref<32x1024xf32, #tpu.memory_space<vmem>>, vector<16xf32>,
            tpu.vector_store %arg16[%swap3A_283, %swap3A_284], %broadcast_in_dim3A_268 {strides = array<i32>} : memref<32x1024xf32, #tpu.memory_space<vmem>>, vector<16xf32>,
            %swap3A_286 = arith.index_cast %while3A_281 : i32 to index
            %swap3A_287 = arith.constant 16 : index
            %swap3A_288 = tpu.vector_load %arg16[%swap3A_286, %swap3A_287] {strides = array<i32>} : memref<32x1024xf32, #tpu.memory_space<vmem>>, vector<16xf32>,
            tpu.vector_store %arg16[%swap3A_286, %swap3A_287], %broadcast_in_dim3A_268 {strides = array<i32>} : memref<32x1024xf32, #tpu.memory_space<vmem>>, vector<16xf32>,
            %swap3A_289 = arith.index_cast %while3A_281 : i32 to index
            %swap3A_290 = arith.constant 32 : index
            %swap3A_291 = tpu.vector_load %arg16[%swap3A_289, %swap3A_290] {strides = array<i32>} : memref<32x1024xf32, #tpu.memory_space<vmem>>, vector<16xf32>,
            tpu.vector_store %arg16[%swap3A_289, %swap3A_290], %broadcast_in_dim3A_268 {strides = array<i32>} : memref<32x1024xf32, #tpu.memory_space<vmem>>, vector<16xf32>,
            %swap3A_292 = arith.index_cast %while3A_281 : i32 to index
            %swap3A_293 = arith.constant 48 : index
            %swap3A_294 = tpu.vector_load %arg16[%swap3A_292, %swap3A_293] {strides = array<i32>} : memref<32x1024xf32, #tpu.memory_space<vmem>>, vector<16xf32>,
            tpu.vector_store %arg16[%swap3A_292, %swap3A_293], %broadcast_in_dim3A_268 {strides = array<i32>} : memref<32x1024xf32, #tpu.memory_space<vmem>>, vector<16xf32>,
            %swap3A_295 = arith.index_cast %while3A_281 : i32 to index
            %swap3A_296 = arith.constant 64 : index
            %swap3A_297 = tpu.vector_load %arg16[%swap3A_295, %swap3A_296] {strides = array<i32>} : memref<32x1024xf32, #tpu.memory_space<vmem>>, vector<16xf32>,
            tpu.vector_store %arg16[%swap3A_295, %swap3A_296], %broadcast_in_dim3A_268 {strides = array<i32>} : memref<32x1024xf32, #tpu.memory_space<vmem>>, vector<16xf32>,
            %swap3A_298 = arith.index_cast %while3A_281 : i32 to index
            %swap3A_299 = arith.constant 80 : index
            %swap3A_300 = tpu.vector_load %arg16[%swap3A_298, %swap3A_299] {strides = array<i32>} : memref<32x1024xf32, #tpu.memory_space<vmem>>, vector<16xf32>,
            tpu.vector_store %arg16[%swap3A_298, %swap3A_299], %broadcast_in_dim3A_268 {strides = array<i32>} : memref<32x1024xf32, #tpu.memory_space<vmem>>, vector<16xf32>,
            %swap3A_301 = arith.index_cast %while3A_281 : i32 to index
            %swap3A_302 = arith.constant 96 : index
            %swap3A_303 = tpu.vector_load %arg16[%swap3A_301, %swap3A_302] {strides = array<i32>} : memref<32x1024xf32, #tpu.memory_space<vmem>>, vector<16xf32>,
            tpu.vector_store %arg16[%swap3A_301, %swap3A_302], %broadcast_in_dim3A_268 {strides = array<i32>} : memref<32x1024xf32, #tpu.memory_space<vmem>>, vector<16xf32>,
            %swap3A_304 = arith.index_cast %while3A_281 : i32 to index
            %swap3A_305 = arith.constant 112 : index
            %swap3A_306 = tpu.vector_load %arg16[%swap3A_304, %swap3A_305] {strides = array<i32>} : memref<32x1024xf32, #tpu.memory_space<vmem>>, vector<16xf32>,
            tpu.vector_store %arg16[%swap3A_304, %swap3A_305], %broadcast_in_dim3A_268 {strides = array<i32>} : memref<32x1024xf32, #tpu.memory_space<vmem>>, vector<16xf32>,
            %swap3A_307 = arith.index_cast %while3A_281 : i32 to index
            %swap3A_308 = arith.constant 128 : index
            %swap3A_309 = tpu.vector_load %arg16[%swap3A_307, %swap3A_308] {strides = array<i32>} : memref<32x1024xf32, #tpu.memory_space<vmem>>, vector<16xf32>,
            tpu.vector_store %arg16[%swap3A_307, %swap3A_308], %broadcast_in_dim3A_268 {strides = array<i32>} : memref<32x1024xf32, #tpu.memory_space<vmem>>, vector<16xf32>,
            %swap3A_310 = arith.index_cast %while3A_281 : i32 to index
            %swap3A_311 = arith.constant 144 : index
            %swap3A_312 = tpu.vector_load %arg16[%swap3A_310, %swap3A_311] {strides = array<i32>} : memref<32x1024xf32, #tpu.memory_space<vmem>>, vector<16xf32>,
            tpu.vector_store %arg16[%swap3A_310, %swap3A_311], %broadcast_in_dim3A_268 {strides = array<i32>} : memref<32x1024xf32, #tpu.memory_space<vmem>>, vector<16xf32>,
            %swap3A_313 = arith.index_cast %while3A_281 : i32 to index
            %swap3A_314 = arith.constant 160 : index
            %swap3A_315 = tpu.vector_load %arg16[%swap3A_313, %swap3A_314] {strides = array<i32>} : memref<32x1024xf32, #tpu.memory_space<vmem>>, vector<16xf32>,
            tpu.vector_store %arg16[%swap3A_313, %swap3A_314], %broadcast_in_dim3A_268 {strides = array<i32>} : memref<32x1024xf32, #tpu.memory_space<vmem>>, vector<16xf32>,
            %swap3A_316 = arith.index_cast %while3A_281 : i32 to index
            %swap3A_317 = arith.constant 176 : index
            %swap3A_318 = tpu.vector_load %arg16[%swap3A_316, %swap3A_317] {strides = array<i32>} : memref<32x1024xf32, #tpu.memory_space<vmem>>, vector<16xf32>,
            tpu.vector_store %arg16[%swap3A_316, %swap3A_317], %broadcast_in_dim3A_268 {strides = array<i32>} : memref<32x1024xf32, #tpu.memory_space<vmem>>, vector<16xf32>,
            %swap3A_319 = arith.index_cast %while3A_281 : i32 to index
            %swap3A_320 = arith.constant 192 : index
            %swap3A_321 = tpu.vector_load %arg16[%swap3A_319, %swap3A_320] {strides = array<i32>} : memref<32x1024xf32, #tpu.memory_space<vmem>>, vector<16xf32>,
            tpu.vector_store %arg16[%swap3A_319, %swap3A_320], %broadcast_in_dim3A_268 {strides = array<i32>} : memref<32x1024xf32, #tpu.memory_space<vmem>>, vector<16xf32>,
            %swap3A_322 = arith.index_cast %while3A_281 : i32 to index
            %swap3A_323 = arith.constant 208 : index
            %swap3A_324 = tpu.vector_load %arg16[%swap3A_322, %swap3A_323] {strides = array<i32>} : memref<32x1024xf32, #tpu.memory_space<vmem>>, vector<16xf32>,
            tpu.vector_store %arg16[%swap3A_322, %swap3A_323], %broadcast_in_dim3A_268 {strides = array<i32>} : memref<32x1024xf32, #tpu.memory_space<vmem>>, vector<16xf32>,
            %swap3A_325 = arith.index_cast %while3A_281 : i32 to index
            %swap3A_326 = arith.constant 224 : index
            %swap3A_327 = tpu.vector_load %arg16[%swap3A_325, %swap3A_326] {strides = array<i32>} : memref<32x1024xf32, #tpu.memory_space<vmem>>, vector<16xf32>,
            tpu.vector_store %arg16[%swap3A_325, %swap3A_326], %broadcast_in_dim3A_268 {strides = array<i32>} : memref<32x1024xf32, #tpu.memory_space<vmem>>, vector<16xf32>,
            %swap3A_328 = arith.index_cast %while3A_281 : i32 to index
            %swap3A_329 = arith.constant 240 : index
            %swap3A_330 = tpu.vector_load %arg16[%swap3A_328, %swap3A_329] {strides = array<i32>} : memref<32x1024xf32, #tpu.memory_space<vmem>>, vector<16xf32>,
            tpu.vector_store %arg16[%swap3A_328, %swap3A_329], %broadcast_in_dim3A_268 {strides = array<i32>} : memref<32x1024xf32, #tpu.memory_space<vmem>>, vector<16xf32>,
            %swap3A_331 = arith.index_cast %while3A_281 : i32 to index
            %swap3A_332 = arith.constant 256 : index
            %swap3A_333 = tpu.vector_load %arg16[%swap3A_331, %swap3A_332] {strides = array<i32>} : memref<32x1024xf32, #tpu.memory_space<vmem>>, vector<16xf32>,
            tpu.vector_store %arg16[%swap3A_331, %swap3A_332], %broadcast_in_dim3A_268 {strides = array<i32>} : memref<32x1024xf32, #tpu.memory_space<vmem>>, vector<16xf32>,
            %swap3A_334 = arith.index_cast %while3A_281 : i32 to index
            %swap3A_335 = arith.constant 272 : index
            %swap3A_336 = tpu.vector_load %arg16[%swap3A_334, %swap3A_335] {strides = array<i32>} : memref<32x1024xf32, #tpu.memory_space<vmem>>, vector<16xf32>,
            tpu.vector_store %arg16[%swap3A_334, %swap3A_335], %broadcast_in_dim3A_268 {strides = array<i32>} : memref<32x1024xf32, #tpu.memory_space<vmem>>, vector<16xf32>,
            %swap3A_337 = arith.index_cast %while3A_281 : i32 to index
            %swap3A_338 = arith.constant 288 : index
            %swap3A_339 = tpu.vector_load %arg16[%swap3A_337, %swap3A_338] {strides = array<i32>} : memref<32x1024xf32, #tpu.memory_space<vmem>>, vector<16xf32>,
            tpu.vector_store %arg16[%swap3A_337, %swap3A_338], %broadcast_in_dim3A_268 {strides = array<i32>} : memref<32x1024xf32, #tpu.memory_space<vmem>>, vector<16xf32>,
            %swap3A_340 = arith.index_cast %while3A_281 : i32 to index
            %swap3A_341 = arith.constant 304 : index
            %swap3A_342 = tpu.vector_load %arg16[%swap3A_340, %swap3A_341] {strides = array<i32>} : memref<32x1024xf32, #tpu.memory_space<vmem>>, vector<16xf32>,
            tpu.vector_store %arg16[%swap3A_340, %swap3A_341], %broadcast_in_dim3A_268 {strides = array<i32>} : memref<32x1024xf32, #tpu.memory_space<vmem>>, vector<16xf32>,
            %swap3A_343 = arith.index_cast %while3A_281 : i32 to index
            %swap3A_344 = arith.constant 320 : index
            %swap3A_345 = tpu.vector_load %arg16[%swap3A_343, %swap3A_344] {strides = array<i32>} : memref<32x1024xf32, #tpu.memory_space<vmem>>, vector<16xf32>,
            tpu.vector_store %arg16[%swap3A_343, %swap3A_344], %broadcast_in_dim3A_268 {strides = array<i32>} : memref<32x1024xf32, #tpu.memory_space<vmem>>, vector<16xf32>,
            %swap3A_346 = arith.index_cast %while3A_281 : i32 to index
            %swap3A_347 = arith.constant 336 : index
            %swap3A_348 = tpu.vector_load %arg16[%swap3A_346, %swap3A_347] {strides = array<i32>} : memref<32x1024xf32, #tpu.memory_space<vmem>>, vector<16xf32>,
            tpu.vector_store %arg16[%swap3A_346, %swap3A_347], %broadcast_in_dim3A_268 {strides = array<i32>} : memref<32x1024xf32, #tpu.memory_space<vmem>>, vector<16xf32>,
            %swap3A_349 = arith.index_cast %while3A_281 : i32 to index
            %swap3A_350 = arith.constant 352 : index
            %swap3A_351 = tpu.vector_load %arg16[%swap3A_349, %swap3A_350] {strides = array<i32>} : memref<32x1024xf32, #tpu.memory_space<vmem>>, vector<16xf32>,
            tpu.vector_store %arg16[%swap3A_349, %swap3A_350], %broadcast_in_dim3A_268 {strides = array<i32>} : memref<32x1024xf32, #tpu.memory_space<vmem>>, vector<16xf32>,
            %swap3A_352 = arith.index_cast %while3A_281 : i32 to index
            %swap3A_353 = arith.constant 368 : index
            %swap3A_354 = tpu.vector_load %arg16[%swap3A_352, %swap3A_353] {strides = array<i32>} : memref<32x1024xf32, #tpu.memory_space<vmem>>, vector<16xf32>,
            tpu.vector_store %arg16[%swap3A_352, %swap3A_353], %broadcast_in_dim3A_268 {strides = array<i32>} : memref<32x1024xf32, #tpu.memory_space<vmem>>, vector<16xf32>,
            %swap3A_355 = arith.index_cast %while3A_281 : i32 to index
            %swap3A_356 = arith.constant 384 : index
            %swap3A_357 = tpu.vector_load %arg16[%swap3A_355, %swap3A_356] {strides = array<i32>} : memref<32x1024xf32, #tpu.memory_space<vmem>>, vector<16xf32>,
            tpu.vector_store %arg16[%swap3A_355, %swap3A_356], %broadcast_in_dim3A_268 {strides = array<i32>} : memref<32x1024xf32, #tpu.memory_space<vmem>>, vector<16xf32>,
            %swap3A_358 = arith.index_cast %while3A_281 : i32 to index
            %swap3A_359 = arith.constant 400 : index
            %swap3A_360 = tpu.vector_load %arg16[%swap3A_358, %swap3A_359] {strides = array<i32>} : memref<32x1024xf32, #tpu.memory_space<vmem>>, vector<16xf32>,
            tpu.vector_store %arg16[%swap3A_358, %swap3A_359], %broadcast_in_dim3A_268 {strides = array<i32>} : memref<32x1024xf32, #tpu.memory_space<vmem>>, vector<16xf32>,
            %swap3A_361 = arith.index_cast %while3A_281 : i32 to index
            %swap3A_362 = arith.constant 416 : index
            %swap3A_363 = tpu.vector_load %arg16[%swap3A_361, %swap3A_362] {strides = array<i32>} : memref<32x1024xf32, #tpu.memory_space<vmem>>, vector<16xf32>,
            tpu.vector_store %arg16[%swap3A_361, %swap3A_362], %broadcast_in_dim3A_268 {strides = array<i32>} : memref<32x1024xf32, #tpu.memory_space<vmem>>, vector<16xf32>,
            %swap3A_364 = arith.index_cast %while3A_281 : i32 to index
            %swap3A_365 = arith.constant 432 : index
            %swap3A_366 = tpu.vector_load %arg16[%swap3A_364, %swap3A_365] {strides = array<i32>} : memref<32x1024xf32, #tpu.memory_space<vmem>>, vector<16xf32>,
            tpu.vector_store %arg16[%swap3A_364, %swap3A_365], %broadcast_in_dim3A_268 {strides = array<i32>} : memref<32x1024xf32, #tpu.memory_space<vmem>>, vector<16xf32>,
            %swap3A_367 = arith.index_cast %while3A_281 : i32 to index
            %swap3A_368 = arith.constant 448 : index
            %swap3A_369 = tpu.vector_load %arg16[%swap3A_367, %swap3A_368] {strides = array<i32>} : memref<32x1024xf32, #tpu.memory_space<vmem>>, vector<16xf32>,
            tpu.vector_store %arg16[%swap3A_367, %swap3A_368], %broadcast_in_dim3A_268 {strides = array<i32>} : memref<32x1024xf32, #tpu.memory_space<vmem>>, vector<16xf32>,
            %swap3A_370 = arith.index_cast %while3A_281 : i32 to index
            %swap3A_371 = arith.constant 464 : index
            %swap3A_372 = tpu.vector_load %arg16[%swap3A_370, %swap3A_371] {strides = array<i32>} : memref<32x1024xf32, #tpu.memory_space<vmem>>, vector<16xf32>,
            tpu.vector_store %arg16[%swap3A_370, %swap3A_371], %broadcast_in_dim3A_268 {strides = array<i32>} : memref<32x1024xf32, #tpu.memory_space<vmem>>, vector<16xf32>,
            %swap3A_373 = arith.index_cast %while3A_281 : i32 to index
            %swap3A_374 = arith.constant 480 : index
            %swap3A_375 = tpu.vector_load %arg16[%swap3A_373, %swap3A_374] {strides = array<i32>} : memref<32x1024xf32, #tpu.memory_space<vmem>>, vector<16xf32>,
            tpu.vector_store %arg16[%swap3A_373, %swap3A_374], %broadcast_in_dim3A_268 {strides = array<i32>} : memref<32x1024xf32, #tpu.memory_space<vmem>>, vector<16xf32>,
            %swap3A_376 = arith.index_cast %while3A_281 : i32 to index
            %swap3A_377 = arith.constant 496 : index
            %swap3A_378 = tpu.vector_load %arg16[%swap3A_376, %swap3A_377] {strides = array<i32>} : memref<32x1024xf32, #tpu.memory_space<vmem>>, vector<16xf32>,
            tpu.vector_store %arg16[%swap3A_376, %swap3A_377], %broadcast_in_dim3A_268 {strides = array<i32>} : memref<32x1024xf32, #tpu.memory_space<vmem>>, vector<16xf32>,
            %swap3A_379 = arith.index_cast %while3A_281 : i32 to index
            %swap3A_380 = arith.constant 512 : index
            %swap3A_381 = tpu.vector_load %arg16[%swap3A_379, %swap3A_380] {strides = array<i32>} : memref<32x1024xf32, #tpu.memory_space<vmem>>, vector<16xf32>,
            tpu.vector_store %arg16[%swap3A_379, %swap3A_380], %broadcast_in_dim3A_268 {strides = array<i32>} : memref<32x1024xf32, #tpu.memory_space<vmem>>, vector<16xf32>,
            %swap3A_382 = arith.index_cast %while3A_281 : i32 to index
            %swap3A_383 = arith.constant 528 : index
            %swap3A_384 = tpu.vector_load %arg16[%swap3A_382, %swap3A_383] {strides = array<i32>} : memref<32x1024xf32, #tpu.memory_space<vmem>>, vector<16xf32>,
            tpu.vector_store %arg16[%swap3A_382, %swap3A_383], %broadcast_in_dim3A_268 {strides = array<i32>} : memref<32x1024xf32, #tpu.memory_space<vmem>>, vector<16xf32>,
            %swap3A_385 = arith.index_cast %while3A_281 : i32 to index
            %swap3A_386 = arith.constant 544 : index
            %swap3A_387 = tpu.vector_load %arg16[%swap3A_385, %swap3A_386] {strides = array<i32>} : memref<32x1024xf32, #tpu.memory_space<vmem>>, vector<16xf32>,
            tpu.vector_store %arg16[%swap3A_385, %swap3A_386], %broadcast_in_dim3A_268 {strides = array<i32>} : memref<32x1024xf32, #tpu.memory_space<vmem>>, vector<16xf32>,
            %swap3A_388 = arith.index_cast %while3A_281 : i32 to index
            %swap3A_389 = arith.constant 560 : index
            %swap3A_390 = tpu.vector_load %arg16[%swap3A_388, %swap3A_389] {strides = array<i32>} : memref<32x1024xf32, #tpu.memory_space<vmem>>, vector<16xf32>,
            tpu.vector_store %arg16[%swap3A_388, %swap3A_389], %broadcast_in_dim3A_268 {strides = array<i32>} : memref<32x1024xf32, #tpu.memory_space<vmem>>, vector<16xf32>,
            %swap3A_391 = arith.index_cast %while3A_281 : i32 to index
            %swap3A_392 = arith.constant 576 : index
            %swap3A_393 = tpu.vector_load %arg16[%swap3A_391, %swap3A_392] {strides = array<i32>} : memref<32x1024xf32, #tpu.memory_space<vmem>>, vector<16xf32>,
            tpu.vector_store %arg16[%swap3A_391, %swap3A_392], %broadcast_in_dim3A_268 {strides = array<i32>} : memref<32x1024xf32, #tpu.memory_space<vmem>>, vector<16xf32>,
            %swap3A_394 = arith.index_cast %while3A_281 : i32 to index
            %swap3A_395 = arith.constant 592 : index
            %swap3A_396 = tpu.vector_load %arg16[%swap3A_394, %swap3A_395] {strides = array<i32>} : memref<32x1024xf32, #tpu.memory_space<vmem>>, vector<16xf32>,
            tpu.vector_store %arg16[%swap3A_394, %swap3A_395], %broadcast_in_dim3A_268 {strides = array<i32>} : memref<32x1024xf32, #tpu.memory_space<vmem>>, vector<16xf32>,
            %swap3A_397 = arith.index_cast %while3A_281 : i32 to index
            %swap3A_398 = arith.constant 608 : index
            %swap3A_399 = tpu.vector_load %arg16[%swap3A_397, %swap3A_398] {strides = array<i32>} : memref<32x1024xf32, #tpu.memory_space<vmem>>, vector<16xf32>,
            tpu.vector_store %arg16[%swap3A_397, %swap3A_398], %broadcast_in_dim3A_268 {strides = array<i32>} : memref<32x1024xf32, #tpu.memory_space<vmem>>, vector<16xf32>,
            %swap3A_400 = arith.index_cast %while3A_281 : i32 to index
            %swap3A_401 = arith.constant 624 : index
            %swap3A_402 = tpu.vector_load %arg16[%swap3A_400, %swap3A_401] {strides = array<i32>} : memref<32x1024xf32, #tpu.memory_space<vmem>>, vector<16xf32>,
            tpu.vector_store %arg16[%swap3A_400, %swap3A_401], %broadcast_in_dim3A_268 {strides = array<i32>} : memref<32x1024xf32, #tpu.memory_space<vmem>>, vector<16xf32>,
            %swap3A_403 = arith.index_cast %while3A_281 : i32 to index
            %swap3A_404 = arith.constant 640 : index
            %swap3A_405 = tpu.vector_load %arg16[%swap3A_403, %swap3A_404] {strides = array<i32>} : memref<32x1024xf32, #tpu.memory_space<vmem>>, vector<16xf32>,
            tpu.vector_store %arg16[%swap3A_403, %swap3A_404], %broadcast_in_dim3A_268 {strides = array<i32>} : memref<32x1024xf32, #tpu.memory_space<vmem>>, vector<16xf32>,
            %swap3A_406 = arith.index_cast %while3A_281 : i32 to index
            %swap3A_407 = arith.constant 656 : index
            %swap3A_408 = tpu.vector_load %arg16[%swap3A_406, %swap3A_407] {strides = array<i32>} : memref<32x1024xf32, #tpu.memory_space<vmem>>, vector<16xf32>,
            tpu.vector_store %arg16[%swap3A_406, %swap3A_407], %broadcast_in_dim3A_268 {strides = array<i32>} : memref<32x1024xf32, #tpu.memory_space<vmem>>, vector<16xf32>,
            %swap3A_409 = arith.index_cast %while3A_281 : i32 to index
            %swap3A_410 = arith.constant 672 : index
            %swap3A_411 = tpu.vector_load %arg16[%swap3A_409, %swap3A_410] {strides = array<i32>} : memref<32x1024xf32, #tpu.memory_space<vmem>>, vector<16xf32>,
            tpu.vector_store %arg16[%swap3A_409, %swap3A_410], %broadcast_in_dim3A_268 {strides = array<i32>} : memref<32x1024xf32, #tpu.memory_space<vmem>>, vector<16xf32>,
            %swap3A_412 = arith.index_cast %while3A_281 : i32 to index
            %swap3A_413 = arith.constant 688 : index
            %swap3A_414 = tpu.vector_load %arg16[%swap3A_412, %swap3A_413] {strides = array<i32>} : memref<32x1024xf32, #tpu.memory_space<vmem>>, vector<16xf32>,
            tpu.vector_store %arg16[%swap3A_412, %swap3A_413], %broadcast_in_dim3A_268 {strides = array<i32>} : memref<32x1024xf32, #tpu.memory_space<vmem>>, vector<16xf32>,
            %swap3A_415 = arith.index_cast %while3A_281 : i32 to index
            %swap3A_416 = arith.constant 704 : index
            %swap3A_417 = tpu.vector_load %arg16[%swap3A_415, %swap3A_416] {strides = array<i32>} : memref<32x1024xf32, #tpu.memory_space<vmem>>, vector<16xf32>,
            tpu.vector_store %arg16[%swap3A_415, %swap3A_416], %broadcast_in_dim3A_268 {strides = array<i32>} : memref<32x1024xf32, #tpu.memory_space<vmem>>, vector<16xf32>,
            %swap3A_418 = arith.index_cast %while3A_281 : i32 to index
            %swap3A_419 = arith.constant 720 : index
            %swap3A_420 = tpu.vector_load %arg16[%swap3A_418, %swap3A_419] {strides = array<i32>} : memref<32x1024xf32, #tpu.memory_space<vmem>>, vector<16xf32>,
            tpu.vector_store %arg16[%swap3A_418, %swap3A_419], %broadcast_in_dim3A_268 {strides = array<i32>} : memref<32x1024xf32, #tpu.memory_space<vmem>>, vector<16xf32>,
            %swap3A_421 = arith.index_cast %while3A_281 : i32 to index
            %swap3A_422 = arith.constant 736 : index
            %swap3A_423 = tpu.vector_load %arg16[%swap3A_421, %swap3A_422] {strides = array<i32>} : memref<32x1024xf32, #tpu.memory_space<vmem>>, vector<16xf32>,
            tpu.vector_store %arg16[%swap3A_421, %swap3A_422], %broadcast_in_dim3A_268 {strides = array<i32>} : memref<32x1024xf32, #tpu.memory_space<vmem>>, vector<16xf32>,
            %swap3A_424 = arith.index_cast %while3A_281 : i32 to index
            %swap3A_425 = arith.constant 752 : index
            %swap3A_426 = tpu.vector_load %arg16[%swap3A_424, %swap3A_425] {strides = array<i32>} : memref<32x1024xf32, #tpu.memory_space<vmem>>, vector<16xf32>,
            tpu.vector_store %arg16[%swap3A_424, %swap3A_425], %broadcast_in_dim3A_268 {strides = array<i32>} : memref<32x1024xf32, #tpu.memory_space<vmem>>, vector<16xf32>,
            %swap3A_427 = arith.index_cast %while3A_281 : i32 to index
            %swap3A_428 = arith.constant 768 : index
            %swap3A_429 = tpu.vector_load %arg16[%swap3A_427, %swap3A_428] {strides = array<i32>} : memref<32x1024xf32, #tpu.memory_space<vmem>>, vector<16xf32>,
            tpu.vector_store %arg16[%swap3A_427, %swap3A_428], %broadcast_in_dim3A_268 {strides = array<i32>} : memref<32x1024xf32, #tpu.memory_space<vmem>>, vector<16xf32>,
            %swap3A_430 = arith.index_cast %while3A_281 : i32 to index
            %swap3A_431 = arith.constant 784 : index
            %swap3A_432 = tpu.vector_load %arg16[%swap3A_430, %swap3A_431] {strides = array<i32>} : memref<32x1024xf32, #tpu.memory_space<vmem>>, vector<16xf32>,
            tpu.vector_store %arg16[%swap3A_430, %swap3A_431], %broadcast_in_dim3A_268 {strides = array<i32>} : memref<32x1024xf32, #tpu.memory_space<vmem>>, vector<16xf32>,
            %swap3A_433 = arith.index_cast %while3A_281 : i32 to index
            %swap3A_434 = arith.constant 800 : index
            %swap3A_435 = tpu.vector_load %arg16[%swap3A_433, %swap3A_434] {strides = array<i32>} : memref<32x1024xf32, #tpu.memory_space<vmem>>, vector<16xf32>,
            tpu.vector_store %arg16[%swap3A_433, %swap3A_434], %broadcast_in_dim3A_268 {strides = array<i32>} : memref<32x1024xf32, #tpu.memory_space<vmem>>, vector<16xf32>,
            %swap3A_436 = arith.index_cast %while3A_281 : i32 to index
            %swap3A_437 = arith.constant 816 : index
            %swap3A_438 = tpu.vector_load %arg16[%swap3A_436, %swap3A_437] {strides = array<i32>} : memref<32x1024xf32, #tpu.memory_space<vmem>>, vector<16xf32>,
            tpu.vector_store %arg16[%swap3A_436, %swap3A_437], %broadcast_in_dim3A_268 {strides = array<i32>} : memref<32x1024xf32, #tpu.memory_space<vmem>>, vector<16xf32>,
            %swap3A_439 = arith.index_cast %while3A_281 : i32 to index
            %swap3A_440 = arith.constant 832 : index
            %swap3A_441 = tpu.vector_load %arg16[%swap3A_439, %swap3A_440] {strides = array<i32>} : memref<32x1024xf32, #tpu.memory_space<vmem>>, vector<16xf32>,
            tpu.vector_store %arg16[%swap3A_439, %swap3A_440], %broadcast_in_dim3A_268 {strides = array<i32>} : memref<32x1024xf32, #tpu.memory_space<vmem>>, vector<16xf32>,
            %swap3A_442 = arith.index_cast %while3A_281 : i32 to index
            %swap3A_443 = arith.constant 848 : index
            %swap3A_444 = tpu.vector_load %arg16[%swap3A_442, %swap3A_443] {strides = array<i32>} : memref<32x1024xf32, #tpu.memory_space<vmem>>, vector<16xf32>,
            tpu.vector_store %arg16[%swap3A_442, %swap3A_443], %broadcast_in_dim3A_268 {strides = array<i32>} : memref<32x1024xf32, #tpu.memory_space<vmem>>, vector<16xf32>,
            %swap3A_445 = arith.index_cast %while3A_281 : i32 to index
            %swap3A_446 = arith.constant 864 : index
            %swap3A_447 = tpu.vector_load %arg16[%swap3A_445, %swap3A_446] {strides = array<i32>} : memref<32x1024xf32, #tpu.memory_space<vmem>>, vector<16xf32>,
            tpu.vector_store %arg16[%swap3A_445, %swap3A_446], %broadcast_in_dim3A_268 {strides = array<i32>} : memref<32x1024xf32, #tpu.memory_space<vmem>>, vector<16xf32>,
            %swap3A_448 = arith.index_cast %while3A_281 : i32 to index
            %swap3A_449 = arith.constant 880 : index
            %swap3A_450 = tpu.vector_load %arg16[%swap3A_448, %swap3A_449] {strides = array<i32>} : memref<32x1024xf32, #tpu.memory_space<vmem>>, vector<16xf32>,
            tpu.vector_store %arg16[%swap3A_448, %swap3A_449], %broadcast_in_dim3A_268 {strides = array<i32>} : memref<32x1024xf32, #tpu.memory_space<vmem>>, vector<16xf32>,
            %swap3A_451 = arith.index_cast %while3A_281 : i32 to index
            %swap3A_452 = arith.constant 896 : index
            %swap3A_453 = tpu.vector_load %arg16[%swap3A_451, %swap3A_452] {strides = array<i32>} : memref<32x1024xf32, #tpu.memory_space<vmem>>, vector<16xf32>,
            tpu.vector_store %arg16[%swap3A_451, %swap3A_452], %broadcast_in_dim3A_268 {strides = array<i32>} : memref<32x1024xf32, #tpu.memory_space<vmem>>, vector<16xf32>,
            %swap3A_454 = arith.index_cast %while3A_281 : i32 to index
            %swap3A_455 = arith.constant 912 : index
            %swap3A_456 = tpu.vector_load %arg16[%swap3A_454, %swap3A_455] {strides = array<i32>} : memref<32x1024xf32, #tpu.memory_space<vmem>>, vector<16xf32>,
            tpu.vector_store %arg16[%swap3A_454, %swap3A_455], %broadcast_in_dim3A_268 {strides = array<i32>} : memref<32x1024xf32, #tpu.memory_space<vmem>>, vector<16xf32>,
            %swap3A_457 = arith.index_cast %while3A_281 : i32 to index
            %swap3A_458 = arith.constant 928 : index
            %swap3A_459 = tpu.vector_load %arg16[%swap3A_457, %swap3A_458] {strides = array<i32>} : memref<32x1024xf32, #tpu.memory_space<vmem>>, vector<16xf32>,
            tpu.vector_store %arg16[%swap3A_457, %swap3A_458], %broadcast_in_dim3A_268 {strides = array<i32>} : memref<32x1024xf32, #tpu.memory_space<vmem>>, vector<16xf32>,
            %swap3A_460 = arith.index_cast %while3A_281 : i32 to index
            %swap3A_461 = arith.constant 944 : index
            %swap3A_462 = tpu.vector_load %arg16[%swap3A_460, %swap3A_461] {strides = array<i32>} : memref<32x1024xf32, #tpu.memory_space<vmem>>, vector<16xf32>,
            tpu.vector_store %arg16[%swap3A_460, %swap3A_461], %broadcast_in_dim3A_268 {strides = array<i32>} : memref<32x1024xf32, #tpu.memory_space<vmem>>, vector<16xf32>,
            %swap3A_463 = arith.index_cast %while3A_281 : i32 to index
            %swap3A_464 = arith.constant 960 : index
            %swap3A_465 = tpu.vector_load %arg16[%swap3A_463, %swap3A_464] {strides = array<i32>} : memref<32x1024xf32, #tpu.memory_space<vmem>>, vector<16xf32>,
            tpu.vector_store %arg16[%swap3A_463, %swap3A_464], %broadcast_in_dim3A_268 {strides = array<i32>} : memref<32x1024xf32, #tpu.memory_space<vmem>>, vector<16xf32>,
            %swap3A_466 = arith.index_cast %while3A_281 : i32 to index
            %swap3A_467 = arith.constant 976 : index
            %swap3A_468 = tpu.vector_load %arg16[%swap3A_466, %swap3A_467] {strides = array<i32>} : memref<32x1024xf32, #tpu.memory_space<vmem>>, vector<16xf32>,
            tpu.vector_store %arg16[%swap3A_466, %swap3A_467], %broadcast_in_dim3A_268 {strides = array<i32>} : memref<32x1024xf32, #tpu.memory_space<vmem>>, vector<16xf32>,
            %swap3A_469 = arith.index_cast %while3A_281 : i32 to index
            %swap3A_470 = arith.constant 992 : index
            %swap3A_471 = tpu.vector_load %arg16[%swap3A_469, %swap3A_470] {strides = array<i32>} : memref<32x1024xf32, #tpu.memory_space<vmem>>, vector<16xf32>,
            tpu.vector_store %arg16[%swap3A_469, %swap3A_470], %broadcast_in_dim3A_268 {strides = array<i32>} : memref<32x1024xf32, #tpu.memory_space<vmem>>, vector<16xf32>,
            %swap3A_472 = arith.index_cast %while3A_281 : i32 to index
            %swap3A_473 = arith.constant 1008 : index
            %swap3A_474 = tpu.vector_load %arg16[%swap3A_472, %swap3A_473] {strides = array<i32>} : memref<32x1024xf32, #tpu.memory_space<vmem>>, vector<16xf32>,
            tpu.vector_store %arg16[%swap3A_472, %swap3A_473], %broadcast_in_dim3A_268 {strides = array<i32>} : memref<32x1024xf32, #tpu.memory_space<vmem>>, vector<16xf32>,
            %while3A_475 = arith.constant 0 : i32
            scf.yield %while3A_475 : i32
          }
        } else {
        }
        %mul3A_253 = arith.constant 32 : i32
        %mul3A_254 = arith.muli %while3A_194, %mul3A_253 : i32
        %add3A_255 = arith.addi %mul3A_32, %mul3A_254 : i32
        %dma_start3A = arith.constant 0 : i32
        %dma_start3A_256 = tpu.memref_slice %arg5[%add3A, %add3A_255, %dma_start3A] : memref<16x2560x1024xf32, #tpu.memory_space<hbm>> -> memref<1x32x1024xf32, #tpu.memory_space<hbm>>
        %dma_start3A_257 = tpu.memref_squeeze %dma_start3A_256 : memref<1x32x1024xf32, #tpu.memory_space<hbm>> -> memref<32x1024xf32, #tpu.memory_space<hbm>>
        %dma_start3A_258 = arith.constant 0 : i32
        %dma_start3A_259 = tpu.memref_slice %arg5[%add3A, %add3A_255, %dma_start3A_258] : memref<16x2560x1024xf32, #tpu.memory_space<hbm>> -> memref<1x32x1024xf32, #tpu.memory_space<hbm>>
        %dma_start3A_260 = tpu.memref_squeeze %dma_start3A_259 : memref<1x32x1024xf32, #tpu.memory_space<hbm>> -> memref<32x1024xf32, #tpu.memory_space<hbm>>
        tpu.enqueue_dma source(%arg16 : memref<32x1024xf32, #tpu.memory_space<vmem>>) target(%dma_start3A_260 : memref<32x1024xf32, #tpu.memory_space<hbm>>) target_semaphore(%arg24 : memref<!tpu.dma_semaphore, #tpu.memory_space<semaphore_mem>>)
        %add3A_261 = arith.constant 1 : i32
        %add3A_262 = arith.addi %while3A_194, %add3A_261 : i32
        %lt3A_263 = arith.cmpi slt, %add3A_262, %select_n3A_123 : i32
        %convert_element_type3A_264 = arith.extui %lt3A_263 : i1 to i32
        %cond3A_265 = arith.constant 0 : i32
        %cond3A_266 = arith.cmpi ne, %convert_element_type3A_264, %cond3A_265 : i32
        scf.if %cond3A_266 {
          %add3A_267 = arith.constant 1 : i32
          %add3A_268 = arith.addi %while3A_194, %add3A_267 : i32
          %mul3A_269 = arith.constant 32 : i32
          %mul3A_270 = arith.muli %add3A_268, %mul3A_269 : i32
          %add3A_271 = arith.addi %mul3A_32, %mul3A_270 : i32
          %add3A_272 = arith.constant 0 : i32
          %add3A_273 = arith.addi %add3A_271, %add3A_272 : i32
          %add3A_274 = vector.broadcast %add3A_273 : i32 to vector<16xi32>
          %add3A_275 = arith.addi %add3A_274, %iota3A : vector<16xi32>
          %add3A_276 = arith.constant 0 : i32
          %add3A_277 = arith.addi %add3A_271, %add3A_276 : i32
          %add3A_278 = vector.broadcast %add3A_277 : i32 to vector<16xi32>
          %add3A_279 = arith.addi %add3A_278, %iota3A : vector<16xi32>
          %lt3A_280 = vector.broadcast %reduce_max3A_79 : i32 to vector<16xi32>
          %lt3A_281 = arith.cmpi slt, %add3A_279, %lt3A_280 : vector<16xi32>
          %jit3A_282 = arith.constant 0 : i32
          %jit3A_283 = arith.constant 2559 : i32
          %max3A_284 = vector.broadcast %jit3A_282 : i32 to vector<16xi32>
          %max3A_285 = arith.maxsi %max3A_284, %add3A_279 : vector<16xi32>
          %min3A_286 = vector.broadcast %jit3A_283 : i32 to vector<16xi32>
          %min3A_287 = arith.minsi %min3A_286, %max3A_285 : vector<16xi32>
          %sub3A_288 = vector.broadcast %reduce_max3A_79 : i32 to vector<16xi32>
          %sub3A_289 = arith.subi %add3A_279, %sub3A_288 : vector<16xi32>
          %jit3A_290 = arith.constant 0 : i32
          %jit3A_291 = arith.constant 2559 : i32
          %max3A_292 = vector.broadcast %jit3A_290 : i32 to vector<16xi32>
          %max3A_293 = arith.maxsi %max3A_292, %sub3A_289 : vector<16xi32>
          %min3A_294 = vector.broadcast %jit3A_291 : i32 to vector<16xi32>
          %min3A_295 = arith.minsi %min3A_294, %max3A_293 : vector<16xi32>
          %gather3A = tpu.vector_load_idx %arg11[%min3A_287] : memref<2576xi32, #tpu.memory_space<vmem>>[vector<16xi32>], vector<16xi32>,
          %gather3A_296 = tpu.vector_load_idx %arg12[%min3A_295] : memref<2576xi32, #tpu.memory_space<vmem>>[vector<16xi32>], vector<16xi32>,
          %select_n3A_297 = arith.select %lt3A_281, %gather3A, %gather3A_296 : vector<16xi1>, vector<16xi32>
          %lt3A_298 = vector.broadcast %min3A_91 : i32 to vector<16xi32>
          %lt3A_299 = arith.cmpi slt, %add3A_279, %lt3A_298 : vector<16xi32>
          %mul3A_300 = arith.constant 2 : i32
          %mul3A_301 = vector.broadcast %mul3A_300 : i32 to vector<16xi32>
          %mul3A_302 = arith.muli %add3A_275, %mul3A_301 : vector<16xi32>
          %select_n3A_303 = arith.select %lt3A_299, %select_n3A_297, %mul3A_302 : vector<16xi1>, vector<16xi32>
          %jit3A_304 = arith.constant 2 : i32
          %div3A_305 = vector.broadcast %jit3A_304 : i32 to vector<16xi32>
          %div3A_306 = arith.divsi %select_n3A_303, %div3A_305 : vector<16xi32>
          %sign3A_307 = arith.constant 0 : i32
          %sign3A_308 = vector.broadcast %sign3A_307 : i32 to vector<16xi32>
          %sign3A_309 = arith.cmpi sgt, %select_n3A_303, %sign3A_308 : vector<16xi32>
          %sign3A_310 = arith.extui %sign3A_309 : vector<16xi1> to vector<16xi32>
          %sign3A_311 = arith.constant 0 : i32
          %sign3A_312 = vector.broadcast %sign3A_311 : i32 to vector<16xi32>
          %sign3A_313 = arith.cmpi slt, %select_n3A_303, %sign3A_312 : vector<16xi32>
          %sign3A_314 = arith.extui %sign3A_313 : vector<16xi1> to vector<16xi32>
          %sign3A_315 = arith.subi %sign3A_310, %sign3A_314 : vector<16xi32>
          %sign3A_316 = arith.constant 0 : i32
          %sign3A_317 = arith.cmpi sgt, %jit3A_304, %sign3A_316 : i32
          %sign3A_318 = arith.extui %sign3A_317 : i1 to i32
          %sign3A_319 = arith.constant 0 : i32
          %sign3A_320 = arith.cmpi slt, %jit3A_304, %sign3A_319 : i32
          %sign3A_321 = arith.extui %sign3A_320 : i1 to i32
          %sign3A_322 = arith.subi %sign3A_318, %sign3A_321 : i32
          %ne3A_323 = vector.broadcast %sign3A_322 : i32 to vector<16xi32>
          %ne3A_324 = arith.cmpi ne, %sign3A_315, %ne3A_323 : vector<16xi32>
          %rem3A_325 = vector.broadcast %jit3A_304 : i32 to vector<16xi32>
          %rem3A_326 = arith.remsi %select_n3A_303, %rem3A_325 : vector<16xi32>
          %ne3A_327 = arith.constant 0 : i32
          %ne3A_328 = vector.broadcast %ne3A_327 : i32 to vector<16xi32>
          %ne3A_329 = arith.cmpi ne, %rem3A_326, %ne3A_328 : vector<16xi32>
          %and3A_330 = arith.andi %ne3A_324, %ne3A_329 : vector<16xi1>
          %sub3A_331 = arith.constant 1 : i32
          %sub3A_332 = vector.broadcast %sub3A_331 : i32 to vector<16xi32>
          %sub3A_333 = arith.subi %div3A_306, %sub3A_332 : vector<16xi32>
          %select_n3A_334 = arith.select %and3A_330, %sub3A_333, %div3A_306 : vector<16xi1>, vector<16xi32>
          %swap3A_335 = arith.constant 0 : index
          %swap3A_336 = tpu.vector_load %arg13[%swap3A_335] {strides = array<i32>} : memref<32xi32, #tpu.memory_space<vmem>>, vector<16xi32>,
          tpu.vector_store %arg13[%swap3A_335], %select_n3A_334 {strides = array<i32>} : memref<32xi32, #tpu.memory_space<vmem>>, vector<16xi32>,
          %add3A_337 = arith.constant 16 : i32
          %add3A_338 = arith.addi %add3A_271, %add3A_337 : i32
          %add3A_339 = vector.broadcast %add3A_338 : i32 to vector<16xi32>
          %add3A_340 = arith.addi %add3A_339, %iota3A : vector<16xi32>
          %add3A_341 = arith.constant 16 : i32
          %add3A_342 = arith.addi %add3A_271, %add3A_341 : i32
          %add3A_343 = vector.broadcast %add3A_342 : i32 to vector<16xi32>
          %add3A_344 = arith.addi %add3A_343, %iota3A : vector<16xi32>
          %lt3A_345 = vector.broadcast %reduce_max3A_79 : i32 to vector<16xi32>
          %lt3A_346 = arith.cmpi slt, %add3A_344, %lt3A_345 : vector<16xi32>
          %jit3A_347 = arith.constant 0 : i32
          %jit3A_348 = arith.constant 2559 : i32
          %max3A_349 = vector.broadcast %jit3A_347 : i32 to vector<16xi32>
          %max3A_350 = arith.maxsi %max3A_349, %add3A_344 : vector<16xi32>
          %min3A_351 = vector.broadcast %jit3A_348 : i32 to vector<16xi32>
          %min3A_352 = arith.minsi %min3A_351, %max3A_350 : vector<16xi32>
          %sub3A_353 = vector.broadcast %reduce_max3A_79 : i32 to vector<16xi32>
          %sub3A_354 = arith.subi %add3A_344, %sub3A_353 : vector<16xi32>
          %jit3A_355 = arith.constant 0 : i32
          %jit3A_356 = arith.constant 2559 : i32
          %max3A_357 = vector.broadcast %jit3A_355 : i32 to vector<16xi32>
          %max3A_358 = arith.maxsi %max3A_357, %sub3A_354 : vector<16xi32>
          %min3A_359 = vector.broadcast %jit3A_356 : i32 to vector<16xi32>
          %min3A_360 = arith.minsi %min3A_359, %max3A_358 : vector<16xi32>
          %gather3A_361 = tpu.vector_load_idx %arg11[%min3A_352] : memref<2576xi32, #tpu.memory_space<vmem>>[vector<16xi32>], vector<16xi32>,
          %gather3A_362 = tpu.vector_load_idx %arg12[%min3A_360] : memref<2576xi32, #tpu.memory_space<vmem>>[vector<16xi32>], vector<16xi32>,
          %select_n3A_363 = arith.select %lt3A_346, %gather3A_361, %gather3A_362 : vector<16xi1>, vector<16xi32>
          %lt3A_364 = vector.broadcast %min3A_91 : i32 to vector<16xi32>
          %lt3A_365 = arith.cmpi slt, %add3A_344, %lt3A_364 : vector<16xi32>
          %mul3A_366 = arith.constant 2 : i32
          %mul3A_367 = vector.broadcast %mul3A_366 : i32 to vector<16xi32>
          %mul3A_368 = arith.muli %add3A_340, %mul3A_367 : vector<16xi32>
          %select_n3A_369 = arith.select %lt3A_365, %select_n3A_363, %mul3A_368 : vector<16xi1>, vector<16xi32>
          %jit3A_370 = arith.constant 2 : i32
          %div3A_371 = vector.broadcast %jit3A_370 : i32 to vector<16xi32>
          %div3A_372 = arith.divsi %select_n3A_369, %div3A_371 : vector<16xi32>
          %sign3A_373 = arith.constant 0 : i32
          %sign3A_374 = vector.broadcast %sign3A_373 : i32 to vector<16xi32>
          %sign3A_375 = arith.cmpi sgt, %select_n3A_369, %sign3A_374 : vector<16xi32>
          %sign3A_376 = arith.extui %sign3A_375 : vector<16xi1> to vector<16xi32>
          %sign3A_377 = arith.constant 0 : i32
          %sign3A_378 = vector.broadcast %sign3A_377 : i32 to vector<16xi32>
          %sign3A_379 = arith.cmpi slt, %select_n3A_369, %sign3A_378 : vector<16xi32>
          %sign3A_380 = arith.extui %sign3A_379 : vector<16xi1> to vector<16xi32>
          %sign3A_381 = arith.subi %sign3A_376, %sign3A_380 : vector<16xi32>
          %sign3A_382 = arith.constant 0 : i32
          %sign3A_383 = arith.cmpi sgt, %jit3A_370, %sign3A_382 : i32
          %sign3A_384 = arith.extui %sign3A_383 : i1 to i32
          %sign3A_385 = arith.constant 0 : i32
          %sign3A_386 = arith.cmpi slt, %jit3A_370, %sign3A_385 : i32
          %sign3A_387 = arith.extui %sign3A_386 : i1 to i32
          %sign3A_388 = arith.subi %sign3A_384, %sign3A_387 : i32
          %ne3A_389 = vector.broadcast %sign3A_388 : i32 to vector<16xi32>
          %ne3A_390 = arith.cmpi ne, %sign3A_381, %ne3A_389 : vector<16xi32>
          %rem3A_391 = vector.broadcast %jit3A_370 : i32 to vector<16xi32>
          %rem3A_392 = arith.remsi %select_n3A_369, %rem3A_391 : vector<16xi32>
          %ne3A_393 = arith.constant 0 : i32
          %ne3A_394 = vector.broadcast %ne3A_393 : i32 to vector<16xi32>
          %ne3A_395 = arith.cmpi ne, %rem3A_392, %ne3A_394 : vector<16xi32>
          %and3A_396 = arith.andi %ne3A_390, %ne3A_395 : vector<16xi1>
          %sub3A_397 = arith.constant 1 : i32
          %sub3A_398 = vector.broadcast %sub3A_397 : i32 to vector<16xi32>
          %sub3A_399 = arith.subi %div3A_372, %sub3A_398 : vector<16xi32>
          %select_n3A_400 = arith.select %and3A_396, %sub3A_399, %div3A_372 : vector<16xi1>, vector<16xi32>
          %swap3A_401 = arith.constant 16 : index
          %swap3A_402 = tpu.vector_load %arg13[%swap3A_401] {strides = array<i32>} : memref<32xi32, #tpu.memory_space<vmem>>, vector<16xi32>,
          tpu.vector_store %arg13[%swap3A_401], %select_n3A_400 {strides = array<i32>} : memref<32xi32, #tpu.memory_space<vmem>>, vector<16xi32>,
          %ge3A_403 = arith.constant 1 : i32
          %ge3A_404 = arith.cmpi sge, %while3A_194, %ge3A_403 : i32
          %convert_element_type3A_405 = arith.extui %ge3A_404 : i1 to i32
          %cond3A_406 = arith.constant 0 : i32
          %cond3A_407 = arith.cmpi ne, %convert_element_type3A_405, %cond3A_406 : i32
          scf.if %cond3A_407 {
            %dma_wait3A_411 = arith.constant 0 : i32
            %dma_wait3A_412 = tpu.memref_slice %arg5[%add3A, %mul3A_32, %dma_wait3A_411] : memref<16x2560x1024xf32, #tpu.memory_space<hbm>> -> memref<1x32x1024xf32, #tpu.memory_space<hbm>>
            %dma_wait3A_413 = tpu.memref_squeeze %dma_wait3A_412 : memref<1x32x1024xf32, #tpu.memory_space<hbm>> -> memref<32x1024xf32, #tpu.memory_space<hbm>>
            %dma_wait3A_414 = arith.constant 0 : i32
            %dma_wait3A_415 = tpu.memref_slice %arg5[%add3A, %mul3A_32, %dma_wait3A_414] : memref<16x2560x1024xf32, #tpu.memory_space<hbm>> -> memref<1x32x1024xf32, #tpu.memory_space<hbm>>
            %dma_wait3A_416 = tpu.memref_squeeze %dma_wait3A_415 : memref<1x32x1024xf32, #tpu.memory_space<hbm>> -> memref<32x1024xf32, #tpu.memory_space<hbm>>
            tpu.wait_dma2 semaphore(%arg23 : memref<!tpu.dma_semaphore, #tpu.memory_space<semaphore_mem>>) src(%arg15 : memref<32x1024xf32, #tpu.memory_space<vmem>>) dst(%dma_wait3A_416 : memref<32x1024xf32, #tpu.memory_space<hbm>>)
          } else {
          }
          %dma_start3A_408 = arith.constant 0 : i32
          %dma_start3A_409 = arith.constant 0 : i32
          %dma_start3A_410 = tpu.memref_slice %arg3[%dma_start3A_408, %dma_start3A_409] : memref<16384x1024xf32, #tpu.memory_space<hbm>> -> memref<16384x1024xf32, #tpu.memory_space<hbm>>
          tpu.enqueue_indirect_dma source(%dma_start3A_410 : memref<16384x1024xf32, #tpu.memory_space<hbm>>) target(%arg15 : memref<32x1024xf32, #tpu.memory_space<vmem>>) offsets(%arg13 : memref<32xi32, #tpu.memory_space<vmem>>) semaphore(%arg21 : memref<!tpu.dma_semaphore, #tpu.memory_space<semaphore_mem>>)
        } else {
        }
      } else {
      }
      %while3A_238 = arith.constant 0 : i32
      scf.yield %while3A_238 : i32
    }
    %jit3A_144 = arith.constant 2 : i32
    %eq3A_145 = arith.constant 0 : i32
    %eq3A_146 = arith.cmpi eq, %jit3A_144, %eq3A_145 : i32
    %jit3A_147 = arith.constant 1 : i32
    %select_n3A_148 = arith.select %eq3A_146, %jit3A_147, %jit3A_144 : i32
    %rem3A_149 = arith.remsi %select_n3A_123, %select_n3A_148 : i32
    %ne3A_150 = arith.constant 0 : i32
    %ne3A_151 = arith.cmpi ne, %rem3A_149, %ne3A_150 : i32
    %lt3A_152 = arith.constant 0 : i32
    %lt3A_153 = arith.cmpi slt, %rem3A_149, %lt3A_152 : i32
    %lt3A_154 = arith.constant 0 : i32
    %lt3A_155 = arith.cmpi slt, %select_n3A_148, %lt3A_154 : i32
    %ne3A_156 = arith.xori %lt3A_153, %lt3A_155 : i1
    %and3A_157 = arith.andi %ne3A_156, %ne3A_151 : i1
    %add3A_158 = arith.addi %rem3A_149, %select_n3A_148 : i32
    %select_n3A_159 = arith.select %and3A_157, %add3A_158, %rem3A_149 : i32
    %eq3A_160 = arith.constant 1 : i32
    %eq3A_161 = arith.cmpi eq, %select_n3A_159, %eq3A_160 : i32
    %convert_element_type3A_162 = arith.extui %eq3A_161 : i1 to i32
    %cond3A_163 = arith.constant 0 : i32
    %cond3A_164 = arith.cmpi ne, %convert_element_type3A_162, %cond3A_163 : i32
    scf.if %cond3A_164 {
      %dma_wait3A = arith.constant 0 : i32
      %dma_wait3A_194 = tpu.memref_slice %arg5[%add3A, %mul3A_32, %dma_wait3A] : memref<16x2560x1024xf32, #tpu.memory_space<hbm>> -> memref<1x32x1024xf32, #tpu.memory_space<hbm>>
      %dma_wait3A_195 = tpu.memref_squeeze %dma_wait3A_194 : memref<1x32x1024xf32, #tpu.memory_space<hbm>> -> memref<32x1024xf32, #tpu.memory_space<hbm>>
      %dma_wait3A_196 = arith.constant 0 : i32
      %dma_wait3A_197 = tpu.memref_slice %arg5[%add3A, %mul3A_32, %dma_wait3A_196] : memref<16x2560x1024xf32, #tpu.memory_space<hbm>> -> memref<1x32x1024xf32, #tpu.memory_space<hbm>>
      %dma_wait3A_198 = tpu.memref_squeeze %dma_wait3A_197 : memref<1x32x1024xf32, #tpu.memory_space<hbm>> -> memref<32x1024xf32, #tpu.memory_space<hbm>>
      tpu.wait_dma2 semaphore(%arg23 : memref<!tpu.dma_semaphore, #tpu.memory_space<semaphore_mem>>) src(%arg15 : memref<32x1024xf32, #tpu.memory_space<vmem>>) dst(%dma_wait3A_198 : memref<32x1024xf32, #tpu.memory_space<hbm>>)
      %ge3A_199 = arith.constant 2 : i32
      %ge3A_200 = arith.cmpi sge, %select_n3A_123, %ge3A_199 : i32
      %convert_element_type3A_201 = arith.extui %ge3A_200 : i1 to i32
      %cond3A_202 = arith.constant 0 : i32
      %cond3A_203 = arith.cmpi ne, %convert_element_type3A_201, %cond3A_202 : i32
      scf.if %cond3A_203 {
        %dma_wait3A_204 = arith.constant 0 : i32
        %dma_wait3A_205 = tpu.memref_slice %arg5[%add3A, %mul3A_32, %dma_wait3A_204] : memref<16x2560x1024xf32, #tpu.memory_space<hbm>> -> memref<1x32x1024xf32, #tpu.memory_space<hbm>>
        %dma_wait3A_206 = tpu.memref_squeeze %dma_wait3A_205 : memref<1x32x1024xf32, #tpu.memory_space<hbm>> -> memref<32x1024xf32, #tpu.memory_space<hbm>>
        %dma_wait3A_207 = arith.constant 0 : i32
        %dma_wait3A_208 = tpu.memref_slice %arg5[%add3A, %mul3A_32, %dma_wait3A_207] : memref<16x2560x1024xf32, #tpu.memory_space<hbm>> -> memref<1x32x1024xf32, #tpu.memory_space<hbm>>
        %dma_wait3A_209 = tpu.memref_squeeze %dma_wait3A_208 : memref<1x32x1024xf32, #tpu.memory_space<hbm>> -> memref<32x1024xf32, #tpu.memory_space<hbm>>
        tpu.wait_dma2 semaphore(%arg24 : memref<!tpu.dma_semaphore, #tpu.memory_space<semaphore_mem>>) src(%arg16 : memref<32x1024xf32, #tpu.memory_space<vmem>>) dst(%dma_wait3A_209 : memref<32x1024xf32, #tpu.memory_space<hbm>>)
      } else {
      }
    } else {
    }
    %jit3A_165 = arith.constant 2 : i32
    %eq3A_166 = arith.constant 0 : i32
    %eq3A_167 = arith.cmpi eq, %jit3A_165, %eq3A_166 : i32
    %jit3A_168 = arith.constant 1 : i32
    %select_n3A_169 = arith.select %eq3A_167, %jit3A_168, %jit3A_165 : i32
    %rem3A_170 = arith.remsi %select_n3A_123, %select_n3A_169 : i32
    %ne3A_171 = arith.constant 0 : i32
    %ne3A_172 = arith.cmpi ne, %rem3A_170, %ne3A_171 : i32
    %lt3A_173 = arith.constant 0 : i32
    %lt3A_174 = arith.cmpi slt, %rem3A_170, %lt3A_173 : i32
    %lt3A_175 = arith.constant 0 : i32
    %lt3A_176 = arith.cmpi slt, %select_n3A_169, %lt3A_175 : i32
    %ne3A_177 = arith.xori %lt3A_174, %lt3A_176 : i1
    %and3A_178 = arith.andi %ne3A_177, %ne3A_172 : i1
    %add3A_179 = arith.addi %rem3A_170, %select_n3A_169 : i32
    %select_n3A_180 = arith.select %and3A_178, %add3A_179, %rem3A_170 : i32
    %eq3A_181 = arith.constant 0 : i32
    %eq3A_182 = arith.cmpi eq, %select_n3A_180, %eq3A_181 : i32
    %ge3A_183 = arith.constant 1 : i32
    %ge3A_184 = arith.cmpi sge, %select_n3A_123, %ge3A_183 : i32
    %and3A_185 = arith.andi %eq3A_182, %ge3A_184 : i1
    %convert_element_type3A_186 = arith.extui %and3A_185 : i1 to i32
    %cond3A_187 = arith.constant 0 : i32
    %cond3A_188 = arith.cmpi ne, %convert_element_type3A_186, %cond3A_187 : i32
    scf.if %cond3A_188 {
      %dma_wait3A = arith.constant 0 : i32
      %dma_wait3A_194 = tpu.memref_slice %arg5[%add3A, %mul3A_32, %dma_wait3A] : memref<16x2560x1024xf32, #tpu.memory_space<hbm>> -> memref<1x32x1024xf32, #tpu.memory_space<hbm>>
      %dma_wait3A_195 = tpu.memref_squeeze %dma_wait3A_194 : memref<1x32x1024xf32, #tpu.memory_space<hbm>> -> memref<32x1024xf32, #tpu.memory_space<hbm>>
      %dma_wait3A_196 = arith.constant 0 : i32
      %dma_wait3A_197 = tpu.memref_slice %arg5[%add3A, %mul3A_32, %dma_wait3A_196] : memref<16x2560x1024xf32, #tpu.memory_space<hbm>> -> memref<1x32x1024xf32, #tpu.memory_space<hbm>>
      %dma_wait3A_198 = tpu.memref_squeeze %dma_wait3A_197 : memref<1x32x1024xf32, #tpu.memory_space<hbm>> -> memref<32x1024xf32, #tpu.memory_space<hbm>>
      tpu.wait_dma2 semaphore(%arg24 : memref<!tpu.dma_semaphore, #tpu.memory_space<semaphore_mem>>) src(%arg16 : memref<32x1024xf32, #tpu.memory_space<vmem>>) dst(%dma_wait3A_198 : memref<32x1024xf32, #tpu.memory_space<hbm>>)
      %dma_wait3A_199 = arith.constant 0 : i32
      %dma_wait3A_200 = tpu.memref_slice %arg5[%add3A, %mul3A_32, %dma_wait3A_199] : memref<16x2560x1024xf32, #tpu.memory_space<hbm>> -> memref<1x32x1024xf32, #tpu.memory_space<hbm>>
      %dma_wait3A_201 = tpu.memref_squeeze %dma_wait3A_200 : memref<1x32x1024xf32, #tpu.memory_space<hbm>> -> memref<32x1024xf32, #tpu.memory_space<hbm>>
      %dma_wait3A_202 = arith.constant 0 : i32
      %dma_wait3A_203 = tpu.memref_slice %arg5[%add3A, %mul3A_32, %dma_wait3A_202] : memref<16x2560x1024xf32, #tpu.memory_space<hbm>> -> memref<1x32x1024xf32, #tpu.memory_space<hbm>>
      %dma_wait3A_204 = tpu.memref_squeeze %dma_wait3A_203 : memref<1x32x1024xf32, #tpu.memory_space<hbm>> -> memref<32x1024xf32, #tpu.memory_space<hbm>>
      tpu.wait_dma2 semaphore(%arg23 : memref<!tpu.dma_semaphore, #tpu.memory_space<semaphore_mem>>) src(%arg15 : memref<32x1024xf32, #tpu.memory_space<vmem>>) dst(%dma_wait3A_204 : memref<32x1024xf32, #tpu.memory_space<hbm>>)
    } else {
    }
    %lt3A_189 = arith.constant 40 : i32
    %lt3A_190 = arith.cmpi slt, %select_n3A_123, %lt3A_189 : i32
    %convert_element_type3A_191 = arith.extui %lt3A_190 : i1 to i32
    %cond3A_192 = arith.constant 0 : i32
    %cond3A_193 = arith.cmpi ne, %convert_element_type3A_191, %cond3A_192 : i32
    scf.if %cond3A_193 {
      %broadcast_in_dim3A_194 = arith.constant 0.000000e+00 : f32
      %broadcast_in_dim3A_195 = vector.broadcast %broadcast_in_dim3A_194 : f32 to vector<16xf32>
      %scan3A_196 = arith.constant 0 : i32
      %scan3A_197 = arith.constant 0 : i32
      %scan3A_198 = arith.constant 32 : i32
      %scan3A_199 = arith.addi %scan3A_197, %scan3A_198 : i32
      %scan3A_200 = arith.constant 1 : i32
      %scan3A_201 = scf.for %scan3A_236 = %scan3A_197 to %scan3A_199 step %scan3A_200 iter_args(%scan3A_237 = %scan3A_196) -> (i32)  : i32 {
        %swap3A_238 = arith.index_cast %scan3A_236 : i32 to index
        %swap3A_239 = arith.constant 0 : index
        %swap3A_240 = tpu.vector_load %arg15[%swap3A_238, %swap3A_239] {strides = array<i32>} : memref<32x1024xf32, #tpu.memory_space<vmem>>, vector<16xf32>,
        tpu.vector_store %arg15[%swap3A_238, %swap3A_239], %broadcast_in_dim3A_195 {strides = array<i32>} : memref<32x1024xf32, #tpu.memory_space<vmem>>, vector<16xf32>,
        %swap3A_241 = arith.index_cast %scan3A_236 : i32 to index
        %swap3A_242 = arith.constant 16 : index
        %swap3A_243 = tpu.vector_load %arg15[%swap3A_241, %swap3A_242] {strides = array<i32>} : memref<32x1024xf32, #tpu.memory_space<vmem>>, vector<16xf32>,
        tpu.vector_store %arg15[%swap3A_241, %swap3A_242], %broadcast_in_dim3A_195 {strides = array<i32>} : memref<32x1024xf32, #tpu.memory_space<vmem>>, vector<16xf32>,
        %swap3A_244 = arith.index_cast %scan3A_236 : i32 to index
        %swap3A_245 = arith.constant 32 : index
        %swap3A_246 = tpu.vector_load %arg15[%swap3A_244, %swap3A_245] {strides = array<i32>} : memref<32x1024xf32, #tpu.memory_space<vmem>>, vector<16xf32>,
        tpu.vector_store %arg15[%swap3A_244, %swap3A_245], %broadcast_in_dim3A_195 {strides = array<i32>} : memref<32x1024xf32, #tpu.memory_space<vmem>>, vector<16xf32>,
        %swap3A_247 = arith.index_cast %scan3A_236 : i32 to index
        %swap3A_248 = arith.constant 48 : index
        %swap3A_249 = tpu.vector_load %arg15[%swap3A_247, %swap3A_248] {strides = array<i32>} : memref<32x1024xf32, #tpu.memory_space<vmem>>, vector<16xf32>,
        tpu.vector_store %arg15[%swap3A_247, %swap3A_248], %broadcast_in_dim3A_195 {strides = array<i32>} : memref<32x1024xf32, #tpu.memory_space<vmem>>, vector<16xf32>,
        %swap3A_250 = arith.index_cast %scan3A_236 : i32 to index
        %swap3A_251 = arith.constant 64 : index
        %swap3A_252 = tpu.vector_load %arg15[%swap3A_250, %swap3A_251] {strides = array<i32>} : memref<32x1024xf32, #tpu.memory_space<vmem>>, vector<16xf32>,
        tpu.vector_store %arg15[%swap3A_250, %swap3A_251], %broadcast_in_dim3A_195 {strides = array<i32>} : memref<32x1024xf32, #tpu.memory_space<vmem>>, vector<16xf32>,
        %swap3A_253 = arith.index_cast %scan3A_236 : i32 to index
        %swap3A_254 = arith.constant 80 : index
        %swap3A_255 = tpu.vector_load %arg15[%swap3A_253, %swap3A_254] {strides = array<i32>} : memref<32x1024xf32, #tpu.memory_space<vmem>>, vector<16xf32>,
        tpu.vector_store %arg15[%swap3A_253, %swap3A_254], %broadcast_in_dim3A_195 {strides = array<i32>} : memref<32x1024xf32, #tpu.memory_space<vmem>>, vector<16xf32>,
        %swap3A_256 = arith.index_cast %scan3A_236 : i32 to index
        %swap3A_257 = arith.constant 96 : index
        %swap3A_258 = tpu.vector_load %arg15[%swap3A_256, %swap3A_257] {strides = array<i32>} : memref<32x1024xf32, #tpu.memory_space<vmem>>, vector<16xf32>,
        tpu.vector_store %arg15[%swap3A_256, %swap3A_257], %broadcast_in_dim3A_195 {strides = array<i32>} : memref<32x1024xf32, #tpu.memory_space<vmem>>, vector<16xf32>,
        %swap3A_259 = arith.index_cast %scan3A_236 : i32 to index
        %swap3A_260 = arith.constant 112 : index
        %swap3A_261 = tpu.vector_load %arg15[%swap3A_259, %swap3A_260] {strides = array<i32>} : memref<32x1024xf32, #tpu.memory_space<vmem>>, vector<16xf32>,
        tpu.vector_store %arg15[%swap3A_259, %swap3A_260], %broadcast_in_dim3A_195 {strides = array<i32>} : memref<32x1024xf32, #tpu.memory_space<vmem>>, vector<16xf32>,
        %swap3A_262 = arith.index_cast %scan3A_236 : i32 to index
        %swap3A_263 = arith.constant 128 : index
        %swap3A_264 = tpu.vector_load %arg15[%swap3A_262, %swap3A_263] {strides = array<i32>} : memref<32x1024xf32, #tpu.memory_space<vmem>>, vector<16xf32>,
        tpu.vector_store %arg15[%swap3A_262, %swap3A_263], %broadcast_in_dim3A_195 {strides = array<i32>} : memref<32x1024xf32, #tpu.memory_space<vmem>>, vector<16xf32>,
        %swap3A_265 = arith.index_cast %scan3A_236 : i32 to index
        %swap3A_266 = arith.constant 144 : index
        %swap3A_267 = tpu.vector_load %arg15[%swap3A_265, %swap3A_266] {strides = array<i32>} : memref<32x1024xf32, #tpu.memory_space<vmem>>, vector<16xf32>,
        tpu.vector_store %arg15[%swap3A_265, %swap3A_266], %broadcast_in_dim3A_195 {strides = array<i32>} : memref<32x1024xf32, #tpu.memory_space<vmem>>, vector<16xf32>,
        %swap3A_268 = arith.index_cast %scan3A_236 : i32 to index
        %swap3A_269 = arith.constant 160 : index
        %swap3A_270 = tpu.vector_load %arg15[%swap3A_268, %swap3A_269] {strides = array<i32>} : memref<32x1024xf32, #tpu.memory_space<vmem>>, vector<16xf32>,
        tpu.vector_store %arg15[%swap3A_268, %swap3A_269], %broadcast_in_dim3A_195 {strides = array<i32>} : memref<32x1024xf32, #tpu.memory_space<vmem>>, vector<16xf32>,
        %swap3A_271 = arith.index_cast %scan3A_236 : i32 to index
        %swap3A_272 = arith.constant 176 : index
        %swap3A_273 = tpu.vector_load %arg15[%swap3A_271, %swap3A_272] {strides = array<i32>} : memref<32x1024xf32, #tpu.memory_space<vmem>>, vector<16xf32>,
        tpu.vector_store %arg15[%swap3A_271, %swap3A_272], %broadcast_in_dim3A_195 {strides = array<i32>} : memref<32x1024xf32, #tpu.memory_space<vmem>>, vector<16xf32>,
        %swap3A_274 = arith.index_cast %scan3A_236 : i32 to index
        %swap3A_275 = arith.constant 192 : index
        %swap3A_276 = tpu.vector_load %arg15[%swap3A_274, %swap3A_275] {strides = array<i32>} : memref<32x1024xf32, #tpu.memory_space<vmem>>, vector<16xf32>,
        tpu.vector_store %arg15[%swap3A_274, %swap3A_275], %broadcast_in_dim3A_195 {strides = array<i32>} : memref<32x1024xf32, #tpu.memory_space<vmem>>, vector<16xf32>,
        %swap3A_277 = arith.index_cast %scan3A_236 : i32 to index
        %swap3A_278 = arith.constant 208 : index
        %swap3A_279 = tpu.vector_load %arg15[%swap3A_277, %swap3A_278] {strides = array<i32>} : memref<32x1024xf32, #tpu.memory_space<vmem>>, vector<16xf32>,
        tpu.vector_store %arg15[%swap3A_277, %swap3A_278], %broadcast_in_dim3A_195 {strides = array<i32>} : memref<32x1024xf32, #tpu.memory_space<vmem>>, vector<16xf32>,
        %swap3A_280 = arith.index_cast %scan3A_236 : i32 to index
        %swap3A_281 = arith.constant 224 : index
        %swap3A_282 = tpu.vector_load %arg15[%swap3A_280, %swap3A_281] {strides = array<i32>} : memref<32x1024xf32, #tpu.memory_space<vmem>>, vector<16xf32>,
        tpu.vector_store %arg15[%swap3A_280, %swap3A_281], %broadcast_in_dim3A_195 {strides = array<i32>} : memref<32x1024xf32, #tpu.memory_space<vmem>>, vector<16xf32>,
        %swap3A_283 = arith.index_cast %scan3A_236 : i32 to index
        %swap3A_284 = arith.constant 240 : index
        %swap3A_285 = tpu.vector_load %arg15[%swap3A_283, %swap3A_284] {strides = array<i32>} : memref<32x1024xf32, #tpu.memory_space<vmem>>, vector<16xf32>,
        tpu.vector_store %arg15[%swap3A_283, %swap3A_284], %broadcast_in_dim3A_195 {strides = array<i32>} : memref<32x1024xf32, #tpu.memory_space<vmem>>, vector<16xf32>,
        %swap3A_286 = arith.index_cast %scan3A_236 : i32 to index
        %swap3A_287 = arith.constant 256 : index
        %swap3A_288 = tpu.vector_load %arg15[%swap3A_286, %swap3A_287] {strides = array<i32>} : memref<32x1024xf32, #tpu.memory_space<vmem>>, vector<16xf32>,
        tpu.vector_store %arg15[%swap3A_286, %swap3A_287], %broadcast_in_dim3A_195 {strides = array<i32>} : memref<32x1024xf32, #tpu.memory_space<vmem>>, vector<16xf32>,
        %swap3A_289 = arith.index_cast %scan3A_236 : i32 to index
        %swap3A_290 = arith.constant 272 : index
        %swap3A_291 = tpu.vector_load %arg15[%swap3A_289, %swap3A_290] {strides = array<i32>} : memref<32x1024xf32, #tpu.memory_space<vmem>>, vector<16xf32>,
        tpu.vector_store %arg15[%swap3A_289, %swap3A_290], %broadcast_in_dim3A_195 {strides = array<i32>} : memref<32x1024xf32, #tpu.memory_space<vmem>>, vector<16xf32>,
        %swap3A_292 = arith.index_cast %scan3A_236 : i32 to index
        %swap3A_293 = arith.constant 288 : index
        %swap3A_294 = tpu.vector_load %arg15[%swap3A_292, %swap3A_293] {strides = array<i32>} : memref<32x1024xf32, #tpu.memory_space<vmem>>, vector<16xf32>,
        tpu.vector_store %arg15[%swap3A_292, %swap3A_293], %broadcast_in_dim3A_195 {strides = array<i32>} : memref<32x1024xf32, #tpu.memory_space<vmem>>, vector<16xf32>,
        %swap3A_295 = arith.index_cast %scan3A_236 : i32 to index
        %swap3A_296 = arith.constant 304 : index
        %swap3A_297 = tpu.vector_load %arg15[%swap3A_295, %swap3A_296] {strides = array<i32>} : memref<32x1024xf32, #tpu.memory_space<vmem>>, vector<16xf32>,
        tpu.vector_store %arg15[%swap3A_295, %swap3A_296], %broadcast_in_dim3A_195 {strides = array<i32>} : memref<32x1024xf32, #tpu.memory_space<vmem>>, vector<16xf32>,
        %swap3A_298 = arith.index_cast %scan3A_236 : i32 to index
        %swap3A_299 = arith.constant 320 : index
        %swap3A_300 = tpu.vector_load %arg15[%swap3A_298, %swap3A_299] {strides = array<i32>} : memref<32x1024xf32, #tpu.memory_space<vmem>>, vector<16xf32>,
        tpu.vector_store %arg15[%swap3A_298, %swap3A_299], %broadcast_in_dim3A_195 {strides = array<i32>} : memref<32x1024xf32, #tpu.memory_space<vmem>>, vector<16xf32>,
        %swap3A_301 = arith.index_cast %scan3A_236 : i32 to index
        %swap3A_302 = arith.constant 336 : index
        %swap3A_303 = tpu.vector_load %arg15[%swap3A_301, %swap3A_302] {strides = array<i32>} : memref<32x1024xf32, #tpu.memory_space<vmem>>, vector<16xf32>,
        tpu.vector_store %arg15[%swap3A_301, %swap3A_302], %broadcast_in_dim3A_195 {strides = array<i32>} : memref<32x1024xf32, #tpu.memory_space<vmem>>, vector<16xf32>,
        %swap3A_304 = arith.index_cast %scan3A_236 : i32 to index
        %swap3A_305 = arith.constant 352 : index
        %swap3A_306 = tpu.vector_load %arg15[%swap3A_304, %swap3A_305] {strides = array<i32>} : memref<32x1024xf32, #tpu.memory_space<vmem>>, vector<16xf32>,
        tpu.vector_store %arg15[%swap3A_304, %swap3A_305], %broadcast_in_dim3A_195 {strides = array<i32>} : memref<32x1024xf32, #tpu.memory_space<vmem>>, vector<16xf32>,
        %swap3A_307 = arith.index_cast %scan3A_236 : i32 to index
        %swap3A_308 = arith.constant 368 : index
        %swap3A_309 = tpu.vector_load %arg15[%swap3A_307, %swap3A_308] {strides = array<i32>} : memref<32x1024xf32, #tpu.memory_space<vmem>>, vector<16xf32>,
        tpu.vector_store %arg15[%swap3A_307, %swap3A_308], %broadcast_in_dim3A_195 {strides = array<i32>} : memref<32x1024xf32, #tpu.memory_space<vmem>>, vector<16xf32>,
        %swap3A_310 = arith.index_cast %scan3A_236 : i32 to index
        %swap3A_311 = arith.constant 384 : index
        %swap3A_312 = tpu.vector_load %arg15[%swap3A_310, %swap3A_311] {strides = array<i32>} : memref<32x1024xf32, #tpu.memory_space<vmem>>, vector<16xf32>,
        tpu.vector_store %arg15[%swap3A_310, %swap3A_311], %broadcast_in_dim3A_195 {strides = array<i32>} : memref<32x1024xf32, #tpu.memory_space<vmem>>, vector<16xf32>,
        %swap3A_313 = arith.index_cast %scan3A_236 : i32 to index
        %swap3A_314 = arith.constant 400 : index
        %swap3A_315 = tpu.vector_load %arg15[%swap3A_313, %swap3A_314] {strides = array<i32>} : memref<32x1024xf32, #tpu.memory_space<vmem>>, vector<16xf32>,
        tpu.vector_store %arg15[%swap3A_313, %swap3A_314], %broadcast_in_dim3A_195 {strides = array<i32>} : memref<32x1024xf32, #tpu.memory_space<vmem>>, vector<16xf32>,
        %swap3A_316 = arith.index_cast %scan3A_236 : i32 to index
        %swap3A_317 = arith.constant 416 : index
        %swap3A_318 = tpu.vector_load %arg15[%swap3A_316, %swap3A_317] {strides = array<i32>} : memref<32x1024xf32, #tpu.memory_space<vmem>>, vector<16xf32>,
        tpu.vector_store %arg15[%swap3A_316, %swap3A_317], %broadcast_in_dim3A_195 {strides = array<i32>} : memref<32x1024xf32, #tpu.memory_space<vmem>>, vector<16xf32>,
        %swap3A_319 = arith.index_cast %scan3A_236 : i32 to index
        %swap3A_320 = arith.constant 432 : index
        %swap3A_321 = tpu.vector_load %arg15[%swap3A_319, %swap3A_320] {strides = array<i32>} : memref<32x1024xf32, #tpu.memory_space<vmem>>, vector<16xf32>,
        tpu.vector_store %arg15[%swap3A_319, %swap3A_320], %broadcast_in_dim3A_195 {strides = array<i32>} : memref<32x1024xf32, #tpu.memory_space<vmem>>, vector<16xf32>,
        %swap3A_322 = arith.index_cast %scan3A_236 : i32 to index
        %swap3A_323 = arith.constant 448 : index
        %swap3A_324 = tpu.vector_load %arg15[%swap3A_322, %swap3A_323] {strides = array<i32>} : memref<32x1024xf32, #tpu.memory_space<vmem>>, vector<16xf32>,
        tpu.vector_store %arg15[%swap3A_322, %swap3A_323], %broadcast_in_dim3A_195 {strides = array<i32>} : memref<32x1024xf32, #tpu.memory_space<vmem>>, vector<16xf32>,
        %swap3A_325 = arith.index_cast %scan3A_236 : i32 to index
        %swap3A_326 = arith.constant 464 : index
        %swap3A_327 = tpu.vector_load %arg15[%swap3A_325, %swap3A_326] {strides = array<i32>} : memref<32x1024xf32, #tpu.memory_space<vmem>>, vector<16xf32>,
        tpu.vector_store %arg15[%swap3A_325, %swap3A_326], %broadcast_in_dim3A_195 {strides = array<i32>} : memref<32x1024xf32, #tpu.memory_space<vmem>>, vector<16xf32>,
        %swap3A_328 = arith.index_cast %scan3A_236 : i32 to index
        %swap3A_329 = arith.constant 480 : index
        %swap3A_330 = tpu.vector_load %arg15[%swap3A_328, %swap3A_329] {strides = array<i32>} : memref<32x1024xf32, #tpu.memory_space<vmem>>, vector<16xf32>,
        tpu.vector_store %arg15[%swap3A_328, %swap3A_329], %broadcast_in_dim3A_195 {strides = array<i32>} : memref<32x1024xf32, #tpu.memory_space<vmem>>, vector<16xf32>,
        %swap3A_331 = arith.index_cast %scan3A_236 : i32 to index
        %swap3A_332 = arith.constant 496 : index
        %swap3A_333 = tpu.vector_load %arg15[%swap3A_331, %swap3A_332] {strides = array<i32>} : memref<32x1024xf32, #tpu.memory_space<vmem>>, vector<16xf32>,
        tpu.vector_store %arg15[%swap3A_331, %swap3A_332], %broadcast_in_dim3A_195 {strides = array<i32>} : memref<32x1024xf32, #tpu.memory_space<vmem>>, vector<16xf32>,
        %swap3A_334 = arith.index_cast %scan3A_236 : i32 to index
        %swap3A_335 = arith.constant 512 : index
        %swap3A_336 = tpu.vector_load %arg15[%swap3A_334, %swap3A_335] {strides = array<i32>} : memref<32x1024xf32, #tpu.memory_space<vmem>>, vector<16xf32>,
        tpu.vector_store %arg15[%swap3A_334, %swap3A_335], %broadcast_in_dim3A_195 {strides = array<i32>} : memref<32x1024xf32, #tpu.memory_space<vmem>>, vector<16xf32>,
        %swap3A_337 = arith.index_cast %scan3A_236 : i32 to index
        %swap3A_338 = arith.constant 528 : index
        %swap3A_339 = tpu.vector_load %arg15[%swap3A_337, %swap3A_338] {strides = array<i32>} : memref<32x1024xf32, #tpu.memory_space<vmem>>, vector<16xf32>,
        tpu.vector_store %arg15[%swap3A_337, %swap3A_338], %broadcast_in_dim3A_195 {strides = array<i32>} : memref<32x1024xf32, #tpu.memory_space<vmem>>, vector<16xf32>,
        %swap3A_340 = arith.index_cast %scan3A_236 : i32 to index
        %swap3A_341 = arith.constant 544 : index
        %swap3A_342 = tpu.vector_load %arg15[%swap3A_340, %swap3A_341] {strides = array<i32>} : memref<32x1024xf32, #tpu.memory_space<vmem>>, vector<16xf32>,
        tpu.vector_store %arg15[%swap3A_340, %swap3A_341], %broadcast_in_dim3A_195 {strides = array<i32>} : memref<32x1024xf32, #tpu.memory_space<vmem>>, vector<16xf32>,
        %swap3A_343 = arith.index_cast %scan3A_236 : i32 to index
        %swap3A_344 = arith.constant 560 : index
        %swap3A_345 = tpu.vector_load %arg15[%swap3A_343, %swap3A_344] {strides = array<i32>} : memref<32x1024xf32, #tpu.memory_space<vmem>>, vector<16xf32>,
        tpu.vector_store %arg15[%swap3A_343, %swap3A_344], %broadcast_in_dim3A_195 {strides = array<i32>} : memref<32x1024xf32, #tpu.memory_space<vmem>>, vector<16xf32>,
        %swap3A_346 = arith.index_cast %scan3A_236 : i32 to index
        %swap3A_347 = arith.constant 576 : index
        %swap3A_348 = tpu.vector_load %arg15[%swap3A_346, %swap3A_347] {strides = array<i32>} : memref<32x1024xf32, #tpu.memory_space<vmem>>, vector<16xf32>,
        tpu.vector_store %arg15[%swap3A_346, %swap3A_347], %broadcast_in_dim3A_195 {strides = array<i32>} : memref<32x1024xf32, #tpu.memory_space<vmem>>, vector<16xf32>,
        %swap3A_349 = arith.index_cast %scan3A_236 : i32 to index
        %swap3A_350 = arith.constant 592 : index
        %swap3A_351 = tpu.vector_load %arg15[%swap3A_349, %swap3A_350] {strides = array<i32>} : memref<32x1024xf32, #tpu.memory_space<vmem>>, vector<16xf32>,
        tpu.vector_store %arg15[%swap3A_349, %swap3A_350], %broadcast_in_dim3A_195 {strides = array<i32>} : memref<32x1024xf32, #tpu.memory_space<vmem>>, vector<16xf32>,
        %swap3A_352 = arith.index_cast %scan3A_236 : i32 to index
        %swap3A_353 = arith.constant 608 : index
        %swap3A_354 = tpu.vector_load %arg15[%swap3A_352, %swap3A_353] {strides = array<i32>} : memref<32x1024xf32, #tpu.memory_space<vmem>>, vector<16xf32>,
        tpu.vector_store %arg15[%swap3A_352, %swap3A_353], %broadcast_in_dim3A_195 {strides = array<i32>} : memref<32x1024xf32, #tpu.memory_space<vmem>>, vector<16xf32>,
        %swap3A_355 = arith.index_cast %scan3A_236 : i32 to index
        %swap3A_356 = arith.constant 624 : index
        %swap3A_357 = tpu.vector_load %arg15[%swap3A_355, %swap3A_356] {strides = array<i32>} : memref<32x1024xf32, #tpu.memory_space<vmem>>, vector<16xf32>,
        tpu.vector_store %arg15[%swap3A_355, %swap3A_356], %broadcast_in_dim3A_195 {strides = array<i32>} : memref<32x1024xf32, #tpu.memory_space<vmem>>, vector<16xf32>,
        %swap3A_358 = arith.index_cast %scan3A_236 : i32 to index
        %swap3A_359 = arith.constant 640 : index
        %swap3A_360 = tpu.vector_load %arg15[%swap3A_358, %swap3A_359] {strides = array<i32>} : memref<32x1024xf32, #tpu.memory_space<vmem>>, vector<16xf32>,
        tpu.vector_store %arg15[%swap3A_358, %swap3A_359], %broadcast_in_dim3A_195 {strides = array<i32>} : memref<32x1024xf32, #tpu.memory_space<vmem>>, vector<16xf32>,
        %swap3A_361 = arith.index_cast %scan3A_236 : i32 to index
        %swap3A_362 = arith.constant 656 : index
        %swap3A_363 = tpu.vector_load %arg15[%swap3A_361, %swap3A_362] {strides = array<i32>} : memref<32x1024xf32, #tpu.memory_space<vmem>>, vector<16xf32>,
        tpu.vector_store %arg15[%swap3A_361, %swap3A_362], %broadcast_in_dim3A_195 {strides = array<i32>} : memref<32x1024xf32, #tpu.memory_space<vmem>>, vector<16xf32>,
        %swap3A_364 = arith.index_cast %scan3A_236 : i32 to index
        %swap3A_365 = arith.constant 672 : index
        %swap3A_366 = tpu.vector_load %arg15[%swap3A_364, %swap3A_365] {strides = array<i32>} : memref<32x1024xf32, #tpu.memory_space<vmem>>, vector<16xf32>,
        tpu.vector_store %arg15[%swap3A_364, %swap3A_365], %broadcast_in_dim3A_195 {strides = array<i32>} : memref<32x1024xf32, #tpu.memory_space<vmem>>, vector<16xf32>,
        %swap3A_367 = arith.index_cast %scan3A_236 : i32 to index
        %swap3A_368 = arith.constant 688 : index
        %swap3A_369 = tpu.vector_load %arg15[%swap3A_367, %swap3A_368] {strides = array<i32>} : memref<32x1024xf32, #tpu.memory_space<vmem>>, vector<16xf32>,
        tpu.vector_store %arg15[%swap3A_367, %swap3A_368], %broadcast_in_dim3A_195 {strides = array<i32>} : memref<32x1024xf32, #tpu.memory_space<vmem>>, vector<16xf32>,
        %swap3A_370 = arith.index_cast %scan3A_236 : i32 to index
        %swap3A_371 = arith.constant 704 : index
        %swap3A_372 = tpu.vector_load %arg15[%swap3A_370, %swap3A_371] {strides = array<i32>} : memref<32x1024xf32, #tpu.memory_space<vmem>>, vector<16xf32>,
        tpu.vector_store %arg15[%swap3A_370, %swap3A_371], %broadcast_in_dim3A_195 {strides = array<i32>} : memref<32x1024xf32, #tpu.memory_space<vmem>>, vector<16xf32>,
        %swap3A_373 = arith.index_cast %scan3A_236 : i32 to index
        %swap3A_374 = arith.constant 720 : index
        %swap3A_375 = tpu.vector_load %arg15[%swap3A_373, %swap3A_374] {strides = array<i32>} : memref<32x1024xf32, #tpu.memory_space<vmem>>, vector<16xf32>,
        tpu.vector_store %arg15[%swap3A_373, %swap3A_374], %broadcast_in_dim3A_195 {strides = array<i32>} : memref<32x1024xf32, #tpu.memory_space<vmem>>, vector<16xf32>,
        %swap3A_376 = arith.index_cast %scan3A_236 : i32 to index
        %swap3A_377 = arith.constant 736 : index
        %swap3A_378 = tpu.vector_load %arg15[%swap3A_376, %swap3A_377] {strides = array<i32>} : memref<32x1024xf32, #tpu.memory_space<vmem>>, vector<16xf32>,
        tpu.vector_store %arg15[%swap3A_376, %swap3A_377], %broadcast_in_dim3A_195 {strides = array<i32>} : memref<32x1024xf32, #tpu.memory_space<vmem>>, vector<16xf32>,
        %swap3A_379 = arith.index_cast %scan3A_236 : i32 to index
        %swap3A_380 = arith.constant 752 : index
        %swap3A_381 = tpu.vector_load %arg15[%swap3A_379, %swap3A_380] {strides = array<i32>} : memref<32x1024xf32, #tpu.memory_space<vmem>>, vector<16xf32>,
        tpu.vector_store %arg15[%swap3A_379, %swap3A_380], %broadcast_in_dim3A_195 {strides = array<i32>} : memref<32x1024xf32, #tpu.memory_space<vmem>>, vector<16xf32>,
        %swap3A_382 = arith.index_cast %scan3A_236 : i32 to index
        %swap3A_383 = arith.constant 768 : index
        %swap3A_384 = tpu.vector_load %arg15[%swap3A_382, %swap3A_383] {strides = array<i32>} : memref<32x1024xf32, #tpu.memory_space<vmem>>, vector<16xf32>,
        tpu.vector_store %arg15[%swap3A_382, %swap3A_383], %broadcast_in_dim3A_195 {strides = array<i32>} : memref<32x1024xf32, #tpu.memory_space<vmem>>, vector<16xf32>,
        %swap3A_385 = arith.index_cast %scan3A_236 : i32 to index
        %swap3A_386 = arith.constant 784 : index
        %swap3A_387 = tpu.vector_load %arg15[%swap3A_385, %swap3A_386] {strides = array<i32>} : memref<32x1024xf32, #tpu.memory_space<vmem>>, vector<16xf32>,
        tpu.vector_store %arg15[%swap3A_385, %swap3A_386], %broadcast_in_dim3A_195 {strides = array<i32>} : memref<32x1024xf32, #tpu.memory_space<vmem>>, vector<16xf32>,
        %swap3A_388 = arith.index_cast %scan3A_236 : i32 to index
        %swap3A_389 = arith.constant 800 : index
        %swap3A_390 = tpu.vector_load %arg15[%swap3A_388, %swap3A_389] {strides = array<i32>} : memref<32x1024xf32, #tpu.memory_space<vmem>>, vector<16xf32>,
        tpu.vector_store %arg15[%swap3A_388, %swap3A_389], %broadcast_in_dim3A_195 {strides = array<i32>} : memref<32x1024xf32, #tpu.memory_space<vmem>>, vector<16xf32>,
        %swap3A_391 = arith.index_cast %scan3A_236 : i32 to index
        %swap3A_392 = arith.constant 816 : index
        %swap3A_393 = tpu.vector_load %arg15[%swap3A_391, %swap3A_392] {strides = array<i32>} : memref<32x1024xf32, #tpu.memory_space<vmem>>, vector<16xf32>,
        tpu.vector_store %arg15[%swap3A_391, %swap3A_392], %broadcast_in_dim3A_195 {strides = array<i32>} : memref<32x1024xf32, #tpu.memory_space<vmem>>, vector<16xf32>,
        %swap3A_394 = arith.index_cast %scan3A_236 : i32 to index
        %swap3A_395 = arith.constant 832 : index
        %swap3A_396 = tpu.vector_load %arg15[%swap3A_394, %swap3A_395] {strides = array<i32>} : memref<32x1024xf32, #tpu.memory_space<vmem>>, vector<16xf32>,
        tpu.vector_store %arg15[%swap3A_394, %swap3A_395], %broadcast_in_dim3A_195 {strides = array<i32>} : memref<32x1024xf32, #tpu.memory_space<vmem>>, vector<16xf32>,
        %swap3A_397 = arith.index_cast %scan3A_236 : i32 to index
        %swap3A_398 = arith.constant 848 : index
        %swap3A_399 = tpu.vector_load %arg15[%swap3A_397, %swap3A_398] {strides = array<i32>} : memref<32x1024xf32, #tpu.memory_space<vmem>>, vector<16xf32>,
        tpu.vector_store %arg15[%swap3A_397, %swap3A_398], %broadcast_in_dim3A_195 {strides = array<i32>} : memref<32x1024xf32, #tpu.memory_space<vmem>>, vector<16xf32>,
        %swap3A_400 = arith.index_cast %scan3A_236 : i32 to index
        %swap3A_401 = arith.constant 864 : index
        %swap3A_402 = tpu.vector_load %arg15[%swap3A_400, %swap3A_401] {strides = array<i32>} : memref<32x1024xf32, #tpu.memory_space<vmem>>, vector<16xf32>,
        tpu.vector_store %arg15[%swap3A_400, %swap3A_401], %broadcast_in_dim3A_195 {strides = array<i32>} : memref<32x1024xf32, #tpu.memory_space<vmem>>, vector<16xf32>,
        %swap3A_403 = arith.index_cast %scan3A_236 : i32 to index
        %swap3A_404 = arith.constant 880 : index
        %swap3A_405 = tpu.vector_load %arg15[%swap3A_403, %swap3A_404] {strides = array<i32>} : memref<32x1024xf32, #tpu.memory_space<vmem>>, vector<16xf32>,
        tpu.vector_store %arg15[%swap3A_403, %swap3A_404], %broadcast_in_dim3A_195 {strides = array<i32>} : memref<32x1024xf32, #tpu.memory_space<vmem>>, vector<16xf32>,
        %swap3A_406 = arith.index_cast %scan3A_236 : i32 to index
        %swap3A_407 = arith.constant 896 : index
        %swap3A_408 = tpu.vector_load %arg15[%swap3A_406, %swap3A_407] {strides = array<i32>} : memref<32x1024xf32, #tpu.memory_space<vmem>>, vector<16xf32>,
        tpu.vector_store %arg15[%swap3A_406, %swap3A_407], %broadcast_in_dim3A_195 {strides = array<i32>} : memref<32x1024xf32, #tpu.memory_space<vmem>>, vector<16xf32>,
        %swap3A_409 = arith.index_cast %scan3A_236 : i32 to index
        %swap3A_410 = arith.constant 912 : index
        %swap3A_411 = tpu.vector_load %arg15[%swap3A_409, %swap3A_410] {strides = array<i32>} : memref<32x1024xf32, #tpu.memory_space<vmem>>, vector<16xf32>,
        tpu.vector_store %arg15[%swap3A_409, %swap3A_410], %broadcast_in_dim3A_195 {strides = array<i32>} : memref<32x1024xf32, #tpu.memory_space<vmem>>, vector<16xf32>,
        %swap3A_412 = arith.index_cast %scan3A_236 : i32 to index
        %swap3A_413 = arith.constant 928 : index
        %swap3A_414 = tpu.vector_load %arg15[%swap3A_412, %swap3A_413] {strides = array<i32>} : memref<32x1024xf32, #tpu.memory_space<vmem>>, vector<16xf32>,
        tpu.vector_store %arg15[%swap3A_412, %swap3A_413], %broadcast_in_dim3A_195 {strides = array<i32>} : memref<32x1024xf32, #tpu.memory_space<vmem>>, vector<16xf32>,
        %swap3A_415 = arith.index_cast %scan3A_236 : i32 to index
        %swap3A_416 = arith.constant 944 : index
        %swap3A_417 = tpu.vector_load %arg15[%swap3A_415, %swap3A_416] {strides = array<i32>} : memref<32x1024xf32, #tpu.memory_space<vmem>>, vector<16xf32>,
        tpu.vector_store %arg15[%swap3A_415, %swap3A_416], %broadcast_in_dim3A_195 {strides = array<i32>} : memref<32x1024xf32, #tpu.memory_space<vmem>>, vector<16xf32>,
        %swap3A_418 = arith.index_cast %scan3A_236 : i32 to index
        %swap3A_419 = arith.constant 960 : index
        %swap3A_420 = tpu.vector_load %arg15[%swap3A_418, %swap3A_419] {strides = array<i32>} : memref<32x1024xf32, #tpu.memory_space<vmem>>, vector<16xf32>,
        tpu.vector_store %arg15[%swap3A_418, %swap3A_419], %broadcast_in_dim3A_195 {strides = array<i32>} : memref<32x1024xf32, #tpu.memory_space<vmem>>, vector<16xf32>,
        %swap3A_421 = arith.index_cast %scan3A_236 : i32 to index
        %swap3A_422 = arith.constant 976 : index
        %swap3A_423 = tpu.vector_load %arg15[%swap3A_421, %swap3A_422] {strides = array<i32>} : memref<32x1024xf32, #tpu.memory_space<vmem>>, vector<16xf32>,
        tpu.vector_store %arg15[%swap3A_421, %swap3A_422], %broadcast_in_dim3A_195 {strides = array<i32>} : memref<32x1024xf32, #tpu.memory_space<vmem>>, vector<16xf32>,
        %swap3A_424 = arith.index_cast %scan3A_236 : i32 to index
        %swap3A_425 = arith.constant 992 : index
        %swap3A_426 = tpu.vector_load %arg15[%swap3A_424, %swap3A_425] {strides = array<i32>} : memref<32x1024xf32, #tpu.memory_space<vmem>>, vector<16xf32>,
        tpu.vector_store %arg15[%swap3A_424, %swap3A_425], %broadcast_in_dim3A_195 {strides = array<i32>} : memref<32x1024xf32, #tpu.memory_space<vmem>>, vector<16xf32>,
        %swap3A_427 = arith.index_cast %scan3A_236 : i32 to index
        %swap3A_428 = arith.constant 1008 : index
        %swap3A_429 = tpu.vector_load %arg15[%swap3A_427, %swap3A_428] {strides = array<i32>} : memref<32x1024xf32, #tpu.memory_space<vmem>>, vector<16xf32>,
        tpu.vector_store %arg15[%swap3A_427, %swap3A_428], %broadcast_in_dim3A_195 {strides = array<i32>} : memref<32x1024xf32, #tpu.memory_space<vmem>>, vector<16xf32>,
        %scan3A_430 = arith.constant 0 : i32
        scf.yield %scan3A_430 : i32
      }
      %scan3A_202 = arith.constant 32 : i32
      %broadcast_in_dim3A_203 = arith.constant 0.000000e+00 : f32
      %broadcast_in_dim3A_204 = vector.broadcast %broadcast_in_dim3A_203 : f32 to vector<16xf32>
      %scan3A_205 = arith.constant 0 : i32
      %scan3A_206 = arith.constant 0 : i32
      %scan3A_207 = arith.constant 32 : i32
      %scan3A_208 = arith.addi %scan3A_206, %scan3A_207 : i32
      %scan3A_209 = arith.constant 1 : i32
      %scan3A_210 = scf.for %scan3A_236 = %scan3A_206 to %scan3A_208 step %scan3A_209 iter_args(%scan3A_237 = %scan3A_205) -> (i32)  : i32 {
        %swap3A_238 = arith.index_cast %scan3A_236 : i32 to index
        %swap3A_239 = arith.constant 0 : index
        %swap3A_240 = tpu.vector_load %arg16[%swap3A_238, %swap3A_239] {strides = array<i32>} : memref<32x1024xf32, #tpu.memory_space<vmem>>, vector<16xf32>,
        tpu.vector_store %arg16[%swap3A_238, %swap3A_239], %broadcast_in_dim3A_204 {strides = array<i32>} : memref<32x1024xf32, #tpu.memory_space<vmem>>, vector<16xf32>,
        %swap3A_241 = arith.index_cast %scan3A_236 : i32 to index
        %swap3A_242 = arith.constant 16 : index
        %swap3A_243 = tpu.vector_load %arg16[%swap3A_241, %swap3A_242] {strides = array<i32>} : memref<32x1024xf32, #tpu.memory_space<vmem>>, vector<16xf32>,
        tpu.vector_store %arg16[%swap3A_241, %swap3A_242], %broadcast_in_dim3A_204 {strides = array<i32>} : memref<32x1024xf32, #tpu.memory_space<vmem>>, vector<16xf32>,
        %swap3A_244 = arith.index_cast %scan3A_236 : i32 to index
        %swap3A_245 = arith.constant 32 : index
        %swap3A_246 = tpu.vector_load %arg16[%swap3A_244, %swap3A_245] {strides = array<i32>} : memref<32x1024xf32, #tpu.memory_space<vmem>>, vector<16xf32>,
        tpu.vector_store %arg16[%swap3A_244, %swap3A_245], %broadcast_in_dim3A_204 {strides = array<i32>} : memref<32x1024xf32, #tpu.memory_space<vmem>>, vector<16xf32>,
        %swap3A_247 = arith.index_cast %scan3A_236 : i32 to index
        %swap3A_248 = arith.constant 48 : index
        %swap3A_249 = tpu.vector_load %arg16[%swap3A_247, %swap3A_248] {strides = array<i32>} : memref<32x1024xf32, #tpu.memory_space<vmem>>, vector<16xf32>,
        tpu.vector_store %arg16[%swap3A_247, %swap3A_248], %broadcast_in_dim3A_204 {strides = array<i32>} : memref<32x1024xf32, #tpu.memory_space<vmem>>, vector<16xf32>,
        %swap3A_250 = arith.index_cast %scan3A_236 : i32 to index
        %swap3A_251 = arith.constant 64 : index
        %swap3A_252 = tpu.vector_load %arg16[%swap3A_250, %swap3A_251] {strides = array<i32>} : memref<32x1024xf32, #tpu.memory_space<vmem>>, vector<16xf32>,
        tpu.vector_store %arg16[%swap3A_250, %swap3A_251], %broadcast_in_dim3A_204 {strides = array<i32>} : memref<32x1024xf32, #tpu.memory_space<vmem>>, vector<16xf32>,
        %swap3A_253 = arith.index_cast %scan3A_236 : i32 to index
        %swap3A_254 = arith.constant 80 : index
        %swap3A_255 = tpu.vector_load %arg16[%swap3A_253, %swap3A_254] {strides = array<i32>} : memref<32x1024xf32, #tpu.memory_space<vmem>>, vector<16xf32>,
        tpu.vector_store %arg16[%swap3A_253, %swap3A_254], %broadcast_in_dim3A_204 {strides = array<i32>} : memref<32x1024xf32, #tpu.memory_space<vmem>>, vector<16xf32>,
        %swap3A_256 = arith.index_cast %scan3A_236 : i32 to index
        %swap3A_257 = arith.constant 96 : index
        %swap3A_258 = tpu.vector_load %arg16[%swap3A_256, %swap3A_257] {strides = array<i32>} : memref<32x1024xf32, #tpu.memory_space<vmem>>, vector<16xf32>,
        tpu.vector_store %arg16[%swap3A_256, %swap3A_257], %broadcast_in_dim3A_204 {strides = array<i32>} : memref<32x1024xf32, #tpu.memory_space<vmem>>, vector<16xf32>,
        %swap3A_259 = arith.index_cast %scan3A_236 : i32 to index
        %swap3A_260 = arith.constant 112 : index
        %swap3A_261 = tpu.vector_load %arg16[%swap3A_259, %swap3A_260] {strides = array<i32>} : memref<32x1024xf32, #tpu.memory_space<vmem>>, vector<16xf32>,
        tpu.vector_store %arg16[%swap3A_259, %swap3A_260], %broadcast_in_dim3A_204 {strides = array<i32>} : memref<32x1024xf32, #tpu.memory_space<vmem>>, vector<16xf32>,
        %swap3A_262 = arith.index_cast %scan3A_236 : i32 to index
        %swap3A_263 = arith.constant 128 : index
        %swap3A_264 = tpu.vector_load %arg16[%swap3A_262, %swap3A_263] {strides = array<i32>} : memref<32x1024xf32, #tpu.memory_space<vmem>>, vector<16xf32>,
        tpu.vector_store %arg16[%swap3A_262, %swap3A_263], %broadcast_in_dim3A_204 {strides = array<i32>} : memref<32x1024xf32, #tpu.memory_space<vmem>>, vector<16xf32>,
        %swap3A_265 = arith.index_cast %scan3A_236 : i32 to index
        %swap3A_266 = arith.constant 144 : index
        %swap3A_267 = tpu.vector_load %arg16[%swap3A_265, %swap3A_266] {strides = array<i32>} : memref<32x1024xf32, #tpu.memory_space<vmem>>, vector<16xf32>,
        tpu.vector_store %arg16[%swap3A_265, %swap3A_266], %broadcast_in_dim3A_204 {strides = array<i32>} : memref<32x1024xf32, #tpu.memory_space<vmem>>, vector<16xf32>,
        %swap3A_268 = arith.index_cast %scan3A_236 : i32 to index
        %swap3A_269 = arith.constant 160 : index
        %swap3A_270 = tpu.vector_load %arg16[%swap3A_268, %swap3A_269] {strides = array<i32>} : memref<32x1024xf32, #tpu.memory_space<vmem>>, vector<16xf32>,
        tpu.vector_store %arg16[%swap3A_268, %swap3A_269], %broadcast_in_dim3A_204 {strides = array<i32>} : memref<32x1024xf32, #tpu.memory_space<vmem>>, vector<16xf32>,
        %swap3A_271 = arith.index_cast %scan3A_236 : i32 to index
        %swap3A_272 = arith.constant 176 : index
        %swap3A_273 = tpu.vector_load %arg16[%swap3A_271, %swap3A_272] {strides = array<i32>} : memref<32x1024xf32, #tpu.memory_space<vmem>>, vector<16xf32>,
        tpu.vector_store %arg16[%swap3A_271, %swap3A_272], %broadcast_in_dim3A_204 {strides = array<i32>} : memref<32x1024xf32, #tpu.memory_space<vmem>>, vector<16xf32>,
        %swap3A_274 = arith.index_cast %scan3A_236 : i32 to index
        %swap3A_275 = arith.constant 192 : index
        %swap3A_276 = tpu.vector_load %arg16[%swap3A_274, %swap3A_275] {strides = array<i32>} : memref<32x1024xf32, #tpu.memory_space<vmem>>, vector<16xf32>,
        tpu.vector_store %arg16[%swap3A_274, %swap3A_275], %broadcast_in_dim3A_204 {strides = array<i32>} : memref<32x1024xf32, #tpu.memory_space<vmem>>, vector<16xf32>,
        %swap3A_277 = arith.index_cast %scan3A_236 : i32 to index
        %swap3A_278 = arith.constant 208 : index
        %swap3A_279 = tpu.vector_load %arg16[%swap3A_277, %swap3A_278] {strides = array<i32>} : memref<32x1024xf32, #tpu.memory_space<vmem>>, vector<16xf32>,
        tpu.vector_store %arg16[%swap3A_277, %swap3A_278], %broadcast_in_dim3A_204 {strides = array<i32>} : memref<32x1024xf32, #tpu.memory_space<vmem>>, vector<16xf32>,
        %swap3A_280 = arith.index_cast %scan3A_236 : i32 to index
        %swap3A_281 = arith.constant 224 : index
        %swap3A_282 = tpu.vector_load %arg16[%swap3A_280, %swap3A_281] {strides = array<i32>} : memref<32x1024xf32, #tpu.memory_space<vmem>>, vector<16xf32>,
        tpu.vector_store %arg16[%swap3A_280, %swap3A_281], %broadcast_in_dim3A_204 {strides = array<i32>} : memref<32x1024xf32, #tpu.memory_space<vmem>>, vector<16xf32>,
        %swap3A_283 = arith.index_cast %scan3A_236 : i32 to index
        %swap3A_284 = arith.constant 240 : index
        %swap3A_285 = tpu.vector_load %arg16[%swap3A_283, %swap3A_284] {strides = array<i32>} : memref<32x1024xf32, #tpu.memory_space<vmem>>, vector<16xf32>,
        tpu.vector_store %arg16[%swap3A_283, %swap3A_284], %broadcast_in_dim3A_204 {strides = array<i32>} : memref<32x1024xf32, #tpu.memory_space<vmem>>, vector<16xf32>,
        %swap3A_286 = arith.index_cast %scan3A_236 : i32 to index
        %swap3A_287 = arith.constant 256 : index
        %swap3A_288 = tpu.vector_load %arg16[%swap3A_286, %swap3A_287] {strides = array<i32>} : memref<32x1024xf32, #tpu.memory_space<vmem>>, vector<16xf32>,
        tpu.vector_store %arg16[%swap3A_286, %swap3A_287], %broadcast_in_dim3A_204 {strides = array<i32>} : memref<32x1024xf32, #tpu.memory_space<vmem>>, vector<16xf32>,
        %swap3A_289 = arith.index_cast %scan3A_236 : i32 to index
        %swap3A_290 = arith.constant 272 : index
        %swap3A_291 = tpu.vector_load %arg16[%swap3A_289, %swap3A_290] {strides = array<i32>} : memref<32x1024xf32, #tpu.memory_space<vmem>>, vector<16xf32>,
        tpu.vector_store %arg16[%swap3A_289, %swap3A_290], %broadcast_in_dim3A_204 {strides = array<i32>} : memref<32x1024xf32, #tpu.memory_space<vmem>>, vector<16xf32>,
        %swap3A_292 = arith.index_cast %scan3A_236 : i32 to index
        %swap3A_293 = arith.constant 288 : index
        %swap3A_294 = tpu.vector_load %arg16[%swap3A_292, %swap3A_293] {strides = array<i32>} : memref<32x1024xf32, #tpu.memory_space<vmem>>, vector<16xf32>,
        tpu.vector_store %arg16[%swap3A_292, %swap3A_293], %broadcast_in_dim3A_204 {strides = array<i32>} : memref<32x1024xf32, #tpu.memory_space<vmem>>, vector<16xf32>,
        %swap3A_295 = arith.index_cast %scan3A_236 : i32 to index
        %swap3A_296 = arith.constant 304 : index
        %swap3A_297 = tpu.vector_load %arg16[%swap3A_295, %swap3A_296] {strides = array<i32>} : memref<32x1024xf32, #tpu.memory_space<vmem>>, vector<16xf32>,
        tpu.vector_store %arg16[%swap3A_295, %swap3A_296], %broadcast_in_dim3A_204 {strides = array<i32>} : memref<32x1024xf32, #tpu.memory_space<vmem>>, vector<16xf32>,
        %swap3A_298 = arith.index_cast %scan3A_236 : i32 to index
        %swap3A_299 = arith.constant 320 : index
        %swap3A_300 = tpu.vector_load %arg16[%swap3A_298, %swap3A_299] {strides = array<i32>} : memref<32x1024xf32, #tpu.memory_space<vmem>>, vector<16xf32>,
        tpu.vector_store %arg16[%swap3A_298, %swap3A_299], %broadcast_in_dim3A_204 {strides = array<i32>} : memref<32x1024xf32, #tpu.memory_space<vmem>>, vector<16xf32>,
        %swap3A_301 = arith.index_cast %scan3A_236 : i32 to index
        %swap3A_302 = arith.constant 336 : index
        %swap3A_303 = tpu.vector_load %arg16[%swap3A_301, %swap3A_302] {strides = array<i32>} : memref<32x1024xf32, #tpu.memory_space<vmem>>, vector<16xf32>,
        tpu.vector_store %arg16[%swap3A_301, %swap3A_302], %broadcast_in_dim3A_204 {strides = array<i32>} : memref<32x1024xf32, #tpu.memory_space<vmem>>, vector<16xf32>,
        %swap3A_304 = arith.index_cast %scan3A_236 : i32 to index
        %swap3A_305 = arith.constant 352 : index
        %swap3A_306 = tpu.vector_load %arg16[%swap3A_304, %swap3A_305] {strides = array<i32>} : memref<32x1024xf32, #tpu.memory_space<vmem>>, vector<16xf32>,
        tpu.vector_store %arg16[%swap3A_304, %swap3A_305], %broadcast_in_dim3A_204 {strides = array<i32>} : memref<32x1024xf32, #tpu.memory_space<vmem>>, vector<16xf32>,
        %swap3A_307 = arith.index_cast %scan3A_236 : i32 to index
        %swap3A_308 = arith.constant 368 : index
        %swap3A_309 = tpu.vector_load %arg16[%swap3A_307, %swap3A_308] {strides = array<i32>} : memref<32x1024xf32, #tpu.memory_space<vmem>>, vector<16xf32>,
        tpu.vector_store %arg16[%swap3A_307, %swap3A_308], %broadcast_in_dim3A_204 {strides = array<i32>} : memref<32x1024xf32, #tpu.memory_space<vmem>>, vector<16xf32>,
        %swap3A_310 = arith.index_cast %scan3A_236 : i32 to index
        %swap3A_311 = arith.constant 384 : index
        %swap3A_312 = tpu.vector_load %arg16[%swap3A_310, %swap3A_311] {strides = array<i32>} : memref<32x1024xf32, #tpu.memory_space<vmem>>, vector<16xf32>,
        tpu.vector_store %arg16[%swap3A_310, %swap3A_311], %broadcast_in_dim3A_204 {strides = array<i32>} : memref<32x1024xf32, #tpu.memory_space<vmem>>, vector<16xf32>,
        %swap3A_313 = arith.index_cast %scan3A_236 : i32 to index
        %swap3A_314 = arith.constant 400 : index
        %swap3A_315 = tpu.vector_load %arg16[%swap3A_313, %swap3A_314] {strides = array<i32>} : memref<32x1024xf32, #tpu.memory_space<vmem>>, vector<16xf32>,
        tpu.vector_store %arg16[%swap3A_313, %swap3A_314], %broadcast_in_dim3A_204 {strides = array<i32>} : memref<32x1024xf32, #tpu.memory_space<vmem>>, vector<16xf32>,
        %swap3A_316 = arith.index_cast %scan3A_236 : i32 to index
        %swap3A_317 = arith.constant 416 : index
        %swap3A_318 = tpu.vector_load %arg16[%swap3A_316, %swap3A_317] {strides = array<i32>} : memref<32x1024xf32, #tpu.memory_space<vmem>>, vector<16xf32>,
        tpu.vector_store %arg16[%swap3A_316, %swap3A_317], %broadcast_in_dim3A_204 {strides = array<i32>} : memref<32x1024xf32, #tpu.memory_space<vmem>>, vector<16xf32>,
        %swap3A_319 = arith.index_cast %scan3A_236 : i32 to index
        %swap3A_320 = arith.constant 432 : index
        %swap3A_321 = tpu.vector_load %arg16[%swap3A_319, %swap3A_320] {strides = array<i32>} : memref<32x1024xf32, #tpu.memory_space<vmem>>, vector<16xf32>,
        tpu.vector_store %arg16[%swap3A_319, %swap3A_320], %broadcast_in_dim3A_204 {strides = array<i32>} : memref<32x1024xf32, #tpu.memory_space<vmem>>, vector<16xf32>,
        %swap3A_322 = arith.index_cast %scan3A_236 : i32 to index
        %swap3A_323 = arith.constant 448 : index
        %swap3A_324 = tpu.vector_load %arg16[%swap3A_322, %swap3A_323] {strides = array<i32>} : memref<32x1024xf32, #tpu.memory_space<vmem>>, vector<16xf32>,
        tpu.vector_store %arg16[%swap3A_322, %swap3A_323], %broadcast_in_dim3A_204 {strides = array<i32>} : memref<32x1024xf32, #tpu.memory_space<vmem>>, vector<16xf32>,
        %swap3A_325 = arith.index_cast %scan3A_236 : i32 to index
        %swap3A_326 = arith.constant 464 : index
        %swap3A_327 = tpu.vector_load %arg16[%swap3A_325, %swap3A_326] {strides = array<i32>} : memref<32x1024xf32, #tpu.memory_space<vmem>>, vector<16xf32>,
        tpu.vector_store %arg16[%swap3A_325, %swap3A_326], %broadcast_in_dim3A_204 {strides = array<i32>} : memref<32x1024xf32, #tpu.memory_space<vmem>>, vector<16xf32>,
        %swap3A_328 = arith.index_cast %scan3A_236 : i32 to index
        %swap3A_329 = arith.constant 480 : index
        %swap3A_330 = tpu.vector_load %arg16[%swap3A_328, %swap3A_329] {strides = array<i32>} : memref<32x1024xf32, #tpu.memory_space<vmem>>, vector<16xf32>,
        tpu.vector_store %arg16[%swap3A_328, %swap3A_329], %broadcast_in_dim3A_204 {strides = array<i32>} : memref<32x1024xf32, #tpu.memory_space<vmem>>, vector<16xf32>,
        %swap3A_331 = arith.index_cast %scan3A_236 : i32 to index
        %swap3A_332 = arith.constant 496 : index
        %swap3A_333 = tpu.vector_load %arg16[%swap3A_331, %swap3A_332] {strides = array<i32>} : memref<32x1024xf32, #tpu.memory_space<vmem>>, vector<16xf32>,
        tpu.vector_store %arg16[%swap3A_331, %swap3A_332], %broadcast_in_dim3A_204 {strides = array<i32>} : memref<32x1024xf32, #tpu.memory_space<vmem>>, vector<16xf32>,
        %swap3A_334 = arith.index_cast %scan3A_236 : i32 to index
        %swap3A_335 = arith.constant 512 : index
        %swap3A_336 = tpu.vector_load %arg16[%swap3A_334, %swap3A_335] {strides = array<i32>} : memref<32x1024xf32, #tpu.memory_space<vmem>>, vector<16xf32>,
        tpu.vector_store %arg16[%swap3A_334, %swap3A_335], %broadcast_in_dim3A_204 {strides = array<i32>} : memref<32x1024xf32, #tpu.memory_space<vmem>>, vector<16xf32>,
        %swap3A_337 = arith.index_cast %scan3A_236 : i32 to index
        %swap3A_338 = arith.constant 528 : index
        %swap3A_339 = tpu.vector_load %arg16[%swap3A_337, %swap3A_338] {strides = array<i32>} : memref<32x1024xf32, #tpu.memory_space<vmem>>, vector<16xf32>,
        tpu.vector_store %arg16[%swap3A_337, %swap3A_338], %broadcast_in_dim3A_204 {strides = array<i32>} : memref<32x1024xf32, #tpu.memory_space<vmem>>, vector<16xf32>,
        %swap3A_340 = arith.index_cast %scan3A_236 : i32 to index
        %swap3A_341 = arith.constant 544 : index
        %swap3A_342 = tpu.vector_load %arg16[%swap3A_340, %swap3A_341] {strides = array<i32>} : memref<32x1024xf32, #tpu.memory_space<vmem>>, vector<16xf32>,
        tpu.vector_store %arg16[%swap3A_340, %swap3A_341], %broadcast_in_dim3A_204 {strides = array<i32>} : memref<32x1024xf32, #tpu.memory_space<vmem>>, vector<16xf32>,
        %swap3A_343 = arith.index_cast %scan3A_236 : i32 to index
        %swap3A_344 = arith.constant 560 : index
        %swap3A_345 = tpu.vector_load %arg16[%swap3A_343, %swap3A_344] {strides = array<i32>} : memref<32x1024xf32, #tpu.memory_space<vmem>>, vector<16xf32>,
        tpu.vector_store %arg16[%swap3A_343, %swap3A_344], %broadcast_in_dim3A_204 {strides = array<i32>} : memref<32x1024xf32, #tpu.memory_space<vmem>>, vector<16xf32>,
        %swap3A_346 = arith.index_cast %scan3A_236 : i32 to index
        %swap3A_347 = arith.constant 576 : index
        %swap3A_348 = tpu.vector_load %arg16[%swap3A_346, %swap3A_347] {strides = array<i32>} : memref<32x1024xf32, #tpu.memory_space<vmem>>, vector<16xf32>,
        tpu.vector_store %arg16[%swap3A_346, %swap3A_347], %broadcast_in_dim3A_204 {strides = array<i32>} : memref<32x1024xf32, #tpu.memory_space<vmem>>, vector<16xf32>,
        %swap3A_349 = arith.index_cast %scan3A_236 : i32 to index
        %swap3A_350 = arith.constant 592 : index
        %swap3A_351 = tpu.vector_load %arg16[%swap3A_349, %swap3A_350] {strides = array<i32>} : memref<32x1024xf32, #tpu.memory_space<vmem>>, vector<16xf32>,
        tpu.vector_store %arg16[%swap3A_349, %swap3A_350], %broadcast_in_dim3A_204 {strides = array<i32>} : memref<32x1024xf32, #tpu.memory_space<vmem>>, vector<16xf32>,
        %swap3A_352 = arith.index_cast %scan3A_236 : i32 to index
        %swap3A_353 = arith.constant 608 : index
        %swap3A_354 = tpu.vector_load %arg16[%swap3A_352, %swap3A_353] {strides = array<i32>} : memref<32x1024xf32, #tpu.memory_space<vmem>>, vector<16xf32>,
        tpu.vector_store %arg16[%swap3A_352, %swap3A_353], %broadcast_in_dim3A_204 {strides = array<i32>} : memref<32x1024xf32, #tpu.memory_space<vmem>>, vector<16xf32>,
        %swap3A_355 = arith.index_cast %scan3A_236 : i32 to index
        %swap3A_356 = arith.constant 624 : index
        %swap3A_357 = tpu.vector_load %arg16[%swap3A_355, %swap3A_356] {strides = array<i32>} : memref<32x1024xf32, #tpu.memory_space<vmem>>, vector<16xf32>,
        tpu.vector_store %arg16[%swap3A_355, %swap3A_356], %broadcast_in_dim3A_204 {strides = array<i32>} : memref<32x1024xf32, #tpu.memory_space<vmem>>, vector<16xf32>,
        %swap3A_358 = arith.index_cast %scan3A_236 : i32 to index
        %swap3A_359 = arith.constant 640 : index
        %swap3A_360 = tpu.vector_load %arg16[%swap3A_358, %swap3A_359] {strides = array<i32>} : memref<32x1024xf32, #tpu.memory_space<vmem>>, vector<16xf32>,
        tpu.vector_store %arg16[%swap3A_358, %swap3A_359], %broadcast_in_dim3A_204 {strides = array<i32>} : memref<32x1024xf32, #tpu.memory_space<vmem>>, vector<16xf32>,
        %swap3A_361 = arith.index_cast %scan3A_236 : i32 to index
        %swap3A_362 = arith.constant 656 : index
        %swap3A_363 = tpu.vector_load %arg16[%swap3A_361, %swap3A_362] {strides = array<i32>} : memref<32x1024xf32, #tpu.memory_space<vmem>>, vector<16xf32>,
        tpu.vector_store %arg16[%swap3A_361, %swap3A_362], %broadcast_in_dim3A_204 {strides = array<i32>} : memref<32x1024xf32, #tpu.memory_space<vmem>>, vector<16xf32>,
        %swap3A_364 = arith.index_cast %scan3A_236 : i32 to index
        %swap3A_365 = arith.constant 672 : index
        %swap3A_366 = tpu.vector_load %arg16[%swap3A_364, %swap3A_365] {strides = array<i32>} : memref<32x1024xf32, #tpu.memory_space<vmem>>, vector<16xf32>,
        tpu.vector_store %arg16[%swap3A_364, %swap3A_365], %broadcast_in_dim3A_204 {strides = array<i32>} : memref<32x1024xf32, #tpu.memory_space<vmem>>, vector<16xf32>,
        %swap3A_367 = arith.index_cast %scan3A_236 : i32 to index
        %swap3A_368 = arith.constant 688 : index
        %swap3A_369 = tpu.vector_load %arg16[%swap3A_367, %swap3A_368] {strides = array<i32>} : memref<32x1024xf32, #tpu.memory_space<vmem>>, vector<16xf32>,
        tpu.vector_store %arg16[%swap3A_367, %swap3A_368], %broadcast_in_dim3A_204 {strides = array<i32>} : memref<32x1024xf32, #tpu.memory_space<vmem>>, vector<16xf32>,
        %swap3A_370 = arith.index_cast %scan3A_236 : i32 to index
        %swap3A_371 = arith.constant 704 : index
        %swap3A_372 = tpu.vector_load %arg16[%swap3A_370, %swap3A_371] {strides = array<i32>} : memref<32x1024xf32, #tpu.memory_space<vmem>>, vector<16xf32>,
        tpu.vector_store %arg16[%swap3A_370, %swap3A_371], %broadcast_in_dim3A_204 {strides = array<i32>} : memref<32x1024xf32, #tpu.memory_space<vmem>>, vector<16xf32>,
        %swap3A_373 = arith.index_cast %scan3A_236 : i32 to index
        %swap3A_374 = arith.constant 720 : index
        %swap3A_375 = tpu.vector_load %arg16[%swap3A_373, %swap3A_374] {strides = array<i32>} : memref<32x1024xf32, #tpu.memory_space<vmem>>, vector<16xf32>,
        tpu.vector_store %arg16[%swap3A_373, %swap3A_374], %broadcast_in_dim3A_204 {strides = array<i32>} : memref<32x1024xf32, #tpu.memory_space<vmem>>, vector<16xf32>,
        %swap3A_376 = arith.index_cast %scan3A_236 : i32 to index
        %swap3A_377 = arith.constant 736 : index
        %swap3A_378 = tpu.vector_load %arg16[%swap3A_376, %swap3A_377] {strides = array<i32>} : memref<32x1024xf32, #tpu.memory_space<vmem>>, vector<16xf32>,
        tpu.vector_store %arg16[%swap3A_376, %swap3A_377], %broadcast_in_dim3A_204 {strides = array<i32>} : memref<32x1024xf32, #tpu.memory_space<vmem>>, vector<16xf32>,
        %swap3A_379 = arith.index_cast %scan3A_236 : i32 to index
        %swap3A_380 = arith.constant 752 : index
        %swap3A_381 = tpu.vector_load %arg16[%swap3A_379, %swap3A_380] {strides = array<i32>} : memref<32x1024xf32, #tpu.memory_space<vmem>>, vector<16xf32>,
        tpu.vector_store %arg16[%swap3A_379, %swap3A_380], %broadcast_in_dim3A_204 {strides = array<i32>} : memref<32x1024xf32, #tpu.memory_space<vmem>>, vector<16xf32>,
        %swap3A_382 = arith.index_cast %scan3A_236 : i32 to index
        %swap3A_383 = arith.constant 768 : index
        %swap3A_384 = tpu.vector_load %arg16[%swap3A_382, %swap3A_383] {strides = array<i32>} : memref<32x1024xf32, #tpu.memory_space<vmem>>, vector<16xf32>,
        tpu.vector_store %arg16[%swap3A_382, %swap3A_383], %broadcast_in_dim3A_204 {strides = array<i32>} : memref<32x1024xf32, #tpu.memory_space<vmem>>, vector<16xf32>,
        %swap3A_385 = arith.index_cast %scan3A_236 : i32 to index
        %swap3A_386 = arith.constant 784 : index
        %swap3A_387 = tpu.vector_load %arg16[%swap3A_385, %swap3A_386] {strides = array<i32>} : memref<32x1024xf32, #tpu.memory_space<vmem>>, vector<16xf32>,
        tpu.vector_store %arg16[%swap3A_385, %swap3A_386], %broadcast_in_dim3A_204 {strides = array<i32>} : memref<32x1024xf32, #tpu.memory_space<vmem>>, vector<16xf32>,
        %swap3A_388 = arith.index_cast %scan3A_236 : i32 to index
        %swap3A_389 = arith.constant 800 : index
        %swap3A_390 = tpu.vector_load %arg16[%swap3A_388, %swap3A_389] {strides = array<i32>} : memref<32x1024xf32, #tpu.memory_space<vmem>>, vector<16xf32>,
        tpu.vector_store %arg16[%swap3A_388, %swap3A_389], %broadcast_in_dim3A_204 {strides = array<i32>} : memref<32x1024xf32, #tpu.memory_space<vmem>>, vector<16xf32>,
        %swap3A_391 = arith.index_cast %scan3A_236 : i32 to index
        %swap3A_392 = arith.constant 816 : index
        %swap3A_393 = tpu.vector_load %arg16[%swap3A_391, %swap3A_392] {strides = array<i32>} : memref<32x1024xf32, #tpu.memory_space<vmem>>, vector<16xf32>,
        tpu.vector_store %arg16[%swap3A_391, %swap3A_392], %broadcast_in_dim3A_204 {strides = array<i32>} : memref<32x1024xf32, #tpu.memory_space<vmem>>, vector<16xf32>,
        %swap3A_394 = arith.index_cast %scan3A_236 : i32 to index
        %swap3A_395 = arith.constant 832 : index
        %swap3A_396 = tpu.vector_load %arg16[%swap3A_394, %swap3A_395] {strides = array<i32>} : memref<32x1024xf32, #tpu.memory_space<vmem>>, vector<16xf32>,
        tpu.vector_store %arg16[%swap3A_394, %swap3A_395], %broadcast_in_dim3A_204 {strides = array<i32>} : memref<32x1024xf32, #tpu.memory_space<vmem>>, vector<16xf32>,
        %swap3A_397 = arith.index_cast %scan3A_236 : i32 to index
        %swap3A_398 = arith.constant 848 : index
        %swap3A_399 = tpu.vector_load %arg16[%swap3A_397, %swap3A_398] {strides = array<i32>} : memref<32x1024xf32, #tpu.memory_space<vmem>>, vector<16xf32>,
        tpu.vector_store %arg16[%swap3A_397, %swap3A_398], %broadcast_in_dim3A_204 {strides = array<i32>} : memref<32x1024xf32, #tpu.memory_space<vmem>>, vector<16xf32>,
        %swap3A_400 = arith.index_cast %scan3A_236 : i32 to index
        %swap3A_401 = arith.constant 864 : index
        %swap3A_402 = tpu.vector_load %arg16[%swap3A_400, %swap3A_401] {strides = array<i32>} : memref<32x1024xf32, #tpu.memory_space<vmem>>, vector<16xf32>,
        tpu.vector_store %arg16[%swap3A_400, %swap3A_401], %broadcast_in_dim3A_204 {strides = array<i32>} : memref<32x1024xf32, #tpu.memory_space<vmem>>, vector<16xf32>,
        %swap3A_403 = arith.index_cast %scan3A_236 : i32 to index
        %swap3A_404 = arith.constant 880 : index
        %swap3A_405 = tpu.vector_load %arg16[%swap3A_403, %swap3A_404] {strides = array<i32>} : memref<32x1024xf32, #tpu.memory_space<vmem>>, vector<16xf32>,
        tpu.vector_store %arg16[%swap3A_403, %swap3A_404], %broadcast_in_dim3A_204 {strides = array<i32>} : memref<32x1024xf32, #tpu.memory_space<vmem>>, vector<16xf32>,
        %swap3A_406 = arith.index_cast %scan3A_236 : i32 to index
        %swap3A_407 = arith.constant 896 : index
        %swap3A_408 = tpu.vector_load %arg16[%swap3A_406, %swap3A_407] {strides = array<i32>} : memref<32x1024xf32, #tpu.memory_space<vmem>>, vector<16xf32>,
        tpu.vector_store %arg16[%swap3A_406, %swap3A_407], %broadcast_in_dim3A_204 {strides = array<i32>} : memref<32x1024xf32, #tpu.memory_space<vmem>>, vector<16xf32>,
        %swap3A_409 = arith.index_cast %scan3A_236 : i32 to index
        %swap3A_410 = arith.constant 912 : index
        %swap3A_411 = tpu.vector_load %arg16[%swap3A_409, %swap3A_410] {strides = array<i32>} : memref<32x1024xf32, #tpu.memory_space<vmem>>, vector<16xf32>,
        tpu.vector_store %arg16[%swap3A_409, %swap3A_410], %broadcast_in_dim3A_204 {strides = array<i32>} : memref<32x1024xf32, #tpu.memory_space<vmem>>, vector<16xf32>,
        %swap3A_412 = arith.index_cast %scan3A_236 : i32 to index
        %swap3A_413 = arith.constant 928 : index
        %swap3A_414 = tpu.vector_load %arg16[%swap3A_412, %swap3A_413] {strides = array<i32>} : memref<32x1024xf32, #tpu.memory_space<vmem>>, vector<16xf32>,
        tpu.vector_store %arg16[%swap3A_412, %swap3A_413], %broadcast_in_dim3A_204 {strides = array<i32>} : memref<32x1024xf32, #tpu.memory_space<vmem>>, vector<16xf32>,
        %swap3A_415 = arith.index_cast %scan3A_236 : i32 to index
        %swap3A_416 = arith.constant 944 : index
        %swap3A_417 = tpu.vector_load %arg16[%swap3A_415, %swap3A_416] {strides = array<i32>} : memref<32x1024xf32, #tpu.memory_space<vmem>>, vector<16xf32>,
        tpu.vector_store %arg16[%swap3A_415, %swap3A_416], %broadcast_in_dim3A_204 {strides = array<i32>} : memref<32x1024xf32, #tpu.memory_space<vmem>>, vector<16xf32>,
        %swap3A_418 = arith.index_cast %scan3A_236 : i32 to index
        %swap3A_419 = arith.constant 960 : index
        %swap3A_420 = tpu.vector_load %arg16[%swap3A_418, %swap3A_419] {strides = array<i32>} : memref<32x1024xf32, #tpu.memory_space<vmem>>, vector<16xf32>,
        tpu.vector_store %arg16[%swap3A_418, %swap3A_419], %broadcast_in_dim3A_204 {strides = array<i32>} : memref<32x1024xf32, #tpu.memory_space<vmem>>, vector<16xf32>,
        %swap3A_421 = arith.index_cast %scan3A_236 : i32 to index
        %swap3A_422 = arith.constant 976 : index
        %swap3A_423 = tpu.vector_load %arg16[%swap3A_421, %swap3A_422] {strides = array<i32>} : memref<32x1024xf32, #tpu.memory_space<vmem>>, vector<16xf32>,
        tpu.vector_store %arg16[%swap3A_421, %swap3A_422], %broadcast_in_dim3A_204 {strides = array<i32>} : memref<32x1024xf32, #tpu.memory_space<vmem>>, vector<16xf32>,
        %swap3A_424 = arith.index_cast %scan3A_236 : i32 to index
        %swap3A_425 = arith.constant 992 : index
        %swap3A_426 = tpu.vector_load %arg16[%swap3A_424, %swap3A_425] {strides = array<i32>} : memref<32x1024xf32, #tpu.memory_space<vmem>>, vector<16xf32>,
        tpu.vector_store %arg16[%swap3A_424, %swap3A_425], %broadcast_in_dim3A_204 {strides = array<i32>} : memref<32x1024xf32, #tpu.memory_space<vmem>>, vector<16xf32>,
        %swap3A_427 = arith.index_cast %scan3A_236 : i32 to index
        %swap3A_428 = arith.constant 1008 : index
        %swap3A_429 = tpu.vector_load %arg16[%swap3A_427, %swap3A_428] {strides = array<i32>} : memref<32x1024xf32, #tpu.memory_space<vmem>>, vector<16xf32>,
        tpu.vector_store %arg16[%swap3A_427, %swap3A_428], %broadcast_in_dim3A_204 {strides = array<i32>} : memref<32x1024xf32, #tpu.memory_space<vmem>>, vector<16xf32>,
        %scan3A_430 = arith.constant 0 : i32
        scf.yield %scan3A_430 : i32
      }
      %scan3A_211 = arith.constant 32 : i32
      %while3A_212 = arith.constant 40 : i32
      %while3A_213 = arith.constant 0 : i32
      %while3A_214 = arith.subi %while3A_212, %select_n3A_123 : i32
      %while3A_215 = arith.addi %select_n3A_123, %while3A_214 : i32
      %while3A_216 = arith.constant 1 : i32
      %while3A_217 = arith.divsi %while3A_214, %while3A_216 : i32
      %while3A_218 = arith.muli %while3A_217, %while3A_216 : i32
      %while3A_219 = arith.addi %select_n3A_123, %while3A_218 : i32
      %while3A_220 = arith.constant 1 : i32
      %while3A_221 = scf.for %while3A_236 = %select_n3A_123 to %while3A_219 step %while3A_220 iter_args(%while3A_237 = %while3A_213) -> (i32)  : i32 {
        %jit3A_238 = arith.constant 2 : i32
        %eq3A_239 = arith.constant 0 : i32
        %eq3A_240 = arith.cmpi eq, %jit3A_238, %eq3A_239 : i32
        %jit3A_241 = arith.constant 1 : i32
        %select_n3A_242 = arith.select %eq3A_240, %jit3A_241, %jit3A_238 : i32
        %rem3A_243 = arith.remsi %while3A_236, %select_n3A_242 : i32
        %ne3A_244 = arith.constant 0 : i32
        %ne3A_245 = arith.cmpi ne, %rem3A_243, %ne3A_244 : i32
        %lt3A_246 = arith.constant 0 : i32
        %lt3A_247 = arith.cmpi slt, %rem3A_243, %lt3A_246 : i32
        %lt3A_248 = arith.constant 0 : i32
        %lt3A_249 = arith.cmpi slt, %select_n3A_242, %lt3A_248 : i32
        %ne3A_250 = arith.xori %lt3A_247, %lt3A_249 : i1
        %and3A_251 = arith.andi %ne3A_250, %ne3A_245 : i1
        %add3A_252 = arith.addi %rem3A_243, %select_n3A_242 : i32
        %select_n3A_253 = arith.select %and3A_251, %add3A_252, %rem3A_243 : i32
        %eq3A_254 = arith.constant 0 : i32
        %eq3A_255 = arith.cmpi eq, %select_n3A_253, %eq3A_254 : i32
        %convert_element_type3A_256 = arith.extui %eq3A_255 : i1 to i32
        %cond3A_257 = arith.constant 0 : i32
        %cond3A_258 = arith.cmpi ne, %convert_element_type3A_256, %cond3A_257 : i32
        scf.if %cond3A_258 {
          %add3A_281 = arith.constant 2 : i32
          %add3A_282 = arith.addi %select_n3A_123, %add3A_281 : i32
          %ge3A_283 = arith.cmpi sge, %while3A_236, %add3A_282 : i32
          %convert_element_type3A_284 = arith.extui %ge3A_283 : i1 to i32
          %cond3A_285 = arith.constant 0 : i32
          %cond3A_286 = arith.cmpi ne, %convert_element_type3A_284, %cond3A_285 : i32
          scf.if %cond3A_286 {
            %dma_wait3A_295 = arith.constant 0 : i32
            %dma_wait3A_296 = tpu.memref_slice %arg5[%add3A, %mul3A_32, %dma_wait3A_295] : memref<16x2560x1024xf32, #tpu.memory_space<hbm>> -> memref<1x32x1024xf32, #tpu.memory_space<hbm>>
            %dma_wait3A_297 = tpu.memref_squeeze %dma_wait3A_296 : memref<1x32x1024xf32, #tpu.memory_space<hbm>> -> memref<32x1024xf32, #tpu.memory_space<hbm>>
            %dma_wait3A_298 = arith.constant 0 : i32
            %dma_wait3A_299 = tpu.memref_slice %arg5[%add3A, %mul3A_32, %dma_wait3A_298] : memref<16x2560x1024xf32, #tpu.memory_space<hbm>> -> memref<1x32x1024xf32, #tpu.memory_space<hbm>>
            %dma_wait3A_300 = tpu.memref_squeeze %dma_wait3A_299 : memref<1x32x1024xf32, #tpu.memory_space<hbm>> -> memref<32x1024xf32, #tpu.memory_space<hbm>>
            tpu.wait_dma2 semaphore(%arg23 : memref<!tpu.dma_semaphore, #tpu.memory_space<semaphore_mem>>) src(%arg15 : memref<32x1024xf32, #tpu.memory_space<vmem>>) dst(%dma_wait3A_300 : memref<32x1024xf32, #tpu.memory_space<hbm>>)
          } else {
          }
          %mul3A_287 = arith.constant 32 : i32
          %mul3A_288 = arith.muli %while3A_236, %mul3A_287 : i32
          %add3A_289 = arith.addi %mul3A_32, %mul3A_288 : i32
          %dma_start3A = arith.constant 0 : i32
          %dma_start3A_290 = tpu.memref_slice %arg5[%add3A, %add3A_289, %dma_start3A] : memref<16x2560x1024xf32, #tpu.memory_space<hbm>> -> memref<1x32x1024xf32, #tpu.memory_space<hbm>>
          %dma_start3A_291 = tpu.memref_squeeze %dma_start3A_290 : memref<1x32x1024xf32, #tpu.memory_space<hbm>> -> memref<32x1024xf32, #tpu.memory_space<hbm>>
          %dma_start3A_292 = arith.constant 0 : i32
          %dma_start3A_293 = tpu.memref_slice %arg5[%add3A, %add3A_289, %dma_start3A_292] : memref<16x2560x1024xf32, #tpu.memory_space<hbm>> -> memref<1x32x1024xf32, #tpu.memory_space<hbm>>
          %dma_start3A_294 = tpu.memref_squeeze %dma_start3A_293 : memref<1x32x1024xf32, #tpu.memory_space<hbm>> -> memref<32x1024xf32, #tpu.memory_space<hbm>>
          tpu.enqueue_dma source(%arg15 : memref<32x1024xf32, #tpu.memory_space<vmem>>) target(%dma_start3A_294 : memref<32x1024xf32, #tpu.memory_space<hbm>>) target_semaphore(%arg23 : memref<!tpu.dma_semaphore, #tpu.memory_space<semaphore_mem>>)
        } else {
        }
        %jit3A_259 = arith.constant 2 : i32
        %eq3A_260 = arith.constant 0 : i32
        %eq3A_261 = arith.cmpi eq, %jit3A_259, %eq3A_260 : i32
        %jit3A_262 = arith.constant 1 : i32
        %select_n3A_263 = arith.select %eq3A_261, %jit3A_262, %jit3A_259 : i32
        %rem3A_264 = arith.remsi %while3A_236, %select_n3A_263 : i32
        %ne3A_265 = arith.constant 0 : i32
        %ne3A_266 = arith.cmpi ne, %rem3A_264, %ne3A_265 : i32
        %lt3A_267 = arith.constant 0 : i32
        %lt3A_268 = arith.cmpi slt, %rem3A_264, %lt3A_267 : i32
        %lt3A_269 = arith.constant 0 : i32
        %lt3A_270 = arith.cmpi slt, %select_n3A_263, %lt3A_269 : i32
        %ne3A_271 = arith.xori %lt3A_268, %lt3A_270 : i1
        %and3A_272 = arith.andi %ne3A_271, %ne3A_266 : i1
        %add3A_273 = arith.addi %rem3A_264, %select_n3A_263 : i32
        %select_n3A_274 = arith.select %and3A_272, %add3A_273, %rem3A_264 : i32
        %eq3A_275 = arith.constant 1 : i32
        %eq3A_276 = arith.cmpi eq, %select_n3A_274, %eq3A_275 : i32
        %convert_element_type3A_277 = arith.extui %eq3A_276 : i1 to i32
        %cond3A_278 = arith.constant 0 : i32
        %cond3A_279 = arith.cmpi ne, %convert_element_type3A_277, %cond3A_278 : i32
        scf.if %cond3A_279 {
          %add3A_281 = arith.constant 2 : i32
          %add3A_282 = arith.addi %select_n3A_123, %add3A_281 : i32
          %ge3A_283 = arith.cmpi sge, %while3A_236, %add3A_282 : i32
          %convert_element_type3A_284 = arith.extui %ge3A_283 : i1 to i32
          %cond3A_285 = arith.constant 0 : i32
          %cond3A_286 = arith.cmpi ne, %convert_element_type3A_284, %cond3A_285 : i32
          scf.if %cond3A_286 {
            %dma_wait3A_295 = arith.constant 0 : i32
            %dma_wait3A_296 = tpu.memref_slice %arg5[%add3A, %mul3A_32, %dma_wait3A_295] : memref<16x2560x1024xf32, #tpu.memory_space<hbm>> -> memref<1x32x1024xf32, #tpu.memory_space<hbm>>
            %dma_wait3A_297 = tpu.memref_squeeze %dma_wait3A_296 : memref<1x32x1024xf32, #tpu.memory_space<hbm>> -> memref<32x1024xf32, #tpu.memory_space<hbm>>
            %dma_wait3A_298 = arith.constant 0 : i32
            %dma_wait3A_299 = tpu.memref_slice %arg5[%add3A, %mul3A_32, %dma_wait3A_298] : memref<16x2560x1024xf32, #tpu.memory_space<hbm>> -> memref<1x32x1024xf32, #tpu.memory_space<hbm>>
            %dma_wait3A_300 = tpu.memref_squeeze %dma_wait3A_299 : memref<1x32x1024xf32, #tpu.memory_space<hbm>> -> memref<32x1024xf32, #tpu.memory_space<hbm>>
            tpu.wait_dma2 semaphore(%arg24 : memref<!tpu.dma_semaphore, #tpu.memory_space<semaphore_mem>>) src(%arg16 : memref<32x1024xf32, #tpu.memory_space<vmem>>) dst(%dma_wait3A_300 : memref<32x1024xf32, #tpu.memory_space<hbm>>)
          } else {
          }
          %mul3A_287 = arith.constant 32 : i32
          %mul3A_288 = arith.muli %while3A_236, %mul3A_287 : i32
          %add3A_289 = arith.addi %mul3A_32, %mul3A_288 : i32
          %dma_start3A = arith.constant 0 : i32
          %dma_start3A_290 = tpu.memref_slice %arg5[%add3A, %add3A_289, %dma_start3A] : memref<16x2560x1024xf32, #tpu.memory_space<hbm>> -> memref<1x32x1024xf32, #tpu.memory_space<hbm>>
          %dma_start3A_291 = tpu.memref_squeeze %dma_start3A_290 : memref<1x32x1024xf32, #tpu.memory_space<hbm>> -> memref<32x1024xf32, #tpu.memory_space<hbm>>
          %dma_start3A_292 = arith.constant 0 : i32
          %dma_start3A_293 = tpu.memref_slice %arg5[%add3A, %add3A_289, %dma_start3A_292] : memref<16x2560x1024xf32, #tpu.memory_space<hbm>> -> memref<1x32x1024xf32, #tpu.memory_space<hbm>>
          %dma_start3A_294 = tpu.memref_squeeze %dma_start3A_293 : memref<1x32x1024xf32, #tpu.memory_space<hbm>> -> memref<32x1024xf32, #tpu.memory_space<hbm>>
          tpu.enqueue_dma source(%arg16 : memref<32x1024xf32, #tpu.memory_space<vmem>>) target(%dma_start3A_294 : memref<32x1024xf32, #tpu.memory_space<hbm>>) target_semaphore(%arg24 : memref<!tpu.dma_semaphore, #tpu.memory_space<semaphore_mem>>)
        } else {
        }
        %while3A_280 = arith.constant 0 : i32
        scf.yield %while3A_280 : i32
      }
      %while3A_222 = arith.constant 1 : i32
      %while3A_223 = scf.for %while3A_236 = %while3A_219 to %while3A_215 step %while3A_222 iter_args(%while3A_237 = %while3A_221) -> (i32)  : i32 {
        %jit3A_238 = arith.constant 2 : i32
        %eq3A_239 = arith.constant 0 : i32
        %eq3A_240 = arith.cmpi eq, %jit3A_238, %eq3A_239 : i32
        %jit3A_241 = arith.constant 1 : i32
        %select_n3A_242 = arith.select %eq3A_240, %jit3A_241, %jit3A_238 : i32
        %rem3A_243 = arith.remsi %while3A_236, %select_n3A_242 : i32
        %ne3A_244 = arith.constant 0 : i32
        %ne3A_245 = arith.cmpi ne, %rem3A_243, %ne3A_244 : i32
        %lt3A_246 = arith.constant 0 : i32
        %lt3A_247 = arith.cmpi slt, %rem3A_243, %lt3A_246 : i32
        %lt3A_248 = arith.constant 0 : i32
        %lt3A_249 = arith.cmpi slt, %select_n3A_242, %lt3A_248 : i32
        %ne3A_250 = arith.xori %lt3A_247, %lt3A_249 : i1
        %and3A_251 = arith.andi %ne3A_250, %ne3A_245 : i1
        %add3A_252 = arith.addi %rem3A_243, %select_n3A_242 : i32
        %select_n3A_253 = arith.select %and3A_251, %add3A_252, %rem3A_243 : i32
        %eq3A_254 = arith.constant 0 : i32
        %eq3A_255 = arith.cmpi eq, %select_n3A_253, %eq3A_254 : i32
        %convert_element_type3A_256 = arith.extui %eq3A_255 : i1 to i32
        %cond3A_257 = arith.constant 0 : i32
        %cond3A_258 = arith.cmpi ne, %convert_element_type3A_256, %cond3A_257 : i32
        scf.if %cond3A_258 {
          %add3A_281 = arith.constant 2 : i32
          %add3A_282 = arith.addi %select_n3A_123, %add3A_281 : i32
          %ge3A_283 = arith.cmpi sge, %while3A_236, %add3A_282 : i32
          %convert_element_type3A_284 = arith.extui %ge3A_283 : i1 to i32
          %cond3A_285 = arith.constant 0 : i32
          %cond3A_286 = arith.cmpi ne, %convert_element_type3A_284, %cond3A_285 : i32
          scf.if %cond3A_286 {
            %dma_wait3A_295 = arith.constant 0 : i32
            %dma_wait3A_296 = tpu.memref_slice %arg5[%add3A, %mul3A_32, %dma_wait3A_295] : memref<16x2560x1024xf32, #tpu.memory_space<hbm>> -> memref<1x32x1024xf32, #tpu.memory_space<hbm>>
            %dma_wait3A_297 = tpu.memref_squeeze %dma_wait3A_296 : memref<1x32x1024xf32, #tpu.memory_space<hbm>> -> memref<32x1024xf32, #tpu.memory_space<hbm>>
            %dma_wait3A_298 = arith.constant 0 : i32
            %dma_wait3A_299 = tpu.memref_slice %arg5[%add3A, %mul3A_32, %dma_wait3A_298] : memref<16x2560x1024xf32, #tpu.memory_space<hbm>> -> memref<1x32x1024xf32, #tpu.memory_space<hbm>>
            %dma_wait3A_300 = tpu.memref_squeeze %dma_wait3A_299 : memref<1x32x1024xf32, #tpu.memory_space<hbm>> -> memref<32x1024xf32, #tpu.memory_space<hbm>>
            tpu.wait_dma2 semaphore(%arg23 : memref<!tpu.dma_semaphore, #tpu.memory_space<semaphore_mem>>) src(%arg15 : memref<32x1024xf32, #tpu.memory_space<vmem>>) dst(%dma_wait3A_300 : memref<32x1024xf32, #tpu.memory_space<hbm>>)
          } else {
          }
          %mul3A_287 = arith.constant 32 : i32
          %mul3A_288 = arith.muli %while3A_236, %mul3A_287 : i32
          %add3A_289 = arith.addi %mul3A_32, %mul3A_288 : i32
          %dma_start3A = arith.constant 0 : i32
          %dma_start3A_290 = tpu.memref_slice %arg5[%add3A, %add3A_289, %dma_start3A] : memref<16x2560x1024xf32, #tpu.memory_space<hbm>> -> memref<1x32x1024xf32, #tpu.memory_space<hbm>>
          %dma_start3A_291 = tpu.memref_squeeze %dma_start3A_290 : memref<1x32x1024xf32, #tpu.memory_space<hbm>> -> memref<32x1024xf32, #tpu.memory_space<hbm>>
          %dma_start3A_292 = arith.constant 0 : i32
          %dma_start3A_293 = tpu.memref_slice %arg5[%add3A, %add3A_289, %dma_start3A_292] : memref<16x2560x1024xf32, #tpu.memory_space<hbm>> -> memref<1x32x1024xf32, #tpu.memory_space<hbm>>
          %dma_start3A_294 = tpu.memref_squeeze %dma_start3A_293 : memref<1x32x1024xf32, #tpu.memory_space<hbm>> -> memref<32x1024xf32, #tpu.memory_space<hbm>>
          tpu.enqueue_dma source(%arg15 : memref<32x1024xf32, #tpu.memory_space<vmem>>) target(%dma_start3A_294 : memref<32x1024xf32, #tpu.memory_space<hbm>>) target_semaphore(%arg23 : memref<!tpu.dma_semaphore, #tpu.memory_space<semaphore_mem>>)
        } else {
        }
        %jit3A_259 = arith.constant 2 : i32
        %eq3A_260 = arith.constant 0 : i32
        %eq3A_261 = arith.cmpi eq, %jit3A_259, %eq3A_260 : i32
        %jit3A_262 = arith.constant 1 : i32
        %select_n3A_263 = arith.select %eq3A_261, %jit3A_262, %jit3A_259 : i32
        %rem3A_264 = arith.remsi %while3A_236, %select_n3A_263 : i32
        %ne3A_265 = arith.constant 0 : i32
        %ne3A_266 = arith.cmpi ne, %rem3A_264, %ne3A_265 : i32
        %lt3A_267 = arith.constant 0 : i32
        %lt3A_268 = arith.cmpi slt, %rem3A_264, %lt3A_267 : i32
        %lt3A_269 = arith.constant 0 : i32
        %lt3A_270 = arith.cmpi slt, %select_n3A_263, %lt3A_269 : i32
        %ne3A_271 = arith.xori %lt3A_268, %lt3A_270 : i1
        %and3A_272 = arith.andi %ne3A_271, %ne3A_266 : i1
        %add3A_273 = arith.addi %rem3A_264, %select_n3A_263 : i32
        %select_n3A_274 = arith.select %and3A_272, %add3A_273, %rem3A_264 : i32
        %eq3A_275 = arith.constant 1 : i32
        %eq3A_276 = arith.cmpi eq, %select_n3A_274, %eq3A_275 : i32
        %convert_element_type3A_277 = arith.extui %eq3A_276 : i1 to i32
        %cond3A_278 = arith.constant 0 : i32
        %cond3A_279 = arith.cmpi ne, %convert_element_type3A_277, %cond3A_278 : i32
        scf.if %cond3A_279 {
          %add3A_281 = arith.constant 2 : i32
          %add3A_282 = arith.addi %select_n3A_123, %add3A_281 : i32
          %ge3A_283 = arith.cmpi sge, %while3A_236, %add3A_282 : i32
          %convert_element_type3A_284 = arith.extui %ge3A_283 : i1 to i32
          %cond3A_285 = arith.constant 0 : i32
          %cond3A_286 = arith.cmpi ne, %convert_element_type3A_284, %cond3A_285 : i32
          scf.if %cond3A_286 {
            %dma_wait3A_295 = arith.constant 0 : i32
            %dma_wait3A_296 = tpu.memref_slice %arg5[%add3A, %mul3A_32, %dma_wait3A_295] : memref<16x2560x1024xf32, #tpu.memory_space<hbm>> -> memref<1x32x1024xf32, #tpu.memory_space<hbm>>
            %dma_wait3A_297 = tpu.memref_squeeze %dma_wait3A_296 : memref<1x32x1024xf32, #tpu.memory_space<hbm>> -> memref<32x1024xf32, #tpu.memory_space<hbm>>
            %dma_wait3A_298 = arith.constant 0 : i32
            %dma_wait3A_299 = tpu.memref_slice %arg5[%add3A, %mul3A_32, %dma_wait3A_298] : memref<16x2560x1024xf32, #tpu.memory_space<hbm>> -> memref<1x32x1024xf32, #tpu.memory_space<hbm>>
            %dma_wait3A_300 = tpu.memref_squeeze %dma_wait3A_299 : memref<1x32x1024xf32, #tpu.memory_space<hbm>> -> memref<32x1024xf32, #tpu.memory_space<hbm>>
            tpu.wait_dma2 semaphore(%arg24 : memref<!tpu.dma_semaphore, #tpu.memory_space<semaphore_mem>>) src(%arg16 : memref<32x1024xf32, #tpu.memory_space<vmem>>) dst(%dma_wait3A_300 : memref<32x1024xf32, #tpu.memory_space<hbm>>)
          } else {
          }
          %mul3A_287 = arith.constant 32 : i32
          %mul3A_288 = arith.muli %while3A_236, %mul3A_287 : i32
          %add3A_289 = arith.addi %mul3A_32, %mul3A_288 : i32
          %dma_start3A = arith.constant 0 : i32
          %dma_start3A_290 = tpu.memref_slice %arg5[%add3A, %add3A_289, %dma_start3A] : memref<16x2560x1024xf32, #tpu.memory_space<hbm>> -> memref<1x32x1024xf32, #tpu.memory_space<hbm>>
          %dma_start3A_291 = tpu.memref_squeeze %dma_start3A_290 : memref<1x32x1024xf32, #tpu.memory_space<hbm>> -> memref<32x1024xf32, #tpu.memory_space<hbm>>
          %dma_start3A_292 = arith.constant 0 : i32
          %dma_start3A_293 = tpu.memref_slice %arg5[%add3A, %add3A_289, %dma_start3A_292] : memref<16x2560x1024xf32, #tpu.memory_space<hbm>> -> memref<1x32x1024xf32, #tpu.memory_space<hbm>>
          %dma_start3A_294 = tpu.memref_squeeze %dma_start3A_293 : memref<1x32x1024xf32, #tpu.memory_space<hbm>> -> memref<32x1024xf32, #tpu.memory_space<hbm>>
          tpu.enqueue_dma source(%arg16 : memref<32x1024xf32, #tpu.memory_space<vmem>>) target(%dma_start3A_294 : memref<32x1024xf32, #tpu.memory_space<hbm>>) target_semaphore(%arg24 : memref<!tpu.dma_semaphore, #tpu.memory_space<semaphore_mem>>)
        } else {
        }
        %while3A_280 = arith.constant 0 : i32
        scf.yield %while3A_280 : i32
      }
      %dma_wait3A = arith.constant 0 : i32
      %dma_wait3A_224 = tpu.memref_slice %arg5[%add3A, %mul3A_32, %dma_wait3A] : memref<16x2560x1024xf32, #tpu.memory_space<hbm>> -> memref<1x32x1024xf32, #tpu.memory_space<hbm>>
      %dma_wait3A_225 = tpu.memref_squeeze %dma_wait3A_224 : memref<1x32x1024xf32, #tpu.memory_space<hbm>> -> memref<32x1024xf32, #tpu.memory_space<hbm>>
      %dma_wait3A_226 = arith.constant 0 : i32
      %dma_wait3A_227 = tpu.memref_slice %arg5[%add3A, %mul3A_32, %dma_wait3A_226] : memref<16x2560x1024xf32, #tpu.memory_space<hbm>> -> memref<1x32x1024xf32, #tpu.memory_space<hbm>>
      %dma_wait3A_228 = tpu.memref_squeeze %dma_wait3A_227 : memref<1x32x1024xf32, #tpu.memory_space<hbm>> -> memref<32x1024xf32, #tpu.memory_space<hbm>>
      tpu.wait_dma2 semaphore(%arg24 : memref<!tpu.dma_semaphore, #tpu.memory_space<semaphore_mem>>) src(%arg16 : memref<32x1024xf32, #tpu.memory_space<vmem>>) dst(%dma_wait3A_228 : memref<32x1024xf32, #tpu.memory_space<hbm>>)
      %sub3A_229 = arith.constant 40 : i32
      %sub3A_230 = arith.subi %sub3A_229, %select_n3A_123 : i32
      %ge3A_231 = arith.constant 2 : i32
      %ge3A_232 = arith.cmpi sge, %sub3A_230, %ge3A_231 : i32
      %convert_element_type3A_233 = arith.extui %ge3A_232 : i1 to i32
      %cond3A_234 = arith.constant 0 : i32
      %cond3A_235 = arith.cmpi ne, %convert_element_type3A_233, %cond3A_234 : i32
      scf.if %cond3A_235 {
        %dma_wait3A_236 = arith.constant 0 : i32
        %dma_wait3A_237 = tpu.memref_slice %arg5[%add3A, %mul3A_32, %dma_wait3A_236] : memref<16x2560x1024xf32, #tpu.memory_space<hbm>> -> memref<1x32x1024xf32, #tpu.memory_space<hbm>>
        %dma_wait3A_238 = tpu.memref_squeeze %dma_wait3A_237 : memref<1x32x1024xf32, #tpu.memory_space<hbm>> -> memref<32x1024xf32, #tpu.memory_space<hbm>>
        %dma_wait3A_239 = arith.constant 0 : i32
        %dma_wait3A_240 = tpu.memref_slice %arg5[%add3A, %mul3A_32, %dma_wait3A_239] : memref<16x2560x1024xf32, #tpu.memory_space<hbm>> -> memref<1x32x1024xf32, #tpu.memory_space<hbm>>
        %dma_wait3A_241 = tpu.memref_squeeze %dma_wait3A_240 : memref<1x32x1024xf32, #tpu.memory_space<hbm>> -> memref<32x1024xf32, #tpu.memory_space<hbm>>
        tpu.wait_dma2 semaphore(%arg23 : memref<!tpu.dma_semaphore, #tpu.memory_space<semaphore_mem>>) src(%arg15 : memref<32x1024xf32, #tpu.memory_space<vmem>>) dst(%dma_wait3A_241 : memref<32x1024xf32, #tpu.memory_space<hbm>>)
      } else {
      }
    } else {
    }
    return
  }
}

</mosaic_0001>

<sc_bundles>
// kernel: _dispatch.3.cloned.1.call-start
scs
__scs_entry_jumppad:
0x0: {  	(pc) =	sbr.rel $0x88, $3  }
0x1: {  	(tag) =	ssettag $0x0;
	lr =	simm.s32 $0x1  }
0x2: {  	[smem:$0x3F9E] =	sst lr;
	_ =	strace $0xD0000000  }
0x3: {  	_ = 	snop  }
0x4: {  	_ = 	snop  }
0x5: {  	_ = 	snop  }
0x6: {  	_ = 	snop  }
0x7: {  	_ = 	snop  }
__scs_overlays_trampoline_lowered:
0x8: {  	[smem:$0x3FAD] =	sst s0  }
0x9: {  	[smem:$0x3FAE] =	sst s1  }
0xa: {  	[smem:$0x3FAF] =	sst s2  }
0xb: {  	[smem:$0x3FB0] =	sst s3  }
0xc: {  	[smem:$0x3FB1] =	sst s4  }
0xd: {  	[smem:$0x3FB2] =	sst s5  }
0xe: {  	[smem:$0x3FB3] =	sst s6  }
0xf: {  	[smem:$0x3FB4] =	sst s7  }
0x10: {  	[smem:$0x3FB5] =	sst s8  }
0x11: {  	[smem:$0x3FB6] =	sst s9;
	s0 =	simm.s32 @!p0 $0x0  }
0x12: {  	s1 =	sld [smem:$0x3F9C];
	s0 =	simm.s32 @p0 $0x1  }
0x13: {  	[smem:$0x3FB7] =	sst s0;
	s0 =	simm.s32 @!p1 $0x0  }
0x14: {  	s2 =	sld [smem:$0x3F9B];
	s0 =	simm.s32 @p1 $0x1  }
0x15: {  	[smem:$0x3FB8] =	sst s0;
	s0 =	simm.s32 @!p2 $0x0  }
0x16: {  	s3 =	sld [smem:$0x3FDB];
	s0 =	simm.s32 @p2 $0x1  }
0x17: {  	s4 =	simm.s32 $0x1BF5;
	[smem:$0x3FBA] =	sst s0  }
0x18: {  	s0 =	sld [smem:$0x3F9D];
	_ =	swait.ge [sflag:s4], $0x0  }
0x19: {  	s7 =	sld [smem:$0x3F9E]  }
0x1a: {  	s8 =	sadd.s32 $0xFFFFE003, lr  }
0x1b: {  	s9 =	sadd.s32 $0xFFFFFEF7, lr;
	s5 =	simm.s32 $0xFFFFFFFF;
	p2 =	slt.u32 s8, $0xFFFFF086  }
0x1c: {  	p1 =	slt.u32 s9, $0xF7A;
	s5 =	simm.s32 @!p2 $0x0  }
0x1d: {  	s5 =	simm.s32 @p1 $0x1;
	p0 =	seq.s32 s7, s2  }
0x1e: {  	s7 =	smul.u32 @!p0 $0xF7A, s2;
	p2 =	seq.s32 @!p0 s5, $0x0  }
0x1f: {  	s9 =	smul.u32 $0xF7A, s1;
	s8 =	simm.s32 @!p0 $0x1BF5;
	p2 =	por !p2, p0  }
0x20: {  	[sflag:s8] =	ssyncset.s32 @!p0 $0xFFFFF086;
	s6 =	sadd.s32 @!p0 s3, s7;
	s7 =	simm.s32 @!p0 $0x108  }
0x21: {  	s3 =	sadd.s32 s3, s9;
	s6 =	sadd.s32 @!p0 $0x88, s6;
	s7 =	simm.s32 @p2 $0x1082  }
0x22: {  	[simem:s7], [sflag:s8] =	dma.local @!p0 [hbm:s6], $0xF7A  }
0x23: {  	s9 =	sor.u32 $0xD0000000, s2;
	s6 =	simm.s32 $0x108;
	_ =	swait.ge @!p0 [sflag:s8], $0x0  }
0x24: {  	s3 =	sadd.s32 $0x88, s3;
	s6 =	simm.s32 @!p1 $0x1082;
	[sflag:s4] =	ssyncset.s32 $0xFFFFF086  }
0x25: {  	[simem:s6], [sflag:s4] =	dma.local [hbm:s3], $0xF7A  }
0x26: {  	[smem:$0x3F9E] =	sst s1;
	(tag) =	ssettag s2;
	_ =	strace s9  }
0x27: {  	s1 =	sld [smem:$0x3FAE]  }
0x28: {  	s2 =	sld [smem:$0x3FAF]  }
0x29: {  	s4 =	sld [smem:$0x3FB1]  }
0x2a: {  	p0 =	seq.s32 s5, $0x0;
	s5 =	sld [smem:$0x3FB2]  }
0x2b: {  	s6 =	sld [smem:$0x3FB3]  }
0x2c: {  	s7 =	sld [smem:$0x3FB4]  }
0x2d: {  	s3 =	simm.s32 $0x108;
	s8 =	sld [smem:$0x3FB5]  }
0x2e: {  	s3 =	simm.s32 @!p0 $0x1082;
	s9 =	sld [smem:$0x3FB6]  }
0x2f: {  	lr =	sadd.s32 s0, s3;
	s0 =	sld [smem:$0x3FAD]  }
0x30: {  	s3 =	sld [smem:$0x3FB0]  }
0x31: {  	[smem:$0x3FB9] =	sst s10  }
0x32: {  	s10 =	sld [smem:$0x3FB7];
	_ =	sdelay $0x3  }
0x33: {  	p0 =	seq.s32 s10, $0x1;
	s10 =	sld [smem:$0x3FB9];
	_ =	sdelay $0x3  }
0x34: {  	[smem:$0x3FB9] =	sst s10  }
0x35: {  	s10 =	sld [smem:$0x3FB8];
	_ =	sdelay $0x3  }
0x36: {  	p1 =	seq.s32 s10, $0x1;
	s10 =	sld [smem:$0x3FB9];
	_ =	sdelay $0x3  }
0x37: {  	[smem:$0x3FB9] =	sst s10  }
0x38: {  	s10 =	sld [smem:$0x3FBA]  }
0x39: {  	_ = 	snop;
	(pc) =	sbr.ind lr, $3  }
0x3a: {  	_ = 	snop  }
0x3b: {  	_ = 	snop  }
0x3c: {  	p2 =	seq.s32 s10, $0x1;
	s10 =	sld [smem:$0x3FB9]  }
0x3d: {  	_ =	shalt  }
0x3e: {  	_ =	shalt  }
0x3f: {  	_ =	shalt  }
0x40: {  	_ =	shalt  }
0x41: {  	_ =	shalt  }
0x42: {  	_ =	shalt  }
0x43: {  	_ =	shalt  }
0x44: {  	_ =	shalt  }
0x45: {  	_ =	shalt  }
0x46: {  	_ =	shalt  }
0x47: {  	_ =	shalt  }
0x48: {  	_ =	shalt  }
0x49: {  	_ =	shalt  }
0x4a: {  	_ =	shalt  }
0x4b: {  	_ =	shalt  }
0x4c: {  	_ =	shalt  }
0x4d: {  	_ =	shalt  }
0x4e: {  	_ =	shalt  }
0x4f: {  	_ =	shalt  }
0x50: {  	_ =	shalt  }
0x51: {  	_ =	shalt  }
0x52: {  	_ =	shalt  }
0x53: {  	_ =	shalt  }
0x54: {  	_ =	shalt  }
0x55: {  	_ =	shalt  }
0x56: {  	_ =	shalt  }
0x57: {  	_ =	shalt  }
0x58: {  	_ =	shalt  }
0x59: {  	_ =	shalt  }
0x5a: {  	_ =	shalt  }
0x5b: {  	_ =	shalt  }
0x5c: {  	_ =	shalt  }
0x5d: {  	_ =	shalt  }
0x5e: {  	_ =	shalt  }
0x5f: {  	_ =	shalt  }
0x60: {  	_ =	shalt  }
0x61: {  	_ =	shalt  }
0x62: {  	_ =	shalt  }
0x63: {  	_ =	shalt  }
0x64: {  	_ =	shalt  }
0x65: {  	_ =	shalt  }
0x66: {  	_ =	shalt  }
0x67: {  	_ =	shalt  }
0x68: {  	_ =	shalt  }
0x69: {  	_ =	shalt  }
0x6a: {  	_ =	shalt  }
0x6b: {  	_ =	shalt  }
0x6c: {  	_ =	shalt  }
0x6d: {  	_ =	shalt  }
0x6e: {  	_ =	shalt  }
0x6f: {  	_ =	shalt  }
0x70: {  	_ =	shalt  }
0x71: {  	_ =	shalt  }
0x72: {  	_ =	shalt  }
0x73: {  	_ =	shalt  }
0x74: {  	_ =	shalt  }
0x75: {  	_ =	shalt  }
0x76: {  	_ =	shalt  }
0x77: {  	_ =	shalt  }
0x78: {  	_ =	shalt  }
0x79: {  	_ =	shalt  }
0x7a: {  	_ =	shalt  }
0x7b: {  	_ =	shalt  }
0x7c: {  	_ =	shalt  }
0x7d: {  	_ =	shalt  }
0x7e: {  	_ =	shalt  }
0x7f: {  	_ =	shalt  }
0x80: {  	_ =	shalt  }
0x81: {  	_ =	shalt  }
0x82: {  	_ =	shalt  }
0x83: {  	_ =	shalt  }
0x84: {  	_ =	shalt  }
0x85: {  	_ =	shalt  }
0x86: {  	_ =	shalt  }
0x87: {  	_ =	shalt  }
.Lfunc_end0:
.L_simem_size_0:
called_computation_lowered:
.L_overlay_start_0:
0x88: {  	s2 =	sld [smem:$0x3FD9]  }
0x89: {  	s3 =	sld [smem:$0x3FFE];
	_ =	sdelay $0x1  }
0x8a: {  	s1 =	srdreg.scid  }
0x8b: {  	s0 =	sand.u32 $0x1, s1  }
0x8c: {  	s15 =	sshll.u32 s0, $0xA;
	s2 =	sadd.s32 s3, s2  }
0x8d: {  	s2 =	sadd.s32 s2, s15  }
0x8e: {  	[smem:$0x3FC5] =	sst s2  }
0x8f: {  	_ = 	snop  }
0x90: {  	s2 =	sld [smem:$0x3FD0]  }
0x91: {  	s16 =	sld [smem:$0x3FC9]  }
0x92: {  	s4 =	sld [smem:$0x3FC8]  }
0x93: {  	s6 =	simm.s32 $0xA;
	s7 =	simm.s32 $0x10;
	s5 =	sld [smem:$0x3FC7]  }
0x94: {  	[smem:s7], [sflag:s6] =	dma.local [hbm:s2], $0x1  }
0x95: {  	_ =	swait.eq [sflag:s6], $0x1  }
0x96: {  	s17 =	sld [smem:$0x10];
	[sflag:s6] =	ssyncset.done $0x0  }
0x97: {  	s18 =	sld [smem:$0x11];
	[sflag:s6] =	ssyncadd.s32 $0xFFFFFFFF  }
0x98: {  	s19 =	sld [smem:$0x12];
	(tm) =	ssettm $0x1  }
0x99: {  	s8 =	sld [smem:$0x3FFB];
	_ =	sdelay $0x3  }
0x9a: {  	_ =	strace s8  }
0x9b: {  	s8 =	sld [smem:$0x3FFC];
	_ =	sdelay $0x3  }
0x9c: {  	_ =	strace s8  }
0x9d: {  	s8 =	sld [smem:$0x3FFD];
	_ =	sdelay $0x3  }
0x9e: {  	_ =	strace s8  }
0x9f: {  	_ =	strace $0x8FFFFFFF  }
0xa0: {  	s20 =	sld [smem:$0x3FDB];
	_ =	sdelay $0x1  }
0xa1: {  	s9 =	simm.s32 $_scs_section_size  }
0xa2: {  	s10 =	simm.s32 $_size__tile_overlayer_lowered;
	s11 =	simm.s32 $_tile_overlayer_lowered  }
0xa3: {  	s23 =	simm.s32 $0x1BFF;
	s22 =	sshll.u32 s11, $0x1;
	s8 =	sadd.s32 s9, s20  }
0xa4: {  	s12 =	simm.s32 $0x0;
	s21 =	sshll.u32 s10, $0x1;
	s10 =	sadd.s32 s22, s8  }
0xa5: {  	[timem:s12], [sflag:s23] =	dma.local [hbm:s10], s21  }
0xa6: {  	_ =	swait.ge [sflag:s23], s21  }
0xa7: {  	s9 =	ssub.s32 $0x0, s21;
	[sflag:s23] =	ssyncset.done $0x0  }
0xa8: {  	[sflag:s23] =	ssyncadd.s32 s9;
	_ =	sdelay $0x1  }
0xa9: {  	s24 =	simm.s32 $0x1B8B  }
0xaa: {  	_ =	swait.ge [sflag:s24], $0x1  }
0xab: {  	[sflag:s24] =	ssyncset.done $0x0  }
0xac: {  	s25 =	simm.s32 $0x1B8E;
	[sflag:s24] =	ssyncadd.s32 $0xFFFFFFFF  }
0xad: {  	s26 =	simm.s32 $execute0_lowered;
	[smem:$0x3FD2] =	sst s25  }
0xae: {  	s9 =	sshll.u32 s26, $0x1;
	_ =	strace $0x80000046;
	[dreg:$0x1] =	wrdreg $0xFFFFFFFF  }
0xaf: {  	s28 =	simm.s32 $_size_execute0_lowered;
	s8 =	sadd.s32 s8, s9;
	[dreg:$0x0] =	wrdreg $0x0  }
0xb0: {  	s9 =	sshll.u32 s28, $0x1;
	[dreg:$0x2] =	wrdreg s8  }
0xb1: {  	[dreg:$0x3] =	wrdreg s9  }
0xb2: {  	[dreg:$0x4] =	wrdreg $0xC0  }
0xb3: {  	_ =	task [dreg:s12], $0x5FFFF  }
0xb4: {  	[dreg:$0x1] =	wrdreg $0xFFFFFFFF  }
0xb5: {  	[dreg:$0x0] =	wrdreg $0x60  }
0xb6: {  	[dreg:$0x2] =	wrdreg s4  }
0xb7: {  	[dreg:$0x3] =	wrdreg s16  }
0xb8: {  	[dreg:$0x4] =	wrdreg s5  }
0xb9: {  	[dreg:$0x5] =	wrdreg s17  }
0xba: {  	[dreg:$0x6] =	wrdreg s18  }
0xbb: {  	[dreg:$0x7] =	wrdreg s19  }
0xbc: {  	[dreg:$0x8] =	wrdreg $0x1EA800  }
0xbd: {  	[dreg:$0x9] =	wrdreg $0x9  }
0xbe: {  	_ =	task.clear_ibuf [dreg:s12], $0xAFFFF;
	_ =	strace $0x90000046  }
0xbf: {  	s29 =	simm.s32 $0x9;
	_ =	strace $0x80000048  }
0xc0: {  	_ =	swait.ge [sflag:s29], $0x1  }
0xc1: {  	[sflag:s29] =	ssyncadd.s32 $0xFFFFFFFF  }
0xc2: {  	_ =	strace $0x90000048  }
0xc3: {  	_ =	sfence  }
0xc4: {  	s30 =	sld [smem:$0x0];
	_ =	sdelay $0x2  }
0xc5: {  	s31 =	sshll.u32 s1, $0xD;
	s1 =	sshrl.u32 s1, $0x2  }
0xc6: {  	s3 =	sand.u32 $0x4000, s31;
	s1 =	sadd.s32 s1, s30  }
0xc7: {  	s0 =	sor.u32 s3, s0;
	s1 =	sshll.u32 s1, $0x11  }
0xc8: {  	s0 =	sor.u32 s1, s0  }
0xc9: {  	s0 =	sadd.s32 $0x8F2B, s0  }
0xca: {  	[sflag:s0] =	ssyncadd.remote.s32 $0x1  }
0xcb: {  	_ =	sfence.sel $0xFFFF  }
0xcc: {  	[dreg:$0x0] =	wrdreg $0xFFFFFFFF;
	(pc) =	sbr.abs _section_cstart, $3  }
0xcd: {  	[dreg:$0x1] =	wrdreg $0xFFFFFFFF  }
0xce: {  	_ =	task.clear_ibuf [dreg:s12], $0x2FFFF;
	_ =	strace $0x9FFFFFFF  }
0xcf: {  	(tm) =	ssettm $0x7FFFFFFF  }
tec
execute0_lowered:
.L_overlay_start_1:
0x0: {  	(tag) =	ssettag $0x1  }
0x1: {  	s2 =	rddreg [dreg:$0x0]  }
0x2: {  	s0 =	rddreg [dreg:$0x1]  }
0x3: {  	s3 =	rddreg [dreg:$0x3]  }
0x4: {  	s5 =	rddreg [dreg:$0x4]  }
0x5: {  	s8 =	rddreg [dreg:$0x5]  }
0x6: {  	s9 =	rddreg [dreg:$0x6]  }
0x7: {  	s1 =	srdreg.scid;
	s4 =	simm.s32 $0x0;
	s14 =	stileid.u32  }
0x8: {  	s28 =	simm.s32 $0xD500;
	s30 =	simm.s32 $0xE080;
	s10 =	sand.u32 $0x1, s1  }
0x9: {  	[smem:$0x7FF] =	sst s4;
	s13 =	sshrl.u32 s14, $0x3;
	s15 =	sshrl.u32 s14, $0x1  }
0xa: {  	s16 =	sand.u32 $0x1, s14;
	s14 =	sshll.u32 s14, $0x7;
	s1 =	ssub.s32 $0x2, s10  }
0xb: {  	_ =	strace $0x80000047;
	s7 =	sshll.u32 s10, $0x3;
	s12 =	smul.u32 $0x15000, s13  }
0xc: {  	s13 =	sshll.u32 s16, $0xB;
	s18 =	sand.u32 $0x300, s14;
	s21 =	smul.u32 $0x5000, s10  }
0xd: {  	s19 =	sand.u32 $0x380, s14;
	s23 =	smul.u32 $0x2800, s16;
	s24 =	sshll.u32 s15, $0x7  }
0xe: {  	s10 =	smul.u32 $0x1400000, s10;
	s14 =	sadd.s32 $0x200, s0;
	s6 =	sshrl.u32 s1, $0x1  }
0xf: {  	s25 =	smul.u32 $0x280000, s15;
	s2 =	sadd.s32 s2, s13;
	s11 =	ssub.s32 s1, s6  }
0x10: {  	s1 =	sor.u32 s15, s7;
	s6 =	smul.u32 $0x500, s16;
	s7 =	sshll.u32 s16, $0xE  }
0x11: {  	s12 =	sshrl.u32 s12, $0x2;
	[dreg:$0x8] =	wrdreg s2;
	s15 =	sadd.s32 $0x300, s0  }
0x12: {  	s16 =	smul.u32 $0x140000, s16;
	s26 =	sadd.s32 s25, s10;
	s10 =	simm.s32 $0x2  }
0x13: {  	s17 =	sadd.s32 s12, s9;
	s12 =	sadd.s32 $0x100, s0;
	s31 =	smax.u32 s11, $0x1  }
0x14: {  	s13 =	smul.u32 $0x280000, s1;
	s2 =	sadd.s32 s19, s17;
	[dreg:$0xf] =	wrdreg s31  }
0x15: {  	s20 =	sadd.s32 s18, s17;
	s17 =	sor.u32 $0x10, s6;
	[dreg:$0xa] =	wrdreg s2  }
0x16: {  	[dreg:$0x9] =	wrdreg s20;
	s22 =	sadd.s32 $0x80, s20;
	s2 =	sadd.s32 s21, s23  }
0x17: {  	s29 =	sadd.s32 s16, s13;
	s21 =	simm.s32 $0x4000;
	s23 =	simm.s32 $0xC000  }
0x18: {  	s20 =	simm.s32 $0x3;
	[dreg:$0xb] =	wrdreg s22;
	s2 =	sor.u32 s24, s2  }
.Ltmp0:
0x19: {  	v0 =	vlaneseq.u32;
	[dreg:$0xe] =	wrdreg s29;
	s2 =	sshrl.u32 s2, $0x3;
	(pc) =	sbr.rel .LBB2_1-.Ltmp0, $4  }
0x1a: {  	v6 =	vimm.s32 $0x0;
	v7 =	vimm.f32 $0.0e+00;
	vm0 =	vmmov $0xffff;
	s22 =	simm.s32 $0x6;
	s5 =	sadd.s32 s5, s2;
	s2 =	sadd.s32 s8, s2  }
0x1b: {  	v9 =	vshrl.u32 v0, $0x3;
	v8 =	vand.u32 $0x7, v0;
	v10 =	vor.u32 $0x8, v0;
	s8 =	simm.s32 $0x0;
	[dreg:$0xd] =	wrdreg s2;
	s2 =	sadd.s32 s16, s26  }
0x1c: {  	v9 =	vmul.u32 $0x8, v9;
	v3 =	vor.u32 s6, v0;
	v2 =	vor.u32 s17, v0;
	[dreg:$0xc] =	wrdreg s5;
	s26 =	simm.s32 $0xCA80;
	s2 =	sor.u32 $0x10000, s2  }
0x1d: {  	v1 =	vmov s1;
	v4 =	vshll.u32 v3, $0x1;
	v5 =	vshll.u32 v2, $0x1;
	s5 =	simm.s32 $0x16080;
	[dreg:$0x10] =	wrdreg s2;
	s2 =	simm.s32 $0x4  }
.LBB2_37:
0x1e: {  	s1 =	simm.s32 $0x5  }
0x1f: {  	_ =	swait.ge [sflag:s1], $0x8000  }
0x20: {  	[sflag:s1] =	ssyncset.done $0x0  }
0x21: {  	[sflag:s1] =	ssyncadd.s32 $0xFFFF8000;
	s1 =	simm.s32 @!p0 $0x4  }
0x22: {  	_ =	swait.ge @!p0 [sflag:s1], $0x8000  }
0x23: {  	[sflag:s1] =	ssyncset.done @!p0 $0x0  }
0x24: {  	s8 =	rddreg [dreg:$0x11];
	[sflag:s1] =	ssyncadd.s32 @!p0 $0xFFFF8000  }
.LBB2_38:
0x25: {  	s8 =	sadd.s32 $0x1, s8;
	s1 =	rddreg [dreg:$0xf]  }
0x26: {  	p0 =	sne.s32 s8, s1  }
.Ltmp1:
0x27: {  	_ = 	snop;
	(pc) =	sbr.rel @!p0 .LBB2_39-.Ltmp1, $1  }
0x28: {  	_ =	sdelay $0x3  }
.LBB2_1:
0x29: {  	[dreg:$0x11] =	wrdreg s8  }
0x2a: {  	s1 =	rddreg [dreg:$0x2]  }
0x2b: {  	[tilespmem:s21], [sflag:$0x1] =	stream.linear.gather [hbm4b:s1+s4], $0x8000, $0x38;
	[tilespmem:$0x1F490] =	vst v63  }
0x2c: {  	s31 =	rddreg [dreg:$0x8]  }
0x2d: {  	[tilespmem:s4], [sflag:$0x6] =	stream.linear.gather [hbm4b:s31+s4], $0x4000, $0x38;
	[tilespmem:$0x1F490] =	vst v63  }
0x2e: {  	_ =	swait.ge [sflag:s22], $0x4000  }
0x2f: {  	[sflag:s22] =	ssyncset.done $0x0  }
0x30: {  	s9 =	simm.s32 $0x0;
	v11 =	vimm.s32 $0x0;
	s1 =	simm.s32 $0x40;
	[sflag:s22] =	ssyncadd.s32 $0xFFFFC000  }
.LBB2_2:
0x31: {  	v12 =	vld [tilespmem:s1+$0xFFFFFFC0];
	_ =	sdelay $0x4  }
0x32: {  	vm1 =	veq.s32 v12, v1  }
0x33: {  	v12 =	vsel vm1, $0x1, v6  }
0x34: {  	(xrf0) =	vadd.scan.msk.s32 $0xffff, v12;
	_ =	sdelay $0x5  }
0x35: {  	v12, _, _ =	vpop (xrf0)  }
0x36: {  	v12 =	vadd.s32 v12, v11  }
0x37: {  	v12 =	vadd.s32 $0xFFFFFFFF, v12  }
0x38: {  	vm2 =	vlt.s32 v12, $0xA00;
	vm3 =	vgt.s32 v12, $0x0  }
0x39: {  	vm2 =	vmand vm1, vm2;
	v12 =	vnsel vm3, $0x0, v12  }
0x3a: {  	v12 =	vmin.u32 v12, $0x9FF;
	_ =	sdelay $0x2  }
0x3b: {  	s16 =	sadd.s32 s9, s7  }
0x3c: {  	v13 =	vor.u32 s16, v0  }
0x3d: {  	[tilespmem:v12+s23+$0x0] =	vst.idx.msk vm2, v13  }
0x3e: {  	v12 =	vld [tilespmem:s1+$0xFFFFFFD0];
	_ =	sdelay $0x4  }
0x3f: {  	vm2 =	veq.s32 v12, v1  }
0x40: {  	v12 =	vsel vm2, $0x1, v6  }
0x41: {  	(xrf0) =	vadd.scan.msk.s32 $0xffff, v12;
	_ =	sdelay $0x3  }
0x42: {  	v43 =	vmpcnt.ones.xlane vm1;
	_ =	sdelay $0x1  }
0x43: {  	v11 =	vadd.s32 v11, v43;
	v44, _, _ =	vpop (xrf0)  }
0x44: {  	v12 =	vadd.s32 v44, v11  }
0x45: {  	v12 =	vadd.s32 $0xFFFFFFFF, v12  }
0x46: {  	vm1 =	vlt.s32 v12, $0xA00;
	vm3 =	vgt.s32 v12, $0x0  }
0x47: {  	vm1 =	vmand vm2, vm1;
	v12 =	vnsel vm3, $0x0, v12  }
0x48: {  	v12 =	vmin.u32 v12, $0x9FF;
	_ =	sdelay $0x2  }
0x49: {  	s8 =	sadd.s32 $0x10, s16  }
0x4a: {  	v45 =	vor.u32 s8, v0  }
0x4b: {  	[tilespmem:v12+s23+$0x0] =	vst.idx.msk vm1, v45  }
0x4c: {  	v12 =	vld [tilespmem:s1+$0xFFFFFFE0];
	_ =	sdelay $0x4  }
0x4d: {  	vm1 =	veq.s32 v12, v1  }
0x4e: {  	v12 =	vsel vm1, $0x1, v6  }
0x4f: {  	(xrf0) =	vadd.scan.msk.s32 $0xffff, v12;
	_ =	sdelay $0x3  }
0x50: {  	v46 =	vmpcnt.ones.xlane vm2;
	_ =	sdelay $0x1  }
0x51: {  	v11 =	vadd.s32 v11, v46;
	v47, _, _ =	vpop (xrf0)  }
0x52: {  	v12 =	vadd.s32 v47, v11  }
0x53: {  	v12 =	vadd.s32 $0xFFFFFFFF, v12  }
0x54: {  	vm2 =	vlt.s32 v12, $0xA00;
	vm3 =	vgt.s32 v12, $0x0  }
0x55: {  	vm2 =	vmand vm1, vm2;
	v12 =	vnsel vm3, $0x0, v12  }
0x56: {  	v12 =	vmin.u32 v12, $0x9FF;
	_ =	sdelay $0x2  }
0x57: {  	s18 =	sadd.s32 $0x20, s16  }
0x58: {  	v48 =	vor.u32 s18, v0  }
0x59: {  	[tilespmem:v12+s23+$0x0] =	vst.idx.msk vm2, v48  }
0x5a: {  	v12 =	vld [tilespmem:s1+$0xFFFFFFF0];
	_ =	sdelay $0x4  }
0x5b: {  	vm2 =	veq.s32 v12, v1  }
0x5c: {  	v12 =	vsel vm2, $0x1, v6  }
0x5d: {  	(xrf0) =	vadd.scan.msk.s32 $0xffff, v12;
	_ =	sdelay $0x3  }
0x5e: {  	v49 =	vmpcnt.ones.xlane vm1;
	_ =	sdelay $0x1  }
0x5f: {  	v11 =	vadd.s32 v11, v49;
	v50, _, _ =	vpop (xrf0)  }
0x60: {  	v12 =	vadd.s32 v50, v11  }
0x61: {  	v12 =	vadd.s32 $0xFFFFFFFF, v12  }
0x62: {  	vm1 =	vlt.s32 v12, $0xA00;
	vm3 =	vgt.s32 v12, $0x0  }
0x63: {  	vm1 =	vmand vm2, vm1;
	v12 =	vnsel vm3, $0x0, v12  }
0x64: {  	v12 =	vmin.u32 v12, $0x9FF;
	_ =	sdelay $0x2  }
0x65: {  	s19 =	sadd.s32 $0x30, s16  }
0x66: {  	v51 =	vor.u32 s19, v0  }
0x67: {  	[tilespmem:v12+s23+$0x0] =	vst.idx.msk vm1, v51  }
0x68: {  	v12 =	vld [tilespmem:s1+$0x0];
	_ =	sdelay $0x4  }
0x69: {  	vm1 =	veq.s32 v12, v1  }
0x6a: {  	v12 =	vsel vm1, $0x1, v6  }
0x6b: {  	(xrf0) =	vadd.scan.msk.s32 $0xffff, v12;
	_ =	sdelay $0x3  }
0x6c: {  	v52 =	vmpcnt.ones.xlane vm2;
	_ =	sdelay $0x1  }
0x6d: {  	v11 =	vadd.s32 v11, v52;
	v53, _, _ =	vpop (xrf0)  }
0x6e: {  	v12 =	vadd.s32 v53, v11  }
0x6f: {  	v12 =	vadd.s32 $0xFFFFFFFF, v12  }
0x70: {  	vm2 =	vlt.s32 v12, $0xA00;
	vm3 =	vgt.s32 v12, $0x0  }
0x71: {  	vm2 =	vmand vm1, vm2;
	v12 =	vnsel vm3, $0x0, v12  }
0x72: {  	v12 =	vmin.u32 v12, $0x9FF;
	_ =	sdelay $0x2  }
0x73: {  	s24 =	sadd.s32 $0x40, s16  }
0x74: {  	v54 =	vor.u32 s24, v0  }
0x75: {  	[tilespmem:v12+s23+$0x0] =	vst.idx.msk vm2, v54  }
0x76: {  	v12 =	vld [tilespmem:s1+$0x10];
	_ =	sdelay $0x4  }
0x77: {  	vm2 =	veq.s32 v12, v1  }
0x78: {  	v12 =	vsel vm2, $0x1, v6  }
0x79: {  	(xrf0) =	vadd.scan.msk.s32 $0xffff, v12;
	_ =	sdelay $0x3  }
0x7a: {  	v55 =	vmpcnt.ones.xlane vm1;
	_ =	sdelay $0x1  }
0x7b: {  	v11 =	vadd.s32 v11, v55;
	v56, _, _ =	vpop (xrf0)  }
0x7c: {  	v12 =	vadd.s32 v56, v11  }
0x7d: {  	v12 =	vadd.s32 $0xFFFFFFFF, v12  }
0x7e: {  	vm1 =	vlt.s32 v12, $0xA00;
	vm3 =	vgt.s32 v12, $0x0  }
0x7f: {  	vm1 =	vmand vm2, vm1;
	v12 =	vnsel vm3, $0x0, v12  }
0x80: {  	v12 =	vmin.u32 v12, $0x9FF;
	_ =	sdelay $0x2  }
0x81: {  	s25 =	sadd.s32 $0x50, s16  }
0x82: {  	v57 =	vor.u32 s25, v0  }
0x83: {  	[tilespmem:v12+s23+$0x0] =	vst.idx.msk vm1, v57  }
0x84: {  	v12 =	vld [tilespmem:s1+$0x20];
	_ =	sdelay $0x4  }
0x85: {  	vm1 =	veq.s32 v12, v1  }
0x86: {  	v12 =	vsel vm1, $0x1, v6  }
0x87: {  	(xrf0) =	vadd.scan.msk.s32 $0xffff, v12;
	_ =	sdelay $0x3  }
0x88: {  	v58 =	vmpcnt.ones.xlane vm2;
	_ =	sdelay $0x1  }
0x89: {  	v11 =	vadd.s32 v11, v58;
	v59, _, _ =	vpop (xrf0)  }
0x8a: {  	v12 =	vadd.s32 v59, v11  }
0x8b: {  	v12 =	vadd.s32 $0xFFFFFFFF, v12  }
0x8c: {  	vm2 =	vlt.s32 v12, $0xA00;
	vm3 =	vgt.s32 v12, $0x0  }
0x8d: {  	vm2 =	vmand vm1, vm2;
	v12 =	vnsel vm3, $0x0, v12  }
0x8e: {  	v12 =	vmin.u32 v12, $0x9FF;
	_ =	sdelay $0x2  }
0x8f: {  	s29 =	sadd.s32 $0x60, s16  }
0x90: {  	v60 =	vor.u32 s29, v0  }
0x91: {  	[tilespmem:v12+s23+$0x0] =	vst.idx.msk vm2, v60  }
0x92: {  	v12 =	vld [tilespmem:s1+$0x30];
	_ =	sdelay $0x4  }
0x93: {  	vm2 =	veq.s32 v12, v1  }
0x94: {  	v12 =	vsel vm2, $0x1, v6  }
0x95: {  	(xrf0) =	vadd.scan.msk.s32 $0xffff, v12;
	_ =	sdelay $0x3  }
0x96: {  	v61 =	vmpcnt.ones.xlane vm1;
	_ =	sdelay $0x1  }
0x97: {  	v11 =	vadd.s32 v11, v61;
	v62, _, _ =	vpop (xrf0)  }
0x98: {  	v12 =	vadd.s32 v62, v11  }
0x99: {  	v12 =	vadd.s32 $0xFFFFFFFF, v12  }
0x9a: {  	vm1 =	vlt.s32 v12, $0xA00;
	vm3 =	vgt.s32 v12, $0x0  }
0x9b: {  	vm1 =	vmand vm2, vm1;
	v12 =	vnsel vm3, $0x0, v12  }
0x9c: {  	p0 =	sne.s32 s9, $0x3F80;
	v12 =	vmin.u32 v12, $0x9FF  }
.Ltmp2:
0x9d: {  	_ = 	snop;
	(pc) =	sbr.rel @p0 .LBB2_2-.Ltmp2, $4  }
0x9e: {  	_ = 	snop  }
0x9f: {  	s31 =	sadd.s32 $0x70, s16;
	v63 =	vmpcnt.ones.xlane vm2  }
0xa0: {  	v14 =	vor.u32 s31, v0  }
0xa1: {  	s9 =	sadd.s32 $0x80, s9;
	s1 =	sadd.s32 $0x80, s1;
	v11 =	vadd.s32 v11, v63;
	[tilespmem:v12+s23+$0x0] =	vst.idx.msk vm1, v14  }
0xa2: {  	[tilespmem:$0xCA00] =	vst v11;
	s1 =	rddreg [dreg:$0xa];
	s8 =	simm.s32 $0x80;
	s9 =	simm.s32 $0x400  }
0xa3: {  	[spmem:s1] =	stream.strided.scatter [tilespmem:s23], [sflag:$0x6], $0xA80, s9, s8, $0x38;
	[tilespmem:$0x1F490] =	vst v63  }
0xa4: {  	_ =	swait.ge [sflag:s22], $0xA80  }
0xa5: {  	[sflag:s22] =	ssyncset.done $0x0  }
0xa6: {  	[sflag:s22] =	ssyncadd.s32 $0xFFFFF580  }
0xa7: {  	[bflag:$0x0] =	sbarrier.arrive $0xFFFF  }
0xa8: {  	s19 =	rddreg [dreg:$0x9]  }
0xa9: {  	[tilespmem:s26], [sflag:$0x6] =	stream.strided.gather [spmem:s19], $0xA80, s9, s8, $0x38;
	[tilespmem:$0x1F490] =	vst v63  }
0xaa: {  	_ =	swait.ge [sflag:s22], $0xA80  }
0xab: {  	[sflag:s22] =	ssyncset.done $0x0  }
0xac: {  	s24 =	rddreg [dreg:$0xb];
	[sflag:s22] =	ssyncadd.s32 $0xFFFFF580  }
0xad: {  	[tilespmem:s28], [sflag:$0x6] =	stream.strided.gather [spmem:s24], $0xA80, s9, s8, $0x38;
	[tilespmem:$0x1F490] =	vst v63  }
0xae: {  	_ =	swait.ge [sflag:s22], $0xA80  }
0xaf: {  	[sflag:s22] =	ssyncset.done $0x0  }
0xb0: {  	[sflag:s22] =	ssyncadd.s32 $0xFFFFF580  }
0xb1: {  	v11 =	vld [tilespmem:$0xD480]  }
0xb2: {  	v12 =	vld [tilespmem:$0xDF00];
	_ =	sdelay $0x3  }
0xb3: {  	v11 =	vxor.u32 $0x80000000, v11  }
0xb4: {  	(xrf0) =	vmax.scan.msk.u32 $0xffff, v11;
	v11 =	vxor.u32 $0x80000000, v12  }
0xb5: {  	(xrf0) =	vmax.scan.msk.u32 $0xffff, v11;
	_ =	sdelay $0x4  }
0xb6: {  	v11, _, _ =	vpop (xrf0)  }
0xb7: {  	(v2sf) =	vpush v11, $0xF;
	v11, _, _ =	vpop (xrf0)  }
0xb8: {  	(v2sf) =	vpush v11, $0xF;
	_ =	sdelay $0xd  }
0xb9: {  	s25 =	spop (v2sf)  }
0xba: {  	s29 =	sxor.u32 $0x80000000, s25;
	s31 =	spop (v2sf)  }
0xbb: {  	s1 =	sadd.s32 s31, s29  }
0xbc: {  	s1 =	sadd.s32 $0x80000000, s1  }
0xbd: {  	p0 =	slt.s32 s1, $0xA00  }
0xbe: {  	s1 =	simm.s32 @!p0 $0xA00  }
0xbf: {  	s9 =	ssub.s32 s1, s6  }
0xc0: {  	p0 =	sgt.s32 s9, $0x0  }
0xc1: {  	[dreg:$0x13] =	wrdreg s9;
	s9 =	simm.s32 @!p0 $0x0  }
0xc2: {  	s9 =	smin.u32 s9, $0x500  }
0xc3: {  	s11 =	sadd.s32 $0x1F, s9  }
0xc4: {  	s16 =	sshrl.u32 s11, $0x5  }
0xc5: {  	p0 =	sne.s32 s16, $0x0  }
.Ltmp3:
0xc6: {  	_ = 	snop;
	(pc) =	sbr.rel @!p0 .LBB2_5-.Ltmp3, $2  }
0xc7: {  	_ =	sdelay $0x2  }
0xc8: {  	v11 =	vmov s29;
	v12 =	vmov s1;
	[dreg:$0x12] =	wrdreg s11  }
0xc9: {  	v13 =	vsub.s32 v3, v11  }
0xca: {  	vm1 =	vgt.s32 v13, $0x0  }
0xcb: {  	v13 =	vnsel vm1, $0x0, v13  }
0xcc: {  	v13 =	vmin.u32 v13, $0x9FF;
	_ =	sdelay $0x3  }
0xcd: {  	v14 =	vld.idx.msk [tilespmem:v3+s26+$0x0], $0xffff  }
0xce: {  	v13 =	vld.idx.msk [tilespmem:v13+s28+$0x0], $0xffff;
	_ =	sdelay $0x3  }
0xcf: {  	vm1 =	vlt.s32 v3, v11  }
0xd0: {  	v13 =	vsel vm1, v14, v13;
	vm1 =	vlt.s32 v3, s1  }
0xd1: {  	v14 =	vsub.s32 v2, v11;
	v13 =	vsel vm1, v13, v4  }
0xd2: {  	vm1 =	vgt.s32 v14, $0x0;
	v15 =	vshrl.u32 v13, $0x1F;
	v16 =	vand.u32 $0x1, v13  }
0xd3: {  	vm2 =	vlt.s32 v13, $0x1;
	v14 =	vnsel vm1, $0x0, v14;
	vm1 =	veq.s32 v16, $0x1  }
0xd4: {  	v13 =	vadd.s32 v15, v13;
	v14 =	vmin.u32 v14, $0x9FF;
	vm1 =	vmand vm2, vm1  }
0xd5: {  	v13 =	vshra.s32 v13, $0x1;
	v15 =	vsel vm1, $0xFFFFFFFF, v6  }
0xd6: {  	v13 =	vadd.s32 v15, v13  }
0xd7: {  	[tilespmem:$0xDF80] =	vst v13  }
0xd8: {  	v15 =	vld.idx.msk [tilespmem:v2+s26+$0x0], $0xffff  }
0xd9: {  	v14 =	vld.idx.msk [tilespmem:v14+s28+$0x0], $0xffff;
	_ =	sdelay $0x3  }
0xda: {  	vm1 =	vlt.s32 v2, v11  }
0xdb: {  	v14 =	vsel vm1, v15, v14;
	v15 =	vshll.u32 v13, $0x3  }
0xdc: {  	v13 =	vand.u32 $0x7, v13;
	v15 =	vand.u32 $0xFFFFFFC0, v15  }
0xdd: {  	vm1 =	vlt.s32 v2, s1;
	v13 =	vor.u32 v13, v15  }
0xde: {  	v14 =	vsel vm1, v14, v5;
	v63 =	vperm.xlane v13, v8  }
0xdf: {  	v15 =	vand.u32 $0x1, v14;
	vm2 =	vlt.s32 v14, $0x1  }
0xe0: {  	vm1 =	veq.s32 v15, $0x1;
	v15 =	vshrl.u32 v14, $0x1F;
	v16 =	vadd.s32 v9, v63  }
0xe1: {  	v14 =	vadd.s32 v15, v14;
	vm1 =	vmand vm2, vm1  }
0xe2: {  	v14 =	vshra.s32 v14, $0x1;
	v15 =	vsel vm1, $0xFFFFFFFF, v6  }
0xe3: {  	v14 =	vadd.s32 v15, v14  }
0xe4: {  	[tilespmem:$0xDF90] =	vst v14  }
0xe5: {  	[tilespmem:s30], [sflag:$0x2] =	stream.indirect_vreg.gather [hbm4b:s0+s4], $0x80, v16, vm0, $0xb8;
	[tilespmem:$0x1F490] =	vst v63  }
0xe6: {  	s18 =	simm.s32 $0xE880;
	v13 =	vperm.xlane v13, v10  }
0xe7: {  	[tilespmem:s18], [sflag:$0x2] =	stream.indirect_vreg.gather [hbm4b:s12+s4], $0x80, v16, vm0, $0xb8;
	[tilespmem:$0x1F490] =	vst v63  }
0xe8: {  	s19 =	simm.s32 $0xF080;
	v13 =	vadd.s32 v9, v13  }
0xe9: {  	[tilespmem:s19], [sflag:$0x2] =	stream.indirect_vreg.gather [hbm4b:s14+s4], $0x80, v16, vm0, $0xb8;
	[tilespmem:$0x1F490] =	vst v63  }
0xea: {  	s24 =	simm.s32 $0xF880  }
0xeb: {  	[tilespmem:s24], [sflag:$0x2] =	stream.indirect_vreg.gather [hbm4b:s15+s4], $0x80, v16, vm0, $0xb8;
	[tilespmem:$0x1F490] =	vst v63  }
0xec: {  	s25 =	simm.s32 $0x10080  }
0xed: {  	[tilespmem:s25], [sflag:$0x2] =	stream.indirect_vreg.gather [hbm4b:s0+s4], $0x80, v13, vm0, $0xb8;
	[tilespmem:$0x1F490] =	vst v63  }
0xee: {  	s29 =	simm.s32 $0x10880  }
0xef: {  	[tilespmem:s29], [sflag:$0x2] =	stream.indirect_vreg.gather [hbm4b:s12+s4], $0x80, v13, vm0, $0xb8;
	[tilespmem:$0x1F490] =	vst v63  }
0xf0: {  	s31 =	simm.s32 $0x11080  }
0xf1: {  	[tilespmem:s31], [sflag:$0x2] =	stream.indirect_vreg.gather [hbm4b:s14+s4], $0x80, v13, vm0, $0xb8;
	[tilespmem:$0x1F490] =	vst v63  }
0xf2: {  	s8 =	simm.s32 $0x11880  }
0xf3: {  	[tilespmem:s8], [sflag:$0x2] =	stream.indirect_vreg.gather [hbm4b:s15+s4], $0x80, v13, vm0, $0xb8;
	[tilespmem:$0x1F490] =	vst v63  }
0xf4: {  	v13 =	vld [tilespmem:$0xDF90];
	_ =	sdelay $0x4  }
0xf5: {  	v14 =	vshll.u32 v13, $0x3  }
0xf6: {  	v13 =	vand.u32 $0x7, v13;
	v14 =	vand.u32 $0xFFFFFFC0, v14  }
0xf7: {  	v13 =	vor.u32 v13, v14  }
0xf8: {  	v14 =	vperm.xlane v13, v8;
	_ =	sdelay $0x1  }
0xf9: {  	v14 =	vadd.s32 v9, v14;
	_ =	sdelay $0x3  }
0xfa: {  	s11 =	simm.s32 $0x12080  }
0xfb: {  	[tilespmem:s11], [sflag:$0x2] =	stream.indirect_vreg.gather [hbm4b:s0+s4], $0x80, v14, vm0, $0xb8;
	[tilespmem:$0x1F490] =	vst v63  }
0xfc: {  	s17 =	simm.s32 $0x12880;
	v13 =	vperm.xlane v13, v10  }
0xfd: {  	[tilespmem:s17], [sflag:$0x2] =	stream.indirect_vreg.gather [hbm4b:s12+s4], $0x80, v14, vm0, $0xb8;
	[tilespmem:$0x1F490] =	vst v63  }
0xfe: {  	s18 =	simm.s32 $0x13080;
	v13 =	vadd.s32 v9, v13  }
0xff: {  	[tilespmem:s18], [sflag:$0x2] =	stream.indirect_vreg.gather [hbm4b:s14+s4], $0x80, v14, vm0, $0xb8;
	[tilespmem:$0x1F490] =	vst v63  }
0x100: {  	s19 =	simm.s32 $0x13880  }
0x101: {  	[tilespmem:s19], [sflag:$0x2] =	stream.indirect_vreg.gather [hbm4b:s15+s4], $0x80, v14, vm0, $0xb8;
	[tilespmem:$0x1F490] =	vst v63  }
0x102: {  	s24 =	simm.s32 $0x14080  }
0x103: {  	[tilespmem:s24], [sflag:$0x2] =	stream.indirect_vreg.gather [hbm4b:s0+s4], $0x80, v13, vm0, $0xb8;
	[tilespmem:$0x1F490] =	vst v63  }
0x104: {  	s25 =	simm.s32 $0x14880  }
0x105: {  	[tilespmem:s25], [sflag:$0x2] =	stream.indirect_vreg.gather [hbm4b:s12+s4], $0x80, v13, vm0, $0xb8;
	[tilespmem:$0x1F490] =	vst v63  }
0x106: {  	s29 =	simm.s32 $0x15080  }
0x107: {  	[tilespmem:s29], [sflag:$0x2] =	stream.indirect_vreg.gather [hbm4b:s14+s4], $0x80, v13, vm0, $0xb8;
	[tilespmem:$0x1F490] =	vst v63  }
0x108: {  	s31 =	simm.s32 $0x15880  }
0x109: {  	[tilespmem:s31], [sflag:$0x2] =	stream.indirect_vreg.gather [hbm4b:s15+s4], $0x80, v13, vm0, $0xb8;
	[tilespmem:$0x1F490] =	vst v63  }
.LBB2_5:
0x10a: {  	v13 =	vsub.s32 v3, v11  }
0x10b: {  	vm1 =	vlt.s32 v3, $0x9FF;
	vm2 =	vgt.s32 v13, $0x0  }
0x10c: {  	v14 =	vnsel vm1, $0x9FF, v3;
	v13 =	vnsel vm2, $0x0, v13  }
0x10d: {  	s1 =	simm.s32 $0x1;
	v13 =	vmin.u32 v13, $0x9FF  }
0x10e: {  	_ =	swait.ge [sflag:s1], $0x8000  }
0x10f: {  	[sflag:s1] =	ssyncset.done $0x0  }
0x110: {  	[sflag:s1] =	ssyncadd.s32 $0xFFFF8000  }
0x111: {  	v14 =	vld.idx.msk [tilespmem:v14+s26+$0x0], $0xffff  }
0x112: {  	v13 =	vld.idx.msk [tilespmem:v13+s28+$0x0], $0xffff;
	_ =	sdelay $0x3  }
0x113: {  	vm1 =	vlt.s32 v3, v11  }
0x114: {  	v13 =	vsel vm1, v14, v13;
	vm1 =	vlt.s32 v3, v12  }
0x115: {  	v13 =	vnsel vm1, $0x0, v13;
	_ =	sdelay $0x2  }
0x116: {  	v14 =	vand.u32 $0x1, v13  }
0x117: {  	s8 =	sadd.s32 $0x10, s6;
	v15 =	vshrl.u32 v13, $0x1F;
	vm2 =	vlt.s32 v13, $0x1;
	vm3 =	veq.s32 v14, $0x1  }
0x118: {  	v14 =	vadd.s32 v15, v13;
	vm2 =	vmand vm2, vm3;
	v16 =	vld.idx.msk [tilespmem:v13+s21+$0x0], $0xffff;
	v13 =	vor.u32 s8, v0  }
0x119: {  	v14 =	vshra.s32 v14, $0x1;
	v15 =	vsel vm2, $0xFFFFFFFF, v6;
	v17 =	vsub.s32 v13, v11  }
0x11a: {  	v14 =	vadd.s32 v15, v14;
	vm3 =	vlt.s32 v13, $0x9FF;
	vm2 =	vgt.s32 v17, $0x0  }
0x11b: {  	s18 =	simm.s32 $0x0;
	v15 =	vnsel vm1, $0xFFFFFFFF, v14;
	v14 =	vnsel vm3, $0x9FF, v13;
	v17 =	vnsel vm2, $0x0, v17  }
0x11c: {  	[tilespmem:s18+$0x1E580] =	vst v15;
	v15 =	vmin.u32 v17, $0x9FF;
	_ =	sdelay $0x1  }
0x11d: {  	s17 =	simm.s32 $0x80;
	s1 =	simm.s32 $0x40;
	v16 =	vnsel vm1, $0x0, v16  }
.LBB2_6:
0x11e: {  	p0 =	sne.s32 s17, $0x13C0;
	[tilespmem:s18+$0x1E080] =	vst v16;
	s24 =	smov.u32 s17;
	s17 =	sadd.s32 $0x40, s17  }
0x11f: {  	v14 =	vld.idx.msk [tilespmem:v14+s26+$0x0], $0xffff  }
0x120: {  	v15 =	vld.idx.msk [tilespmem:v15+s28+$0x0], $0xffff;
	_ =	sdelay $0x4  }
0x121: {  	vm1 =	vlt.s32 v13, v11  }
0x122: {  	v14 =	vsel vm1, v14, v15;
	vm1 =	vlt.s32 v13, v12  }
0x123: {  	v14 =	vnsel vm1, $0x0, v14  }
0x124: {  	v13 =	vshrl.u32 v14, $0x1F;
	v15 =	vand.u32 $0x1, v14  }
0x125: {  	vm2 =	vlt.s32 v14, $0x1;
	v13 =	vadd.s32 v13, v14;
	vm3 =	veq.s32 v15, $0x1  }
0x126: {  	vm2 =	vmand vm2, vm3  }
0x127: {  	s8 =	sadd.s32 $0x10, s8;
	v15 =	vshra.s32 v13, $0x1;
	v16 =	vsel vm2, $0xFFFFFFFF, v6  }
0x128: {  	v13 =	vor.u32 s8, v0;
	v17 =	vld.idx.msk [tilespmem:v14+s21+$0x0], $0xffff;
	v14 =	vadd.s32 v16, v15  }
0x129: {  	s18 =	sshra.s32 s1, $0x2;
	s1 =	smov.u32 s24;
	vm2 =	vlt.s32 v13, $0x9FF;
	v15 =	vsub.s32 v13, v11;
	v16 =	vnsel vm1, $0xFFFFFFFF, v14  }
.Ltmp4:
0x12a: {  	v14 =	vnsel vm2, $0x9FF, v13;
	vm2 =	vgt.s32 v15, $0x0;
	[tilespmem:s18+$0x1E580] =	vst v16;
	(pc) =	sbr.rel @p0 .LBB2_6-.Ltmp4, $3  }
0x12b: {  	v15 =	vnsel vm2, $0x0, v15  }
0x12c: {  	v15 =	vmin.u32 v15, $0x9FF;
	_ =	sdelay $0x1  }
0x12d: {  	v16 =	vnsel vm1, $0x0, v17  }
0x12e: {  	_ =	sdelay $0x2  }
0x12f: {  	[tilespmem:s18+$0x1E080] =	vst v16  }
0x130: {  	v14 =	vld.idx.msk [tilespmem:v14+s26+$0x0], $0xffff  }
0x131: {  	v15 =	vld.idx.msk [tilespmem:v15+s28+$0x0], $0xffff;
	_ =	sdelay $0x3  }
0x132: {  	vm1 =	vlt.s32 v13, v11  }
0x133: {  	v14 =	vsel vm1, v14, v15;
	vm1 =	vlt.s32 v13, v12  }
0x134: {  	v13 =	vnsel vm1, $0x0, v14;
	_ =	sdelay $0x3  }
0x135: {  	v14 =	vand.u32 $0x1, v13  }
0x136: {  	v15 =	vshrl.u32 v13, $0x1F;
	vm2 =	vlt.s32 v13, $0x1;
	vm3 =	veq.s32 v14, $0x1;
	v14 =	vld.idx.msk [tilespmem:v13+s21+$0x0], $0xffff  }
0x137: {  	vm2 =	vmand vm2, vm3;
	v13 =	vadd.s32 v15, v13  }
0x138: {  	v15 =	vsel vm2, $0xFFFFFFFF, v6;
	v13 =	vshra.s32 v13, $0x1  }
0x139: {  	v13 =	vadd.s32 v15, v13  }
0x13a: {  	s1 =	sshra.s32 s1, $0x2;
	v13 =	vnsel vm1, $0xFFFFFFFF, v13  }
0x13b: {  	s25 =	rddreg [dreg:$0xc];
	[tilespmem:s1+$0x1E580] =	vst v13;
	v13 =	vnsel vm1, $0x0, v14  }
0x13c: {  	s8 =	simm.s32 $0x80;
	s11 =	simm.s32 $0x400;
	s17 =	simm.s32 $0x1E080;
	[tilespmem:s1+$0x1E080] =	vst v13  }
0x13d: {  	[hbm4b:s25+s8] =	stream.strided.scatter [tilespmem:s17], [sflag:$0x6], $0x500, s11, s8, $0x38;
	[tilespmem:$0x1F490] =	vst v63  }
0x13e: {  	_ =	swait.ge [sflag:s22], $0x500  }
0x13f: {  	s31 =	simm.s32 $0x1E580;
	[sflag:s22] =	ssyncset.done $0x0  }
0x140: {  	p0 =	seq.s32 s16, $0x0;
	s29 =	rddreg [dreg:$0xd];
	[sflag:s22] =	ssyncadd.s32 $0xFFFFFB00  }
0x141: {  	[hbm4b:s29+s8] =	stream.strided.scatter [tilespmem:s31], [sflag:$0x6], $0x500, s11, s8, $0x38;
	[tilespmem:$0x1F490] =	vst v63  }
.Ltmp5:
0x142: {  	_ = 	snop;
	(pc) =	sbr.rel @!p0 .LBB2_8-.Ltmp5, $4  }
.Ltmp6:
0x143: {  	_ = 	snop;
	(pc) =	sbr.rel @p0 .LBB2_26-.Ltmp6, $4  }
0x144: {  	_ =	swait.ge [sflag:s22], $0x500  }
0x145: {  	[sflag:s22] =	ssyncset.done $0x0  }
0x146: {  	s25 =	simm.s32 $0x0;
	[sflag:s22] =	ssyncadd.s32 $0xFFFFFB00  }
0x147: {  	_ = 	snop  }
.LBB2_21:
0x148: {  	p0 =	sne.s32 s18, s16  }
.Ltmp7:
0x149: {  	_ = 	snop;
	(pc) =	sbr.rel @!p0 .LBB2_22-.Ltmp7, $2  }
0x14a: {  	_ =	sdelay $0x2  }
0x14b: {  	s25 =	smov.u32 s18  }
.LBB2_8:
0x14c: {  	s1 =	sand.u32 $0x1, s25  }
0x14d: {  	p0 =	seq.s32 s1, $0x0  }
.Ltmp8:
0x14e: {  	_ = 	snop;
	(pc) =	sbr.rel @p0 .LBB2_10-.Ltmp8, $2  }
0x14f: {  	_ =	sdelay $0x2  }
0x150: {  	s1 =	sshll.u32 s25, $0x5  }
.Ltmp9:
0x151: {  	(pc) =	sbr.rel .LBB2_16-.Ltmp9, $4  }
0x152: {  	s1 =	sshll.u32 s25, $0x5  }
0x153: {  	s24 =	ssub.s32 s9, s1  }
0x154: {  	p0 =	sgt.s32 s24, $0x0;
	s29 =	smov.u32 s24  }
0x155: {  	s29 =	simm.s32 @!p0 $0x0  }
.LBB2_10:
0x156: {  	s24 =	ssub.s32 s9, s1  }
0x157: {  	p2 =	sgt.s32 s24, $0x1F  }
.Ltmp10:
0x158: {  	_ = 	snop;
	(pc) =	sbr.rel @p2 .LBB2_13-.Ltmp10, $4  }
0x159: {  	_ = 	snop  }
0x15a: {  	_ =	swait.ge [sflag:s10], $0x8000  }
0x15b: {  	[sflag:s10] =	ssyncset.done $0x0;
	p1 =	sgt.s32 s24, $0x0;
	s29 =	smov.u32 s24  }
0x15c: {  	[sflag:s10] =	ssyncadd.s32 $0xFFFF8000;
	s29 =	simm.s32 @!p1 $0x0  }
0x15d: {  	s18 =	sadd.s32 $0xFFFFFFFF, s29  }
0x15e: {  	s31 =	sshll.u32 s29, $0x7;
	s8 =	sshll.u32 s29, $0xA;
	s17 =	sand.u32 $0x1FFFFFF, s29  }
.LBB2_12:
0x15f: {  	s19 =	sand.u32 $0x6000, s8;
	s11 =	sand.u32 $0x380, s31  }
0x160: {  	s11 =	sor.u32 s11, s19  }
0x161: {  	[tilespmem:s11+$0xE080] =	vst v7  }
0x162: {  	[tilespmem:s11+$0xE090] =	vst v7  }
0x163: {  	[tilespmem:s11+$0xE0A0] =	vst v7  }
0x164: {  	[tilespmem:s11+$0xE0B0] =	vst v7  }
0x165: {  	[tilespmem:s11+$0xE0C0] =	vst v7  }
0x166: {  	[tilespmem:s11+$0xE0D0] =	vst v7  }
0x167: {  	[tilespmem:s11+$0xE0E0] =	vst v7  }
0x168: {  	[tilespmem:s11+$0xE0F0] =	vst v7  }
0x169: {  	[tilespmem:s11+$0xE480] =	vst v7  }
0x16a: {  	[tilespmem:s11+$0xE490] =	vst v7  }
0x16b: {  	[tilespmem:s11+$0xE4A0] =	vst v7  }
0x16c: {  	[tilespmem:s11+$0xE4B0] =	vst v7  }
0x16d: {  	[tilespmem:s11+$0xE4C0] =	vst v7  }
0x16e: {  	[tilespmem:s11+$0xE4D0] =	vst v7  }
0x16f: {  	[tilespmem:s11+$0xE4E0] =	vst v7  }
0x170: {  	[tilespmem:s11+$0xE4F0] =	vst v7  }
0x171: {  	[tilespmem:s11+$0xE880] =	vst v7  }
0x172: {  	[tilespmem:s11+$0xE890] =	vst v7  }
0x173: {  	[tilespmem:s11+$0xE8A0] =	vst v7  }
0x174: {  	[tilespmem:s11+$0xE8B0] =	vst v7  }
0x175: {  	[tilespmem:s11+$0xE8C0] =	vst v7  }
0x176: {  	[tilespmem:s11+$0xE8D0] =	vst v7  }
0x177: {  	[tilespmem:s11+$0xE8E0] =	vst v7  }
0x178: {  	[tilespmem:s11+$0xE8F0] =	vst v7  }
0x179: {  	[tilespmem:s11+$0xEC80] =	vst v7  }
0x17a: {  	[tilespmem:s11+$0xEC90] =	vst v7  }
0x17b: {  	[tilespmem:s11+$0xECA0] =	vst v7  }
0x17c: {  	[tilespmem:s11+$0xECB0] =	vst v7  }
0x17d: {  	[tilespmem:s11+$0xECC0] =	vst v7  }
0x17e: {  	[tilespmem:s11+$0xECD0] =	vst v7  }
0x17f: {  	[tilespmem:s11+$0xECE0] =	vst v7  }
0x180: {  	[tilespmem:s11+$0xECF0] =	vst v7  }
0x181: {  	[tilespmem:s11+$0xF080] =	vst v7  }
0x182: {  	[tilespmem:s11+$0xF090] =	vst v7  }
0x183: {  	[tilespmem:s11+$0xF0A0] =	vst v7  }
0x184: {  	[tilespmem:s11+$0xF0B0] =	vst v7  }
0x185: {  	[tilespmem:s11+$0xF0C0] =	vst v7  }
0x186: {  	[tilespmem:s11+$0xF0D0] =	vst v7  }
0x187: {  	[tilespmem:s11+$0xF0E0] =	vst v7  }
0x188: {  	[tilespmem:s11+$0xF0F0] =	vst v7  }
0x189: {  	[tilespmem:s11+$0xF480] =	vst v7  }
0x18a: {  	[tilespmem:s11+$0xF490] =	vst v7  }
0x18b: {  	[tilespmem:s11+$0xF4A0] =	vst v7  }
0x18c: {  	[tilespmem:s11+$0xF4B0] =	vst v7  }
0x18d: {  	[tilespmem:s11+$0xF4C0] =	vst v7  }
0x18e: {  	[tilespmem:s11+$0xF4D0] =	vst v7  }
0x18f: {  	[tilespmem:s11+$0xF4E0] =	vst v7  }
0x190: {  	[tilespmem:s11+$0xF4F0] =	vst v7  }
0x191: {  	[tilespmem:s11+$0xF880] =	vst v7  }
0x192: {  	[tilespmem:s11+$0xF890] =	vst v7  }
0x193: {  	[tilespmem:s11+$0xF8A0] =	vst v7  }
0x194: {  	[tilespmem:s11+$0xF8B0] =	vst v7  }
0x195: {  	s19 =	sand.u32 $0x7, s17;
	[tilespmem:s11+$0xF8C0] =	vst v7  }
0x196: {  	s19 =	sshll.u32 s19, $0x7;
	[tilespmem:s11+$0xF8D0] =	vst v7  }
0x197: {  	[tilespmem:s11+$0xF8E0] =	vst v7;
	s19 =	sadd.s32 s19, s8  }
0x198: {  	[tilespmem:s11+$0xF8F0] =	vst v7;
	s11 =	sor.u32 $0x1C00, s19  }
0x199: {  	[tilespmem:s11+$0xE080] =	vst v7;
	s11 =	sor.u32 $0x1C10, s19  }
0x19a: {  	s18 =	sadd.s32 $0x1, s18;
	[tilespmem:s11+$0xE080] =	vst v7;
	s11 =	sor.u32 $0x1C20, s19  }
0x19b: {  	p1 =	slt.u32 s18, $0x1F;
	[tilespmem:s11+$0xE080] =	vst v7;
	s11 =	sor.u32 $0x1C30, s19  }
.Ltmp11:
0x19c: {  	[tilespmem:s11+$0xE080] =	vst v7;
	s11 =	sor.u32 $0x1C40, s19;
	(pc) =	sbr.rel @p1 .LBB2_12-.Ltmp11, $4  }
0x19d: {  	[tilespmem:s11+$0xE080] =	vst v7;
	s11 =	sor.u32 $0x1C50, s19  }
0x19e: {  	[tilespmem:s11+$0xE080] =	vst v7;
	s11 =	sor.u32 $0x1C60, s19  }
0x19f: {  	s19 =	sor.u32 $0x1C70, s19;
	[tilespmem:s11+$0xE080] =	vst v7  }
0x1a0: {  	s31 =	sadd.s32 $0x80, s31;
	s17 =	sadd.s32 $0x1, s17;
	s8 =	sadd.s32 $0x400, s8;
	[tilespmem:s19+$0xE080] =	vst v7  }
.LBB2_13:
0x1a1: {  	s18 =	sor.u32 $0x1, s25  }
0x1a2: {  	s8 =	sadd.s32 s6, s1;
	p1 =	sge.u32 s18, s16  }
.Ltmp12:
0x1a3: {  	s8 =	sshll.u32 s8, $0xA;
	(pc) =	sbr.rel @p1 .LBB2_15-.Ltmp12, $4  }
0x1a4: {  	s8 =	sadd.s32 s13, s8  }
0x1a5: {  	s8 =	sshrl.u32 s8, $0x3  }
0x1a6: {  	s8 =	sadd.s32 s3, s8  }
0x1a7: {  	[hbm4b:s8+s4] =	stream.linear.scatter [tilespmem:s30], [sflag:$0x4], $0x8000, $0x38;
	[tilespmem:$0x1F490] =	vst v63  }
0x1a8: {  	s8 =	sshll.u32 s18, $0x5  }
0x1a9: {  	s8 =	sadd.s32 s6, s8  }
0x1aa: {  	v13 =	vor.u32 s8, v0  }
0x1ab: {  	v14 =	vsub.s32 v13, v11  }
0x1ac: {  	vm1 =	vgt.s32 v14, $0x0  }
0x1ad: {  	v15 =	vmin.u32 v13, $0x9FF;
	v14 =	vnsel vm1, $0x0, v14  }
0x1ae: {  	v14 =	vmin.u32 v14, $0x9FF;
	_ =	sdelay $0x3  }
0x1af: {  	v15 =	vld.idx.msk [tilespmem:v15+s26+$0x0], $0xffff  }
0x1b0: {  	v14 =	vld.idx.msk [tilespmem:v14+s28+$0x0], $0xffff;
	_ =	sdelay $0x3  }
0x1b1: {  	vm1 =	vlt.s32 v13, v11  }
0x1b2: {  	s8 =	sor.u32 $0x10, s8;
	v14 =	vsel vm1, v15, v14;
	vm1 =	vlt.s32 v13, v12;
	v13 =	vshll.u32 v13, $0x1  }
0x1b3: {  	v13 =	vsel vm1, v14, v13;
	v14 =	vor.u32 s8, v0  }
0x1b4: {  	v15 =	vshrl.u32 v13, $0x1F;
	v16 =	vsub.s32 v14, v11  }
0x1b5: {  	vm1 =	vlt.s32 v13, $0x1;
	v17 =	vand.u32 $0x1, v13;
	vm2 =	vgt.s32 v16, $0x0  }
0x1b6: {  	v58 =	vmin.u32 v14, $0x9FF;
	v16 =	vnsel vm2, $0x0, v16;
	vm2 =	veq.s32 v17, $0x1  }
0x1b7: {  	v13 =	vadd.s32 v15, v13;
	vm1 =	vmand vm1, vm2;
	v15 =	vmin.u32 v16, $0x9FF  }
0x1b8: {  	v13 =	vshra.s32 v13, $0x1;
	v59 =	vsel vm1, $0xFFFFFFFF, v6  }
0x1b9: {  	v13 =	vadd.s32 v59, v13  }
0x1ba: {  	[tilespmem:$0xE000] =	vst v13  }
0x1bb: {  	v60 =	vld.idx.msk [tilespmem:v58+s26+$0x0], $0xffff  }
0x1bc: {  	v15 =	vld.idx.msk [tilespmem:v15+s28+$0x0], $0xffff;
	_ =	sdelay $0x3  }
0x1bd: {  	vm1 =	vlt.s32 v14, v11  }
0x1be: {  	v15 =	vsel vm1, v60, v15;
	vm1 =	vlt.s32 v14, v12;
	v14 =	vshll.u32 v14, $0x1  }
0x1bf: {  	v14 =	vsel vm1, v15, v14  }
0x1c0: {  	v61 =	vshll.u32 v13, $0x3;
	v15 =	vand.u32 $0x1, v14  }
0x1c1: {  	v13 =	vand.u32 $0x7, v13;
	vm1 =	veq.s32 v15, $0x1;
	v15 =	vand.u32 $0xFFFFFFC0, v61  }
0x1c2: {  	v62 =	vshrl.u32 v14, $0x1F;
	vm2 =	vlt.s32 v14, $0x1;
	v13 =	vor.u32 v13, v15  }
0x1c3: {  	v14 =	vadd.s32 v62, v14;
	vm1 =	vmand vm2, vm1;
	v15 =	vperm.xlane v13, v8  }
0x1c4: {  	v14 =	vshra.s32 v14, $0x1;
	v63 =	vsel vm1, $0xFFFFFFFF, v6  }
0x1c5: {  	p1 =	seq.s32 s25, $0x0;
	v14 =	vadd.s32 v63, v14;
	v15 =	vadd.s32 v9, v15  }
0x1c6: {  	s8 =	simm.s32 @!p1 $0x5;
	[tilespmem:$0xE010] =	vst v14  }
0x1c7: {  	_ =	swait.ge @!p1 [sflag:s8], $0x8000  }
0x1c8: {  	[sflag:s8] =	ssyncset.done @!p1 $0x0  }
0x1c9: {  	[sflag:s8] =	ssyncadd.s32 @!p1 $0xFFFF8000  }
0x1ca: {  	[tilespmem:s5], [sflag:$0x3] =	stream.indirect_vreg.gather [hbm4b:s0+s4], $0x80, v15, vm0, $0xb8;
	[tilespmem:$0x1F490] =	vst v63  }
0x1cb: {  	s17 =	simm.s32 $0x16880;
	v13 =	vperm.xlane v13, v10  }
0x1cc: {  	[tilespmem:s17], [sflag:$0x3] =	stream.indirect_vreg.gather [hbm4b:s12+s4], $0x80, v15, vm0, $0xb8;
	[tilespmem:$0x1F490] =	vst v63  }
0x1cd: {  	s19 =	simm.s32 $0x17080;
	v13 =	vadd.s32 v9, v13  }
0x1ce: {  	[tilespmem:s19], [sflag:$0x3] =	stream.indirect_vreg.gather [hbm4b:s14+s4], $0x80, v15, vm0, $0xb8;
	[tilespmem:$0x1F490] =	vst v63  }
0x1cf: {  	s31 =	simm.s32 $0x17880  }
0x1d0: {  	[tilespmem:s31], [sflag:$0x3] =	stream.indirect_vreg.gather [hbm4b:s15+s4], $0x80, v15, vm0, $0xb8;
	[tilespmem:$0x1F490] =	vst v63  }
0x1d1: {  	s11 =	simm.s32 $0x18080  }
0x1d2: {  	[tilespmem:s11], [sflag:$0x3] =	stream.indirect_vreg.gather [hbm4b:s0+s4], $0x80, v13, vm0, $0xb8;
	[tilespmem:$0x1F490] =	vst v63  }
0x1d3: {  	s17 =	simm.s32 $0x18880  }
0x1d4: {  	[tilespmem:s17], [sflag:$0x3] =	stream.indirect_vreg.gather [hbm4b:s12+s4], $0x80, v13, vm0, $0xb8;
	[tilespmem:$0x1F490] =	vst v63  }
0x1d5: {  	s19 =	simm.s32 $0x19080  }
0x1d6: {  	[tilespmem:s19], [sflag:$0x3] =	stream.indirect_vreg.gather [hbm4b:s14+s4], $0x80, v13, vm0, $0xb8;
	[tilespmem:$0x1F490] =	vst v63  }
0x1d7: {  	s31 =	simm.s32 $0x19880  }
0x1d8: {  	[tilespmem:s31], [sflag:$0x3] =	stream.indirect_vreg.gather [hbm4b:s15+s4], $0x80, v13, vm0, $0xb8;
	[tilespmem:$0x1F490] =	vst v63  }
0x1d9: {  	v13 =	vld [tilespmem:$0xE010];
	_ =	sdelay $0x4  }
0x1da: {  	v14 =	vshll.u32 v13, $0x3  }
0x1db: {  	v13 =	vand.u32 $0x7, v13;
	v14 =	vand.u32 $0xFFFFFFC0, v14  }
0x1dc: {  	v13 =	vor.u32 v13, v14  }
0x1dd: {  	v14 =	vperm.xlane v13, v8;
	_ =	sdelay $0x1  }
0x1de: {  	v14 =	vadd.s32 v9, v14;
	_ =	sdelay $0x3  }
0x1df: {  	s11 =	simm.s32 $0x1A080  }
0x1e0: {  	[tilespmem:s11], [sflag:$0x3] =	stream.indirect_vreg.gather [hbm4b:s0+s4], $0x80, v14, vm0, $0xb8;
	[tilespmem:$0x1F490] =	vst v63  }
0x1e1: {  	s17 =	simm.s32 $0x1A880;
	v13 =	vperm.xlane v13, v10  }
0x1e2: {  	[tilespmem:s17], [sflag:$0x3] =	stream.indirect_vreg.gather [hbm4b:s12+s4], $0x80, v14, vm0, $0xb8;
	[tilespmem:$0x1F490] =	vst v63  }
0x1e3: {  	s19 =	simm.s32 $0x1B080;
	v13 =	vadd.s32 v9, v13  }
0x1e4: {  	[tilespmem:s19], [sflag:$0x3] =	stream.indirect_vreg.gather [hbm4b:s14+s4], $0x80, v14, vm0, $0xb8;
	[tilespmem:$0x1F490] =	vst v63  }
0x1e5: {  	s31 =	simm.s32 $0x1B880  }
0x1e6: {  	[tilespmem:s31], [sflag:$0x3] =	stream.indirect_vreg.gather [hbm4b:s15+s4], $0x80, v14, vm0, $0xb8;
	[tilespmem:$0x1F490] =	vst v63  }
0x1e7: {  	s11 =	simm.s32 $0x1C080  }
0x1e8: {  	[tilespmem:s11], [sflag:$0x3] =	stream.indirect_vreg.gather [hbm4b:s0+s4], $0x80, v13, vm0, $0xb8;
	[tilespmem:$0x1F490] =	vst v63  }
0x1e9: {  	s17 =	simm.s32 $0x1C880  }
0x1ea: {  	[tilespmem:s17], [sflag:$0x3] =	stream.indirect_vreg.gather [hbm4b:s12+s4], $0x80, v13, vm0, $0xb8;
	[tilespmem:$0x1F490] =	vst v63  }
0x1eb: {  	s19 =	simm.s32 $0x1D080  }
0x1ec: {  	[tilespmem:s19], [sflag:$0x3] =	stream.indirect_vreg.gather [hbm4b:s14+s4], $0x80, v13, vm0, $0xb8;
	[tilespmem:$0x1F490] =	vst v63  }
0x1ed: {  	s31 =	simm.s32 $0x1D880  }
0x1ee: {  	[tilespmem:s31], [sflag:$0x3] =	stream.indirect_vreg.gather [hbm4b:s15+s4], $0x80, v13, vm0, $0xb8;
	[tilespmem:$0x1F490] =	vst v63  }
.LBB2_15:
.Ltmp13:
0x1ef: {  	(pc) =	sbr.rel @p0 .LBB2_21-.Ltmp13, $1  }
0x1f0: {  	_ =	sdelay $0x3  }
.LBB2_16:
0x1f1: {  	p0 =	sgt.s32 s24, $0x1F  }
.Ltmp14:
0x1f2: {  	_ = 	snop;
	(pc) =	sbr.rel @p0 .LBB2_19-.Ltmp14, $4  }
0x1f3: {  	_ = 	snop  }
0x1f4: {  	_ =	swait.ge [sflag:s20], $0x8000  }
0x1f5: {  	[sflag:s20] =	ssyncset.done $0x0  }
0x1f6: {  	[sflag:s20] =	ssyncadd.s32 $0xFFFF8000  }
0x1f7: {  	s18 =	sadd.s32 $0xFFFFFFFF, s29  }
0x1f8: {  	s24 =	sshll.u32 s29, $0x7;
	s31 =	sshll.u32 s29, $0xA;
	s8 =	sand.u32 $0x1FFFFFF, s29  }
.LBB2_18:
0x1f9: {  	s11 =	sand.u32 $0x6000, s31;
	s17 =	sand.u32 $0x380, s24  }
0x1fa: {  	s11 =	sor.u32 s17, s11  }
0x1fb: {  	s17 =	sadd.s32 $0x16080, s11;
	[tilespmem:s11+$0x16080] =	vst v7  }
0x1fc: {  	[tilespmem:s17+$0x10] =	vst v7  }
0x1fd: {  	[tilespmem:s17+$0x20] =	vst v7  }
0x1fe: {  	[tilespmem:s17+$0x30] =	vst v7  }
0x1ff: {  	[tilespmem:s17+$0x40] =	vst v7  }
0x200: {  	[tilespmem:s17+$0x50] =	vst v7  }
0x201: {  	[tilespmem:s17+$0x60] =	vst v7  }
0x202: {  	[tilespmem:s17+$0x70] =	vst v7  }
0x203: {  	[tilespmem:s17+$0x400] =	vst v7  }
0x204: {  	[tilespmem:s17+$0x410] =	vst v7  }
0x205: {  	[tilespmem:s17+$0x420] =	vst v7  }
0x206: {  	[tilespmem:s17+$0x430] =	vst v7  }
0x207: {  	[tilespmem:s17+$0x440] =	vst v7  }
0x208: {  	[tilespmem:s17+$0x450] =	vst v7  }
0x209: {  	[tilespmem:s17+$0x460] =	vst v7  }
0x20a: {  	[tilespmem:s17+$0x470] =	vst v7  }
0x20b: {  	[tilespmem:s17+$0x800] =	vst v7  }
0x20c: {  	[tilespmem:s17+$0x810] =	vst v7  }
0x20d: {  	[tilespmem:s17+$0x820] =	vst v7  }
0x20e: {  	[tilespmem:s17+$0x830] =	vst v7  }
0x20f: {  	[tilespmem:s17+$0x840] =	vst v7  }
0x210: {  	[tilespmem:s17+$0x850] =	vst v7  }
0x211: {  	[tilespmem:s17+$0x860] =	vst v7  }
0x212: {  	[tilespmem:s17+$0x870] =	vst v7  }
0x213: {  	[tilespmem:s17+$0xC00] =	vst v7  }
0x214: {  	[tilespmem:s17+$0xC10] =	vst v7  }
0x215: {  	[tilespmem:s17+$0xC20] =	vst v7  }
0x216: {  	[tilespmem:s17+$0xC30] =	vst v7  }
0x217: {  	[tilespmem:s17+$0xC40] =	vst v7  }
0x218: {  	[tilespmem:s17+$0xC50] =	vst v7  }
0x219: {  	[tilespmem:s17+$0xC60] =	vst v7  }
0x21a: {  	[tilespmem:s17+$0xC70] =	vst v7  }
0x21b: {  	[tilespmem:s17+$0x1000] =	vst v7  }
0x21c: {  	[tilespmem:s17+$0x1010] =	vst v7  }
0x21d: {  	[tilespmem:s17+$0x1020] =	vst v7  }
0x21e: {  	[tilespmem:s17+$0x1030] =	vst v7  }
0x21f: {  	[tilespmem:s17+$0x1040] =	vst v7  }
0x220: {  	[tilespmem:s17+$0x1050] =	vst v7  }
0x221: {  	[tilespmem:s17+$0x1060] =	vst v7  }
0x222: {  	[tilespmem:s17+$0x1070] =	vst v7  }
0x223: {  	[tilespmem:s17+$0x1400] =	vst v7  }
0x224: {  	[tilespmem:s17+$0x1410] =	vst v7  }
0x225: {  	[tilespmem:s17+$0x1420] =	vst v7  }
0x226: {  	[tilespmem:s17+$0x1430] =	vst v7  }
0x227: {  	[tilespmem:s17+$0x1440] =	vst v7  }
0x228: {  	[tilespmem:s17+$0x1450] =	vst v7  }
0x229: {  	[tilespmem:s17+$0x1460] =	vst v7  }
0x22a: {  	[tilespmem:s17+$0x1470] =	vst v7  }
0x22b: {  	[tilespmem:s17+$0x1800] =	vst v7  }
0x22c: {  	[tilespmem:s17+$0x1810] =	vst v7  }
0x22d: {  	[tilespmem:s17+$0x1820] =	vst v7  }
0x22e: {  	[tilespmem:s17+$0x1830] =	vst v7  }
0x22f: {  	s19 =	sand.u32 $0x7, s8;
	[tilespmem:s17+$0x1840] =	vst v7  }
0x230: {  	s11 =	sshll.u32 s19, $0x7;
	[tilespmem:s17+$0x1850] =	vst v7  }
0x231: {  	s11 =	sadd.s32 s11, s31;
	[tilespmem:s17+$0x1860] =	vst v7  }
0x232: {  	[tilespmem:s17+$0x1870] =	vst v7;
	s29 =	sor.u32 $0x1C00, s11  }
0x233: {  	s19 =	sor.u32 $0x1C10, s11;
	[tilespmem:s29+$0x16080] =	vst v7  }
0x234: {  	s18 =	sadd.s32 $0x1, s18;
	s29 =	sor.u32 $0x1C20, s11;
	[tilespmem:s19+$0x16080] =	vst v7  }
0x235: {  	p0 =	slt.u32 s18, $0x1F;
	s19 =	sor.u32 $0x1C30, s11;
	[tilespmem:s29+$0x16080] =	vst v7  }
.Ltmp15:
0x236: {  	s29 =	sor.u32 $0x1C40, s11;
	[tilespmem:s19+$0x16080] =	vst v7;
	(pc) =	sbr.rel @p0 .LBB2_18-.Ltmp15, $4  }
0x237: {  	s19 =	sor.u32 $0x1C50, s11;
	[tilespmem:s29+$0x16080] =	vst v7  }
0x238: {  	s29 =	sor.u32 $0x1C60, s11;
	[tilespmem:s19+$0x16080] =	vst v7  }
0x239: {  	s11 =	sor.u32 $0x1C70, s11;
	[tilespmem:s29+$0x16080] =	vst v7  }
0x23a: {  	s24 =	sadd.s32 $0x80, s24;
	s8 =	sadd.s32 $0x1, s8;
	s31 =	sadd.s32 $0x400, s31;
	[tilespmem:s11+$0x16080] =	vst v7  }
.LBB2_19:
0x23b: {  	s18 =	sadd.s32 $0x1, s25  }
0x23c: {  	s1 =	sadd.s32 s6, s1;
	p0 =	sge.u32 s18, s16  }
.Ltmp16:
0x23d: {  	s1 =	sshll.u32 s1, $0xA;
	(pc) =	sbr.rel @p0 .LBB2_21-.Ltmp16, $4  }
0x23e: {  	s1 =	sadd.s32 s13, s1  }
0x23f: {  	s1 =	sshrl.u32 s1, $0x3  }
0x240: {  	s1 =	sadd.s32 s3, s1  }
0x241: {  	[hbm4b:s1+s4] =	stream.linear.scatter [tilespmem:s5], [sflag:$0x5], $0x8000, $0x38;
	[tilespmem:$0x1F490] =	vst v63  }
0x242: {  	s1 =	sshll.u32 s18, $0x5  }
0x243: {  	s1 =	sadd.s32 s6, s1  }
0x244: {  	v13 =	vor.u32 s1, v0  }
0x245: {  	v14 =	vsub.s32 v13, v11  }
0x246: {  	vm1 =	vgt.s32 v14, $0x0  }
0x247: {  	v15 =	vmin.u32 v13, $0x9FF;
	v14 =	vnsel vm1, $0x0, v14  }
0x248: {  	v14 =	vmin.u32 v14, $0x9FF;
	_ =	sdelay $0x3  }
0x249: {  	v15 =	vld.idx.msk [tilespmem:v15+s26+$0x0], $0xffff  }
0x24a: {  	v14 =	vld.idx.msk [tilespmem:v14+s28+$0x0], $0xffff;
	_ =	sdelay $0x3  }
0x24b: {  	vm1 =	vlt.s32 v13, v11  }
0x24c: {  	s1 =	sor.u32 $0x10, s1;
	v14 =	vsel vm1, v15, v14  }
0x24d: {  	vm1 =	vlt.s32 v13, v12;
	v13 =	vshll.u32 v13, $0x1;
	v15 =	vor.u32 s1, v0  }
0x24e: {  	v13 =	vsel vm1, v14, v13;
	v16 =	vsub.s32 v15, v11;
	v58 =	vmin.u32 v15, $0x9FF  }
0x24f: {  	v14 =	vshrl.u32 v13, $0x1F;
	v17 =	vand.u32 $0x1, v13;
	vm2 =	vgt.s32 v16, $0x0  }
0x250: {  	vm1 =	vlt.s32 v13, $0x1;
	v16 =	vnsel vm2, $0x0, v16;
	vm2 =	veq.s32 v17, $0x1  }
0x251: {  	v13 =	vadd.s32 v14, v13;
	vm1 =	vmand vm1, vm2;
	v14 =	vmin.u32 v16, $0x9FF  }
0x252: {  	v13 =	vshra.s32 v13, $0x1;
	v59 =	vsel vm1, $0xFFFFFFFF, v6  }
0x253: {  	v13 =	vadd.s32 v59, v13  }
0x254: {  	[tilespmem:$0xDF80] =	vst v13  }
0x255: {  	v60 =	vld.idx.msk [tilespmem:v58+s26+$0x0], $0xffff  }
0x256: {  	v14 =	vld.idx.msk [tilespmem:v14+s28+$0x0], $0xffff;
	_ =	sdelay $0x3  }
0x257: {  	vm1 =	vlt.s32 v15, v11  }
0x258: {  	v14 =	vsel vm1, v60, v14;
	vm1 =	vlt.s32 v15, v12;
	v15 =	vshll.u32 v15, $0x1  }
0x259: {  	v14 =	vsel vm1, v14, v15  }
0x25a: {  	v61 =	vshll.u32 v13, $0x3;
	v15 =	vand.u32 $0x1, v14  }
0x25b: {  	v13 =	vand.u32 $0x7, v13;
	vm1 =	veq.s32 v15, $0x1;
	v15 =	vand.u32 $0xFFFFFFC0, v61  }
0x25c: {  	v62 =	vshrl.u32 v14, $0x1F;
	vm2 =	vlt.s32 v14, $0x1;
	v13 =	vor.u32 v13, v15  }
0x25d: {  	v14 =	vadd.s32 v62, v14;
	vm1 =	vmand vm2, vm1;
	v15 =	vperm.xlane v13, v8  }
0x25e: {  	v14 =	vshra.s32 v14, $0x1;
	v63 =	vsel vm1, $0xFFFFFFFF, v6  }
0x25f: {  	v14 =	vadd.s32 v63, v14;
	v15 =	vadd.s32 v9, v15  }
0x260: {  	[tilespmem:$0xDF90] =	vst v14  }
0x261: {  	_ =	swait.ge [sflag:s2], $0x8000  }
0x262: {  	[sflag:s2] =	ssyncset.done $0x0  }
0x263: {  	[sflag:s2] =	ssyncadd.s32 $0xFFFF8000  }
0x264: {  	[tilespmem:s30], [sflag:$0x2] =	stream.indirect_vreg.gather [hbm4b:s0+s4], $0x80, v15, vm0, $0xb8;
	[tilespmem:$0x1F490] =	vst v63  }
0x265: {  	s11 =	simm.s32 $0xE880;
	v13 =	vperm.xlane v13, v10  }
0x266: {  	[tilespmem:s11], [sflag:$0x2] =	stream.indirect_vreg.gather [hbm4b:s12+s4], $0x80, v15, vm0, $0xb8;
	[tilespmem:$0x1F490] =	vst v63  }
0x267: {  	s17 =	simm.s32 $0xF080;
	v13 =	vadd.s32 v9, v13  }
0x268: {  	[tilespmem:s17], [sflag:$0x2] =	stream.indirect_vreg.gather [hbm4b:s14+s4], $0x80, v15, vm0, $0xb8;
	[tilespmem:$0x1F490] =	vst v63  }
0x269: {  	s19 =	simm.s32 $0xF880  }
0x26a: {  	[tilespmem:s19], [sflag:$0x2] =	stream.indirect_vreg.gather [hbm4b:s15+s4], $0x80, v15, vm0, $0xb8;
	[tilespmem:$0x1F490] =	vst v63  }
0x26b: {  	s24 =	simm.s32 $0x10080  }
0x26c: {  	[tilespmem:s24], [sflag:$0x2] =	stream.indirect_vreg.gather [hbm4b:s0+s4], $0x80, v13, vm0, $0xb8;
	[tilespmem:$0x1F490] =	vst v63  }
0x26d: {  	s25 =	simm.s32 $0x10880  }
0x26e: {  	[tilespmem:s25], [sflag:$0x2] =	stream.indirect_vreg.gather [hbm4b:s12+s4], $0x80, v13, vm0, $0xb8;
	[tilespmem:$0x1F490] =	vst v63  }
0x26f: {  	s29 =	simm.s32 $0x11080  }
0x270: {  	[tilespmem:s29], [sflag:$0x2] =	stream.indirect_vreg.gather [hbm4b:s14+s4], $0x80, v13, vm0, $0xb8;
	[tilespmem:$0x1F490] =	vst v63  }
0x271: {  	s31 =	simm.s32 $0x11880  }
0x272: {  	[tilespmem:s31], [sflag:$0x2] =	stream.indirect_vreg.gather [hbm4b:s15+s4], $0x80, v13, vm0, $0xb8;
	[tilespmem:$0x1F490] =	vst v63  }
0x273: {  	v13 =	vld [tilespmem:$0xDF90];
	_ =	sdelay $0x4  }
0x274: {  	v14 =	vshll.u32 v13, $0x3  }
0x275: {  	v13 =	vand.u32 $0x7, v13;
	v14 =	vand.u32 $0xFFFFFFC0, v14  }
0x276: {  	v13 =	vor.u32 v13, v14  }
0x277: {  	v14 =	vperm.xlane v13, v8;
	_ =	sdelay $0x1  }
0x278: {  	v14 =	vadd.s32 v9, v14;
	_ =	sdelay $0x3  }
0x279: {  	s8 =	simm.s32 $0x12080  }
0x27a: {  	[tilespmem:s8], [sflag:$0x2] =	stream.indirect_vreg.gather [hbm4b:s0+s4], $0x80, v14, vm0, $0xb8;
	[tilespmem:$0x1F490] =	vst v63  }
0x27b: {  	s11 =	simm.s32 $0x12880;
	v13 =	vperm.xlane v13, v10  }
0x27c: {  	[tilespmem:s11], [sflag:$0x2] =	stream.indirect_vreg.gather [hbm4b:s12+s4], $0x80, v14, vm0, $0xb8;
	[tilespmem:$0x1F490] =	vst v63  }
0x27d: {  	s17 =	simm.s32 $0x13080;
	v13 =	vadd.s32 v9, v13  }
0x27e: {  	[tilespmem:s17], [sflag:$0x2] =	stream.indirect_vreg.gather [hbm4b:s14+s4], $0x80, v14, vm0, $0xb8;
	[tilespmem:$0x1F490] =	vst v63  }
0x27f: {  	s19 =	simm.s32 $0x13880  }
0x280: {  	[tilespmem:s19], [sflag:$0x2] =	stream.indirect_vreg.gather [hbm4b:s15+s4], $0x80, v14, vm0, $0xb8;
	[tilespmem:$0x1F490] =	vst v63  }
0x281: {  	s24 =	simm.s32 $0x14080  }
0x282: {  	[tilespmem:s24], [sflag:$0x2] =	stream.indirect_vreg.gather [hbm4b:s0+s4], $0x80, v13, vm0, $0xb8;
	[tilespmem:$0x1F490] =	vst v63  }
0x283: {  	s25 =	simm.s32 $0x14880  }
0x284: {  	[tilespmem:s25], [sflag:$0x2] =	stream.indirect_vreg.gather [hbm4b:s12+s4], $0x80, v13, vm0, $0xb8;
	[tilespmem:$0x1F490] =	vst v63  }
.Ltmp17:
0x285: {  	_ = 	snop;
	(pc) =	sbr.rel .LBB2_21-.Ltmp17, $4  }
0x286: {  	s29 =	simm.s32 $0x15080  }
0x287: {  	[tilespmem:s29], [sflag:$0x2] =	stream.indirect_vreg.gather [hbm4b:s14+s4], $0x80, v13, vm0, $0xb8;
	[tilespmem:$0x1F490] =	vst v63  }
0x288: {  	s31 =	simm.s32 $0x15880  }
0x289: {  	[tilespmem:s31], [sflag:$0x2] =	stream.indirect_vreg.gather [hbm4b:s15+s4], $0x80, v13, vm0, $0xb8;
	[tilespmem:$0x1F490] =	vst v63  }
.LBB2_22:
0x28a: {  	s1 =	rddreg [dreg:$0x12]  }
0x28b: {  	s1 =	sand.u32 $0x20, s1  }
0x28c: {  	p0 =	seq.s32 s1, $0x0  }
.Ltmp18:
0x28d: {  	_ = 	snop;
	(pc) =	sbr.rel @!p0 .LBB2_23-.Ltmp18, $1  }
0x28e: {  	_ =	sdelay $0x3  }
.Ltmp19:
0x28f: {  	(pc) =	sbr.rel .LBB2_25-.Ltmp19, $4  }
0x290: {  	s1 =	simm.s32 $0x5  }
0x291: {  	_ =	swait.ge [sflag:s1], $0x8000  }
0x292: {  	[sflag:s1] =	ssyncset.done $0x0  }
0x293: {  	[sflag:s1] =	ssyncadd.s32 $0xFFFF8000;
	s1 =	simm.s32 $0x4  }
.LBB2_23:
0x294: {  	_ =	swait.ge [sflag:s2], $0x8000  }
0x295: {  	s1 =	rddreg [dreg:$0x13]  }
0x296: {  	p0 =	sgt.s32 s1, $0x20  }
.Ltmp20:
0x297: {  	_ = 	snop;
	(pc) =	sbr.rel @!p0 .LBB2_27-.Ltmp20, $3  }
0x298: {  	_ =	sdelay $0x1  }
0x299: {  	[sflag:s2] =	ssyncset.done $0x0  }
0x29a: {  	[sflag:s2] =	ssyncadd.s32 $0xFFFF8000;
	s1 =	simm.s32 $0x5  }
.LBB2_25:
0x29b: {  	_ =	swait.ge [sflag:s1], $0x8000  }
0x29c: {  	[sflag:s1] =	ssyncset.done $0x0  }
0x29d: {  	[sflag:s1] =	ssyncadd.s32 $0xFFFF8000  }
.LBB2_26:
0x29e: {  	s1 =	rddreg [dreg:$0x13]  }
0x29f: {  	p0 =	sgt.s32 s1, $0x4E0  }
.Ltmp21:
0x2a0: {  	_ = 	snop;
	(pc) =	sbr.rel @p0 .LBB2_38-.Ltmp21, $2  }
0x2a1: {  	_ =	sdelay $0x2  }
0x2a2: {  	s8 =	rddreg [dreg:$0x11]  }
.LBB2_27:
0x2a3: {  	s1 =	simm.s32 $0x0;
	s9 =	simm.s32 $0xFFFF8000;
	s18 =	simm.s32 $0xFFFF8000  }
0x2a4: {  	s24 =	simm.s32 $0x0;
	s8 =	simm.s32 $0x0;
	s17 =	simm.s32 $0x0  }
.LBB2_28:
0x2a5: {  	s11 =	sadd.s32 $0x8000, s18  }
0x2a6: {  	s19 =	sand.u32 $0x380, s17;
	s11 =	sand.u32 $0x6000, s11  }
0x2a7: {  	s11 =	sor.u32 s19, s11  }
0x2a8: {  	[tilespmem:s11+$0xE080] =	vst v7  }
0x2a9: {  	[tilespmem:s11+$0xE090] =	vst v7  }
0x2aa: {  	[tilespmem:s11+$0xE0A0] =	vst v7  }
0x2ab: {  	[tilespmem:s11+$0xE0B0] =	vst v7  }
0x2ac: {  	[tilespmem:s11+$0xE0C0] =	vst v7  }
0x2ad: {  	[tilespmem:s11+$0xE0D0] =	vst v7  }
0x2ae: {  	[tilespmem:s11+$0xE0E0] =	vst v7  }
0x2af: {  	[tilespmem:s11+$0xE0F0] =	vst v7  }
0x2b0: {  	[tilespmem:s11+$0xE480] =	vst v7  }
0x2b1: {  	[tilespmem:s11+$0xE490] =	vst v7  }
0x2b2: {  	[tilespmem:s11+$0xE4A0] =	vst v7  }
0x2b3: {  	[tilespmem:s11+$0xE4B0] =	vst v7  }
0x2b4: {  	[tilespmem:s11+$0xE4C0] =	vst v7  }
0x2b5: {  	[tilespmem:s11+$0xE4D0] =	vst v7  }
0x2b6: {  	[tilespmem:s11+$0xE4E0] =	vst v7  }
0x2b7: {  	[tilespmem:s11+$0xE4F0] =	vst v7  }
0x2b8: {  	[tilespmem:s11+$0xE880] =	vst v7  }
0x2b9: {  	[tilespmem:s11+$0xE890] =	vst v7  }
0x2ba: {  	[tilespmem:s11+$0xE8A0] =	vst v7  }
0x2bb: {  	[tilespmem:s11+$0xE8B0] =	vst v7  }
0x2bc: {  	[tilespmem:s11+$0xE8C0] =	vst v7  }
0x2bd: {  	[tilespmem:s11+$0xE8D0] =	vst v7  }
0x2be: {  	[tilespmem:s11+$0xE8E0] =	vst v7  }
0x2bf: {  	[tilespmem:s11+$0xE8F0] =	vst v7  }
0x2c0: {  	[tilespmem:s11+$0xEC80] =	vst v7  }
0x2c1: {  	[tilespmem:s11+$0xEC90] =	vst v7  }
0x2c2: {  	[tilespmem:s11+$0xECA0] =	vst v7  }
0x2c3: {  	[tilespmem:s11+$0xECB0] =	vst v7  }
0x2c4: {  	[tilespmem:s11+$0xECC0] =	vst v7  }
0x2c5: {  	[tilespmem:s11+$0xECD0] =	vst v7  }
0x2c6: {  	[tilespmem:s11+$0xECE0] =	vst v7  }
0x2c7: {  	[tilespmem:s11+$0xECF0] =	vst v7  }
0x2c8: {  	[tilespmem:s11+$0xF080] =	vst v7  }
0x2c9: {  	[tilespmem:s11+$0xF090] =	vst v7  }
0x2ca: {  	[tilespmem:s11+$0xF0A0] =	vst v7  }
0x2cb: {  	[tilespmem:s11+$0xF0B0] =	vst v7  }
0x2cc: {  	[tilespmem:s11+$0xF0C0] =	vst v7  }
0x2cd: {  	[tilespmem:s11+$0xF0D0] =	vst v7  }
0x2ce: {  	[tilespmem:s11+$0xF0E0] =	vst v7  }
0x2cf: {  	[tilespmem:s11+$0xF0F0] =	vst v7  }
0x2d0: {  	[tilespmem:s11+$0xF480] =	vst v7  }
0x2d1: {  	[tilespmem:s11+$0xF490] =	vst v7  }
0x2d2: {  	[tilespmem:s11+$0xF4A0] =	vst v7  }
0x2d3: {  	[tilespmem:s11+$0xF4B0] =	vst v7  }
0x2d4: {  	[tilespmem:s11+$0xF4C0] =	vst v7  }
0x2d5: {  	[tilespmem:s11+$0xF4D0] =	vst v7  }
0x2d6: {  	[tilespmem:s11+$0xF4E0] =	vst v7  }
0x2d7: {  	[tilespmem:s11+$0xF4F0] =	vst v7  }
0x2d8: {  	[tilespmem:s11+$0xF880] =	vst v7  }
0x2d9: {  	[tilespmem:s11+$0xF890] =	vst v7  }
0x2da: {  	[tilespmem:s11+$0xF8A0] =	vst v7  }
0x2db: {  	[tilespmem:s11+$0xF8B0] =	vst v7  }
0x2dc: {  	s25 =	sand.u32 $0x7, s24;
	[tilespmem:s11+$0xF8C0] =	vst v7  }
0x2dd: {  	s19 =	sshll.u32 s25, $0x7;
	[tilespmem:s11+$0xF8D0] =	vst v7  }
0x2de: {  	s19 =	sadd.s32 s19, s8;
	[tilespmem:s11+$0xF8E0] =	vst v7  }
0x2df: {  	[tilespmem:s11+$0xF8F0] =	vst v7;
	s29 =	sor.u32 $0x1C00, s19  }
0x2e0: {  	s31 =	sor.u32 $0x1C10, s19;
	[tilespmem:s29+$0xE080] =	vst v7  }
0x2e1: {  	s25 =	sor.u32 $0x1C20, s19;
	[tilespmem:s31+$0xE080] =	vst v7  }
0x2e2: {  	p0 =	seq.s32 s17, $0xF80;
	s29 =	sor.u32 $0x1C30, s19;
	[tilespmem:s25+$0xE080] =	vst v7  }
.Ltmp22:
0x2e3: {  	s31 =	sor.u32 $0x1C40, s19;
	[tilespmem:s29+$0xE080] =	vst v7;
	(pc) =	sbr.rel @!p0 .LBB2_28-.Ltmp22, $4  }
0x2e4: {  	s25 =	sor.u32 $0x1C50, s19;
	[tilespmem:s31+$0xE080] =	vst v7  }
0x2e5: {  	s29 =	sor.u32 $0x1C60, s19;
	[tilespmem:s25+$0xE080] =	vst v7  }
0x2e6: {  	s24 =	sadd.s32 $0x1, s24;
	s31 =	sor.u32 $0x1C70, s19;
	[tilespmem:s29+$0xE080] =	vst v7  }
0x2e7: {  	s18 =	sadd.s32 $0x400, s18;
	s17 =	sadd.s32 $0x80, s17;
	s8 =	sadd.s32 $0x400, s8;
	[tilespmem:s31+$0xE080] =	vst v7  }
0x2e8: {  	s18 =	simm.s32 $0x0;
	s24 =	simm.s32 $0x0  }
.LBB2_30:
0x2e9: {  	s8 =	sadd.s32 $0x8000, s9  }
0x2ea: {  	s11 =	sand.u32 $0x380, s24;
	s8 =	sand.u32 $0x6000, s8  }
0x2eb: {  	s8 =	sor.u32 s11, s8  }
0x2ec: {  	s11 =	sadd.s32 $0x16080, s8;
	[tilespmem:s8+$0x16080] =	vst v7  }
0x2ed: {  	[tilespmem:s11+$0x10] =	vst v7  }
0x2ee: {  	[tilespmem:s11+$0x20] =	vst v7  }
0x2ef: {  	[tilespmem:s11+$0x30] =	vst v7  }
0x2f0: {  	[tilespmem:s11+$0x40] =	vst v7  }
0x2f1: {  	[tilespmem:s11+$0x50] =	vst v7  }
0x2f2: {  	[tilespmem:s11+$0x60] =	vst v7  }
0x2f3: {  	[tilespmem:s11+$0x70] =	vst v7  }
0x2f4: {  	[tilespmem:s11+$0x400] =	vst v7  }
0x2f5: {  	[tilespmem:s11+$0x410] =	vst v7  }
0x2f6: {  	[tilespmem:s11+$0x420] =	vst v7  }
0x2f7: {  	[tilespmem:s11+$0x430] =	vst v7  }
0x2f8: {  	[tilespmem:s11+$0x440] =	vst v7  }
0x2f9: {  	[tilespmem:s11+$0x450] =	vst v7  }
0x2fa: {  	[tilespmem:s11+$0x460] =	vst v7  }
0x2fb: {  	[tilespmem:s11+$0x470] =	vst v7  }
0x2fc: {  	[tilespmem:s11+$0x800] =	vst v7  }
0x2fd: {  	[tilespmem:s11+$0x810] =	vst v7  }
0x2fe: {  	[tilespmem:s11+$0x820] =	vst v7  }
0x2ff: {  	[tilespmem:s11+$0x830] =	vst v7  }
0x300: {  	[tilespmem:s11+$0x840] =	vst v7  }
0x301: {  	[tilespmem:s11+$0x850] =	vst v7  }
0x302: {  	[tilespmem:s11+$0x860] =	vst v7  }
0x303: {  	[tilespmem:s11+$0x870] =	vst v7  }
0x304: {  	[tilespmem:s11+$0xC00] =	vst v7  }
0x305: {  	[tilespmem:s11+$0xC10] =	vst v7  }
0x306: {  	[tilespmem:s11+$0xC20] =	vst v7  }
0x307: {  	[tilespmem:s11+$0xC30] =	vst v7  }
0x308: {  	[tilespmem:s11+$0xC40] =	vst v7  }
0x309: {  	[tilespmem:s11+$0xC50] =	vst v7  }
0x30a: {  	[tilespmem:s11+$0xC60] =	vst v7  }
0x30b: {  	[tilespmem:s11+$0xC70] =	vst v7  }
0x30c: {  	[tilespmem:s11+$0x1000] =	vst v7  }
0x30d: {  	[tilespmem:s11+$0x1010] =	vst v7  }
0x30e: {  	[tilespmem:s11+$0x1020] =	vst v7  }
0x30f: {  	[tilespmem:s11+$0x1030] =	vst v7  }
0x310: {  	[tilespmem:s11+$0x1040] =	vst v7  }
0x311: {  	[tilespmem:s11+$0x1050] =	vst v7  }
0x312: {  	[tilespmem:s11+$0x1060] =	vst v7  }
0x313: {  	[tilespmem:s11+$0x1070] =	vst v7  }
0x314: {  	[tilespmem:s11+$0x1400] =	vst v7  }
0x315: {  	[tilespmem:s11+$0x1410] =	vst v7  }
0x316: {  	[tilespmem:s11+$0x1420] =	vst v7  }
0x317: {  	[tilespmem:s11+$0x1430] =	vst v7  }
0x318: {  	[tilespmem:s11+$0x1440] =	vst v7  }
0x319: {  	[tilespmem:s11+$0x1450] =	vst v7  }
0x31a: {  	[tilespmem:s11+$0x1460] =	vst v7  }
0x31b: {  	[tilespmem:s11+$0x1470] =	vst v7  }
0x31c: {  	[tilespmem:s11+$0x1800] =	vst v7  }
0x31d: {  	[tilespmem:s11+$0x1810] =	vst v7  }
0x31e: {  	[tilespmem:s11+$0x1820] =	vst v7  }
0x31f: {  	[tilespmem:s11+$0x1830] =	vst v7  }
0x320: {  	s25 =	sand.u32 $0x7, s1;
	[tilespmem:s11+$0x1840] =	vst v7  }
0x321: {  	s8 =	sshll.u32 s25, $0x7;
	[tilespmem:s11+$0x1850] =	vst v7  }
0x322: {  	s8 =	sadd.s32 s8, s18;
	[tilespmem:s11+$0x1860] =	vst v7  }
0x323: {  	[tilespmem:s11+$0x1870] =	vst v7;
	s29 =	sor.u32 $0x1C00, s8  }
0x324: {  	s31 =	sor.u32 $0x1C10, s8;
	[tilespmem:s29+$0x16080] =	vst v7  }
0x325: {  	s17 =	sor.u32 $0x1C20, s8;
	[tilespmem:s31+$0x16080] =	vst v7  }
0x326: {  	p0 =	seq.s32 s24, $0xF80;
	s19 =	sor.u32 $0x1C30, s8;
	[tilespmem:s17+$0x16080] =	vst v7  }
.Ltmp23:
0x327: {  	s25 =	sor.u32 $0x1C40, s8;
	[tilespmem:s19+$0x16080] =	vst v7;
	(pc) =	sbr.rel @!p0 .LBB2_30-.Ltmp23, $4  }
0x328: {  	s29 =	sor.u32 $0x1C50, s8;
	[tilespmem:s25+$0x16080] =	vst v7  }
0x329: {  	s31 =	sor.u32 $0x1C60, s8;
	[tilespmem:s29+$0x16080] =	vst v7  }
0x32a: {  	s1 =	sadd.s32 $0x1, s1;
	s8 =	sor.u32 $0x1C70, s8;
	[tilespmem:s31+$0x16080] =	vst v7  }
0x32b: {  	s9 =	sadd.s32 $0x400, s9;
	s24 =	sadd.s32 $0x80, s24;
	s18 =	sadd.s32 $0x400, s18;
	[tilespmem:s8+$0x16080] =	vst v7  }
0x32c: {  	s1 =	sand.u32 $0x1, s16  }
0x32d: {  	p0 =	seq.s32 s1, $0x1  }
0x32e: {  	s8 =	rddreg [dreg:$0xe];
	s1 =	sshll.u32 @!p0 s16, $0xF  }
0x32f: {  	s1 =	sadd.s32 @!p0 s1, s8  }
0x330: {  	s1 =	sshrl.u32 @!p0 s1, $0x3  }
0x331: {  	s9 =	simm.s32 @!p0 $0xE080;
	s8 =	simm.s32 @!p0 $0x0;
	s1 =	sadd.s32 @!p0 s3, s1  }
0x332: {  	[hbm4b:s1+s8] =	stream.linear.scatter @!p0 [tilespmem:s9], [sflag:$0x4], $0x8000, $0x38;
	[tilespmem:$0x1F490] =	vst v63  }
0x333: {  	s1 =	rddreg [dreg:$0x12]  }
0x334: {  	s1 =	sand.u32 @!p0 $0x20, s1  }
0x335: {  	p1 =	seq.s32 @!p0 s1, $0x0  }
0x336: {  	p0 =	por p0, !p1  }
0x337: {  	s1 =	sshll.u32 @p0 s16, $0xF;
	s8 =	rddreg @p0 [dreg:$0xe]  }
0x338: {  	s1 =	sadd.s32 @p0 s1, s8  }
0x339: {  	s1 =	sshrl.u32 @p0 s1, $0x3  }
0x33a: {  	s31 =	rddreg [dreg:$0x13];
	s1 =	sadd.s32 @p0 s3, s1  }
0x33b: {  	[hbm4b:s1+s4] =	stream.linear.scatter @p0 [tilespmem:s5], [sflag:$0x5], $0x8000, $0x38;
	[tilespmem:$0x1F490] =	vst v63  }
0x33c: {  	p0 =	sgt.s32 s31, $0x4C0  }
.Ltmp24:
0x33d: {  	_ = 	snop;
	(pc) =	sbr.rel @p0 .LBB2_37-.Ltmp24, $1  }
0x33e: {  	_ =	sdelay $0x3  }
0x33f: {  	s1 =	sadd.s32 $0x1, s16  }
0x340: {  	s8 =	sand.u32 $0x1, s1  }
0x341: {  	p1 =	seq.s32 s8, $0x1  }
0x342: {  	s9 =	rddreg [dreg:$0xe];
	s8 =	sshll.u32 @!p1 s1, $0xF  }
0x343: {  	s8 =	sadd.s32 @!p1 s8, s9  }
0x344: {  	s8 =	sshrl.u32 @!p1 s8, $0x3  }
0x345: {  	s11 =	simm.s32 @!p1 $0xE080;
	s9 =	simm.s32 @!p1 $0x0;
	s8 =	sadd.s32 @!p1 s3, s8  }
0x346: {  	[hbm4b:s8+s9] =	stream.linear.scatter @!p1 [tilespmem:s11], [sflag:$0x4], $0x8000, $0x38;
	[tilespmem:$0x1F490] =	vst v63  }
0x347: {  	s8 =	rddreg [dreg:$0x12]  }
0x348: {  	s8 =	sand.u32 @!p1 $0x20, s8  }
0x349: {  	p2 =	sne.s32 @!p1 s8, $0x0  }
0x34a: {  	p1 =	por p1, !p2  }
0x34b: {  	s1 =	sshll.u32 @p1 s1, $0xF;
	s8 =	rddreg @p1 [dreg:$0xe]  }
0x34c: {  	s1 =	sadd.s32 @p1 s1, s8  }
0x34d: {  	s1 =	sshrl.u32 @p1 s1, $0x3  }
0x34e: {  	s1 =	sadd.s32 @p1 s3, s1  }
0x34f: {  	[hbm4b:s1+s4] =	stream.linear.scatter @p1 [tilespmem:s5], [sflag:$0x5], $0x8000, $0x38;
	[tilespmem:$0x1F490] =	vst v63  }
0x350: {  	p1 =	seq.s32 s16, $0x26  }
.Ltmp25:
0x351: {  	_ = 	snop;
	(pc) =	sbr.rel @p1 .LBB2_37-.Ltmp25, $1  }
0x352: {  	_ =	sdelay $0x3  }
.Ltmp26:
0x353: {  	(pc) =	sbr.rel .LBB2_34-.Ltmp26, $3  }
0x354: {  	_ =	sdelay $0x1  }
0x355: {  	s8 =	smax.u32 s16, $0x27;
	s9 =	sshll.u32 s16, $0xF;
	s11 =	rddreg [dreg:$0x10]  }
0x356: {  	s1 =	sadd.s32 $0x2, s16;
	s8 =	sadd.s32 $0xFFFFFFFF, s8;
	s9 =	sadd.s32 s9, s11  }
.LBB2_36:
0x357: {  	s16 =	sadd.s32 $0x1, s16  }
0x358: {  	p1 =	sne.s32 s8, s16  }
.Ltmp27:
0x359: {  	_ = 	snop;
	(pc) =	sbr.rel @!p1 .LBB2_37-.Ltmp27, $2  }
0x35a: {  	_ =	sdelay $0x2  }
0x35b: {  	s9 =	sadd.s32 $0x8000, s9  }
.LBB2_34:
0x35c: {  	s17 =	sadd.s32 $0x2, s16  }
0x35d: {  	s11 =	sand.u32 $0x1, s17  }
0x35e: {  	p1 =	seq.s32 s11, $0x1  }
0x35f: {  	p2 =	slt.u32 @!p1 s17, s1  }
0x360: {  	p2 =	por p2, p1  }
0x361: {  	s18 =	simm.s32 @!p2 $0x4  }
0x362: {  	_ =	swait.ge @!p2 [sflag:s18], $0x8000  }
0x363: {  	[sflag:s18] =	ssyncset.done @!p2 $0x0  }
0x364: {  	s19 =	simm.s32 @!p1 $0x0;
	[sflag:s18] =	ssyncadd.s32 @!p2 $0xFFFF8000;
	s18 =	sshrl.u32 @!p1 s9, $0x3  }
0x365: {  	s24 =	simm.s32 @!p1 $0xE080;
	p2 =	seq.s32 @!p1 s11, $0x0;
	s18 =	sadd.s32 @!p1 s3, s18  }
0x366: {  	[hbm4b:s18+s19] =	stream.linear.scatter @!p1 [tilespmem:s24], [sflag:$0x4], $0x8000, $0x38;
	[tilespmem:$0x1F490] =	vst v63  }
0x367: {  	p1 =	por p1, !p2  }
.Ltmp28:
0x368: {  	_ = 	snop;
	(pc) =	sbr.rel @!p1 .LBB2_36-.Ltmp28, $1  }
0x369: {  	_ =	sdelay $0x3  }
0x36a: {  	p1 =	slt.u32 s17, s1  }
.Ltmp29:
0x36b: {  	s11 =	simm.s32 @!p1 $0x5;
	(pc) =	sbr.rel .LBB2_36-.Ltmp29, $4  }
0x36c: {  	_ =	swait.ge @!p1 [sflag:s11], $0x8000  }
0x36d: {  	s29 =	sshrl.u32 s9, $0x3;
	[sflag:s11] =	ssyncset.done @!p1 $0x0  }
0x36e: {  	s31 =	sadd.s32 s3, s29;
	[sflag:s11] =	ssyncadd.s32 @!p1 $0xFFFF8000  }
0x36f: {  	[hbm4b:s31+s4] =	stream.linear.scatter [tilespmem:s5], [sflag:$0x5], $0x8000, $0x38;
	[tilespmem:$0x1F490] =	vst v63  }
.LBB2_39:
0x370: {  	_ =	sfence.sel $0x180000  }
0x371: {  	[bflag:$0x0] =	sbarrier.arrive $0xFFFF  }
0x372: {  	_ =	strace $0x90000047  }
0x373: {  	s0 =	stileid.u32;
	[bflag:$0x2] =	sbarrier.arrive $0xFFFF  }
0x374: {  	p0 =	sne.s32 s0, $0x0;
	s0 =	rddreg [dreg:$0x7]  }
0x375: {  	s0 =	sadd.s32 @!p0 $0x100000, s0  }
0x376: {  	[sflag:s0] =	ssyncadd.tile.s32 @!p0 $0x1;
	_ =	shalt  }
.Lfunc_end2:
_tile_overlayer_lowered:
.L_overlay_start_2:
0x377: {  	(tag) =	ssettag $0x2  }
0x378: {  	s0 =	rddreg [dreg:$0x0];
	s2 =	stileid.u32  }
0x379: {  	s1 =	rddreg [dreg:$0x1];
	p0 =	sne.s32 s2, $0x0  }
0x37a: {  	s3 =	rddreg [dreg:$0x2];
	[bflag:$0x3] =	sbarrier.arrive $0xFFFF;
	s2 =	simm.s32 @!p0 $0x1C06  }
0x37b: {  	[timem:s3], [sflag:s2] =	dma.local @!p0 [hbm:s0], s1  }
0x37c: {  	s0 =	simm.s32 @!p0 $0x6  }
0x37d: {  	_ =	swait.ge @!p0 [sflag:s0], s1  }
0x37e: {  	s1 =	ssub.s32 @!p0 $0x0, s1;
	[sflag:s0] =	ssyncset.done @!p0 $0x0  }
0x37f: {  	[sflag:s0] =	ssyncadd.s32 @!p0 s1  }
0x380: {  	[bflag:$0x3] =	sbarrier.arrive $0xFFFF  }
0x381: {  	_ =	shalt  }

</sc_bundles>
